<compile_context>
chip_gen: v7x
topology: tpu7x:2x2x1
jax: 0.10.2.dev20260603
libtpu: 0.0.44.dev20260713+nightly
codegen_flags: <defaults>
</compile_context>

<pallas_src>
import jax
import jax.numpy as jnp
from jax import lax
from jax.experimental import pallas as pl
from jax.experimental.pallas import tpu as pltpu
from jax.experimental.pallas import tpu_sc as plsc

_HUMAN_CONF = 0.7
_THRESH = 0.25
_IOU_THR = 0.5
_BIG = 2**30
_CAP = 1024
_B, _N, _C = 4, 20000, 80
_R, _L = 8, _N // 8
_WIN = 2504
_WBUF = 2520
_STEPS = (_L + 15) // 16


def _compact_sc(hl_hbm, pb_hbm, sw_hbm, sh_hbm,
                cur_hbm, x1_hbm, y1_hbm, x2_hbm, y2_hbm, idx_hbm, flag_hbm,
                l0_v, l1_v, cx_v, cy_v, w_v, h_v, sw_v, sh_v,
                bc_v, bx1_v, by1_v, bx2_v, by2_v, bi_v, fl_v):
    wid = lax.axis_index("s") * 2 + lax.axis_index("c")
    b = wid // _R
    w = wid % _R
    rbase = w * _L
    astart = (rbase // 8) * 8
    off = rbase - astart

    pltpu.sync_copy(hl_hbm.at[pl.ds((b * 2 + 0) * _N + astart, _WIN)], l0_v.at[pl.ds(0, _WIN)])
    pltpu.sync_copy(hl_hbm.at[pl.ds((b * 2 + 1) * _N + astart, _WIN)], l1_v.at[pl.ds(0, _WIN)])
    pltpu.sync_copy(pb_hbm.at[pl.ds((b * 4 + 0) * _N + astart, _WIN)], cx_v.at[pl.ds(0, _WIN)])
    pltpu.sync_copy(pb_hbm.at[pl.ds((b * 4 + 1) * _N + astart, _WIN)], cy_v.at[pl.ds(0, _WIN)])
    pltpu.sync_copy(pb_hbm.at[pl.ds((b * 4 + 2) * _N + astart, _WIN)], w_v.at[pl.ds(0, _WIN)])
    pltpu.sync_copy(pb_hbm.at[pl.ds((b * 4 + 3) * _N + astart, _WIN)], h_v.at[pl.ds(0, _WIN)])
    pltpu.sync_copy(sw_hbm, sw_v)
    pltpu.sync_copy(sh_hbm, sh_v)
    sw = sw_v[...]
    sh = sh_v[...]

    zf = jnp.zeros((16,), jnp.float32)
    sent = jnp.full((16,), -4.0, jnp.float32)
    bigv = jnp.full((16,), _BIG, jnp.int32)

    def prefill(i, _):
        bc_v[pl.ds(i * 16, 16)] = sent
        bx1_v[pl.ds(i * 16, 16)] = zf
        by1_v[pl.ds(i * 16, 16)] = zf
        bx2_v[pl.ds(i * 16, 16)] = zf
        by2_v[pl.ds(i * 16, 16)] = zf
        bi_v[pl.ds(i * 16, 16)] = bigv
        return 0

    lax.fori_loop(0, (_CAP + 16) // 16, prefill, 0)

    def step(i, cnt):
        start = off + i * 16
        rel = i * 16 + lax.iota(jnp.int32, 16)
        valid = rel < _L
        l0 = l0_v[pl.ds(start, 16)]
        l1 = l1_v[pl.ds(start, 16)]
        cx = cx_v[pl.ds(start, 16)]
        cy = cy_v[pl.ds(start, 16)]
        ww = w_v[pl.ds(start, 16)]
        hh = h_v[pl.ds(start, 16)]
        m = jnp.maximum(l0, l1)
        e0 = jnp.exp(l0 - m)
        e1 = jnp.exp(l1 - m)
        ssum = e0 + e1
        p = jnp.maximum(e0 / ssum, e1 / ssum)
        cand = (l0 >= l1) & (p >= _HUMAN_CONF) & valid
        x1 = (cx - 0.5 * ww) * sw
        y1 = (cy - 0.5 * hh) * sh
        x2 = (cx + 0.5 * ww) * sw
        y2 = (cy + 0.5 * hh) * sh
        oidx = jnp.broadcast_to(rbase, (16,)) + rel
        npop = plsc.all_reduce_population_count(cand)[0]

        @pl.when(cnt + npop <= _CAP)
        def _():
            plsc.store_compressed(bc_v.at[pl.ds(cnt, 16)], p, mask=cand)
            plsc.store_compressed(bx1_v.at[pl.ds(cnt, 16)], x1, mask=cand)
            plsc.store_compressed(by1_v.at[pl.ds(cnt, 16)], y1, mask=cand)
            plsc.store_compressed(bx2_v.at[pl.ds(cnt, 16)], x2, mask=cand)
            plsc.store_compressed(by2_v.at[pl.ds(cnt, 16)], y2, mask=cand)
            plsc.store_compressed(bi_v.at[pl.ds(cnt, 16)], oidx, mask=cand)

        return cnt + npop

    cnt = lax.fori_loop(0, _STEPS, step, jnp.int32(0))

    ovf = jnp.where(cnt > _CAP, jnp.int32(1), jnp.int32(0))
    fl_v[...] = jnp.broadcast_to(ovf, (16,))
    dst = wid * _CAP
    pltpu.sync_copy(fl_v.at[pl.ds(0, 8)], flag_hbm.at[pl.ds(wid * 8, 8)])
    pltpu.sync_copy(bc_v.at[pl.ds(0, _CAP)], cur_hbm.at[pl.ds(dst, _CAP)])
    pltpu.sync_copy(bx1_v.at[pl.ds(0, _CAP)], x1_hbm.at[pl.ds(dst, _CAP)])
    pltpu.sync_copy(by1_v.at[pl.ds(0, _CAP)], y1_hbm.at[pl.ds(dst, _CAP)])
    pltpu.sync_copy(bx2_v.at[pl.ds(0, _CAP)], x2_hbm.at[pl.ds(dst, _CAP)])
    pltpu.sync_copy(by2_v.at[pl.ds(0, _CAP)], y2_hbm.at[pl.ds(dst, _CAP)])
    pltpu.sync_copy(bi_v.at[pl.ds(0, _CAP)], idx_hbm.at[pl.ds(dst, _CAP)])


def _greedy_nms(cur0, x1, y1, x2, y2, area, jidx):
    neg = jnp.float32(float("-inf"))

    def _max3(v):
        return jnp.max(jnp.max(v, axis=2, keepdims=True), axis=1, keepdims=True)

    supp = jnp.float32(-4.0)
    mb0 = _max3(cur0)

    def _cond(st):
        _, mb = st
        return jnp.max(mb) > 0.0

    def _body(st):
        cur, mb = st
        selj = jnp.where(cur == mb, jidx, _BIG)
        ib = jnp.min(jnp.min(selj, axis=2, keepdims=True), axis=1, keepdims=True)
        ib = jnp.where(mb > 0.0, ib, -1)
        is_sel = jidx == ib

        def pick(v):
            return _max3(jnp.where(is_sel, v, neg))

        x1i = pick(x1)
        y1i = pick(y1)
        x2i = pick(x2)
        y2i = pick(y2)
        ai = (x2i - x1i) * (y2i - y1i)
        xx1 = jnp.maximum(x1i, x1)
        yy1 = jnp.maximum(y1i, y1)
        xx2 = jnp.minimum(x2i, x2)
        yy2 = jnp.minimum(y2i, y2)
        inter = jnp.maximum(0.0, xx2 - xx1) * jnp.maximum(0.0, yy2 - yy1)
        iou = inter / (ai + area - inter + 1e-12)
        cur = jnp.where(is_sel, -cur, jnp.where(iou > _IOU_THR, supp, cur))
        return cur, _max3(cur)

    def _bodyk(st):
        for _ in range(16):
            st = _body(st)
        return st

    cur, _ = lax.while_loop(_cond, _bodyk, (cur0, mb0))
    return cur


def _nms_body(scale_ref, flag_ref, cur_ref, x1_ref, y1_ref, x2_ref, y2_ref,
              idx_ref, hl_ref, pb_ref, keep_ref, jout_ref):
    overflow = jnp.max(flag_ref[...]) > 0

    @pl.when(jnp.logical_not(overflow))
    def _fast():
        cur0 = cur_ref[...]
        x1 = x1_ref[...]
        y1 = y1_ref[...]
        x2 = x2_ref[...]
        y2 = y2_ref[...]
        area = (x2 - x1) * (y2 - y1)
        jidx = idx_ref[...]
        cur = _greedy_nms(cur0, x1, y1, x2, y2, area, jidx)
        keep_ref[...] = jnp.zeros((_B, _R, _L), jnp.float32)
        jout_ref[...] = jnp.full((_B, _R, _L), _BIG, jnp.int32)
        keep_ref[:, :, 0:_CAP] = jnp.where(cur > -2.0, 1.0, 0.0)
        jout_ref[:, :, 0:_CAP] = jidx

    @pl.when(overflow)
    def _full():
        l0 = hl_ref[:, 0]
        l1 = hl_ref[:, 1]
        m = jnp.maximum(l0, l1)
        e0 = jnp.exp(l0 - m)
        e1 = jnp.exp(l1 - m)
        s = e0 + e1
        score = jnp.maximum(e0 / s, e1 / s)
        cand = (l0 >= l1) & (score >= _HUMAN_CONF)
        sw = scale_ref[0]
        sh = scale_ref[1]
        cx = pb_ref[:, 0]
        cy = pb_ref[:, 1]
        w = pb_ref[:, 2]
        h = pb_ref[:, 3]
        x1 = (cx - 0.5 * w) * sw
        y1 = (cy - 0.5 * h) * sh
        x2 = (cx + 0.5 * w) * sw
        y2 = (cy + 0.5 * h) * sh
        area = (x2 - x1) * (y2 - y1)
        jrow = lax.broadcasted_iota(jnp.int32, (_B, _R, _L), 1)
        jcol = lax.broadcasted_iota(jnp.int32, (_B, _R, _L), 2)
        jidx = jrow * _L + jcol
        cur0 = jnp.where(cand, score, jnp.float32(-4.0))
        cur = _greedy_nms(cur0, x1, y1, x2, y2, area, jidx)
        keep_ref[...] = jnp.where(cur > -2.0, 1.0, 0.0)
        jout_ref[...] = jidx


def _scatter_sc(keep_hbm, jout_hbm, out_hbm, kv, jv, dest_v):
    wid = lax.axis_index("s") * 2 + lax.axis_index("c")

    @pl.when(wid < _B)
    def _():
        b = wid
        pltpu.sync_copy(keep_hbm.at[pl.ds(b * _N, _N)], kv)
        pltpu.sync_copy(jout_hbm.at[pl.ds(b * _N, _N)], jv)
        zf = jnp.zeros((16,), jnp.float32)

        def zstep(i, _):
            dest_v[pl.ds(i * 16, 16)] = zf
            return 0

        lax.fori_loop(0, _N // 16, zstep, 0)
        ones = jnp.ones((16,), jnp.float32)

        def sstep(i, _):
            k = kv[pl.ds(i * 16, 16)]
            j = jv[pl.ds(i * 16, 16)]
            msk = k > 0.5
            plsc.store_scatter(dest_v, [j], ones, mask=msk)
            return 0

        lax.fori_loop(0, _N // 16, sstep, 0)
        pltpu.sync_copy(dest_v, out_hbm.at[pl.ds(b * _N, _N)])


def _mask_body(scale_ref, keep_ref, logit_ref, pb_ref, out_ref, bxi_ref):
    k = keep_ref[0]
    x = logit_ref[0]
    sel = (k > 0.0) & (x >= _THRESH)
    out_ref[0] = jnp.where(sel, (x + 1.0) * 0.5, 0.0)

    sw = scale_ref[0]
    sh = scale_ref[1]
    cx = pb_ref[0, 0:1]
    cy = pb_ref[0, 1:2]
    w = pb_ref[0, 2:3]
    h = pb_ref[0, 3:4]
    kb = k > 0.0
    zero = jnp.float32(0.0)
    bxi_ref[0, 0:1] = jnp.where(kb, (cx - 0.5 * w) * sw, zero).astype(jnp.int32)
    bxi_ref[0, 1:2] = jnp.where(kb, (cy - 0.5 * h) * sh, zero).astype(jnp.int32)
    bxi_ref[0, 2:3] = jnp.where(kb, (cx + 0.5 * w) * sw, zero).astype(jnp.int32)
    bxi_ref[0, 3:4] = jnp.where(kb, (cy + 0.5 * h) * sh, zero).astype(jnp.int32)


def kernel(human_logits, pred_logits, pred_boxes, img_h, img_w):
    B, N, C = pred_logits.shape
    scale = jnp.stack([img_w, img_h, img_w, img_h]).astype(jnp.float32)
    sw16 = jnp.broadcast_to(scale[0], (16,))
    sh16 = jnp.broadcast_to(scale[1], (16,))

    hl_t = human_logits.transpose(0, 2, 1)
    pb_t = pred_boxes.transpose(0, 2, 1)

    mesh = plsc.VectorSubcoreMesh(core_axis_name="c", subcore_axis_name="s")
    f32 = jnp.float32
    nflat = B * _R * _CAP
    compact = pl.kernel(
        _compact_sc,
        out_type=[
            jax.ShapeDtypeStruct((nflat,), f32),
            jax.ShapeDtypeStruct((nflat,), f32),
            jax.ShapeDtypeStruct((nflat,), f32),
            jax.ShapeDtypeStruct((nflat,), f32),
            jax.ShapeDtypeStruct((nflat,), f32),
            jax.ShapeDtypeStruct((nflat,), jnp.int32),
            jax.ShapeDtypeStruct((B * _R * 8,), jnp.int32),
        ],
        mesh=mesh,
        compiler_params=pltpu.CompilerParams(needs_layout_passes=False),
        scratch_types=[
            pltpu.VMEM((_WBUF,), f32),
            pltpu.VMEM((_WBUF,), f32),
            pltpu.VMEM((_WBUF,), f32),
            pltpu.VMEM((_WBUF,), f32),
            pltpu.VMEM((_WBUF,), f32),
            pltpu.VMEM((_WBUF,), f32),
            pltpu.VMEM((16,), f32),
            pltpu.VMEM((16,), f32),
            pltpu.VMEM((_CAP + 16,), f32),
            pltpu.VMEM((_CAP + 16,), f32),
            pltpu.VMEM((_CAP + 16,), f32),
            pltpu.VMEM((_CAP + 16,), f32),
            pltpu.VMEM((_CAP + 16,), f32),
            pltpu.VMEM((_CAP + 16,), jnp.int32),
            pltpu.VMEM((16,), jnp.int32),
        ],
    )
    curc, x1c, y1c, x2c, y2c, idxc, flags = compact(
        hl_t.reshape(B * 2 * N), pb_t.reshape(B * 4 * N), sw16, sh16
    )
    curc = curc.reshape(B, _R, _CAP)
    x1c = x1c.reshape(B, _R, _CAP)
    y1c = y1c.reshape(B, _R, _CAP)
    x2c = x2c.reshape(B, _R, _CAP)
    y2c = y2c.reshape(B, _R, _CAP)
    idxc = idxc.reshape(B, _R, _CAP)
    flags = flags.reshape(B, _R, 8)

    hl_r = hl_t.reshape(B, 2, _R, _L)
    pb_r = pb_t.reshape(B, 4, _R, _L)

    keep_plane, jout_plane = pl.pallas_call(
        _nms_body,
        in_specs=[
            pl.BlockSpec(memory_space=pltpu.SMEM),
            pl.BlockSpec(memory_space=pltpu.VMEM),
            pl.BlockSpec(memory_space=pltpu.VMEM),
            pl.BlockSpec(memory_space=pltpu.VMEM),
            pl.BlockSpec(memory_space=pltpu.VMEM),
            pl.BlockSpec(memory_space=pltpu.VMEM),
            pl.BlockSpec(memory_space=pltpu.VMEM),
            pl.BlockSpec(memory_space=pltpu.VMEM),
            pl.BlockSpec(memory_space=pltpu.VMEM),
            pl.BlockSpec(memory_space=pltpu.VMEM),
        ],
        out_specs=[
            pl.BlockSpec(memory_space=pltpu.VMEM),
            pl.BlockSpec(memory_space=pltpu.VMEM),
        ],
        out_shape=[
            jax.ShapeDtypeStruct((B, _R, _L), f32),
            jax.ShapeDtypeStruct((B, _R, _L), jnp.int32),
        ],
    )(scale, flags, curc, x1c, y1c, x2c, y2c, idxc, hl_r, pb_r)

    scatter = pl.kernel(
        _scatter_sc,
        out_type=[jax.ShapeDtypeStruct((B * N,), f32)],
        mesh=mesh,
        compiler_params=pltpu.CompilerParams(needs_layout_passes=False),
        scratch_types=[
            pltpu.VMEM((N,), f32),
            pltpu.VMEM((N,), jnp.int32),
            pltpu.VMEM((N,), f32),
        ],
    )
    (keep_orig,) = scatter(keep_plane.reshape(B * N), jout_plane.reshape(B * N))
    keep_orig = keep_orig.reshape(B, 1, N)

    logits_t = pred_logits.transpose(0, 2, 1)

    scores_t, bxi = pl.pallas_call(
        _mask_body,
        grid=(B,),
        in_specs=[
            pl.BlockSpec(memory_space=pltpu.SMEM),
            pl.BlockSpec((1, 1, N), lambda b: (b, 0, 0)),
            pl.BlockSpec((1, C, N), lambda b: (b, 0, 0)),
            pl.BlockSpec((1, 4, N), lambda b: (b, 0, 0)),
        ],
        out_specs=[
            pl.BlockSpec((1, C, N), lambda b: (b, 0, 0)),
            pl.BlockSpec((1, 4, N), lambda b: (b, 0, 0)),
        ],
        out_shape=[
            jax.ShapeDtypeStruct((B, C, N), f32),
            jax.ShapeDtypeStruct((B, 4, N), jnp.int32),
        ],
    )(scale, keep_orig, logits_t, pb_t)

    return scores_t.transpose(0, 2, 1), bxi.transpose(0, 2, 1)

# --- scband reference (transcript-rebuilt; emitter-appended) ---
"""Pipeline reference for scband-post-process-viz-20933670600918 (READ-ONLY COPY).

The authoritative reference and input builder live on the scoring server;
editing this copy changes nothing except your own understanding.
"""

import jax, jax.numpy as jnp
import numpy as np


def box_cxcywh_to_xyxy(b):
    cx, cy, w, h = b[..., 0], b[..., 1], b[..., 2], b[..., 3]
    return jnp.stack([cx - 0.5 * w, cy - 0.5 * h, cx + 0.5 * w, cy + 0.5 * h], axis=-1)


def _nms_np(boxes, scores, iou_thr):
    # greedy NMS, matches torchvision.ops.nms semantics (suppress IoU > iou_thr)
    x1, y1, x2, y2 = boxes[:, 0], boxes[:, 1], boxes[:, 2], boxes[:, 3]
    areas = (x2 - x1) * (y2 - y1)
    order = np.argsort(-scores, kind='stable')
    keep = []
    while order.size > 0:
        i = order[0]
        keep.append(i)
        rest = order[1:]
        if rest.size == 0:
            break
        xx1 = np.maximum(x1[i], x1[rest])
        yy1 = np.maximum(y1[i], y1[rest])
        xx2 = np.minimum(x2[i], x2[rest])
        yy2 = np.minimum(y2[i], y2[rest])
        inter = np.maximum(0.0, xx2 - xx1) * np.maximum(0.0, yy2 - yy1)
        iou = inter / (areas[i] + areas[rest] - inter + 1e-12)
        order = rest[iou <= iou_thr]
    return np.asarray(keep, dtype=np.int64)


def _nms_keep_mask(boxes, scores, cand_mask, iou_thr):
    N = boxes.shape[0]
    masked_scores = jnp.where(cand_mask, scores, -jnp.inf)
    order = jnp.argsort(-masked_scores)
    sb = boxes[order]
    sc = cand_mask[order]
    x1, y1, x2, y2 = sb[:, 0], sb[:, 1], sb[:, 2], sb[:, 3]
    areas = (x2 - x1) * (y2 - y1)
    idx = jnp.arange(N)

    def body(i, keep):
        xx1 = jnp.maximum(x1[i], x1)
        yy1 = jnp.maximum(y1[i], y1)
        xx2 = jnp.minimum(x2[i], x2)
        yy2 = jnp.minimum(y2[i], y2)
        inter = jnp.maximum(0.0, xx2 - xx1) * jnp.maximum(0.0, yy2 - yy1)
        iou = inter / (areas[i] + areas - inter + 1e-12)
        suppress = (idx > i) & (iou > iou_thr) & keep[i]
        return keep & ~suppress

    keep_sorted = jax.lax.fori_loop(0, N, body, sc)
    return jnp.zeros((N,), dtype=bool).at[order].set(keep_sorted)


def setup_inputs(seed: int = 0) -> dict:
    key = jax.random.key(seed)
    k1, k2, k3 = jax.random.split(key, 3)
    human_logits = jax.random.normal(k1, (4, 20000, 2), dtype=jnp.float32)
    pred_logits = jax.random.normal(k2, (4, 20000, 80), dtype=jnp.float32)
    pred_boxes = jax.random.uniform(k3, (4, 20000, 4), dtype=jnp.float32)
    return {"human_logits": human_logits, "pred_logits": pred_logits, "pred_boxes": pred_boxes, "img_h": 512, "img_w": 512}


def reference(human_logits, pred_logits, pred_boxes, img_h, img_w):
    human_conf = 0.7
    thresh = 0.25
    iou_thr = 0.5
    human_prob = jax.nn.softmax(human_logits, axis=-1)
    human_scores = jnp.max(human_prob, axis=-1)
    human_labels = jnp.argmax(human_prob, axis=-1)
    boxes = box_cxcywh_to_xyxy(pred_boxes)
    scale_fct = jnp.stack([img_w, img_h, img_w, img_h]).astype(jnp.float32)
    boxes = boxes * scale_fct
    B, N, C = pred_logits.shape
    cand_mask = (human_labels == 0) & (human_scores >= human_conf)
    box_mask = jax.vmap(
        lambda bx, sc, cm: _nms_keep_mask(bx, sc, cm, iou_thr)
    )(boxes, human_scores, cand_mask)
    sel_mask = box_mask[..., None] & (pred_logits >= thresh)
    shifted_scores = (pred_logits + 1.0) / 2.0
    scores_out = jnp.where(sel_mask, shifted_scores, 0.0)
    boxes_out = jnp.where(box_mask[..., None], boxes, 0.0).astype(jnp.int32)
    return (scores_out, boxes_out)

if __name__ == "__main__":
    import jax
    _d = setup_inputs()
    print(jax.jit(kernel)(*tuple(_d.values())))

</pallas_src>

<mosaic_0001>
#map = affine_map<(d0, d1) -> (0)>
module attributes {stable_mosaic.version = 14 : i64} {
  func.func @_compact_sc(%arg0: i32, %arg1: i32, %arg2: memref<160000xf32, #tpu.memory_space<hbm>>, %arg3: memref<320000xf32, #tpu.memory_space<hbm>>, %arg4: memref<16xf32, #tpu.memory_space<hbm>>, %arg5: memref<16xf32, #tpu.memory_space<hbm>>, %arg6: memref<32768xf32, #tpu.memory_space<hbm>>, %arg7: memref<32768xf32, #tpu.memory_space<hbm>>, %arg8: memref<32768xf32, #tpu.memory_space<hbm>>, %arg9: memref<32768xf32, #tpu.memory_space<hbm>>, %arg10: memref<32768xf32, #tpu.memory_space<hbm>>, %arg11: memref<32768xi32, #tpu.memory_space<hbm>>, %arg12: memref<256xi32, #tpu.memory_space<hbm>>, %arg13: memref<2520xf32, #tpu.memory_space<vmem>>, %arg14: memref<2520xf32, #tpu.memory_space<vmem>>, %arg15: memref<2520xf32, #tpu.memory_space<vmem>>, %arg16: memref<2520xf32, #tpu.memory_space<vmem>>, %arg17: memref<2520xf32, #tpu.memory_space<vmem>>, %arg18: memref<2520xf32, #tpu.memory_space<vmem>>, %arg19: memref<16xf32, #tpu.memory_space<vmem>>, %arg20: memref<16xf32, #tpu.memory_space<vmem>>, %arg21: memref<1040xf32, #tpu.memory_space<vmem>>, %arg22: memref<1040xf32, #tpu.memory_space<vmem>>, %arg23: memref<1040xf32, #tpu.memory_space<vmem>>, %arg24: memref<1040xf32, #tpu.memory_space<vmem>>, %arg25: memref<1040xf32, #tpu.memory_space<vmem>>, %arg26: memref<1040xi32, #tpu.memory_space<vmem>>, %arg27: memref<16xi32, #tpu.memory_space<vmem>>) attributes {dimension_semantics = [#tpu.dimension_semantics<core_parallel>, #tpu.dimension_semantics<subcore_parallel>], iteration_bounds = array<i64: 2, 16>, scalar_prefetch = 0 : i64, scratch_operands = 15 : i64, tpu.core_type = #tpu.core_type<sc_vector_subcore>, window_params = [{transform_indices = #map}, {transform_indices = #map}, {transform_indices = #map}, {transform_indices = #map}, {transform_indices = #map}, {transform_indices = #map}, {transform_indices = #map}, {transform_indices = #map}, {transform_indices = #map}, {transform_indices = #map}, {transform_indices = #map}]} {
    %mul3A = arith.constant 2 : i32
    %mul3A_0 = arith.muli %arg1, %mul3A : i32
    %add3A = arith.addi %mul3A_0, %arg0 : i32
    %jit3A = arith.constant 8 : i32
    %div3A = arith.divsi %add3A, %jit3A : i32
    %sign3A = arith.constant 0 : i32
    %sign3A_1 = arith.cmpi sgt, %add3A, %sign3A : i32
    %sign3A_2 = arith.extui %sign3A_1 : i1 to i32
    %sign3A_3 = arith.constant 0 : i32
    %sign3A_4 = arith.cmpi slt, %add3A, %sign3A_3 : i32
    %sign3A_5 = arith.extui %sign3A_4 : i1 to i32
    %sign3A_6 = arith.subi %sign3A_2, %sign3A_5 : i32
    %sign3A_7 = arith.constant 0 : i32
    %sign3A_8 = arith.cmpi sgt, %jit3A, %sign3A_7 : i32
    %sign3A_9 = arith.extui %sign3A_8 : i1 to i32
    %sign3A_10 = arith.constant 0 : i32
    %sign3A_11 = arith.cmpi slt, %jit3A, %sign3A_10 : i32
    %sign3A_12 = arith.extui %sign3A_11 : i1 to i32
    %sign3A_13 = arith.subi %sign3A_9, %sign3A_12 : i32
    %ne3A = arith.cmpi ne, %sign3A_6, %sign3A_13 : i32
    %rem3A = arith.remsi %add3A, %jit3A : i32
    %ne3A_14 = arith.constant 0 : i32
    %ne3A_15 = arith.cmpi ne, %rem3A, %ne3A_14 : i32
    %and3A = arith.andi %ne3A, %ne3A_15 : i1
    %sub3A = arith.constant 1 : i32
    %sub3A_16 = arith.subi %div3A, %sub3A : i32
    %select_n3A = arith.select %and3A, %sub3A_16, %div3A : i32
    %jit3A_17 = arith.constant 8 : i32
    %eq3A = arith.constant 0 : i32
    %eq3A_18 = arith.cmpi eq, %jit3A_17, %eq3A : i32
    %jit3A_19 = arith.constant 1 : i32
    %select_n3A_20 = arith.select %eq3A_18, %jit3A_19, %jit3A_17 : i32
    %rem3A_21 = arith.remsi %add3A, %select_n3A_20 : i32
    %ne3A_22 = arith.constant 0 : i32
    %ne3A_23 = arith.cmpi ne, %rem3A_21, %ne3A_22 : i32
    %lt3A = arith.constant 0 : i32
    %lt3A_24 = arith.cmpi slt, %rem3A_21, %lt3A : i32
    %lt3A_25 = arith.constant 0 : i32
    %lt3A_26 = arith.cmpi slt, %select_n3A_20, %lt3A_25 : i32
    %ne3A_27 = arith.xori %lt3A_24, %lt3A_26 : i1
    %and3A_28 = arith.andi %ne3A_27, %ne3A_23 : i1
    %add3A_29 = arith.addi %rem3A_21, %select_n3A_20 : i32
    %select_n3A_30 = arith.select %and3A_28, %add3A_29, %rem3A_21 : i32
    %mul3A_31 = arith.constant 2500 : i32
    %mul3A_32 = arith.muli %select_n3A_30, %mul3A_31 : i32
    %jit3A_33 = arith.constant 8 : i32
    %div3A_34 = arith.divsi %mul3A_32, %jit3A_33 : i32
    %sign3A_35 = arith.constant 0 : i32
    %sign3A_36 = arith.cmpi sgt, %mul3A_32, %sign3A_35 : i32
    %sign3A_37 = arith.extui %sign3A_36 : i1 to i32
    %sign3A_38 = arith.constant 0 : i32
    %sign3A_39 = arith.cmpi slt, %mul3A_32, %sign3A_38 : i32
    %sign3A_40 = arith.extui %sign3A_39 : i1 to i32
    %sign3A_41 = arith.subi %sign3A_37, %sign3A_40 : i32
    %sign3A_42 = arith.constant 0 : i32
    %sign3A_43 = arith.cmpi sgt, %jit3A_33, %sign3A_42 : i32
    %sign3A_44 = arith.extui %sign3A_43 : i1 to i32
    %sign3A_45 = arith.constant 0 : i32
    %sign3A_46 = arith.cmpi slt, %jit3A_33, %sign3A_45 : i32
    %sign3A_47 = arith.extui %sign3A_46 : i1 to i32
    %sign3A_48 = arith.subi %sign3A_44, %sign3A_47 : i32
    %ne3A_49 = arith.cmpi ne, %sign3A_41, %sign3A_48 : i32
    %rem3A_50 = arith.remsi %mul3A_32, %jit3A_33 : i32
    %ne3A_51 = arith.constant 0 : i32
    %ne3A_52 = arith.cmpi ne, %rem3A_50, %ne3A_51 : i32
    %and3A_53 = arith.andi %ne3A_49, %ne3A_52 : i1
    %sub3A_54 = arith.constant 1 : i32
    %sub3A_55 = arith.subi %div3A_34, %sub3A_54 : i32
    %select_n3A_56 = arith.select %and3A_53, %sub3A_55, %div3A_34 : i32
    %mul3A_57 = arith.constant 8 : i32
    %mul3A_58 = arith.muli %select_n3A_56, %mul3A_57 : i32
    %sub3A_59 = arith.subi %mul3A_32, %mul3A_58 : i32
    %mul3A_60 = arith.constant 2 : i32
    %mul3A_61 = arith.muli %select_n3A, %mul3A_60 : i32
    %add3A_62 = arith.constant 0 : i32
    %add3A_63 = arith.addi %mul3A_61, %add3A_62 : i32
    %mul3A_64 = arith.constant 20000 : i32
    %mul3A_65 = arith.muli %add3A_63, %mul3A_64 : i32
    %add3A_66 = arith.addi %mul3A_65, %mul3A_58 : i32
    "tpu.region"() ({
      %run_scoped3A = tpu.sem_alloc : memref<!tpu.dma_semaphore, #tpu.memory_space<semaphore_mem>>
      %dma_start3A = arith.constant 0 : i32
      %dma_start3A_133 = tpu.memref_slice %arg13[%dma_start3A] : memref<2520xf32, #tpu.memory_space<vmem>> -> memref<2504xf32, #tpu.memory_space<vmem>>
      %dma_start3A_134 = tpu.memref_slice %arg2[%add3A_66] : memref<160000xf32, #tpu.memory_space<hbm>> -> memref<2504xf32, #tpu.memory_space<hbm>>
      %dma_start3A_135 = arith.constant 0 : i32
      %dma_start3A_136 = tpu.memref_slice %arg13[%dma_start3A_135] : memref<2520xf32, #tpu.memory_space<vmem>> -> memref<2504xf32, #tpu.memory_space<vmem>>
      %dma_start3A_137 = tpu.memref_slice %arg2[%add3A_66] : memref<160000xf32, #tpu.memory_space<hbm>> -> memref<2504xf32, #tpu.memory_space<hbm>>
      tpu.enqueue_dma source(%dma_start3A_137 : memref<2504xf32, #tpu.memory_space<hbm>>) target(%dma_start3A_136 : memref<2504xf32, #tpu.memory_space<vmem>>) target_semaphore(%run_scoped3A : memref<!tpu.dma_semaphore, #tpu.memory_space<semaphore_mem>>)
      %dma_wait3A = arith.constant 0 : i32
      %dma_wait3A_138 = tpu.memref_slice %arg13[%dma_wait3A] : memref<2520xf32, #tpu.memory_space<vmem>> -> memref<2504xf32, #tpu.memory_space<vmem>>
      %dma_wait3A_139 = tpu.memref_slice %arg2[%add3A_66] : memref<160000xf32, #tpu.memory_space<hbm>> -> memref<2504xf32, #tpu.memory_space<hbm>>
      %dma_wait3A_140 = arith.constant 0 : i32
      %dma_wait3A_141 = tpu.memref_slice %arg13[%dma_wait3A_140] : memref<2520xf32, #tpu.memory_space<vmem>> -> memref<2504xf32, #tpu.memory_space<vmem>>
      %dma_wait3A_142 = tpu.memref_slice %arg2[%add3A_66] : memref<160000xf32, #tpu.memory_space<hbm>> -> memref<2504xf32, #tpu.memory_space<hbm>>
      tpu.wait_dma2 semaphore(%run_scoped3A : memref<!tpu.dma_semaphore, #tpu.memory_space<semaphore_mem>>) src(%dma_wait3A_142 : memref<2504xf32, #tpu.memory_space<hbm>>) dst(%dma_wait3A_141 : memref<2504xf32, #tpu.memory_space<vmem>>)
      tpu.yield
    }) : () -> ()
    %mul3A_67 = arith.constant 2 : i32
    %mul3A_68 = arith.muli %select_n3A, %mul3A_67 : i32
    %add3A_69 = arith.constant 1 : i32
    %add3A_70 = arith.addi %mul3A_68, %add3A_69 : i32
    %mul3A_71 = arith.constant 20000 : i32
    %mul3A_72 = arith.muli %add3A_70, %mul3A_71 : i32
    %add3A_73 = arith.addi %mul3A_72, %mul3A_58 : i32
    "tpu.region"() ({
      %run_scoped3A = tpu.sem_alloc : memref<!tpu.dma_semaphore, #tpu.memory_space<semaphore_mem>>
      %dma_start3A = arith.constant 0 : i32
      %dma_start3A_133 = tpu.memref_slice %arg14[%dma_start3A] : memref<2520xf32, #tpu.memory_space<vmem>> -> memref<2504xf32, #tpu.memory_space<vmem>>
      %dma_start3A_134 = tpu.memref_slice %arg2[%add3A_73] : memref<160000xf32, #tpu.memory_space<hbm>> -> memref<2504xf32, #tpu.memory_space<hbm>>
      %dma_start3A_135 = arith.constant 0 : i32
      %dma_start3A_136 = tpu.memref_slice %arg14[%dma_start3A_135] : memref<2520xf32, #tpu.memory_space<vmem>> -> memref<2504xf32, #tpu.memory_space<vmem>>
      %dma_start3A_137 = tpu.memref_slice %arg2[%add3A_73] : memref<160000xf32, #tpu.memory_space<hbm>> -> memref<2504xf32, #tpu.memory_space<hbm>>
      tpu.enqueue_dma source(%dma_start3A_137 : memref<2504xf32, #tpu.memory_space<hbm>>) target(%dma_start3A_136 : memref<2504xf32, #tpu.memory_space<vmem>>) target_semaphore(%run_scoped3A : memref<!tpu.dma_semaphore, #tpu.memory_space<semaphore_mem>>)
      %dma_wait3A = arith.constant 0 : i32
      %dma_wait3A_138 = tpu.memref_slice %arg14[%dma_wait3A] : memref<2520xf32, #tpu.memory_space<vmem>> -> memref<2504xf32, #tpu.memory_space<vmem>>
      %dma_wait3A_139 = tpu.memref_slice %arg2[%add3A_73] : memref<160000xf32, #tpu.memory_space<hbm>> -> memref<2504xf32, #tpu.memory_space<hbm>>
      %dma_wait3A_140 = arith.constant 0 : i32
      %dma_wait3A_141 = tpu.memref_slice %arg14[%dma_wait3A_140] : memref<2520xf32, #tpu.memory_space<vmem>> -> memref<2504xf32, #tpu.memory_space<vmem>>
      %dma_wait3A_142 = tpu.memref_slice %arg2[%add3A_73] : memref<160000xf32, #tpu.memory_space<hbm>> -> memref<2504xf32, #tpu.memory_space<hbm>>
      tpu.wait_dma2 semaphore(%run_scoped3A : memref<!tpu.dma_semaphore, #tpu.memory_space<semaphore_mem>>) src(%dma_wait3A_142 : memref<2504xf32, #tpu.memory_space<hbm>>) dst(%dma_wait3A_141 : memref<2504xf32, #tpu.memory_space<vmem>>)
      tpu.yield
    }) : () -> ()
    %mul3A_74 = arith.constant 4 : i32
    %mul3A_75 = arith.muli %select_n3A, %mul3A_74 : i32
    %add3A_76 = arith.constant 0 : i32
    %add3A_77 = arith.addi %mul3A_75, %add3A_76 : i32
    %mul3A_78 = arith.constant 20000 : i32
    %mul3A_79 = arith.muli %add3A_77, %mul3A_78 : i32
    %add3A_80 = arith.addi %mul3A_79, %mul3A_58 : i32
    "tpu.region"() ({
      %run_scoped3A = tpu.sem_alloc : memref<!tpu.dma_semaphore, #tpu.memory_space<semaphore_mem>>
      %dma_start3A = arith.constant 0 : i32
      %dma_start3A_133 = tpu.memref_slice %arg15[%dma_start3A] : memref<2520xf32, #tpu.memory_space<vmem>> -> memref<2504xf32, #tpu.memory_space<vmem>>
      %dma_start3A_134 = tpu.memref_slice %arg3[%add3A_80] : memref<320000xf32, #tpu.memory_space<hbm>> -> memref<2504xf32, #tpu.memory_space<hbm>>
      %dma_start3A_135 = arith.constant 0 : i32
      %dma_start3A_136 = tpu.memref_slice %arg15[%dma_start3A_135] : memref<2520xf32, #tpu.memory_space<vmem>> -> memref<2504xf32, #tpu.memory_space<vmem>>
      %dma_start3A_137 = tpu.memref_slice %arg3[%add3A_80] : memref<320000xf32, #tpu.memory_space<hbm>> -> memref<2504xf32, #tpu.memory_space<hbm>>
      tpu.enqueue_dma source(%dma_start3A_137 : memref<2504xf32, #tpu.memory_space<hbm>>) target(%dma_start3A_136 : memref<2504xf32, #tpu.memory_space<vmem>>) target_semaphore(%run_scoped3A : memref<!tpu.dma_semaphore, #tpu.memory_space<semaphore_mem>>)
      %dma_wait3A = arith.constant 0 : i32
      %dma_wait3A_138 = tpu.memref_slice %arg15[%dma_wait3A] : memref<2520xf32, #tpu.memory_space<vmem>> -> memref<2504xf32, #tpu.memory_space<vmem>>
      %dma_wait3A_139 = tpu.memref_slice %arg3[%add3A_80] : memref<320000xf32, #tpu.memory_space<hbm>> -> memref<2504xf32, #tpu.memory_space<hbm>>
      %dma_wait3A_140 = arith.constant 0 : i32
      %dma_wait3A_141 = tpu.memref_slice %arg15[%dma_wait3A_140] : memref<2520xf32, #tpu.memory_space<vmem>> -> memref<2504xf32, #tpu.memory_space<vmem>>
      %dma_wait3A_142 = tpu.memref_slice %arg3[%add3A_80] : memref<320000xf32, #tpu.memory_space<hbm>> -> memref<2504xf32, #tpu.memory_space<hbm>>
      tpu.wait_dma2 semaphore(%run_scoped3A : memref<!tpu.dma_semaphore, #tpu.memory_space<semaphore_mem>>) src(%dma_wait3A_142 : memref<2504xf32, #tpu.memory_space<hbm>>) dst(%dma_wait3A_141 : memref<2504xf32, #tpu.memory_space<vmem>>)
      tpu.yield
    }) : () -> ()
    %mul3A_81 = arith.constant 4 : i32
    %mul3A_82 = arith.muli %select_n3A, %mul3A_81 : i32
    %add3A_83 = arith.constant 1 : i32
    %add3A_84 = arith.addi %mul3A_82, %add3A_83 : i32
    %mul3A_85 = arith.constant 20000 : i32
    %mul3A_86 = arith.muli %add3A_84, %mul3A_85 : i32
    %add3A_87 = arith.addi %mul3A_86, %mul3A_58 : i32
    "tpu.region"() ({
      %run_scoped3A = tpu.sem_alloc : memref<!tpu.dma_semaphore, #tpu.memory_space<semaphore_mem>>
      %dma_start3A = arith.constant 0 : i32
      %dma_start3A_133 = tpu.memref_slice %arg16[%dma_start3A] : memref<2520xf32, #tpu.memory_space<vmem>> -> memref<2504xf32, #tpu.memory_space<vmem>>
      %dma_start3A_134 = tpu.memref_slice %arg3[%add3A_87] : memref<320000xf32, #tpu.memory_space<hbm>> -> memref<2504xf32, #tpu.memory_space<hbm>>
      %dma_start3A_135 = arith.constant 0 : i32
      %dma_start3A_136 = tpu.memref_slice %arg16[%dma_start3A_135] : memref<2520xf32, #tpu.memory_space<vmem>> -> memref<2504xf32, #tpu.memory_space<vmem>>
      %dma_start3A_137 = tpu.memref_slice %arg3[%add3A_87] : memref<320000xf32, #tpu.memory_space<hbm>> -> memref<2504xf32, #tpu.memory_space<hbm>>
      tpu.enqueue_dma source(%dma_start3A_137 : memref<2504xf32, #tpu.memory_space<hbm>>) target(%dma_start3A_136 : memref<2504xf32, #tpu.memory_space<vmem>>) target_semaphore(%run_scoped3A : memref<!tpu.dma_semaphore, #tpu.memory_space<semaphore_mem>>)
      %dma_wait3A = arith.constant 0 : i32
      %dma_wait3A_138 = tpu.memref_slice %arg16[%dma_wait3A] : memref<2520xf32, #tpu.memory_space<vmem>> -> memref<2504xf32, #tpu.memory_space<vmem>>
      %dma_wait3A_139 = tpu.memref_slice %arg3[%add3A_87] : memref<320000xf32, #tpu.memory_space<hbm>> -> memref<2504xf32, #tpu.memory_space<hbm>>
      %dma_wait3A_140 = arith.constant 0 : i32
      %dma_wait3A_141 = tpu.memref_slice %arg16[%dma_wait3A_140] : memref<2520xf32, #tpu.memory_space<vmem>> -> memref<2504xf32, #tpu.memory_space<vmem>>
      %dma_wait3A_142 = tpu.memref_slice %arg3[%add3A_87] : memref<320000xf32, #tpu.memory_space<hbm>> -> memref<2504xf32, #tpu.memory_space<hbm>>
      tpu.wait_dma2 semaphore(%run_scoped3A : memref<!tpu.dma_semaphore, #tpu.memory_space<semaphore_mem>>) src(%dma_wait3A_142 : memref<2504xf32, #tpu.memory_space<hbm>>) dst(%dma_wait3A_141 : memref<2504xf32, #tpu.memory_space<vmem>>)
      tpu.yield
    }) : () -> ()
    %mul3A_88 = arith.constant 4 : i32
    %mul3A_89 = arith.muli %select_n3A, %mul3A_88 : i32
    %add3A_90 = arith.constant 2 : i32
    %add3A_91 = arith.addi %mul3A_89, %add3A_90 : i32
    %mul3A_92 = arith.constant 20000 : i32
    %mul3A_93 = arith.muli %add3A_91, %mul3A_92 : i32
    %add3A_94 = arith.addi %mul3A_93, %mul3A_58 : i32
    "tpu.region"() ({
      %run_scoped3A = tpu.sem_alloc : memref<!tpu.dma_semaphore, #tpu.memory_space<semaphore_mem>>
      %dma_start3A = arith.constant 0 : i32
      %dma_start3A_133 = tpu.memref_slice %arg17[%dma_start3A] : memref<2520xf32, #tpu.memory_space<vmem>> -> memref<2504xf32, #tpu.memory_space<vmem>>
      %dma_start3A_134 = tpu.memref_slice %arg3[%add3A_94] : memref<320000xf32, #tpu.memory_space<hbm>> -> memref<2504xf32, #tpu.memory_space<hbm>>
      %dma_start3A_135 = arith.constant 0 : i32
      %dma_start3A_136 = tpu.memref_slice %arg17[%dma_start3A_135] : memref<2520xf32, #tpu.memory_space<vmem>> -> memref<2504xf32, #tpu.memory_space<vmem>>
      %dma_start3A_137 = tpu.memref_slice %arg3[%add3A_94] : memref<320000xf32, #tpu.memory_space<hbm>> -> memref<2504xf32, #tpu.memory_space<hbm>>
      tpu.enqueue_dma source(%dma_start3A_137 : memref<2504xf32, #tpu.memory_space<hbm>>) target(%dma_start3A_136 : memref<2504xf32, #tpu.memory_space<vmem>>) target_semaphore(%run_scoped3A : memref<!tpu.dma_semaphore, #tpu.memory_space<semaphore_mem>>)
      %dma_wait3A = arith.constant 0 : i32
      %dma_wait3A_138 = tpu.memref_slice %arg17[%dma_wait3A] : memref<2520xf32, #tpu.memory_space<vmem>> -> memref<2504xf32, #tpu.memory_space<vmem>>
      %dma_wait3A_139 = tpu.memref_slice %arg3[%add3A_94] : memref<320000xf32, #tpu.memory_space<hbm>> -> memref<2504xf32, #tpu.memory_space<hbm>>
      %dma_wait3A_140 = arith.constant 0 : i32
      %dma_wait3A_141 = tpu.memref_slice %arg17[%dma_wait3A_140] : memref<2520xf32, #tpu.memory_space<vmem>> -> memref<2504xf32, #tpu.memory_space<vmem>>
      %dma_wait3A_142 = tpu.memref_slice %arg3[%add3A_94] : memref<320000xf32, #tpu.memory_space<hbm>> -> memref<2504xf32, #tpu.memory_space<hbm>>
      tpu.wait_dma2 semaphore(%run_scoped3A : memref<!tpu.dma_semaphore, #tpu.memory_space<semaphore_mem>>) src(%dma_wait3A_142 : memref<2504xf32, #tpu.memory_space<hbm>>) dst(%dma_wait3A_141 : memref<2504xf32, #tpu.memory_space<vmem>>)
      tpu.yield
    }) : () -> ()
    %mul3A_95 = arith.constant 4 : i32
    %mul3A_96 = arith.muli %select_n3A, %mul3A_95 : i32
    %add3A_97 = arith.constant 3 : i32
    %add3A_98 = arith.addi %mul3A_96, %add3A_97 : i32
    %mul3A_99 = arith.constant 20000 : i32
    %mul3A_100 = arith.muli %add3A_98, %mul3A_99 : i32
    %add3A_101 = arith.addi %mul3A_100, %mul3A_58 : i32
    "tpu.region"() ({
      %run_scoped3A = tpu.sem_alloc : memref<!tpu.dma_semaphore, #tpu.memory_space<semaphore_mem>>
      %dma_start3A = arith.constant 0 : i32
      %dma_start3A_133 = tpu.memref_slice %arg18[%dma_start3A] : memref<2520xf32, #tpu.memory_space<vmem>> -> memref<2504xf32, #tpu.memory_space<vmem>>
      %dma_start3A_134 = tpu.memref_slice %arg3[%add3A_101] : memref<320000xf32, #tpu.memory_space<hbm>> -> memref<2504xf32, #tpu.memory_space<hbm>>
      %dma_start3A_135 = arith.constant 0 : i32
      %dma_start3A_136 = tpu.memref_slice %arg18[%dma_start3A_135] : memref<2520xf32, #tpu.memory_space<vmem>> -> memref<2504xf32, #tpu.memory_space<vmem>>
      %dma_start3A_137 = tpu.memref_slice %arg3[%add3A_101] : memref<320000xf32, #tpu.memory_space<hbm>> -> memref<2504xf32, #tpu.memory_space<hbm>>
      tpu.enqueue_dma source(%dma_start3A_137 : memref<2504xf32, #tpu.memory_space<hbm>>) target(%dma_start3A_136 : memref<2504xf32, #tpu.memory_space<vmem>>) target_semaphore(%run_scoped3A : memref<!tpu.dma_semaphore, #tpu.memory_space<semaphore_mem>>)
      %dma_wait3A = arith.constant 0 : i32
      %dma_wait3A_138 = tpu.memref_slice %arg18[%dma_wait3A] : memref<2520xf32, #tpu.memory_space<vmem>> -> memref<2504xf32, #tpu.memory_space<vmem>>
      %dma_wait3A_139 = tpu.memref_slice %arg3[%add3A_101] : memref<320000xf32, #tpu.memory_space<hbm>> -> memref<2504xf32, #tpu.memory_space<hbm>>
      %dma_wait3A_140 = arith.constant 0 : i32
      %dma_wait3A_141 = tpu.memref_slice %arg18[%dma_wait3A_140] : memref<2520xf32, #tpu.memory_space<vmem>> -> memref<2504xf32, #tpu.memory_space<vmem>>
      %dma_wait3A_142 = tpu.memref_slice %arg3[%add3A_101] : memref<320000xf32, #tpu.memory_space<hbm>> -> memref<2504xf32, #tpu.memory_space<hbm>>
      tpu.wait_dma2 semaphore(%run_scoped3A : memref<!tpu.dma_semaphore, #tpu.memory_space<semaphore_mem>>) src(%dma_wait3A_142 : memref<2504xf32, #tpu.memory_space<hbm>>) dst(%dma_wait3A_141 : memref<2504xf32, #tpu.memory_space<vmem>>)
      tpu.yield
    }) : () -> ()
    "tpu.region"() ({
      %run_scoped3A = tpu.sem_alloc : memref<!tpu.dma_semaphore, #tpu.memory_space<semaphore_mem>>
      tpu.enqueue_dma source(%arg4 : memref<16xf32, #tpu.memory_space<hbm>>) target(%arg19 : memref<16xf32, #tpu.memory_space<vmem>>) target_semaphore(%run_scoped3A : memref<!tpu.dma_semaphore, #tpu.memory_space<semaphore_mem>>)
      tpu.wait_dma2 semaphore(%run_scoped3A : memref<!tpu.dma_semaphore, #tpu.memory_space<semaphore_mem>>) src(%arg4 : memref<16xf32, #tpu.memory_space<hbm>>) dst(%arg19 : memref<16xf32, #tpu.memory_space<vmem>>)
      tpu.yield
    }) : () -> ()
    "tpu.region"() ({
      %run_scoped3A = tpu.sem_alloc : memref<!tpu.dma_semaphore, #tpu.memory_space<semaphore_mem>>
      tpu.enqueue_dma source(%arg5 : memref<16xf32, #tpu.memory_space<hbm>>) target(%arg20 : memref<16xf32, #tpu.memory_space<vmem>>) target_semaphore(%run_scoped3A : memref<!tpu.dma_semaphore, #tpu.memory_space<semaphore_mem>>)
      tpu.wait_dma2 semaphore(%run_scoped3A : memref<!tpu.dma_semaphore, #tpu.memory_space<semaphore_mem>>) src(%arg5 : memref<16xf32, #tpu.memory_space<hbm>>) dst(%arg20 : memref<16xf32, #tpu.memory_space<vmem>>)
      tpu.yield
    }) : () -> ()
    %get3A = arith.constant 0 : index
    %get3A_102 = tpu.vector_load %arg19[%get3A] {strides = array<i32>} : memref<16xf32, #tpu.memory_space<vmem>>, vector<16xf32>,
    %get3A_103 = arith.constant 0 : index
    %get3A_104 = tpu.vector_load %arg20[%get3A_103] {strides = array<i32>} : memref<16xf32, #tpu.memory_space<vmem>>, vector<16xf32>,
    %broadcast_in_dim3A = arith.constant 0.000000e+00 : f32
    %broadcast_in_dim3A_105 = vector.broadcast %broadcast_in_dim3A : f32 to vector<16xf32>
    %broadcast_in_dim3A_106 = arith.constant -4.000000e+00 : f32
    %broadcast_in_dim3A_107 = vector.broadcast %broadcast_in_dim3A_106 : f32 to vector<16xf32>
    %broadcast_in_dim3A_108 = arith.constant 1073741824 : i32
    %broadcast_in_dim3A_109 = vector.broadcast %broadcast_in_dim3A_108 : i32 to vector<16xi32>
    %scan3A = arith.constant 0 : i32
    %scan3A_110 = arith.constant 0 : i32
    %scan3A_111 = arith.constant 65 : i32
    %scan3A_112 = arith.addi %scan3A_110, %scan3A_111 : i32
    %scan3A_113 = arith.constant 1 : i32
    %scan3A_114 = scf.for %scan3A_133 = %scan3A_110 to %scan3A_112 step %scan3A_113 iter_args(%scan3A_134 = %scan3A) -> (i32)  : i32 {
      %mul3A_135 = arith.constant 16 : i32
      %mul3A_136 = arith.muli %scan3A_133, %mul3A_135 : i32
      %swap3A_137 = arith.index_cast %mul3A_136 : i32 to index
      %swap3A_138 = tpu.vector_load %arg21[%swap3A_137] {strides = array<i32>} : memref<1040xf32, #tpu.memory_space<vmem>>, vector<16xf32>,
      tpu.vector_store %arg21[%swap3A_137], %broadcast_in_dim3A_107 {strides = array<i32>} : memref<1040xf32, #tpu.memory_space<vmem>>, vector<16xf32>,
      %mul3A_139 = arith.constant 16 : i32
      %mul3A_140 = arith.muli %scan3A_133, %mul3A_139 : i32
      %swap3A_141 = arith.index_cast %mul3A_140 : i32 to index
      %swap3A_142 = tpu.vector_load %arg22[%swap3A_141] {strides = array<i32>} : memref<1040xf32, #tpu.memory_space<vmem>>, vector<16xf32>,
      tpu.vector_store %arg22[%swap3A_141], %broadcast_in_dim3A_105 {strides = array<i32>} : memref<1040xf32, #tpu.memory_space<vmem>>, vector<16xf32>,
      %mul3A_143 = arith.constant 16 : i32
      %mul3A_144 = arith.muli %scan3A_133, %mul3A_143 : i32
      %swap3A_145 = arith.index_cast %mul3A_144 : i32 to index
      %swap3A_146 = tpu.vector_load %arg23[%swap3A_145] {strides = array<i32>} : memref<1040xf32, #tpu.memory_space<vmem>>, vector<16xf32>,
      tpu.vector_store %arg23[%swap3A_145], %broadcast_in_dim3A_105 {strides = array<i32>} : memref<1040xf32, #tpu.memory_space<vmem>>, vector<16xf32>,
      %mul3A_147 = arith.constant 16 : i32
      %mul3A_148 = arith.muli %scan3A_133, %mul3A_147 : i32
      %swap3A_149 = arith.index_cast %mul3A_148 : i32 to index
      %swap3A_150 = tpu.vector_load %arg24[%swap3A_149] {strides = array<i32>} : memref<1040xf32, #tpu.memory_space<vmem>>, vector<16xf32>,
      tpu.vector_store %arg24[%swap3A_149], %broadcast_in_dim3A_105 {strides = array<i32>} : memref<1040xf32, #tpu.memory_space<vmem>>, vector<16xf32>,
      %mul3A_151 = arith.constant 16 : i32
      %mul3A_152 = arith.muli %scan3A_133, %mul3A_151 : i32
      %swap3A_153 = arith.index_cast %mul3A_152 : i32 to index
      %swap3A_154 = tpu.vector_load %arg25[%swap3A_153] {strides = array<i32>} : memref<1040xf32, #tpu.memory_space<vmem>>, vector<16xf32>,
      tpu.vector_store %arg25[%swap3A_153], %broadcast_in_dim3A_105 {strides = array<i32>} : memref<1040xf32, #tpu.memory_space<vmem>>, vector<16xf32>,
      %mul3A_155 = arith.constant 16 : i32
      %mul3A_156 = arith.muli %scan3A_133, %mul3A_155 : i32
      %swap3A_157 = arith.index_cast %mul3A_156 : i32 to index
      %swap3A_158 = tpu.vector_load %arg26[%swap3A_157] {strides = array<i32>} : memref<1040xi32, #tpu.memory_space<vmem>>, vector<16xi32>,
      tpu.vector_store %arg26[%swap3A_157], %broadcast_in_dim3A_109 {strides = array<i32>} : memref<1040xi32, #tpu.memory_space<vmem>>, vector<16xi32>,
      %scan3A_159 = arith.constant 0 : i32
      scf.yield %scan3A_159 : i32
    }
    %scan3A_115 = arith.constant 65 : i32
    %scan3A_116 = arith.constant 0 : i32
    %scan3A_117 = arith.constant 0 : i32
    %scan3A_118 = arith.constant 157 : i32
    %scan3A_119 = arith.addi %scan3A_117, %scan3A_118 : i32
    %scan3A_120 = arith.constant 1 : i32
    %scan3A_121 = scf.for %scan3A_133 = %scan3A_117 to %scan3A_119 step %scan3A_120 iter_args(%scan3A_134 = %scan3A_116) -> (i32)  : i32 {
      %mul3A_135 = arith.constant 16 : i32
      %mul3A_136 = arith.muli %scan3A_133, %mul3A_135 : i32
      %add3A_137 = arith.addi %sub3A_59, %mul3A_136 : i32
      %mul3A_138 = arith.constant 16 : i32
      %mul3A_139 = arith.muli %scan3A_133, %mul3A_138 : i32
      %iota3A = tpu.iota {dimensions = array<i32: 0>} : vector<16xi32>
      %add3A_140 = vector.broadcast %mul3A_139 : i32 to vector<16xi32>
      %add3A_141 = arith.addi %add3A_140, %iota3A : vector<16xi32>
      %lt3A_142 = arith.constant 2500 : i32
      %lt3A_143 = vector.broadcast %lt3A_142 : i32 to vector<16xi32>
      %lt3A_144 = arith.cmpi slt, %add3A_141, %lt3A_143 : vector<16xi32>
      %get3A_145 = arith.index_cast %add3A_137 : i32 to index
      %get3A_146 = tpu.vector_load %arg13[%get3A_145] {strides = array<i32>} : memref<2520xf32, #tpu.memory_space<vmem>>, vector<16xf32>,
      %get3A_147 = arith.index_cast %add3A_137 : i32 to index
      %get3A_148 = tpu.vector_load %arg14[%get3A_147] {strides = array<i32>} : memref<2520xf32, #tpu.memory_space<vmem>>, vector<16xf32>,
      %get3A_149 = arith.index_cast %add3A_137 : i32 to index
      %get3A_150 = tpu.vector_load %arg15[%get3A_149] {strides = array<i32>} : memref<2520xf32, #tpu.memory_space<vmem>>, vector<16xf32>,
      %get3A_151 = arith.index_cast %add3A_137 : i32 to index
      %get3A_152 = tpu.vector_load %arg16[%get3A_151] {strides = array<i32>} : memref<2520xf32, #tpu.memory_space<vmem>>, vector<16xf32>,
      %get3A_153 = arith.index_cast %add3A_137 : i32 to index
      %get3A_154 = tpu.vector_load %arg17[%get3A_153] {strides = array<i32>} : memref<2520xf32, #tpu.memory_space<vmem>>, vector<16xf32>,
      %get3A_155 = arith.index_cast %add3A_137 : i32 to index
      %get3A_156 = tpu.vector_load %arg18[%get3A_155] {strides = array<i32>} : memref<2520xf32, #tpu.memory_space<vmem>>, vector<16xf32>,
      %max3A = arith.maximumf %get3A_146, %get3A_148 : vector<16xf32>
      %sub3A_157 = arith.subf %get3A_146, %max3A : vector<16xf32>
      %exp3A = math.exp %sub3A_157 : vector<16xf32>
      %sub3A_158 = arith.subf %get3A_148, %max3A : vector<16xf32>
      %exp3A_159 = math.exp %sub3A_158 : vector<16xf32>
      %add3A_160 = arith.addf %exp3A, %exp3A_159 : vector<16xf32>
      %div3A_161 = arith.divf %exp3A, %add3A_160 : vector<16xf32>
      %div3A_162 = arith.divf %exp3A_159, %add3A_160 : vector<16xf32>
      %max3A_163 = arith.maximumf %div3A_161, %div3A_162 : vector<16xf32>
      %ge3A = arith.cmpf oge, %get3A_146, %get3A_148 : vector<16xf32>
      %ge3A_164 = arith.constant 0.699999988 : f32
      %ge3A_165 = vector.broadcast %ge3A_164 : f32 to vector<16xf32>
      %ge3A_166 = arith.cmpf oge, %max3A_163, %ge3A_165 : vector<16xf32>
      %and3A_167 = arith.andi %ge3A, %ge3A_166 : vector<16xi1>
      %and3A_168 = arith.andi %and3A_167, %lt3A_144 : vector<16xi1>
      %mul3A_169 = arith.constant 5.000000e-01 : f32
      %mul3A_170 = vector.broadcast %mul3A_169 : f32 to vector<16xf32>
      %mul3A_171 = arith.mulf %mul3A_170, %get3A_154 : vector<16xf32>
      %sub3A_172 = arith.subf %get3A_150, %mul3A_171 : vector<16xf32>
      %mul3A_173 = arith.mulf %sub3A_172, %get3A_102 : vector<16xf32>
      %mul3A_174 = arith.constant 5.000000e-01 : f32
      %mul3A_175 = vector.broadcast %mul3A_174 : f32 to vector<16xf32>
      %mul3A_176 = arith.mulf %mul3A_175, %get3A_156 : vector<16xf32>
      %sub3A_177 = arith.subf %get3A_152, %mul3A_176 : vector<16xf32>
      %mul3A_178 = arith.mulf %sub3A_177, %get3A_104 : vector<16xf32>
      %mul3A_179 = arith.constant 5.000000e-01 : f32
      %mul3A_180 = vector.broadcast %mul3A_179 : f32 to vector<16xf32>
      %mul3A_181 = arith.mulf %mul3A_180, %get3A_154 : vector<16xf32>
      %add3A_182 = arith.addf %get3A_150, %mul3A_181 : vector<16xf32>
      %mul3A_183 = arith.mulf %add3A_182, %get3A_102 : vector<16xf32>
      %mul3A_184 = arith.constant 5.000000e-01 : f32
      %mul3A_185 = vector.broadcast %mul3A_184 : f32 to vector<16xf32>
      %mul3A_186 = arith.mulf %mul3A_185, %get3A_156 : vector<16xf32>
      %add3A_187 = arith.addf %get3A_152, %mul3A_186 : vector<16xf32>
      %mul3A_188 = arith.mulf %add3A_187, %get3A_104 : vector<16xf32>
      %broadcast_in_dim3A_189 = vector.broadcast %mul3A_32 : i32 to vector<16xi32>
      %add3A_190 = arith.addi %broadcast_in_dim3A_189, %add3A_141 : vector<16xi32>
      %all_reduce_population_count3A = tpu.all_reduce %and3A_168 {dim = 0 : i64, kind = #tpu.reduction_kind<sum>} : vector<16xi1> -> vector<16xi32>
      %slice3A = vector.extract_strided_slice %all_reduce_population_count3A {offsets = [0], sizes = [1], strides = [1]} : vector<16xi32> to vector<1xi32>
      %squeeze3A = vector.extract %slice3A[0] : i32 from vector<1xi32>
      %add3A_191 = arith.addi %scan3A_134, %squeeze3A : i32
      %le3A = arith.constant 1024 : i32
      %le3A_192 = arith.cmpi sle, %add3A_191, %le3A : i32
      %convert_element_type3A = arith.extui %le3A_192 : i1 to i32
      %cond3A = arith.constant 0 : i32
      %cond3A_193 = arith.cmpi ne, %convert_element_type3A, %cond3A : i32
      scf.if %cond3A_193 {
        %swap3A_195 = arith.index_cast %scan3A_134 : i32 to index
        %swap3A_196 = tpu.vector_load %arg21[%swap3A_195] masked %and3A_168 {strides = array<i32>} : memref<1040xf32, #tpu.memory_space<vmem>>, vector<16xf32>, vector<16xi1>
        tpu.vector_store %arg21[%swap3A_195], %max3A_163 masked %and3A_168 {strides = array<i32>} : memref<1040xf32, #tpu.memory_space<vmem>>, vector<16xf32>, vector<16xi1>
        %swap3A_197 = arith.index_cast %scan3A_134 : i32 to index
        %swap3A_198 = tpu.vector_load %arg22[%swap3A_197] masked %and3A_168 {strides = array<i32>} : memref<1040xf32, #tpu.memory_space<vmem>>, vector<16xf32>, vector<16xi1>
        tpu.vector_store %arg22[%swap3A_197], %mul3A_173 masked %and3A_168 {strides = array<i32>} : memref<1040xf32, #tpu.memory_space<vmem>>, vector<16xf32>, vector<16xi1>
        %swap3A_199 = arith.index_cast %scan3A_134 : i32 to index
        %swap3A_200 = tpu.vector_load %arg23[%swap3A_199] masked %and3A_168 {strides = array<i32>} : memref<1040xf32, #tpu.memory_space<vmem>>, vector<16xf32>, vector<16xi1>
        tpu.vector_store %arg23[%swap3A_199], %mul3A_178 masked %and3A_168 {strides = array<i32>} : memref<1040xf32, #tpu.memory_space<vmem>>, vector<16xf32>, vector<16xi1>
        %swap3A_201 = arith.index_cast %scan3A_134 : i32 to index
        %swap3A_202 = tpu.vector_load %arg24[%swap3A_201] masked %and3A_168 {strides = array<i32>} : memref<1040xf32, #tpu.memory_space<vmem>>, vector<16xf32>, vector<16xi1>
        tpu.vector_store %arg24[%swap3A_201], %mul3A_183 masked %and3A_168 {strides = array<i32>} : memref<1040xf32, #tpu.memory_space<vmem>>, vector<16xf32>, vector<16xi1>
        %swap3A_203 = arith.index_cast %scan3A_134 : i32 to index
        %swap3A_204 = tpu.vector_load %arg25[%swap3A_203] masked %and3A_168 {strides = array<i32>} : memref<1040xf32, #tpu.memory_space<vmem>>, vector<16xf32>, vector<16xi1>
        tpu.vector_store %arg25[%swap3A_203], %mul3A_188 masked %and3A_168 {strides = array<i32>} : memref<1040xf32, #tpu.memory_space<vmem>>, vector<16xf32>, vector<16xi1>
        %swap3A_205 = arith.index_cast %scan3A_134 : i32 to index
        %swap3A_206 = tpu.vector_load %arg26[%swap3A_205] masked %and3A_168 {strides = array<i32>} : memref<1040xi32, #tpu.memory_space<vmem>>, vector<16xi32>, vector<16xi1>
        tpu.vector_store %arg26[%swap3A_205], %add3A_190 masked %and3A_168 {strides = array<i32>} : memref<1040xi32, #tpu.memory_space<vmem>>, vector<16xi32>, vector<16xi1>
      } else {
      }
      %add3A_194 = arith.addi %scan3A_134, %squeeze3A : i32
      scf.yield %add3A_194 : i32
    }
    %scan3A_122 = arith.constant 157 : i32
    %gt3A = arith.constant 1024 : i32
    %gt3A_123 = arith.cmpi sgt, %scan3A_121, %gt3A : i32
    %jit3A_124 = arith.constant 1 : i32
    %jit3A_125 = arith.constant 0 : i32
    %select_n3A_126 = arith.select %gt3A_123, %jit3A_124, %jit3A_125 : i32
    %broadcast_in_dim3A_127 = vector.broadcast %select_n3A_126 : i32 to vector<16xi32>
    %swap3A = arith.constant 0 : index
    %swap3A_128 = tpu.vector_load %arg27[%swap3A] {strides = array<i32>} : memref<16xi32, #tpu.memory_space<vmem>>, vector<16xi32>,
    tpu.vector_store %arg27[%swap3A], %broadcast_in_dim3A_127 {strides = array<i32>} : memref<16xi32, #tpu.memory_space<vmem>>, vector<16xi32>,
    %mul3A_129 = arith.constant 1024 : i32
    %mul3A_130 = arith.muli %add3A, %mul3A_129 : i32
    %mul3A_131 = arith.constant 8 : i32
    %mul3A_132 = arith.muli %add3A, %mul3A_131 : i32
    "tpu.region"() ({
      %run_scoped3A = tpu.sem_alloc : memref<!tpu.dma_semaphore, #tpu.memory_space<semaphore_mem>>
      %dma_start3A = arith.constant 0 : i32
      %dma_start3A_133 = tpu.memref_slice %arg27[%dma_start3A] : memref<16xi32, #tpu.memory_space<vmem>> -> memref<8xi32, #tpu.memory_space<vmem>>
      %dma_start3A_134 = tpu.memref_slice %arg12[%mul3A_132] : memref<256xi32, #tpu.memory_space<hbm>> -> memref<8xi32, #tpu.memory_space<hbm>>
      %dma_start3A_135 = tpu.memref_slice %arg12[%mul3A_132] : memref<256xi32, #tpu.memory_space<hbm>> -> memref<8xi32, #tpu.memory_space<hbm>>
      %dma_start3A_136 = arith.constant 0 : i32
      %dma_start3A_137 = tpu.memref_slice %arg27[%dma_start3A_136] : memref<16xi32, #tpu.memory_space<vmem>> -> memref<8xi32, #tpu.memory_space<vmem>>
      tpu.enqueue_dma source(%dma_start3A_137 : memref<8xi32, #tpu.memory_space<vmem>>) target(%dma_start3A_135 : memref<8xi32, #tpu.memory_space<hbm>>) target_semaphore(%run_scoped3A : memref<!tpu.dma_semaphore, #tpu.memory_space<semaphore_mem>>)
      %dma_wait3A = arith.constant 0 : i32
      %dma_wait3A_138 = tpu.memref_slice %arg27[%dma_wait3A] : memref<16xi32, #tpu.memory_space<vmem>> -> memref<8xi32, #tpu.memory_space<vmem>>
      %dma_wait3A_139 = tpu.memref_slice %arg12[%mul3A_132] : memref<256xi32, #tpu.memory_space<hbm>> -> memref<8xi32, #tpu.memory_space<hbm>>
      %dma_wait3A_140 = tpu.memref_slice %arg12[%mul3A_132] : memref<256xi32, #tpu.memory_space<hbm>> -> memref<8xi32, #tpu.memory_space<hbm>>
      %dma_wait3A_141 = arith.constant 0 : i32
      %dma_wait3A_142 = tpu.memref_slice %arg27[%dma_wait3A_141] : memref<16xi32, #tpu.memory_space<vmem>> -> memref<8xi32, #tpu.memory_space<vmem>>
      tpu.wait_dma2 semaphore(%run_scoped3A : memref<!tpu.dma_semaphore, #tpu.memory_space<semaphore_mem>>) src(%dma_wait3A_142 : memref<8xi32, #tpu.memory_space<vmem>>) dst(%dma_wait3A_140 : memref<8xi32, #tpu.memory_space<hbm>>)
      tpu.yield
    }) : () -> ()
    "tpu.region"() ({
      %run_scoped3A = tpu.sem_alloc : memref<!tpu.dma_semaphore, #tpu.memory_space<semaphore_mem>>
      %dma_start3A = arith.constant 0 : i32
      %dma_start3A_133 = tpu.memref_slice %arg21[%dma_start3A] : memref<1040xf32, #tpu.memory_space<vmem>> -> memref<1024xf32, #tpu.memory_space<vmem>>
      %dma_start3A_134 = tpu.memref_slice %arg6[%mul3A_130] : memref<32768xf32, #tpu.memory_space<hbm>> -> memref<1024xf32, #tpu.memory_space<hbm>>
      %dma_start3A_135 = tpu.memref_slice %arg6[%mul3A_130] : memref<32768xf32, #tpu.memory_space<hbm>> -> memref<1024xf32, #tpu.memory_space<hbm>>
      %dma_start3A_136 = arith.constant 0 : i32
      %dma_start3A_137 = tpu.memref_slice %arg21[%dma_start3A_136] : memref<1040xf32, #tpu.memory_space<vmem>> -> memref<1024xf32, #tpu.memory_space<vmem>>
      tpu.enqueue_dma source(%dma_start3A_137 : memref<1024xf32, #tpu.memory_space<vmem>>) target(%dma_start3A_135 : memref<1024xf32, #tpu.memory_space<hbm>>) target_semaphore(%run_scoped3A : memref<!tpu.dma_semaphore, #tpu.memory_space<semaphore_mem>>)
      %dma_wait3A = arith.constant 0 : i32
      %dma_wait3A_138 = tpu.memref_slice %arg21[%dma_wait3A] : memref<1040xf32, #tpu.memory_space<vmem>> -> memref<1024xf32, #tpu.memory_space<vmem>>
      %dma_wait3A_139 = tpu.memref_slice %arg6[%mul3A_130] : memref<32768xf32, #tpu.memory_space<hbm>> -> memref<1024xf32, #tpu.memory_space<hbm>>
      %dma_wait3A_140 = tpu.memref_slice %arg6[%mul3A_130] : memref<32768xf32, #tpu.memory_space<hbm>> -> memref<1024xf32, #tpu.memory_space<hbm>>
      %dma_wait3A_141 = arith.constant 0 : i32
      %dma_wait3A_142 = tpu.memref_slice %arg21[%dma_wait3A_141] : memref<1040xf32, #tpu.memory_space<vmem>> -> memref<1024xf32, #tpu.memory_space<vmem>>
      tpu.wait_dma2 semaphore(%run_scoped3A : memref<!tpu.dma_semaphore, #tpu.memory_space<semaphore_mem>>) src(%dma_wait3A_142 : memref<1024xf32, #tpu.memory_space<vmem>>) dst(%dma_wait3A_140 : memref<1024xf32, #tpu.memory_space<hbm>>)
      tpu.yield
    }) : () -> ()
    "tpu.region"() ({
      %run_scoped3A = tpu.sem_alloc : memref<!tpu.dma_semaphore, #tpu.memory_space<semaphore_mem>>
      %dma_start3A = arith.constant 0 : i32
      %dma_start3A_133 = tpu.memref_slice %arg22[%dma_start3A] : memref<1040xf32, #tpu.memory_space<vmem>> -> memref<1024xf32, #tpu.memory_space<vmem>>
      %dma_start3A_134 = tpu.memref_slice %arg7[%mul3A_130] : memref<32768xf32, #tpu.memory_space<hbm>> -> memref<1024xf32, #tpu.memory_space<hbm>>
      %dma_start3A_135 = tpu.memref_slice %arg7[%mul3A_130] : memref<32768xf32, #tpu.memory_space<hbm>> -> memref<1024xf32, #tpu.memory_space<hbm>>
      %dma_start3A_136 = arith.constant 0 : i32
      %dma_start3A_137 = tpu.memref_slice %arg22[%dma_start3A_136] : memref<1040xf32, #tpu.memory_space<vmem>> -> memref<1024xf32, #tpu.memory_space<vmem>>
      tpu.enqueue_dma source(%dma_start3A_137 : memref<1024xf32, #tpu.memory_space<vmem>>) target(%dma_start3A_135 : memref<1024xf32, #tpu.memory_space<hbm>>) target_semaphore(%run_scoped3A : memref<!tpu.dma_semaphore, #tpu.memory_space<semaphore_mem>>)
      %dma_wait3A = arith.constant 0 : i32
      %dma_wait3A_138 = tpu.memref_slice %arg22[%dma_wait3A] : memref<1040xf32, #tpu.memory_space<vmem>> -> memref<1024xf32, #tpu.memory_space<vmem>>
      %dma_wait3A_139 = tpu.memref_slice %arg7[%mul3A_130] : memref<32768xf32, #tpu.memory_space<hbm>> -> memref<1024xf32, #tpu.memory_space<hbm>>
      %dma_wait3A_140 = tpu.memref_slice %arg7[%mul3A_130] : memref<32768xf32, #tpu.memory_space<hbm>> -> memref<1024xf32, #tpu.memory_space<hbm>>
      %dma_wait3A_141 = arith.constant 0 : i32
      %dma_wait3A_142 = tpu.memref_slice %arg22[%dma_wait3A_141] : memref<1040xf32, #tpu.memory_space<vmem>> -> memref<1024xf32, #tpu.memory_space<vmem>>
      tpu.wait_dma2 semaphore(%run_scoped3A : memref<!tpu.dma_semaphore, #tpu.memory_space<semaphore_mem>>) src(%dma_wait3A_142 : memref<1024xf32, #tpu.memory_space<vmem>>) dst(%dma_wait3A_140 : memref<1024xf32, #tpu.memory_space<hbm>>)
      tpu.yield
    }) : () -> ()
    "tpu.region"() ({
      %run_scoped3A = tpu.sem_alloc : memref<!tpu.dma_semaphore, #tpu.memory_space<semaphore_mem>>
      %dma_start3A = arith.constant 0 : i32
      %dma_start3A_133 = tpu.memref_slice %arg23[%dma_start3A] : memref<1040xf32, #tpu.memory_space<vmem>> -> memref<1024xf32, #tpu.memory_space<vmem>>
      %dma_start3A_134 = tpu.memref_slice %arg8[%mul3A_130] : memref<32768xf32, #tpu.memory_space<hbm>> -> memref<1024xf32, #tpu.memory_space<hbm>>
      %dma_start3A_135 = tpu.memref_slice %arg8[%mul3A_130] : memref<32768xf32, #tpu.memory_space<hbm>> -> memref<1024xf32, #tpu.memory_space<hbm>>
      %dma_start3A_136 = arith.constant 0 : i32
      %dma_start3A_137 = tpu.memref_slice %arg23[%dma_start3A_136] : memref<1040xf32, #tpu.memory_space<vmem>> -> memref<1024xf32, #tpu.memory_space<vmem>>
      tpu.enqueue_dma source(%dma_start3A_137 : memref<1024xf32, #tpu.memory_space<vmem>>) target(%dma_start3A_135 : memref<1024xf32, #tpu.memory_space<hbm>>) target_semaphore(%run_scoped3A : memref<!tpu.dma_semaphore, #tpu.memory_space<semaphore_mem>>)
      %dma_wait3A = arith.constant 0 : i32
      %dma_wait3A_138 = tpu.memref_slice %arg23[%dma_wait3A] : memref<1040xf32, #tpu.memory_space<vmem>> -> memref<1024xf32, #tpu.memory_space<vmem>>
      %dma_wait3A_139 = tpu.memref_slice %arg8[%mul3A_130] : memref<32768xf32, #tpu.memory_space<hbm>> -> memref<1024xf32, #tpu.memory_space<hbm>>
      %dma_wait3A_140 = tpu.memref_slice %arg8[%mul3A_130] : memref<32768xf32, #tpu.memory_space<hbm>> -> memref<1024xf32, #tpu.memory_space<hbm>>
      %dma_wait3A_141 = arith.constant 0 : i32
      %dma_wait3A_142 = tpu.memref_slice %arg23[%dma_wait3A_141] : memref<1040xf32, #tpu.memory_space<vmem>> -> memref<1024xf32, #tpu.memory_space<vmem>>
      tpu.wait_dma2 semaphore(%run_scoped3A : memref<!tpu.dma_semaphore, #tpu.memory_space<semaphore_mem>>) src(%dma_wait3A_142 : memref<1024xf32, #tpu.memory_space<vmem>>) dst(%dma_wait3A_140 : memref<1024xf32, #tpu.memory_space<hbm>>)
      tpu.yield
    }) : () -> ()
    "tpu.region"() ({
      %run_scoped3A = tpu.sem_alloc : memref<!tpu.dma_semaphore, #tpu.memory_space<semaphore_mem>>
      %dma_start3A = arith.constant 0 : i32
      %dma_start3A_133 = tpu.memref_slice %arg24[%dma_start3A] : memref<1040xf32, #tpu.memory_space<vmem>> -> memref<1024xf32, #tpu.memory_space<vmem>>
      %dma_start3A_134 = tpu.memref_slice %arg9[%mul3A_130] : memref<32768xf32, #tpu.memory_space<hbm>> -> memref<1024xf32, #tpu.memory_space<hbm>>
      %dma_start3A_135 = tpu.memref_slice %arg9[%mul3A_130] : memref<32768xf32, #tpu.memory_space<hbm>> -> memref<1024xf32, #tpu.memory_space<hbm>>
      %dma_start3A_136 = arith.constant 0 : i32
      %dma_start3A_137 = tpu.memref_slice %arg24[%dma_start3A_136] : memref<1040xf32, #tpu.memory_space<vmem>> -> memref<1024xf32, #tpu.memory_space<vmem>>
      tpu.enqueue_dma source(%dma_start3A_137 : memref<1024xf32, #tpu.memory_space<vmem>>) target(%dma_start3A_135 : memref<1024xf32, #tpu.memory_space<hbm>>) target_semaphore(%run_scoped3A : memref<!tpu.dma_semaphore, #tpu.memory_space<semaphore_mem>>)
      %dma_wait3A = arith.constant 0 : i32
      %dma_wait3A_138 = tpu.memref_slice %arg24[%dma_wait3A] : memref<1040xf32, #tpu.memory_space<vmem>> -> memref<1024xf32, #tpu.memory_space<vmem>>
      %dma_wait3A_139 = tpu.memref_slice %arg9[%mul3A_130] : memref<32768xf32, #tpu.memory_space<hbm>> -> memref<1024xf32, #tpu.memory_space<hbm>>
      %dma_wait3A_140 = tpu.memref_slice %arg9[%mul3A_130] : memref<32768xf32, #tpu.memory_space<hbm>> -> memref<1024xf32, #tpu.memory_space<hbm>>
      %dma_wait3A_141 = arith.constant 0 : i32
      %dma_wait3A_142 = tpu.memref_slice %arg24[%dma_wait3A_141] : memref<1040xf32, #tpu.memory_space<vmem>> -> memref<1024xf32, #tpu.memory_space<vmem>>
      tpu.wait_dma2 semaphore(%run_scoped3A : memref<!tpu.dma_semaphore, #tpu.memory_space<semaphore_mem>>) src(%dma_wait3A_142 : memref<1024xf32, #tpu.memory_space<vmem>>) dst(%dma_wait3A_140 : memref<1024xf32, #tpu.memory_space<hbm>>)
      tpu.yield
    }) : () -> ()
    "tpu.region"() ({
      %run_scoped3A = tpu.sem_alloc : memref<!tpu.dma_semaphore, #tpu.memory_space<semaphore_mem>>
      %dma_start3A = arith.constant 0 : i32
      %dma_start3A_133 = tpu.memref_slice %arg25[%dma_start3A] : memref<1040xf32, #tpu.memory_space<vmem>> -> memref<1024xf32, #tpu.memory_space<vmem>>
      %dma_start3A_134 = tpu.memref_slice %arg10[%mul3A_130] : memref<32768xf32, #tpu.memory_space<hbm>> -> memref<1024xf32, #tpu.memory_space<hbm>>
      %dma_start3A_135 = tpu.memref_slice %arg10[%mul3A_130] : memref<32768xf32, #tpu.memory_space<hbm>> -> memref<1024xf32, #tpu.memory_space<hbm>>
      %dma_start3A_136 = arith.constant 0 : i32
      %dma_start3A_137 = tpu.memref_slice %arg25[%dma_start3A_136] : memref<1040xf32, #tpu.memory_space<vmem>> -> memref<1024xf32, #tpu.memory_space<vmem>>
      tpu.enqueue_dma source(%dma_start3A_137 : memref<1024xf32, #tpu.memory_space<vmem>>) target(%dma_start3A_135 : memref<1024xf32, #tpu.memory_space<hbm>>) target_semaphore(%run_scoped3A : memref<!tpu.dma_semaphore, #tpu.memory_space<semaphore_mem>>)
      %dma_wait3A = arith.constant 0 : i32
      %dma_wait3A_138 = tpu.memref_slice %arg25[%dma_wait3A] : memref<1040xf32, #tpu.memory_space<vmem>> -> memref<1024xf32, #tpu.memory_space<vmem>>
      %dma_wait3A_139 = tpu.memref_slice %arg10[%mul3A_130] : memref<32768xf32, #tpu.memory_space<hbm>> -> memref<1024xf32, #tpu.memory_space<hbm>>
      %dma_wait3A_140 = tpu.memref_slice %arg10[%mul3A_130] : memref<32768xf32, #tpu.memory_space<hbm>> -> memref<1024xf32, #tpu.memory_space<hbm>>
      %dma_wait3A_141 = arith.constant 0 : i32
      %dma_wait3A_142 = tpu.memref_slice %arg25[%dma_wait3A_141] : memref<1040xf32, #tpu.memory_space<vmem>> -> memref<1024xf32, #tpu.memory_space<vmem>>
      tpu.wait_dma2 semaphore(%run_scoped3A : memref<!tpu.dma_semaphore, #tpu.memory_space<semaphore_mem>>) src(%dma_wait3A_142 : memref<1024xf32, #tpu.memory_space<vmem>>) dst(%dma_wait3A_140 : memref<1024xf32, #tpu.memory_space<hbm>>)
      tpu.yield
    }) : () -> ()
    "tpu.region"() ({
      %run_scoped3A = tpu.sem_alloc : memref<!tpu.dma_semaphore, #tpu.memory_space<semaphore_mem>>
      %dma_start3A = arith.constant 0 : i32
      %dma_start3A_133 = tpu.memref_slice %arg26[%dma_start3A] : memref<1040xi32, #tpu.memory_space<vmem>> -> memref<1024xi32, #tpu.memory_space<vmem>>
      %dma_start3A_134 = tpu.memref_slice %arg11[%mul3A_130] : memref<32768xi32, #tpu.memory_space<hbm>> -> memref<1024xi32, #tpu.memory_space<hbm>>
      %dma_start3A_135 = tpu.memref_slice %arg11[%mul3A_130] : memref<32768xi32, #tpu.memory_space<hbm>> -> memref<1024xi32, #tpu.memory_space<hbm>>
      %dma_start3A_136 = arith.constant 0 : i32
      %dma_start3A_137 = tpu.memref_slice %arg26[%dma_start3A_136] : memref<1040xi32, #tpu.memory_space<vmem>> -> memref<1024xi32, #tpu.memory_space<vmem>>
      tpu.enqueue_dma source(%dma_start3A_137 : memref<1024xi32, #tpu.memory_space<vmem>>) target(%dma_start3A_135 : memref<1024xi32, #tpu.memory_space<hbm>>) target_semaphore(%run_scoped3A : memref<!tpu.dma_semaphore, #tpu.memory_space<semaphore_mem>>)
      %dma_wait3A = arith.constant 0 : i32
      %dma_wait3A_138 = tpu.memref_slice %arg26[%dma_wait3A] : memref<1040xi32, #tpu.memory_space<vmem>> -> memref<1024xi32, #tpu.memory_space<vmem>>
      %dma_wait3A_139 = tpu.memref_slice %arg11[%mul3A_130] : memref<32768xi32, #tpu.memory_space<hbm>> -> memref<1024xi32, #tpu.memory_space<hbm>>
      %dma_wait3A_140 = tpu.memref_slice %arg11[%mul3A_130] : memref<32768xi32, #tpu.memory_space<hbm>> -> memref<1024xi32, #tpu.memory_space<hbm>>
      %dma_wait3A_141 = arith.constant 0 : i32
      %dma_wait3A_142 = tpu.memref_slice %arg26[%dma_wait3A_141] : memref<1040xi32, #tpu.memory_space<vmem>> -> memref<1024xi32, #tpu.memory_space<vmem>>
      tpu.wait_dma2 semaphore(%run_scoped3A : memref<!tpu.dma_semaphore, #tpu.memory_space<semaphore_mem>>) src(%dma_wait3A_142 : memref<1024xi32, #tpu.memory_space<vmem>>) dst(%dma_wait3A_140 : memref<1024xi32, #tpu.memory_space<hbm>>)
      tpu.yield
    }) : () -> ()
    return
  }
}

#map = affine_map<(d0, d1) -> (0)>
module attributes {stable_mosaic.version = 14 : i64} {
  func.func @_scatter_sc(%arg0: i32, %arg1: i32, %arg2: memref<80000xf32, #tpu.memory_space<hbm>>, %arg3: memref<80000xi32, #tpu.memory_space<hbm>>, %arg4: memref<80000xf32, #tpu.memory_space<hbm>>, %arg5: memref<20000xf32, #tpu.memory_space<vmem>>, %arg6: memref<20000xi32, #tpu.memory_space<vmem>>, %arg7: memref<20000xf32, #tpu.memory_space<vmem>>) attributes {dimension_semantics = [#tpu.dimension_semantics<core_parallel>, #tpu.dimension_semantics<subcore_parallel>], iteration_bounds = array<i64: 2, 16>, scalar_prefetch = 0 : i64, scratch_operands = 3 : i64, tpu.core_type = #tpu.core_type<sc_vector_subcore>, window_params = [{transform_indices = #map}, {transform_indices = #map}, {transform_indices = #map}]} {
    %mul3A = arith.constant 2 : i32
    %mul3A_0 = arith.muli %arg1, %mul3A : i32
    %add3A = arith.addi %mul3A_0, %arg0 : i32
    %lt3A = arith.constant 4 : i32
    %lt3A_1 = arith.cmpi slt, %add3A, %lt3A : i32
    %convert_element_type3A = arith.extui %lt3A_1 : i1 to i32
    %cond3A = arith.constant 0 : i32
    %cond3A_2 = arith.cmpi ne, %convert_element_type3A, %cond3A : i32
    scf.if %cond3A_2 {
      %mul3A_3 = arith.constant 20000 : i32
      %mul3A_4 = arith.muli %add3A, %mul3A_3 : i32
      "tpu.region"() ({
        %run_scoped3A = tpu.sem_alloc : memref<!tpu.dma_semaphore, #tpu.memory_space<semaphore_mem>>
        %dma_start3A = tpu.memref_slice %arg2[%mul3A_4] : memref<80000xf32, #tpu.memory_space<hbm>> -> memref<20000xf32, #tpu.memory_space<hbm>>
        %dma_start3A_25 = tpu.memref_slice %arg2[%mul3A_4] : memref<80000xf32, #tpu.memory_space<hbm>> -> memref<20000xf32, #tpu.memory_space<hbm>>
        tpu.enqueue_dma source(%dma_start3A_25 : memref<20000xf32, #tpu.memory_space<hbm>>) target(%arg5 : memref<20000xf32, #tpu.memory_space<vmem>>) target_semaphore(%run_scoped3A : memref<!tpu.dma_semaphore, #tpu.memory_space<semaphore_mem>>)
        %dma_wait3A = tpu.memref_slice %arg2[%mul3A_4] : memref<80000xf32, #tpu.memory_space<hbm>> -> memref<20000xf32, #tpu.memory_space<hbm>>
        %dma_wait3A_26 = tpu.memref_slice %arg2[%mul3A_4] : memref<80000xf32, #tpu.memory_space<hbm>> -> memref<20000xf32, #tpu.memory_space<hbm>>
        tpu.wait_dma2 semaphore(%run_scoped3A : memref<!tpu.dma_semaphore, #tpu.memory_space<semaphore_mem>>) src(%dma_wait3A_26 : memref<20000xf32, #tpu.memory_space<hbm>>) dst(%arg5 : memref<20000xf32, #tpu.memory_space<vmem>>)
        tpu.yield
      }) : () -> ()
      %mul3A_5 = arith.constant 20000 : i32
      %mul3A_6 = arith.muli %add3A, %mul3A_5 : i32
      "tpu.region"() ({
        %run_scoped3A = tpu.sem_alloc : memref<!tpu.dma_semaphore, #tpu.memory_space<semaphore_mem>>
        %dma_start3A = tpu.memref_slice %arg3[%mul3A_6] : memref<80000xi32, #tpu.memory_space<hbm>> -> memref<20000xi32, #tpu.memory_space<hbm>>
        %dma_start3A_25 = tpu.memref_slice %arg3[%mul3A_6] : memref<80000xi32, #tpu.memory_space<hbm>> -> memref<20000xi32, #tpu.memory_space<hbm>>
        tpu.enqueue_dma source(%dma_start3A_25 : memref<20000xi32, #tpu.memory_space<hbm>>) target(%arg6 : memref<20000xi32, #tpu.memory_space<vmem>>) target_semaphore(%run_scoped3A : memref<!tpu.dma_semaphore, #tpu.memory_space<semaphore_mem>>)
        %dma_wait3A = tpu.memref_slice %arg3[%mul3A_6] : memref<80000xi32, #tpu.memory_space<hbm>> -> memref<20000xi32, #tpu.memory_space<hbm>>
        %dma_wait3A_26 = tpu.memref_slice %arg3[%mul3A_6] : memref<80000xi32, #tpu.memory_space<hbm>> -> memref<20000xi32, #tpu.memory_space<hbm>>
        tpu.wait_dma2 semaphore(%run_scoped3A : memref<!tpu.dma_semaphore, #tpu.memory_space<semaphore_mem>>) src(%dma_wait3A_26 : memref<20000xi32, #tpu.memory_space<hbm>>) dst(%arg6 : memref<20000xi32, #tpu.memory_space<vmem>>)
        tpu.yield
      }) : () -> ()
      %broadcast_in_dim3A = arith.constant 0.000000e+00 : f32
      %broadcast_in_dim3A_7 = vector.broadcast %broadcast_in_dim3A : f32 to vector<16xf32>
      %scan3A = arith.constant 0 : i32
      %scan3A_8 = arith.constant 0 : i32
      %scan3A_9 = arith.constant 1250 : i32
      %scan3A_10 = arith.addi %scan3A_8, %scan3A_9 : i32
      %scan3A_11 = arith.constant 1 : i32
      %scan3A_12 = scf.for %scan3A_25 = %scan3A_8 to %scan3A_10 step %scan3A_11 iter_args(%scan3A_26 = %scan3A) -> (i32)  : i32 {
        %mul3A_27 = arith.constant 16 : i32
        %mul3A_28 = arith.muli %scan3A_25, %mul3A_27 : i32
        %swap3A = arith.index_cast %mul3A_28 : i32 to index
        %swap3A_29 = tpu.vector_load %arg7[%swap3A] {strides = array<i32>} : memref<20000xf32, #tpu.memory_space<vmem>>, vector<16xf32>,
        tpu.vector_store %arg7[%swap3A], %broadcast_in_dim3A_7 {strides = array<i32>} : memref<20000xf32, #tpu.memory_space<vmem>>, vector<16xf32>,
        %scan3A_30 = arith.constant 0 : i32
        scf.yield %scan3A_30 : i32
      }
      %scan3A_13 = arith.constant 1250 : i32
      %broadcast_in_dim3A_14 = arith.constant 1.000000e+00 : f32
      %broadcast_in_dim3A_15 = vector.broadcast %broadcast_in_dim3A_14 : f32 to vector<16xf32>
      %scan3A_16 = arith.constant 0 : i32
      %scan3A_17 = arith.constant 0 : i32
      %scan3A_18 = arith.constant 1250 : i32
      %scan3A_19 = arith.addi %scan3A_17, %scan3A_18 : i32
      %scan3A_20 = arith.constant 1 : i32
      %scan3A_21 = scf.for %scan3A_25 = %scan3A_17 to %scan3A_19 step %scan3A_20 iter_args(%scan3A_26 = %scan3A_16) -> (i32)  : i32 {
        %mul3A_27 = arith.constant 16 : i32
        %mul3A_28 = arith.muli %scan3A_25, %mul3A_27 : i32
        %get3A = arith.index_cast %mul3A_28 : i32 to index
        %get3A_29 = tpu.vector_load %arg5[%get3A] {strides = array<i32>} : memref<20000xf32, #tpu.memory_space<vmem>>, vector<16xf32>,
        %mul3A_30 = arith.constant 16 : i32
        %mul3A_31 = arith.muli %scan3A_25, %mul3A_30 : i32
        %get3A_32 = arith.index_cast %mul3A_31 : i32 to index
        %get3A_33 = tpu.vector_load %arg6[%get3A_32] {strides = array<i32>} : memref<20000xi32, #tpu.memory_space<vmem>>, vector<16xi32>,
        %gt3A = arith.constant 5.000000e-01 : f32
        %gt3A_34 = vector.broadcast %gt3A : f32 to vector<16xf32>
        %gt3A_35 = arith.cmpf ogt, %get3A_29, %gt3A_34 : vector<16xf32>
        tpu.vector_store_idx %arg7[%get3A_33], %broadcast_in_dim3A_15 masked %gt3A_35 : memref<20000xf32, #tpu.memory_space<vmem>>[vector<16xi32>], vector<16xf32>, vector<16xi1>
        %scan3A_36 = arith.constant 0 : i32
        scf.yield %scan3A_36 : i32
      }
      %scan3A_22 = arith.constant 1250 : i32
      %mul3A_23 = arith.constant 20000 : i32
      %mul3A_24 = arith.muli %add3A, %mul3A_23 : i32
      "tpu.region"() ({
        %run_scoped3A = tpu.sem_alloc : memref<!tpu.dma_semaphore, #tpu.memory_space<semaphore_mem>>
        %dma_start3A = tpu.memref_slice %arg4[%mul3A_24] : memref<80000xf32, #tpu.memory_space<hbm>> -> memref<20000xf32, #tpu.memory_space<hbm>>
        %dma_start3A_25 = tpu.memref_slice %arg4[%mul3A_24] : memref<80000xf32, #tpu.memory_space<hbm>> -> memref<20000xf32, #tpu.memory_space<hbm>>
        tpu.enqueue_dma source(%arg7 : memref<20000xf32, #tpu.memory_space<vmem>>) target(%dma_start3A_25 : memref<20000xf32, #tpu.memory_space<hbm>>) target_semaphore(%run_scoped3A : memref<!tpu.dma_semaphore, #tpu.memory_space<semaphore_mem>>)
        %dma_wait3A = tpu.memref_slice %arg4[%mul3A_24] : memref<80000xf32, #tpu.memory_space<hbm>> -> memref<20000xf32, #tpu.memory_space<hbm>>
        %dma_wait3A_26 = tpu.memref_slice %arg4[%mul3A_24] : memref<80000xf32, #tpu.memory_space<hbm>> -> memref<20000xf32, #tpu.memory_space<hbm>>
        tpu.wait_dma2 semaphore(%run_scoped3A : memref<!tpu.dma_semaphore, #tpu.memory_space<semaphore_mem>>) src(%arg7 : memref<20000xf32, #tpu.memory_space<vmem>>) dst(%dma_wait3A_26 : memref<20000xf32, #tpu.memory_space<hbm>>)
        tpu.yield
      }) : () -> ()
    } else {
    }
    return
  }
}

module attributes {stable_mosaic.version = 14 : i64} {
  func.func @_nms_body(%arg0: memref<4xf32, #tpu.memory_space<smem>>, %arg1: memref<4x8x8xi32, #tpu.memory_space<vmem>>, %arg2: memref<4x8x1024xf32, #tpu.memory_space<vmem>>, %arg3: memref<4x8x1024xf32, #tpu.memory_space<vmem>>, %arg4: memref<4x8x1024xf32, #tpu.memory_space<vmem>>, %arg5: memref<4x8x1024xf32, #tpu.memory_space<vmem>>, %arg6: memref<4x8x1024xf32, #tpu.memory_space<vmem>>, %arg7: memref<4x8x1024xi32, #tpu.memory_space<vmem>>, %arg8: memref<4x2x8x2500xf32, #tpu.memory_space<vmem>>, %arg9: memref<4x4x8x2500xf32, #tpu.memory_space<vmem>>, %arg10: memref<4x8x2500xf32, #tpu.memory_space<vmem>>, %arg11: memref<4x8x2500xi32, #tpu.memory_space<vmem>>) attributes {dimension_semantics = [], scalar_prefetch = 0 : i64, scratch_operands = 0 : i64, tpu.core_type = #tpu.core_type<tc>} {
    %get3A = arith.constant 0 : index
    %get3A_0 = arith.constant 0 : index
    %get3A_1 = arith.constant 0 : index
    %get3A_2 = vector.load %arg1[%get3A, %get3A_0, %get3A_1] : memref<4x8x8xi32, #tpu.memory_space<vmem>>, vector<4x8x8xi32>
    %reduce_max3A = vector.shape_cast %get3A_2 : vector<4x8x8xi32> to vector<1x4x8x8xi32>
    %reduce_max3A_3 = arith.constant dense<-2147483648> : vector<1xi32>
    %reduce_max3A_4 = vector.multi_reduction <maxsi>, %reduce_max3A, %reduce_max3A_3 [1, 2, 3] : vector<1x4x8x8xi32> to vector<1xi32>
    %reduce_max3A_5 = vector.shape_cast %reduce_max3A_4 : vector<1xi32> to vector<1x1x1x1xi32>
    %reduce_max3A_6 = vector.extract %reduce_max3A_5[0, 0, 0, 0] : i32 from vector<1x1x1x1xi32>
    %gt3A = arith.constant 0 : i32
    %gt3A_7 = arith.cmpi sgt, %reduce_max3A_6, %gt3A : i32
    %not3A = arith.constant true
    %not3A_8 = arith.xori %gt3A_7, %not3A : i1
    %convert_element_type3A = arith.extui %not3A_8 : i1 to i32
    %cond3A = arith.constant 0 : i32
    %cond3A_9 = arith.cmpi ne, %convert_element_type3A, %cond3A : i32
    scf.if %cond3A_9 {
      %get3A_13 = arith.constant 0 : index
      %get3A_14 = arith.constant 0 : index
      %get3A_15 = arith.constant 0 : index
      %get3A_16 = vector.load %arg2[%get3A_13, %get3A_14, %get3A_15] : memref<4x8x1024xf32, #tpu.memory_space<vmem>>, vector<4x8x1024xf32>
      %get3A_17 = arith.constant 0 : index
      %get3A_18 = arith.constant 0 : index
      %get3A_19 = arith.constant 0 : index
      %get3A_20 = vector.load %arg3[%get3A_17, %get3A_18, %get3A_19] : memref<4x8x1024xf32, #tpu.memory_space<vmem>>, vector<4x8x1024xf32>
      %get3A_21 = arith.constant 0 : index
      %get3A_22 = arith.constant 0 : index
      %get3A_23 = arith.constant 0 : index
      %get3A_24 = vector.load %arg4[%get3A_21, %get3A_22, %get3A_23] : memref<4x8x1024xf32, #tpu.memory_space<vmem>>, vector<4x8x1024xf32>
      %get3A_25 = arith.constant 0 : index
      %get3A_26 = arith.constant 0 : index
      %get3A_27 = arith.constant 0 : index
      %get3A_28 = vector.load %arg5[%get3A_25, %get3A_26, %get3A_27] : memref<4x8x1024xf32, #tpu.memory_space<vmem>>, vector<4x8x1024xf32>
      %get3A_29 = arith.constant 0 : index
      %get3A_30 = arith.constant 0 : index
      %get3A_31 = arith.constant 0 : index
      %get3A_32 = vector.load %arg6[%get3A_29, %get3A_30, %get3A_31] : memref<4x8x1024xf32, #tpu.memory_space<vmem>>, vector<4x8x1024xf32>
      %sub3A = arith.subf %get3A_28, %get3A_20 : vector<4x8x1024xf32>
      %sub3A_33 = arith.subf %get3A_32, %get3A_24 : vector<4x8x1024xf32>
      %mul3A = arith.mulf %sub3A, %sub3A_33 : vector<4x8x1024xf32>
      %get3A_34 = arith.constant 0 : index
      %get3A_35 = arith.constant 0 : index
      %get3A_36 = arith.constant 0 : index
      %get3A_37 = vector.load %arg7[%get3A_34, %get3A_35, %get3A_36] : memref<4x8x1024xi32, #tpu.memory_space<vmem>>, vector<4x8x1024xi32>
      %reduce_max3A_38 = arith.constant dense<0xFF800000> : vector<4x8xf32>
      %reduce_max3A_39 = vector.multi_reduction <maximumf>, %get3A_16, %reduce_max3A_38 [2] : vector<4x8x1024xf32> to vector<4x8xf32>
      %broadcast_in_dim3A = vector.shape_cast %reduce_max3A_39 : vector<4x8xf32> to vector<4x8x1xf32>
      %reduce_max3A_40 = arith.constant dense<0xFF800000> : vector<4x1xf32>
      %reduce_max3A_41 = vector.multi_reduction <maximumf>, %broadcast_in_dim3A, %reduce_max3A_40 [1] : vector<4x8x1xf32> to vector<4x1xf32>
      %broadcast_in_dim3A_42 = vector.shape_cast %reduce_max3A_41 : vector<4x1xf32> to vector<4x1x1xf32>
      %while3A = arith.constant 0xFF800000 : f32
      %while3A_43 = arith.constant -4.000000e+00 : f32
      %while3A_44:2 = scf.while (%while3A_70 = %get3A_16, %while3A_71 = %broadcast_in_dim3A_42) : (vector<4x8x1024xf32>, vector<4x1x1xf32>) -> (vector<4x8x1024xf32>, vector<4x1x1xf32>) {
        %reduce_max3A_72 = vector.shape_cast %while3A_71 : vector<4x1x1xf32> to vector<1x4x1x1xf32>
        %reduce_max3A_73 = arith.constant dense<0xFF800000> : vector<1xf32>
        %reduce_max3A_74 = vector.multi_reduction <maximumf>, %reduce_max3A_72, %reduce_max3A_73 [1, 2, 3] : vector<1x4x1x1xf32> to vector<1xf32>
        %reduce_max3A_75 = vector.shape_cast %reduce_max3A_74 : vector<1xf32> to vector<1x1x1x1xf32>
        %reduce_max3A_76 = vector.extract %reduce_max3A_75[0, 0, 0, 0] : f32 from vector<1x1x1x1xf32>
        %gt3A_77 = arith.constant 0.000000e+00 : f32
        %gt3A_78 = arith.cmpf ogt, %reduce_max3A_76, %gt3A_77 : f32
        scf.condition(%gt3A_78) %while3A_70, %while3A_71 : vector<4x8x1024xf32>, vector<4x1x1xf32>
      } do {
      ^bb0(%while3A_70: vector<4x8x1024xf32>, %while3A_71: vector<4x1x1xf32>):
        %eq3A = vector.broadcast %while3A_71 : vector<4x1x1xf32> to vector<4x8x1024xf32>
        %eq3A_72 = arith.cmpf oeq, %while3A_70, %eq3A : vector<4x8x1024xf32>
        %jit3A_73 = arith.constant 1073741824 : i32
        %broadcast_in_dim3A_74 = vector.broadcast %jit3A_73 : i32 to vector<4x8x1024xi32>
        %select_n3A_75 = arith.select %eq3A_72, %get3A_37, %broadcast_in_dim3A_74 : vector<4x8x1024xi1>, vector<4x8x1024xi32>
        %reduce_min3A = arith.constant dense<2147483647> : vector<4x8xi32>
        %reduce_min3A_76 = vector.multi_reduction <minsi>, %select_n3A_75, %reduce_min3A [2] : vector<4x8x1024xi32> to vector<4x8xi32>
        %broadcast_in_dim3A_77 = vector.shape_cast %reduce_min3A_76 : vector<4x8xi32> to vector<4x8x1xi32>
        %reduce_min3A_78 = arith.constant dense<2147483647> : vector<4x1xi32>
        %reduce_min3A_79 = vector.multi_reduction <minsi>, %broadcast_in_dim3A_77, %reduce_min3A_78 [1] : vector<4x8x1xi32> to vector<4x1xi32>
        %broadcast_in_dim3A_80 = vector.shape_cast %reduce_min3A_79 : vector<4x1xi32> to vector<4x1x1xi32>
        %gt3A_81 = arith.constant 0.000000e+00 : f32
        %gt3A_82 = vector.broadcast %gt3A_81 : f32 to vector<4x1x1xf32>
        %gt3A_83 = arith.cmpf ogt, %while3A_71, %gt3A_82 : vector<4x1x1xf32>
        %jit3A_84 = arith.constant -1 : i32
        %broadcast_in_dim3A_85 = vector.broadcast %jit3A_84 : i32 to vector<4x1x1xi32>
        %select_n3A_86 = arith.select %gt3A_83, %broadcast_in_dim3A_80, %broadcast_in_dim3A_85 : vector<4x1x1xi1>, vector<4x1x1xi32>
        %eq3A_87 = vector.broadcast %select_n3A_86 : vector<4x1x1xi32> to vector<4x8x1024xi32>
        %eq3A_88 = arith.cmpi eq, %get3A_37, %eq3A_87 : vector<4x8x1024xi32>
        %broadcast_in_dim3A_89 = vector.broadcast %while3A : f32 to vector<4x8x1024xf32>
        %select_n3A_90 = arith.select %eq3A_88, %get3A_20, %broadcast_in_dim3A_89 : vector<4x8x1024xi1>, vector<4x8x1024xf32>
        %reduce_max3A_91 = arith.constant dense<0xFF800000> : vector<4x8xf32>
        %reduce_max3A_92 = vector.multi_reduction <maximumf>, %select_n3A_90, %reduce_max3A_91 [2] : vector<4x8x1024xf32> to vector<4x8xf32>
        %broadcast_in_dim3A_93 = vector.shape_cast %reduce_max3A_92 : vector<4x8xf32> to vector<4x8x1xf32>
        %reduce_max3A_94 = arith.constant dense<0xFF800000> : vector<4x1xf32>
        %reduce_max3A_95 = vector.multi_reduction <maximumf>, %broadcast_in_dim3A_93, %reduce_max3A_94 [1] : vector<4x8x1xf32> to vector<4x1xf32>
        %broadcast_in_dim3A_96 = vector.shape_cast %reduce_max3A_95 : vector<4x1xf32> to vector<4x1x1xf32>
        %broadcast_in_dim3A_97 = vector.broadcast %while3A : f32 to vector<4x8x1024xf32>
        %select_n3A_98 = arith.select %eq3A_88, %get3A_24, %broadcast_in_dim3A_97 : vector<4x8x1024xi1>, vector<4x8x1024xf32>
        %reduce_max3A_99 = arith.constant dense<0xFF800000> : vector<4x8xf32>
        %reduce_max3A_100 = vector.multi_reduction <maximumf>, %select_n3A_98, %reduce_max3A_99 [2] : vector<4x8x1024xf32> to vector<4x8xf32>
        %broadcast_in_dim3A_101 = vector.shape_cast %reduce_max3A_100 : vector<4x8xf32> to vector<4x8x1xf32>
        %reduce_max3A_102 = arith.constant dense<0xFF800000> : vector<4x1xf32>
        %reduce_max3A_103 = vector.multi_reduction <maximumf>, %broadcast_in_dim3A_101, %reduce_max3A_102 [1] : vector<4x8x1xf32> to vector<4x1xf32>
        %broadcast_in_dim3A_104 = vector.shape_cast %reduce_max3A_103 : vector<4x1xf32> to vector<4x1x1xf32>
        %broadcast_in_dim3A_105 = vector.broadcast %while3A : f32 to vector<4x8x1024xf32>
        %select_n3A_106 = arith.select %eq3A_88, %get3A_28, %broadcast_in_dim3A_105 : vector<4x8x1024xi1>, vector<4x8x1024xf32>
        %reduce_max3A_107 = arith.constant dense<0xFF800000> : vector<4x8xf32>
        %reduce_max3A_108 = vector.multi_reduction <maximumf>, %select_n3A_106, %reduce_max3A_107 [2] : vector<4x8x1024xf32> to vector<4x8xf32>
        %broadcast_in_dim3A_109 = vector.shape_cast %reduce_max3A_108 : vector<4x8xf32> to vector<4x8x1xf32>
        %reduce_max3A_110 = arith.constant dense<0xFF800000> : vector<4x1xf32>
        %reduce_max3A_111 = vector.multi_reduction <maximumf>, %broadcast_in_dim3A_109, %reduce_max3A_110 [1] : vector<4x8x1xf32> to vector<4x1xf32>
        %broadcast_in_dim3A_112 = vector.shape_cast %reduce_max3A_111 : vector<4x1xf32> to vector<4x1x1xf32>
        %broadcast_in_dim3A_113 = vector.broadcast %while3A : f32 to vector<4x8x1024xf32>
        %select_n3A_114 = arith.select %eq3A_88, %get3A_32, %broadcast_in_dim3A_113 : vector<4x8x1024xi1>, vector<4x8x1024xf32>
        %reduce_max3A_115 = arith.constant dense<0xFF800000> : vector<4x8xf32>
        %reduce_max3A_116 = vector.multi_reduction <maximumf>, %select_n3A_114, %reduce_max3A_115 [2] : vector<4x8x1024xf32> to vector<4x8xf32>
        %broadcast_in_dim3A_117 = vector.shape_cast %reduce_max3A_116 : vector<4x8xf32> to vector<4x8x1xf32>
        %reduce_max3A_118 = arith.constant dense<0xFF800000> : vector<4x1xf32>
        %reduce_max3A_119 = vector.multi_reduction <maximumf>, %broadcast_in_dim3A_117, %reduce_max3A_118 [1] : vector<4x8x1xf32> to vector<4x1xf32>
        %broadcast_in_dim3A_120 = vector.shape_cast %reduce_max3A_119 : vector<4x1xf32> to vector<4x1x1xf32>
        %sub3A_121 = arith.subf %broadcast_in_dim3A_112, %broadcast_in_dim3A_96 : vector<4x1x1xf32>
        %sub3A_122 = arith.subf %broadcast_in_dim3A_120, %broadcast_in_dim3A_104 : vector<4x1x1xf32>
        %mul3A_123 = arith.mulf %sub3A_121, %sub3A_122 : vector<4x1x1xf32>
        %max3A = vector.broadcast %broadcast_in_dim3A_96 : vector<4x1x1xf32> to vector<4x8x1024xf32>
        %max3A_124 = arith.maximumf %max3A, %get3A_20 : vector<4x8x1024xf32>
        %max3A_125 = vector.broadcast %broadcast_in_dim3A_104 : vector<4x1x1xf32> to vector<4x8x1024xf32>
        %max3A_126 = arith.maximumf %max3A_125, %get3A_24 : vector<4x8x1024xf32>
        %min3A = vector.broadcast %broadcast_in_dim3A_112 : vector<4x1x1xf32> to vector<4x8x1024xf32>
        %min3A_127 = arith.minimumf %min3A, %get3A_28 : vector<4x8x1024xf32>
        %min3A_128 = vector.broadcast %broadcast_in_dim3A_120 : vector<4x1x1xf32> to vector<4x8x1024xf32>
        %min3A_129 = arith.minimumf %min3A_128, %get3A_32 : vector<4x8x1024xf32>
        %sub3A_130 = arith.subf %min3A_127, %max3A_124 : vector<4x8x1024xf32>
        %max3A_131 = arith.constant 0.000000e+00 : f32
        %max3A_132 = vector.broadcast %max3A_131 : f32 to vector<4x8x1024xf32>
        %max3A_133 = arith.maximumf %max3A_132, %sub3A_130 : vector<4x8x1024xf32>
        %sub3A_134 = arith.subf %min3A_129, %max3A_126 : vector<4x8x1024xf32>
        %max3A_135 = arith.constant 0.000000e+00 : f32
        %max3A_136 = vector.broadcast %max3A_135 : f32 to vector<4x8x1024xf32>
        %max3A_137 = arith.maximumf %max3A_136, %sub3A_134 : vector<4x8x1024xf32>
        %mul3A_138 = arith.mulf %max3A_133, %max3A_137 : vector<4x8x1024xf32>
        %add3A = vector.broadcast %mul3A_123 : vector<4x1x1xf32> to vector<4x8x1024xf32>
        %add3A_139 = arith.addf %add3A, %mul3A : vector<4x8x1024xf32>
        %sub3A_140 = arith.subf %add3A_139, %mul3A_138 : vector<4x8x1024xf32>
        %add3A_141 = arith.constant 9.99999996E-13 : f32
        %add3A_142 = vector.broadcast %add3A_141 : f32 to vector<4x8x1024xf32>
        %add3A_143 = arith.addf %sub3A_140, %add3A_142 : vector<4x8x1024xf32>
        %div3A = arith.divf %mul3A_138, %add3A_143 : vector<4x8x1024xf32>
        %neg3A = arith.constant 0.000000e+00 : f32
        %neg3A_144 = vector.broadcast %neg3A : f32 to vector<4x8x1024xf32>
        %neg3A_145 = arith.subf %neg3A_144, %while3A_70 : vector<4x8x1024xf32>
        %gt3A_146 = arith.constant 5.000000e-01 : f32
        %gt3A_147 = vector.broadcast %gt3A_146 : f32 to vector<4x8x1024xf32>
        %gt3A_148 = arith.cmpf ogt, %div3A, %gt3A_147 : vector<4x8x1024xf32>
        %broadcast_in_dim3A_149 = vector.broadcast %while3A_43 : f32 to vector<4x8x1024xf32>
        %select_n3A_150 = arith.select %gt3A_148, %broadcast_in_dim3A_149, %while3A_70 : vector<4x8x1024xi1>, vector<4x8x1024xf32>
        %select_n3A_151 = arith.select %eq3A_88, %neg3A_145, %select_n3A_150 : vector<4x8x1024xi1>, vector<4x8x1024xf32>
        %reduce_max3A_152 = arith.constant dense<0xFF800000> : vector<4x8xf32>
        %reduce_max3A_153 = vector.multi_reduction <maximumf>, %select_n3A_151, %reduce_max3A_152 [2] : vector<4x8x1024xf32> to vector<4x8xf32>
        %broadcast_in_dim3A_154 = vector.shape_cast %reduce_max3A_153 : vector<4x8xf32> to vector<4x8x1xf32>
        %reduce_max3A_155 = arith.constant dense<0xFF800000> : vector<4x1xf32>
        %reduce_max3A_156 = vector.multi_reduction <maximumf>, %broadcast_in_dim3A_154, %reduce_max3A_155 [1] : vector<4x8x1xf32> to vector<4x1xf32>
        %broadcast_in_dim3A_157 = vector.shape_cast %reduce_max3A_156 : vector<4x1xf32> to vector<4x1x1xf32>
        %eq3A_158 = vector.broadcast %broadcast_in_dim3A_157 : vector<4x1x1xf32> to vector<4x8x1024xf32>
        %eq3A_159 = arith.cmpf oeq, %select_n3A_151, %eq3A_158 : vector<4x8x1024xf32>
        %jit3A_160 = arith.constant 1073741824 : i32
        %broadcast_in_dim3A_161 = vector.broadcast %jit3A_160 : i32 to vector<4x8x1024xi32>
        %select_n3A_162 = arith.select %eq3A_159, %get3A_37, %broadcast_in_dim3A_161 : vector<4x8x1024xi1>, vector<4x8x1024xi32>
        %reduce_min3A_163 = arith.constant dense<2147483647> : vector<4x8xi32>
        %reduce_min3A_164 = vector.multi_reduction <minsi>, %select_n3A_162, %reduce_min3A_163 [2] : vector<4x8x1024xi32> to vector<4x8xi32>
        %broadcast_in_dim3A_165 = vector.shape_cast %reduce_min3A_164 : vector<4x8xi32> to vector<4x8x1xi32>
        %reduce_min3A_166 = arith.constant dense<2147483647> : vector<4x1xi32>
        %reduce_min3A_167 = vector.multi_reduction <minsi>, %broadcast_in_dim3A_165, %reduce_min3A_166 [1] : vector<4x8x1xi32> to vector<4x1xi32>
        %broadcast_in_dim3A_168 = vector.shape_cast %reduce_min3A_167 : vector<4x1xi32> to vector<4x1x1xi32>
        %gt3A_169 = arith.constant 0.000000e+00 : f32
        %gt3A_170 = vector.broadcast %gt3A_169 : f32 to vector<4x1x1xf32>
        %gt3A_171 = arith.cmpf ogt, %broadcast_in_dim3A_157, %gt3A_170 : vector<4x1x1xf32>
        %jit3A_172 = arith.constant -1 : i32
        %broadcast_in_dim3A_173 = vector.broadcast %jit3A_172 : i32 to vector<4x1x1xi32>
        %select_n3A_174 = arith.select %gt3A_171, %broadcast_in_dim3A_168, %broadcast_in_dim3A_173 : vector<4x1x1xi1>, vector<4x1x1xi32>
        %eq3A_175 = vector.broadcast %select_n3A_174 : vector<4x1x1xi32> to vector<4x8x1024xi32>
        %eq3A_176 = arith.cmpi eq, %get3A_37, %eq3A_175 : vector<4x8x1024xi32>
        %broadcast_in_dim3A_177 = vector.broadcast %while3A : f32 to vector<4x8x1024xf32>
        %select_n3A_178 = arith.select %eq3A_176, %get3A_20, %broadcast_in_dim3A_177 : vector<4x8x1024xi1>, vector<4x8x1024xf32>
        %reduce_max3A_179 = arith.constant dense<0xFF800000> : vector<4x8xf32>
        %reduce_max3A_180 = vector.multi_reduction <maximumf>, %select_n3A_178, %reduce_max3A_179 [2] : vector<4x8x1024xf32> to vector<4x8xf32>
        %broadcast_in_dim3A_181 = vector.shape_cast %reduce_max3A_180 : vector<4x8xf32> to vector<4x8x1xf32>
        %reduce_max3A_182 = arith.constant dense<0xFF800000> : vector<4x1xf32>
        %reduce_max3A_183 = vector.multi_reduction <maximumf>, %broadcast_in_dim3A_181, %reduce_max3A_182 [1] : vector<4x8x1xf32> to vector<4x1xf32>
        %broadcast_in_dim3A_184 = vector.shape_cast %reduce_max3A_183 : vector<4x1xf32> to vector<4x1x1xf32>
        %broadcast_in_dim3A_185 = vector.broadcast %while3A : f32 to vector<4x8x1024xf32>
        %select_n3A_186 = arith.select %eq3A_176, %get3A_24, %broadcast_in_dim3A_185 : vector<4x8x1024xi1>, vector<4x8x1024xf32>
        %reduce_max3A_187 = arith.constant dense<0xFF800000> : vector<4x8xf32>
        %reduce_max3A_188 = vector.multi_reduction <maximumf>, %select_n3A_186, %reduce_max3A_187 [2] : vector<4x8x1024xf32> to vector<4x8xf32>
        %broadcast_in_dim3A_189 = vector.shape_cast %reduce_max3A_188 : vector<4x8xf32> to vector<4x8x1xf32>
        %reduce_max3A_190 = arith.constant dense<0xFF800000> : vector<4x1xf32>
        %reduce_max3A_191 = vector.multi_reduction <maximumf>, %broadcast_in_dim3A_189, %reduce_max3A_190 [1] : vector<4x8x1xf32> to vector<4x1xf32>
        %broadcast_in_dim3A_192 = vector.shape_cast %reduce_max3A_191 : vector<4x1xf32> to vector<4x1x1xf32>
        %broadcast_in_dim3A_193 = vector.broadcast %while3A : f32 to vector<4x8x1024xf32>
        %select_n3A_194 = arith.select %eq3A_176, %get3A_28, %broadcast_in_dim3A_193 : vector<4x8x1024xi1>, vector<4x8x1024xf32>
        %reduce_max3A_195 = arith.constant dense<0xFF800000> : vector<4x8xf32>
        %reduce_max3A_196 = vector.multi_reduction <maximumf>, %select_n3A_194, %reduce_max3A_195 [2] : vector<4x8x1024xf32> to vector<4x8xf32>
        %broadcast_in_dim3A_197 = vector.shape_cast %reduce_max3A_196 : vector<4x8xf32> to vector<4x8x1xf32>
        %reduce_max3A_198 = arith.constant dense<0xFF800000> : vector<4x1xf32>
        %reduce_max3A_199 = vector.multi_reduction <maximumf>, %broadcast_in_dim3A_197, %reduce_max3A_198 [1] : vector<4x8x1xf32> to vector<4x1xf32>
        %broadcast_in_dim3A_200 = vector.shape_cast %reduce_max3A_199 : vector<4x1xf32> to vector<4x1x1xf32>
        %broadcast_in_dim3A_201 = vector.broadcast %while3A : f32 to vector<4x8x1024xf32>
        %select_n3A_202 = arith.select %eq3A_176, %get3A_32, %broadcast_in_dim3A_201 : vector<4x8x1024xi1>, vector<4x8x1024xf32>
        %reduce_max3A_203 = arith.constant dense<0xFF800000> : vector<4x8xf32>
        %reduce_max3A_204 = vector.multi_reduction <maximumf>, %select_n3A_202, %reduce_max3A_203 [2] : vector<4x8x1024xf32> to vector<4x8xf32>
        %broadcast_in_dim3A_205 = vector.shape_cast %reduce_max3A_204 : vector<4x8xf32> to vector<4x8x1xf32>
        %reduce_max3A_206 = arith.constant dense<0xFF800000> : vector<4x1xf32>
        %reduce_max3A_207 = vector.multi_reduction <maximumf>, %broadcast_in_dim3A_205, %reduce_max3A_206 [1] : vector<4x8x1xf32> to vector<4x1xf32>
        %broadcast_in_dim3A_208 = vector.shape_cast %reduce_max3A_207 : vector<4x1xf32> to vector<4x1x1xf32>
        %sub3A_209 = arith.subf %broadcast_in_dim3A_200, %broadcast_in_dim3A_184 : vector<4x1x1xf32>
        %sub3A_210 = arith.subf %broadcast_in_dim3A_208, %broadcast_in_dim3A_192 : vector<4x1x1xf32>
        %mul3A_211 = arith.mulf %sub3A_209, %sub3A_210 : vector<4x1x1xf32>
        %max3A_212 = vector.broadcast %broadcast_in_dim3A_184 : vector<4x1x1xf32> to vector<4x8x1024xf32>
        %max3A_213 = arith.maximumf %max3A_212, %get3A_20 : vector<4x8x1024xf32>
        %max3A_214 = vector.broadcast %broadcast_in_dim3A_192 : vector<4x1x1xf32> to vector<4x8x1024xf32>
        %max3A_215 = arith.maximumf %max3A_214, %get3A_24 : vector<4x8x1024xf32>
        %min3A_216 = vector.broadcast %broadcast_in_dim3A_200 : vector<4x1x1xf32> to vector<4x8x1024xf32>
        %min3A_217 = arith.minimumf %min3A_216, %get3A_28 : vector<4x8x1024xf32>
        %min3A_218 = vector.broadcast %broadcast_in_dim3A_208 : vector<4x1x1xf32> to vector<4x8x1024xf32>
        %min3A_219 = arith.minimumf %min3A_218, %get3A_32 : vector<4x8x1024xf32>
        %sub3A_220 = arith.subf %min3A_217, %max3A_213 : vector<4x8x1024xf32>
        %max3A_221 = arith.constant 0.000000e+00 : f32
        %max3A_222 = vector.broadcast %max3A_221 : f32 to vector<4x8x1024xf32>
        %max3A_223 = arith.maximumf %max3A_222, %sub3A_220 : vector<4x8x1024xf32>
        %sub3A_224 = arith.subf %min3A_219, %max3A_215 : vector<4x8x1024xf32>
        %max3A_225 = arith.constant 0.000000e+00 : f32
        %max3A_226 = vector.broadcast %max3A_225 : f32 to vector<4x8x1024xf32>
        %max3A_227 = arith.maximumf %max3A_226, %sub3A_224 : vector<4x8x1024xf32>
        %mul3A_228 = arith.mulf %max3A_223, %max3A_227 : vector<4x8x1024xf32>
        %add3A_229 = vector.broadcast %mul3A_211 : vector<4x1x1xf32> to vector<4x8x1024xf32>
        %add3A_230 = arith.addf %add3A_229, %mul3A : vector<4x8x1024xf32>
        %sub3A_231 = arith.subf %add3A_230, %mul3A_228 : vector<4x8x1024xf32>
        %add3A_232 = arith.constant 9.99999996E-13 : f32
        %add3A_233 = vector.broadcast %add3A_232 : f32 to vector<4x8x1024xf32>
        %add3A_234 = arith.addf %sub3A_231, %add3A_233 : vector<4x8x1024xf32>
        %div3A_235 = arith.divf %mul3A_228, %add3A_234 : vector<4x8x1024xf32>
        %neg3A_236 = arith.constant 0.000000e+00 : f32
        %neg3A_237 = vector.broadcast %neg3A_236 : f32 to vector<4x8x1024xf32>
        %neg3A_238 = arith.subf %neg3A_237, %select_n3A_151 : vector<4x8x1024xf32>
        %gt3A_239 = arith.constant 5.000000e-01 : f32
        %gt3A_240 = vector.broadcast %gt3A_239 : f32 to vector<4x8x1024xf32>
        %gt3A_241 = arith.cmpf ogt, %div3A_235, %gt3A_240 : vector<4x8x1024xf32>
        %broadcast_in_dim3A_242 = vector.broadcast %while3A_43 : f32 to vector<4x8x1024xf32>
        %select_n3A_243 = arith.select %gt3A_241, %broadcast_in_dim3A_242, %select_n3A_151 : vector<4x8x1024xi1>, vector<4x8x1024xf32>
        %select_n3A_244 = arith.select %eq3A_176, %neg3A_238, %select_n3A_243 : vector<4x8x1024xi1>, vector<4x8x1024xf32>
        %reduce_max3A_245 = arith.constant dense<0xFF800000> : vector<4x8xf32>
        %reduce_max3A_246 = vector.multi_reduction <maximumf>, %select_n3A_244, %reduce_max3A_245 [2] : vector<4x8x1024xf32> to vector<4x8xf32>
        %broadcast_in_dim3A_247 = vector.shape_cast %reduce_max3A_246 : vector<4x8xf32> to vector<4x8x1xf32>
        %reduce_max3A_248 = arith.constant dense<0xFF800000> : vector<4x1xf32>
        %reduce_max3A_249 = vector.multi_reduction <maximumf>, %broadcast_in_dim3A_247, %reduce_max3A_248 [1] : vector<4x8x1xf32> to vector<4x1xf32>
        %broadcast_in_dim3A_250 = vector.shape_cast %reduce_max3A_249 : vector<4x1xf32> to vector<4x1x1xf32>
        %eq3A_251 = vector.broadcast %broadcast_in_dim3A_250 : vector<4x1x1xf32> to vector<4x8x1024xf32>
        %eq3A_252 = arith.cmpf oeq, %select_n3A_244, %eq3A_251 : vector<4x8x1024xf32>
        %jit3A_253 = arith.constant 1073741824 : i32
        %broadcast_in_dim3A_254 = vector.broadcast %jit3A_253 : i32 to vector<4x8x1024xi32>
        %select_n3A_255 = arith.select %eq3A_252, %get3A_37, %broadcast_in_dim3A_254 : vector<4x8x1024xi1>, vector<4x8x1024xi32>
        %reduce_min3A_256 = arith.constant dense<2147483647> : vector<4x8xi32>
        %reduce_min3A_257 = vector.multi_reduction <minsi>, %select_n3A_255, %reduce_min3A_256 [2] : vector<4x8x1024xi32> to vector<4x8xi32>
        %broadcast_in_dim3A_258 = vector.shape_cast %reduce_min3A_257 : vector<4x8xi32> to vector<4x8x1xi32>
        %reduce_min3A_259 = arith.constant dense<2147483647> : vector<4x1xi32>
        %reduce_min3A_260 = vector.multi_reduction <minsi>, %broadcast_in_dim3A_258, %reduce_min3A_259 [1] : vector<4x8x1xi32> to vector<4x1xi32>
        %broadcast_in_dim3A_261 = vector.shape_cast %reduce_min3A_260 : vector<4x1xi32> to vector<4x1x1xi32>
        %gt3A_262 = arith.constant 0.000000e+00 : f32
        %gt3A_263 = vector.broadcast %gt3A_262 : f32 to vector<4x1x1xf32>
        %gt3A_264 = arith.cmpf ogt, %broadcast_in_dim3A_250, %gt3A_263 : vector<4x1x1xf32>
        %jit3A_265 = arith.constant -1 : i32
        %broadcast_in_dim3A_266 = vector.broadcast %jit3A_265 : i32 to vector<4x1x1xi32>
        %select_n3A_267 = arith.select %gt3A_264, %broadcast_in_dim3A_261, %broadcast_in_dim3A_266 : vector<4x1x1xi1>, vector<4x1x1xi32>
        %eq3A_268 = vector.broadcast %select_n3A_267 : vector<4x1x1xi32> to vector<4x8x1024xi32>
        %eq3A_269 = arith.cmpi eq, %get3A_37, %eq3A_268 : vector<4x8x1024xi32>
        %broadcast_in_dim3A_270 = vector.broadcast %while3A : f32 to vector<4x8x1024xf32>
        %select_n3A_271 = arith.select %eq3A_269, %get3A_20, %broadcast_in_dim3A_270 : vector<4x8x1024xi1>, vector<4x8x1024xf32>
        %reduce_max3A_272 = arith.constant dense<0xFF800000> : vector<4x8xf32>
        %reduce_max3A_273 = vector.multi_reduction <maximumf>, %select_n3A_271, %reduce_max3A_272 [2] : vector<4x8x1024xf32> to vector<4x8xf32>
        %broadcast_in_dim3A_274 = vector.shape_cast %reduce_max3A_273 : vector<4x8xf32> to vector<4x8x1xf32>
        %reduce_max3A_275 = arith.constant dense<0xFF800000> : vector<4x1xf32>
        %reduce_max3A_276 = vector.multi_reduction <maximumf>, %broadcast_in_dim3A_274, %reduce_max3A_275 [1] : vector<4x8x1xf32> to vector<4x1xf32>
        %broadcast_in_dim3A_277 = vector.shape_cast %reduce_max3A_276 : vector<4x1xf32> to vector<4x1x1xf32>
        %broadcast_in_dim3A_278 = vector.broadcast %while3A : f32 to vector<4x8x1024xf32>
        %select_n3A_279 = arith.select %eq3A_269, %get3A_24, %broadcast_in_dim3A_278 : vector<4x8x1024xi1>, vector<4x8x1024xf32>
        %reduce_max3A_280 = arith.constant dense<0xFF800000> : vector<4x8xf32>
        %reduce_max3A_281 = vector.multi_reduction <maximumf>, %select_n3A_279, %reduce_max3A_280 [2] : vector<4x8x1024xf32> to vector<4x8xf32>
        %broadcast_in_dim3A_282 = vector.shape_cast %reduce_max3A_281 : vector<4x8xf32> to vector<4x8x1xf32>
        %reduce_max3A_283 = arith.constant dense<0xFF800000> : vector<4x1xf32>
        %reduce_max3A_284 = vector.multi_reduction <maximumf>, %broadcast_in_dim3A_282, %reduce_max3A_283 [1] : vector<4x8x1xf32> to vector<4x1xf32>
        %broadcast_in_dim3A_285 = vector.shape_cast %reduce_max3A_284 : vector<4x1xf32> to vector<4x1x1xf32>
        %broadcast_in_dim3A_286 = vector.broadcast %while3A : f32 to vector<4x8x1024xf32>
        %select_n3A_287 = arith.select %eq3A_269, %get3A_28, %broadcast_in_dim3A_286 : vector<4x8x1024xi1>, vector<4x8x1024xf32>
        %reduce_max3A_288 = arith.constant dense<0xFF800000> : vector<4x8xf32>
        %reduce_max3A_289 = vector.multi_reduction <maximumf>, %select_n3A_287, %reduce_max3A_288 [2] : vector<4x8x1024xf32> to vector<4x8xf32>
        %broadcast_in_dim3A_290 = vector.shape_cast %reduce_max3A_289 : vector<4x8xf32> to vector<4x8x1xf32>
        %reduce_max3A_291 = arith.constant dense<0xFF800000> : vector<4x1xf32>
        %reduce_max3A_292 = vector.multi_reduction <maximumf>, %broadcast_in_dim3A_290, %reduce_max3A_291 [1] : vector<4x8x1xf32> to vector<4x1xf32>
        %broadcast_in_dim3A_293 = vector.shape_cast %reduce_max3A_292 : vector<4x1xf32> to vector<4x1x1xf32>
        %broadcast_in_dim3A_294 = vector.broadcast %while3A : f32 to vector<4x8x1024xf32>
        %select_n3A_295 = arith.select %eq3A_269, %get3A_32, %broadcast_in_dim3A_294 : vector<4x8x1024xi1>, vector<4x8x1024xf32>
        %reduce_max3A_296 = arith.constant dense<0xFF800000> : vector<4x8xf32>
        %reduce_max3A_297 = vector.multi_reduction <maximumf>, %select_n3A_295, %reduce_max3A_296 [2] : vector<4x8x1024xf32> to vector<4x8xf32>
        %broadcast_in_dim3A_298 = vector.shape_cast %reduce_max3A_297 : vector<4x8xf32> to vector<4x8x1xf32>
        %reduce_max3A_299 = arith.constant dense<0xFF800000> : vector<4x1xf32>
        %reduce_max3A_300 = vector.multi_reduction <maximumf>, %broadcast_in_dim3A_298, %reduce_max3A_299 [1] : vector<4x8x1xf32> to vector<4x1xf32>
        %broadcast_in_dim3A_301 = vector.shape_cast %reduce_max3A_300 : vector<4x1xf32> to vector<4x1x1xf32>
        %sub3A_302 = arith.subf %broadcast_in_dim3A_293, %broadcast_in_dim3A_277 : vector<4x1x1xf32>
        %sub3A_303 = arith.subf %broadcast_in_dim3A_301, %broadcast_in_dim3A_285 : vector<4x1x1xf32>
        %mul3A_304 = arith.mulf %sub3A_302, %sub3A_303 : vector<4x1x1xf32>
        %max3A_305 = vector.broadcast %broadcast_in_dim3A_277 : vector<4x1x1xf32> to vector<4x8x1024xf32>
        %max3A_306 = arith.maximumf %max3A_305, %get3A_20 : vector<4x8x1024xf32>
        %max3A_307 = vector.broadcast %broadcast_in_dim3A_285 : vector<4x1x1xf32> to vector<4x8x1024xf32>
        %max3A_308 = arith.maximumf %max3A_307, %get3A_24 : vector<4x8x1024xf32>
        %min3A_309 = vector.broadcast %broadcast_in_dim3A_293 : vector<4x1x1xf32> to vector<4x8x1024xf32>
        %min3A_310 = arith.minimumf %min3A_309, %get3A_28 : vector<4x8x1024xf32>
        %min3A_311 = vector.broadcast %broadcast_in_dim3A_301 : vector<4x1x1xf32> to vector<4x8x1024xf32>
        %min3A_312 = arith.minimumf %min3A_311, %get3A_32 : vector<4x8x1024xf32>
        %sub3A_313 = arith.subf %min3A_310, %max3A_306 : vector<4x8x1024xf32>
        %max3A_314 = arith.constant 0.000000e+00 : f32
        %max3A_315 = vector.broadcast %max3A_314 : f32 to vector<4x8x1024xf32>
        %max3A_316 = arith.maximumf %max3A_315, %sub3A_313 : vector<4x8x1024xf32>
        %sub3A_317 = arith.subf %min3A_312, %max3A_308 : vector<4x8x1024xf32>
        %max3A_318 = arith.constant 0.000000e+00 : f32
        %max3A_319 = vector.broadcast %max3A_318 : f32 to vector<4x8x1024xf32>
        %max3A_320 = arith.maximumf %max3A_319, %sub3A_317 : vector<4x8x1024xf32>
        %mul3A_321 = arith.mulf %max3A_316, %max3A_320 : vector<4x8x1024xf32>
        %add3A_322 = vector.broadcast %mul3A_304 : vector<4x1x1xf32> to vector<4x8x1024xf32>
        %add3A_323 = arith.addf %add3A_322, %mul3A : vector<4x8x1024xf32>
        %sub3A_324 = arith.subf %add3A_323, %mul3A_321 : vector<4x8x1024xf32>
        %add3A_325 = arith.constant 9.99999996E-13 : f32
        %add3A_326 = vector.broadcast %add3A_325 : f32 to vector<4x8x1024xf32>
        %add3A_327 = arith.addf %sub3A_324, %add3A_326 : vector<4x8x1024xf32>
        %div3A_328 = arith.divf %mul3A_321, %add3A_327 : vector<4x8x1024xf32>
        %neg3A_329 = arith.constant 0.000000e+00 : f32
        %neg3A_330 = vector.broadcast %neg3A_329 : f32 to vector<4x8x1024xf32>
        %neg3A_331 = arith.subf %neg3A_330, %select_n3A_244 : vector<4x8x1024xf32>
        %gt3A_332 = arith.constant 5.000000e-01 : f32
        %gt3A_333 = vector.broadcast %gt3A_332 : f32 to vector<4x8x1024xf32>
        %gt3A_334 = arith.cmpf ogt, %div3A_328, %gt3A_333 : vector<4x8x1024xf32>
        %broadcast_in_dim3A_335 = vector.broadcast %while3A_43 : f32 to vector<4x8x1024xf32>
        %select_n3A_336 = arith.select %gt3A_334, %broadcast_in_dim3A_335, %select_n3A_244 : vector<4x8x1024xi1>, vector<4x8x1024xf32>
        %select_n3A_337 = arith.select %eq3A_269, %neg3A_331, %select_n3A_336 : vector<4x8x1024xi1>, vector<4x8x1024xf32>
        %reduce_max3A_338 = arith.constant dense<0xFF800000> : vector<4x8xf32>
        %reduce_max3A_339 = vector.multi_reduction <maximumf>, %select_n3A_337, %reduce_max3A_338 [2] : vector<4x8x1024xf32> to vector<4x8xf32>
        %broadcast_in_dim3A_340 = vector.shape_cast %reduce_max3A_339 : vector<4x8xf32> to vector<4x8x1xf32>
        %reduce_max3A_341 = arith.constant dense<0xFF800000> : vector<4x1xf32>
        %reduce_max3A_342 = vector.multi_reduction <maximumf>, %broadcast_in_dim3A_340, %reduce_max3A_341 [1] : vector<4x8x1xf32> to vector<4x1xf32>
        %broadcast_in_dim3A_343 = vector.shape_cast %reduce_max3A_342 : vector<4x1xf32> to vector<4x1x1xf32>
        %eq3A_344 = vector.broadcast %broadcast_in_dim3A_343 : vector<4x1x1xf32> to vector<4x8x1024xf32>
        %eq3A_345 = arith.cmpf oeq, %select_n3A_337, %eq3A_344 : vector<4x8x1024xf32>
        %jit3A_346 = arith.constant 1073741824 : i32
        %broadcast_in_dim3A_347 = vector.broadcast %jit3A_346 : i32 to vector<4x8x1024xi32>
        %select_n3A_348 = arith.select %eq3A_345, %get3A_37, %broadcast_in_dim3A_347 : vector<4x8x1024xi1>, vector<4x8x1024xi32>
        %reduce_min3A_349 = arith.constant dense<2147483647> : vector<4x8xi32>
        %reduce_min3A_350 = vector.multi_reduction <minsi>, %select_n3A_348, %reduce_min3A_349 [2] : vector<4x8x1024xi32> to vector<4x8xi32>
        %broadcast_in_dim3A_351 = vector.shape_cast %reduce_min3A_350 : vector<4x8xi32> to vector<4x8x1xi32>
        %reduce_min3A_352 = arith.constant dense<2147483647> : vector<4x1xi32>
        %reduce_min3A_353 = vector.multi_reduction <minsi>, %broadcast_in_dim3A_351, %reduce_min3A_352 [1] : vector<4x8x1xi32> to vector<4x1xi32>
        %broadcast_in_dim3A_354 = vector.shape_cast %reduce_min3A_353 : vector<4x1xi32> to vector<4x1x1xi32>
        %gt3A_355 = arith.constant 0.000000e+00 : f32
        %gt3A_356 = vector.broadcast %gt3A_355 : f32 to vector<4x1x1xf32>
        %gt3A_357 = arith.cmpf ogt, %broadcast_in_dim3A_343, %gt3A_356 : vector<4x1x1xf32>
        %jit3A_358 = arith.constant -1 : i32
        %broadcast_in_dim3A_359 = vector.broadcast %jit3A_358 : i32 to vector<4x1x1xi32>
        %select_n3A_360 = arith.select %gt3A_357, %broadcast_in_dim3A_354, %broadcast_in_dim3A_359 : vector<4x1x1xi1>, vector<4x1x1xi32>
        %eq3A_361 = vector.broadcast %select_n3A_360 : vector<4x1x1xi32> to vector<4x8x1024xi32>
        %eq3A_362 = arith.cmpi eq, %get3A_37, %eq3A_361 : vector<4x8x1024xi32>
        %broadcast_in_dim3A_363 = vector.broadcast %while3A : f32 to vector<4x8x1024xf32>
        %select_n3A_364 = arith.select %eq3A_362, %get3A_20, %broadcast_in_dim3A_363 : vector<4x8x1024xi1>, vector<4x8x1024xf32>
        %reduce_max3A_365 = arith.constant dense<0xFF800000> : vector<4x8xf32>
        %reduce_max3A_366 = vector.multi_reduction <maximumf>, %select_n3A_364, %reduce_max3A_365 [2] : vector<4x8x1024xf32> to vector<4x8xf32>
        %broadcast_in_dim3A_367 = vector.shape_cast %reduce_max3A_366 : vector<4x8xf32> to vector<4x8x1xf32>
        %reduce_max3A_368 = arith.constant dense<0xFF800000> : vector<4x1xf32>
        %reduce_max3A_369 = vector.multi_reduction <maximumf>, %broadcast_in_dim3A_367, %reduce_max3A_368 [1] : vector<4x8x1xf32> to vector<4x1xf32>
        %broadcast_in_dim3A_370 = vector.shape_cast %reduce_max3A_369 : vector<4x1xf32> to vector<4x1x1xf32>
        %broadcast_in_dim3A_371 = vector.broadcast %while3A : f32 to vector<4x8x1024xf32>
        %select_n3A_372 = arith.select %eq3A_362, %get3A_24, %broadcast_in_dim3A_371 : vector<4x8x1024xi1>, vector<4x8x1024xf32>
        %reduce_max3A_373 = arith.constant dense<0xFF800000> : vector<4x8xf32>
        %reduce_max3A_374 = vector.multi_reduction <maximumf>, %select_n3A_372, %reduce_max3A_373 [2] : vector<4x8x1024xf32> to vector<4x8xf32>
        %broadcast_in_dim3A_375 = vector.shape_cast %reduce_max3A_374 : vector<4x8xf32> to vector<4x8x1xf32>
        %reduce_max3A_376 = arith.constant dense<0xFF800000> : vector<4x1xf32>
        %reduce_max3A_377 = vector.multi_reduction <maximumf>, %broadcast_in_dim3A_375, %reduce_max3A_376 [1] : vector<4x8x1xf32> to vector<4x1xf32>
        %broadcast_in_dim3A_378 = vector.shape_cast %reduce_max3A_377 : vector<4x1xf32> to vector<4x1x1xf32>
        %broadcast_in_dim3A_379 = vector.broadcast %while3A : f32 to vector<4x8x1024xf32>
        %select_n3A_380 = arith.select %eq3A_362, %get3A_28, %broadcast_in_dim3A_379 : vector<4x8x1024xi1>, vector<4x8x1024xf32>
        %reduce_max3A_381 = arith.constant dense<0xFF800000> : vector<4x8xf32>
        %reduce_max3A_382 = vector.multi_reduction <maximumf>, %select_n3A_380, %reduce_max3A_381 [2] : vector<4x8x1024xf32> to vector<4x8xf32>
        %broadcast_in_dim3A_383 = vector.shape_cast %reduce_max3A_382 : vector<4x8xf32> to vector<4x8x1xf32>
        %reduce_max3A_384 = arith.constant dense<0xFF800000> : vector<4x1xf32>
        %reduce_max3A_385 = vector.multi_reduction <maximumf>, %broadcast_in_dim3A_383, %reduce_max3A_384 [1] : vector<4x8x1xf32> to vector<4x1xf32>
        %broadcast_in_dim3A_386 = vector.shape_cast %reduce_max3A_385 : vector<4x1xf32> to vector<4x1x1xf32>
        %broadcast_in_dim3A_387 = vector.broadcast %while3A : f32 to vector<4x8x1024xf32>
        %select_n3A_388 = arith.select %eq3A_362, %get3A_32, %broadcast_in_dim3A_387 : vector<4x8x1024xi1>, vector<4x8x1024xf32>
        %reduce_max3A_389 = arith.constant dense<0xFF800000> : vector<4x8xf32>
        %reduce_max3A_390 = vector.multi_reduction <maximumf>, %select_n3A_388, %reduce_max3A_389 [2] : vector<4x8x1024xf32> to vector<4x8xf32>
        %broadcast_in_dim3A_391 = vector.shape_cast %reduce_max3A_390 : vector<4x8xf32> to vector<4x8x1xf32>
        %reduce_max3A_392 = arith.constant dense<0xFF800000> : vector<4x1xf32>
        %reduce_max3A_393 = vector.multi_reduction <maximumf>, %broadcast_in_dim3A_391, %reduce_max3A_392 [1] : vector<4x8x1xf32> to vector<4x1xf32>
        %broadcast_in_dim3A_394 = vector.shape_cast %reduce_max3A_393 : vector<4x1xf32> to vector<4x1x1xf32>
        %sub3A_395 = arith.subf %broadcast_in_dim3A_386, %broadcast_in_dim3A_370 : vector<4x1x1xf32>
        %sub3A_396 = arith.subf %broadcast_in_dim3A_394, %broadcast_in_dim3A_378 : vector<4x1x1xf32>
        %mul3A_397 = arith.mulf %sub3A_395, %sub3A_396 : vector<4x1x1xf32>
        %max3A_398 = vector.broadcast %broadcast_in_dim3A_370 : vector<4x1x1xf32> to vector<4x8x1024xf32>
        %max3A_399 = arith.maximumf %max3A_398, %get3A_20 : vector<4x8x1024xf32>
        %max3A_400 = vector.broadcast %broadcast_in_dim3A_378 : vector<4x1x1xf32> to vector<4x8x1024xf32>
        %max3A_401 = arith.maximumf %max3A_400, %get3A_24 : vector<4x8x1024xf32>
        %min3A_402 = vector.broadcast %broadcast_in_dim3A_386 : vector<4x1x1xf32> to vector<4x8x1024xf32>
        %min3A_403 = arith.minimumf %min3A_402, %get3A_28 : vector<4x8x1024xf32>
        %min3A_404 = vector.broadcast %broadcast_in_dim3A_394 : vector<4x1x1xf32> to vector<4x8x1024xf32>
        %min3A_405 = arith.minimumf %min3A_404, %get3A_32 : vector<4x8x1024xf32>
        %sub3A_406 = arith.subf %min3A_403, %max3A_399 : vector<4x8x1024xf32>
        %max3A_407 = arith.constant 0.000000e+00 : f32
        %max3A_408 = vector.broadcast %max3A_407 : f32 to vector<4x8x1024xf32>
        %max3A_409 = arith.maximumf %max3A_408, %sub3A_406 : vector<4x8x1024xf32>
        %sub3A_410 = arith.subf %min3A_405, %max3A_401 : vector<4x8x1024xf32>
        %max3A_411 = arith.constant 0.000000e+00 : f32
        %max3A_412 = vector.broadcast %max3A_411 : f32 to vector<4x8x1024xf32>
        %max3A_413 = arith.maximumf %max3A_412, %sub3A_410 : vector<4x8x1024xf32>
        %mul3A_414 = arith.mulf %max3A_409, %max3A_413 : vector<4x8x1024xf32>
        %add3A_415 = vector.broadcast %mul3A_397 : vector<4x1x1xf32> to vector<4x8x1024xf32>
        %add3A_416 = arith.addf %add3A_415, %mul3A : vector<4x8x1024xf32>
        %sub3A_417 = arith.subf %add3A_416, %mul3A_414 : vector<4x8x1024xf32>
        %add3A_418 = arith.constant 9.99999996E-13 : f32
        %add3A_419 = vector.broadcast %add3A_418 : f32 to vector<4x8x1024xf32>
        %add3A_420 = arith.addf %sub3A_417, %add3A_419 : vector<4x8x1024xf32>
        %div3A_421 = arith.divf %mul3A_414, %add3A_420 : vector<4x8x1024xf32>
        %neg3A_422 = arith.constant 0.000000e+00 : f32
        %neg3A_423 = vector.broadcast %neg3A_422 : f32 to vector<4x8x1024xf32>
        %neg3A_424 = arith.subf %neg3A_423, %select_n3A_337 : vector<4x8x1024xf32>
        %gt3A_425 = arith.constant 5.000000e-01 : f32
        %gt3A_426 = vector.broadcast %gt3A_425 : f32 to vector<4x8x1024xf32>
        %gt3A_427 = arith.cmpf ogt, %div3A_421, %gt3A_426 : vector<4x8x1024xf32>
        %broadcast_in_dim3A_428 = vector.broadcast %while3A_43 : f32 to vector<4x8x1024xf32>
        %select_n3A_429 = arith.select %gt3A_427, %broadcast_in_dim3A_428, %select_n3A_337 : vector<4x8x1024xi1>, vector<4x8x1024xf32>
        %select_n3A_430 = arith.select %eq3A_362, %neg3A_424, %select_n3A_429 : vector<4x8x1024xi1>, vector<4x8x1024xf32>
        %reduce_max3A_431 = arith.constant dense<0xFF800000> : vector<4x8xf32>
        %reduce_max3A_432 = vector.multi_reduction <maximumf>, %select_n3A_430, %reduce_max3A_431 [2] : vector<4x8x1024xf32> to vector<4x8xf32>
        %broadcast_in_dim3A_433 = vector.shape_cast %reduce_max3A_432 : vector<4x8xf32> to vector<4x8x1xf32>
        %reduce_max3A_434 = arith.constant dense<0xFF800000> : vector<4x1xf32>
        %reduce_max3A_435 = vector.multi_reduction <maximumf>, %broadcast_in_dim3A_433, %reduce_max3A_434 [1] : vector<4x8x1xf32> to vector<4x1xf32>
        %broadcast_in_dim3A_436 = vector.shape_cast %reduce_max3A_435 : vector<4x1xf32> to vector<4x1x1xf32>
        %eq3A_437 = vector.broadcast %broadcast_in_dim3A_436 : vector<4x1x1xf32> to vector<4x8x1024xf32>
        %eq3A_438 = arith.cmpf oeq, %select_n3A_430, %eq3A_437 : vector<4x8x1024xf32>
        %jit3A_439 = arith.constant 1073741824 : i32
        %broadcast_in_dim3A_440 = vector.broadcast %jit3A_439 : i32 to vector<4x8x1024xi32>
        %select_n3A_441 = arith.select %eq3A_438, %get3A_37, %broadcast_in_dim3A_440 : vector<4x8x1024xi1>, vector<4x8x1024xi32>
        %reduce_min3A_442 = arith.constant dense<2147483647> : vector<4x8xi32>
        %reduce_min3A_443 = vector.multi_reduction <minsi>, %select_n3A_441, %reduce_min3A_442 [2] : vector<4x8x1024xi32> to vector<4x8xi32>
        %broadcast_in_dim3A_444 = vector.shape_cast %reduce_min3A_443 : vector<4x8xi32> to vector<4x8x1xi32>
        %reduce_min3A_445 = arith.constant dense<2147483647> : vector<4x1xi32>
        %reduce_min3A_446 = vector.multi_reduction <minsi>, %broadcast_in_dim3A_444, %reduce_min3A_445 [1] : vector<4x8x1xi32> to vector<4x1xi32>
        %broadcast_in_dim3A_447 = vector.shape_cast %reduce_min3A_446 : vector<4x1xi32> to vector<4x1x1xi32>
        %gt3A_448 = arith.constant 0.000000e+00 : f32
        %gt3A_449 = vector.broadcast %gt3A_448 : f32 to vector<4x1x1xf32>
        %gt3A_450 = arith.cmpf ogt, %broadcast_in_dim3A_436, %gt3A_449 : vector<4x1x1xf32>
        %jit3A_451 = arith.constant -1 : i32
        %broadcast_in_dim3A_452 = vector.broadcast %jit3A_451 : i32 to vector<4x1x1xi32>
        %select_n3A_453 = arith.select %gt3A_450, %broadcast_in_dim3A_447, %broadcast_in_dim3A_452 : vector<4x1x1xi1>, vector<4x1x1xi32>
        %eq3A_454 = vector.broadcast %select_n3A_453 : vector<4x1x1xi32> to vector<4x8x1024xi32>
        %eq3A_455 = arith.cmpi eq, %get3A_37, %eq3A_454 : vector<4x8x1024xi32>
        %broadcast_in_dim3A_456 = vector.broadcast %while3A : f32 to vector<4x8x1024xf32>
        %select_n3A_457 = arith.select %eq3A_455, %get3A_20, %broadcast_in_dim3A_456 : vector<4x8x1024xi1>, vector<4x8x1024xf32>
        %reduce_max3A_458 = arith.constant dense<0xFF800000> : vector<4x8xf32>
        %reduce_max3A_459 = vector.multi_reduction <maximumf>, %select_n3A_457, %reduce_max3A_458 [2] : vector<4x8x1024xf32> to vector<4x8xf32>
        %broadcast_in_dim3A_460 = vector.shape_cast %reduce_max3A_459 : vector<4x8xf32> to vector<4x8x1xf32>
        %reduce_max3A_461 = arith.constant dense<0xFF800000> : vector<4x1xf32>
        %reduce_max3A_462 = vector.multi_reduction <maximumf>, %broadcast_in_dim3A_460, %reduce_max3A_461 [1] : vector<4x8x1xf32> to vector<4x1xf32>
        %broadcast_in_dim3A_463 = vector.shape_cast %reduce_max3A_462 : vector<4x1xf32> to vector<4x1x1xf32>
        %broadcast_in_dim3A_464 = vector.broadcast %while3A : f32 to vector<4x8x1024xf32>
        %select_n3A_465 = arith.select %eq3A_455, %get3A_24, %broadcast_in_dim3A_464 : vector<4x8x1024xi1>, vector<4x8x1024xf32>
        %reduce_max3A_466 = arith.constant dense<0xFF800000> : vector<4x8xf32>
        %reduce_max3A_467 = vector.multi_reduction <maximumf>, %select_n3A_465, %reduce_max3A_466 [2] : vector<4x8x1024xf32> to vector<4x8xf32>
        %broadcast_in_dim3A_468 = vector.shape_cast %reduce_max3A_467 : vector<4x8xf32> to vector<4x8x1xf32>
        %reduce_max3A_469 = arith.constant dense<0xFF800000> : vector<4x1xf32>
        %reduce_max3A_470 = vector.multi_reduction <maximumf>, %broadcast_in_dim3A_468, %reduce_max3A_469 [1] : vector<4x8x1xf32> to vector<4x1xf32>
        %broadcast_in_dim3A_471 = vector.shape_cast %reduce_max3A_470 : vector<4x1xf32> to vector<4x1x1xf32>
        %broadcast_in_dim3A_472 = vector.broadcast %while3A : f32 to vector<4x8x1024xf32>
        %select_n3A_473 = arith.select %eq3A_455, %get3A_28, %broadcast_in_dim3A_472 : vector<4x8x1024xi1>, vector<4x8x1024xf32>
        %reduce_max3A_474 = arith.constant dense<0xFF800000> : vector<4x8xf32>
        %reduce_max3A_475 = vector.multi_reduction <maximumf>, %select_n3A_473, %reduce_max3A_474 [2] : vector<4x8x1024xf32> to vector<4x8xf32>
        %broadcast_in_dim3A_476 = vector.shape_cast %reduce_max3A_475 : vector<4x8xf32> to vector<4x8x1xf32>
        %reduce_max3A_477 = arith.constant dense<0xFF800000> : vector<4x1xf32>
        %reduce_max3A_478 = vector.multi_reduction <maximumf>, %broadcast_in_dim3A_476, %reduce_max3A_477 [1] : vector<4x8x1xf32> to vector<4x1xf32>
        %broadcast_in_dim3A_479 = vector.shape_cast %reduce_max3A_478 : vector<4x1xf32> to vector<4x1x1xf32>
        %broadcast_in_dim3A_480 = vector.broadcast %while3A : f32 to vector<4x8x1024xf32>
        %select_n3A_481 = arith.select %eq3A_455, %get3A_32, %broadcast_in_dim3A_480 : vector<4x8x1024xi1>, vector<4x8x1024xf32>
        %reduce_max3A_482 = arith.constant dense<0xFF800000> : vector<4x8xf32>
        %reduce_max3A_483 = vector.multi_reduction <maximumf>, %select_n3A_481, %reduce_max3A_482 [2] : vector<4x8x1024xf32> to vector<4x8xf32>
        %broadcast_in_dim3A_484 = vector.shape_cast %reduce_max3A_483 : vector<4x8xf32> to vector<4x8x1xf32>
        %reduce_max3A_485 = arith.constant dense<0xFF800000> : vector<4x1xf32>
        %reduce_max3A_486 = vector.multi_reduction <maximumf>, %broadcast_in_dim3A_484, %reduce_max3A_485 [1] : vector<4x8x1xf32> to vector<4x1xf32>
        %broadcast_in_dim3A_487 = vector.shape_cast %reduce_max3A_486 : vector<4x1xf32> to vector<4x1x1xf32>
        %sub3A_488 = arith.subf %broadcast_in_dim3A_479, %broadcast_in_dim3A_463 : vector<4x1x1xf32>
        %sub3A_489 = arith.subf %broadcast_in_dim3A_487, %broadcast_in_dim3A_471 : vector<4x1x1xf32>
        %mul3A_490 = arith.mulf %sub3A_488, %sub3A_489 : vector<4x1x1xf32>
        %max3A_491 = vector.broadcast %broadcast_in_dim3A_463 : vector<4x1x1xf32> to vector<4x8x1024xf32>
        %max3A_492 = arith.maximumf %max3A_491, %get3A_20 : vector<4x8x1024xf32>
        %max3A_493 = vector.broadcast %broadcast_in_dim3A_471 : vector<4x1x1xf32> to vector<4x8x1024xf32>
        %max3A_494 = arith.maximumf %max3A_493, %get3A_24 : vector<4x8x1024xf32>
        %min3A_495 = vector.broadcast %broadcast_in_dim3A_479 : vector<4x1x1xf32> to vector<4x8x1024xf32>
        %min3A_496 = arith.minimumf %min3A_495, %get3A_28 : vector<4x8x1024xf32>
        %min3A_497 = vector.broadcast %broadcast_in_dim3A_487 : vector<4x1x1xf32> to vector<4x8x1024xf32>
        %min3A_498 = arith.minimumf %min3A_497, %get3A_32 : vector<4x8x1024xf32>
        %sub3A_499 = arith.subf %min3A_496, %max3A_492 : vector<4x8x1024xf32>
        %max3A_500 = arith.constant 0.000000e+00 : f32
        %max3A_501 = vector.broadcast %max3A_500 : f32 to vector<4x8x1024xf32>
        %max3A_502 = arith.maximumf %max3A_501, %sub3A_499 : vector<4x8x1024xf32>
        %sub3A_503 = arith.subf %min3A_498, %max3A_494 : vector<4x8x1024xf32>
        %max3A_504 = arith.constant 0.000000e+00 : f32
        %max3A_505 = vector.broadcast %max3A_504 : f32 to vector<4x8x1024xf32>
        %max3A_506 = arith.maximumf %max3A_505, %sub3A_503 : vector<4x8x1024xf32>
        %mul3A_507 = arith.mulf %max3A_502, %max3A_506 : vector<4x8x1024xf32>
        %add3A_508 = vector.broadcast %mul3A_490 : vector<4x1x1xf32> to vector<4x8x1024xf32>
        %add3A_509 = arith.addf %add3A_508, %mul3A : vector<4x8x1024xf32>
        %sub3A_510 = arith.subf %add3A_509, %mul3A_507 : vector<4x8x1024xf32>
        %add3A_511 = arith.constant 9.99999996E-13 : f32
        %add3A_512 = vector.broadcast %add3A_511 : f32 to vector<4x8x1024xf32>
        %add3A_513 = arith.addf %sub3A_510, %add3A_512 : vector<4x8x1024xf32>
        %div3A_514 = arith.divf %mul3A_507, %add3A_513 : vector<4x8x1024xf32>
        %neg3A_515 = arith.constant 0.000000e+00 : f32
        %neg3A_516 = vector.broadcast %neg3A_515 : f32 to vector<4x8x1024xf32>
        %neg3A_517 = arith.subf %neg3A_516, %select_n3A_430 : vector<4x8x1024xf32>
        %gt3A_518 = arith.constant 5.000000e-01 : f32
        %gt3A_519 = vector.broadcast %gt3A_518 : f32 to vector<4x8x1024xf32>
        %gt3A_520 = arith.cmpf ogt, %div3A_514, %gt3A_519 : vector<4x8x1024xf32>
        %broadcast_in_dim3A_521 = vector.broadcast %while3A_43 : f32 to vector<4x8x1024xf32>
        %select_n3A_522 = arith.select %gt3A_520, %broadcast_in_dim3A_521, %select_n3A_430 : vector<4x8x1024xi1>, vector<4x8x1024xf32>
        %select_n3A_523 = arith.select %eq3A_455, %neg3A_517, %select_n3A_522 : vector<4x8x1024xi1>, vector<4x8x1024xf32>
        %reduce_max3A_524 = arith.constant dense<0xFF800000> : vector<4x8xf32>
        %reduce_max3A_525 = vector.multi_reduction <maximumf>, %select_n3A_523, %reduce_max3A_524 [2] : vector<4x8x1024xf32> to vector<4x8xf32>
        %broadcast_in_dim3A_526 = vector.shape_cast %reduce_max3A_525 : vector<4x8xf32> to vector<4x8x1xf32>
        %reduce_max3A_527 = arith.constant dense<0xFF800000> : vector<4x1xf32>
        %reduce_max3A_528 = vector.multi_reduction <maximumf>, %broadcast_in_dim3A_526, %reduce_max3A_527 [1] : vector<4x8x1xf32> to vector<4x1xf32>
        %broadcast_in_dim3A_529 = vector.shape_cast %reduce_max3A_528 : vector<4x1xf32> to vector<4x1x1xf32>
        %eq3A_530 = vector.broadcast %broadcast_in_dim3A_529 : vector<4x1x1xf32> to vector<4x8x1024xf32>
        %eq3A_531 = arith.cmpf oeq, %select_n3A_523, %eq3A_530 : vector<4x8x1024xf32>
        %jit3A_532 = arith.constant 1073741824 : i32
        %broadcast_in_dim3A_533 = vector.broadcast %jit3A_532 : i32 to vector<4x8x1024xi32>
        %select_n3A_534 = arith.select %eq3A_531, %get3A_37, %broadcast_in_dim3A_533 : vector<4x8x1024xi1>, vector<4x8x1024xi32>
        %reduce_min3A_535 = arith.constant dense<2147483647> : vector<4x8xi32>
        %reduce_min3A_536 = vector.multi_reduction <minsi>, %select_n3A_534, %reduce_min3A_535 [2] : vector<4x8x1024xi32> to vector<4x8xi32>
        %broadcast_in_dim3A_537 = vector.shape_cast %reduce_min3A_536 : vector<4x8xi32> to vector<4x8x1xi32>
        %reduce_min3A_538 = arith.constant dense<2147483647> : vector<4x1xi32>
        %reduce_min3A_539 = vector.multi_reduction <minsi>, %broadcast_in_dim3A_537, %reduce_min3A_538 [1] : vector<4x8x1xi32> to vector<4x1xi32>
        %broadcast_in_dim3A_540 = vector.shape_cast %reduce_min3A_539 : vector<4x1xi32> to vector<4x1x1xi32>
        %gt3A_541 = arith.constant 0.000000e+00 : f32
        %gt3A_542 = vector.broadcast %gt3A_541 : f32 to vector<4x1x1xf32>
        %gt3A_543 = arith.cmpf ogt, %broadcast_in_dim3A_529, %gt3A_542 : vector<4x1x1xf32>
        %jit3A_544 = arith.constant -1 : i32
        %broadcast_in_dim3A_545 = vector.broadcast %jit3A_544 : i32 to vector<4x1x1xi32>
        %select_n3A_546 = arith.select %gt3A_543, %broadcast_in_dim3A_540, %broadcast_in_dim3A_545 : vector<4x1x1xi1>, vector<4x1x1xi32>
        %eq3A_547 = vector.broadcast %select_n3A_546 : vector<4x1x1xi32> to vector<4x8x1024xi32>
        %eq3A_548 = arith.cmpi eq, %get3A_37, %eq3A_547 : vector<4x8x1024xi32>
        %broadcast_in_dim3A_549 = vector.broadcast %while3A : f32 to vector<4x8x1024xf32>
        %select_n3A_550 = arith.select %eq3A_548, %get3A_20, %broadcast_in_dim3A_549 : vector<4x8x1024xi1>, vector<4x8x1024xf32>
        %reduce_max3A_551 = arith.constant dense<0xFF800000> : vector<4x8xf32>
        %reduce_max3A_552 = vector.multi_reduction <maximumf>, %select_n3A_550, %reduce_max3A_551 [2] : vector<4x8x1024xf32> to vector<4x8xf32>
        %broadcast_in_dim3A_553 = vector.shape_cast %reduce_max3A_552 : vector<4x8xf32> to vector<4x8x1xf32>
        %reduce_max3A_554 = arith.constant dense<0xFF800000> : vector<4x1xf32>
        %reduce_max3A_555 = vector.multi_reduction <maximumf>, %broadcast_in_dim3A_553, %reduce_max3A_554 [1] : vector<4x8x1xf32> to vector<4x1xf32>
        %broadcast_in_dim3A_556 = vector.shape_cast %reduce_max3A_555 : vector<4x1xf32> to vector<4x1x1xf32>
        %broadcast_in_dim3A_557 = vector.broadcast %while3A : f32 to vector<4x8x1024xf32>
        %select_n3A_558 = arith.select %eq3A_548, %get3A_24, %broadcast_in_dim3A_557 : vector<4x8x1024xi1>, vector<4x8x1024xf32>
        %reduce_max3A_559 = arith.constant dense<0xFF800000> : vector<4x8xf32>
        %reduce_max3A_560 = vector.multi_reduction <maximumf>, %select_n3A_558, %reduce_max3A_559 [2] : vector<4x8x1024xf32> to vector<4x8xf32>
        %broadcast_in_dim3A_561 = vector.shape_cast %reduce_max3A_560 : vector<4x8xf32> to vector<4x8x1xf32>
        %reduce_max3A_562 = arith.constant dense<0xFF800000> : vector<4x1xf32>
        %reduce_max3A_563 = vector.multi_reduction <maximumf>, %broadcast_in_dim3A_561, %reduce_max3A_562 [1] : vector<4x8x1xf32> to vector<4x1xf32>
        %broadcast_in_dim3A_564 = vector.shape_cast %reduce_max3A_563 : vector<4x1xf32> to vector<4x1x1xf32>
        %broadcast_in_dim3A_565 = vector.broadcast %while3A : f32 to vector<4x8x1024xf32>
        %select_n3A_566 = arith.select %eq3A_548, %get3A_28, %broadcast_in_dim3A_565 : vector<4x8x1024xi1>, vector<4x8x1024xf32>
        %reduce_max3A_567 = arith.constant dense<0xFF800000> : vector<4x8xf32>
        %reduce_max3A_568 = vector.multi_reduction <maximumf>, %select_n3A_566, %reduce_max3A_567 [2] : vector<4x8x1024xf32> to vector<4x8xf32>
        %broadcast_in_dim3A_569 = vector.shape_cast %reduce_max3A_568 : vector<4x8xf32> to vector<4x8x1xf32>
        %reduce_max3A_570 = arith.constant dense<0xFF800000> : vector<4x1xf32>
        %reduce_max3A_571 = vector.multi_reduction <maximumf>, %broadcast_in_dim3A_569, %reduce_max3A_570 [1] : vector<4x8x1xf32> to vector<4x1xf32>
        %broadcast_in_dim3A_572 = vector.shape_cast %reduce_max3A_571 : vector<4x1xf32> to vector<4x1x1xf32>
        %broadcast_in_dim3A_573 = vector.broadcast %while3A : f32 to vector<4x8x1024xf32>
        %select_n3A_574 = arith.select %eq3A_548, %get3A_32, %broadcast_in_dim3A_573 : vector<4x8x1024xi1>, vector<4x8x1024xf32>
        %reduce_max3A_575 = arith.constant dense<0xFF800000> : vector<4x8xf32>
        %reduce_max3A_576 = vector.multi_reduction <maximumf>, %select_n3A_574, %reduce_max3A_575 [2] : vector<4x8x1024xf32> to vector<4x8xf32>
        %broadcast_in_dim3A_577 = vector.shape_cast %reduce_max3A_576 : vector<4x8xf32> to vector<4x8x1xf32>
        %reduce_max3A_578 = arith.constant dense<0xFF800000> : vector<4x1xf32>
        %reduce_max3A_579 = vector.multi_reduction <maximumf>, %broadcast_in_dim3A_577, %reduce_max3A_578 [1] : vector<4x8x1xf32> to vector<4x1xf32>
        %broadcast_in_dim3A_580 = vector.shape_cast %reduce_max3A_579 : vector<4x1xf32> to vector<4x1x1xf32>
        %sub3A_581 = arith.subf %broadcast_in_dim3A_572, %broadcast_in_dim3A_556 : vector<4x1x1xf32>
        %sub3A_582 = arith.subf %broadcast_in_dim3A_580, %broadcast_in_dim3A_564 : vector<4x1x1xf32>
        %mul3A_583 = arith.mulf %sub3A_581, %sub3A_582 : vector<4x1x1xf32>
        %max3A_584 = vector.broadcast %broadcast_in_dim3A_556 : vector<4x1x1xf32> to vector<4x8x1024xf32>
        %max3A_585 = arith.maximumf %max3A_584, %get3A_20 : vector<4x8x1024xf32>
        %max3A_586 = vector.broadcast %broadcast_in_dim3A_564 : vector<4x1x1xf32> to vector<4x8x1024xf32>
        %max3A_587 = arith.maximumf %max3A_586, %get3A_24 : vector<4x8x1024xf32>
        %min3A_588 = vector.broadcast %broadcast_in_dim3A_572 : vector<4x1x1xf32> to vector<4x8x1024xf32>
        %min3A_589 = arith.minimumf %min3A_588, %get3A_28 : vector<4x8x1024xf32>
        %min3A_590 = vector.broadcast %broadcast_in_dim3A_580 : vector<4x1x1xf32> to vector<4x8x1024xf32>
        %min3A_591 = arith.minimumf %min3A_590, %get3A_32 : vector<4x8x1024xf32>
        %sub3A_592 = arith.subf %min3A_589, %max3A_585 : vector<4x8x1024xf32>
        %max3A_593 = arith.constant 0.000000e+00 : f32
        %max3A_594 = vector.broadcast %max3A_593 : f32 to vector<4x8x1024xf32>
        %max3A_595 = arith.maximumf %max3A_594, %sub3A_592 : vector<4x8x1024xf32>
        %sub3A_596 = arith.subf %min3A_591, %max3A_587 : vector<4x8x1024xf32>
        %max3A_597 = arith.constant 0.000000e+00 : f32
        %max3A_598 = vector.broadcast %max3A_597 : f32 to vector<4x8x1024xf32>
        %max3A_599 = arith.maximumf %max3A_598, %sub3A_596 : vector<4x8x1024xf32>
        %mul3A_600 = arith.mulf %max3A_595, %max3A_599 : vector<4x8x1024xf32>
        %add3A_601 = vector.broadcast %mul3A_583 : vector<4x1x1xf32> to vector<4x8x1024xf32>
        %add3A_602 = arith.addf %add3A_601, %mul3A : vector<4x8x1024xf32>
        %sub3A_603 = arith.subf %add3A_602, %mul3A_600 : vector<4x8x1024xf32>
        %add3A_604 = arith.constant 9.99999996E-13 : f32
        %add3A_605 = vector.broadcast %add3A_604 : f32 to vector<4x8x1024xf32>
        %add3A_606 = arith.addf %sub3A_603, %add3A_605 : vector<4x8x1024xf32>
        %div3A_607 = arith.divf %mul3A_600, %add3A_606 : vector<4x8x1024xf32>
        %neg3A_608 = arith.constant 0.000000e+00 : f32
        %neg3A_609 = vector.broadcast %neg3A_608 : f32 to vector<4x8x1024xf32>
        %neg3A_610 = arith.subf %neg3A_609, %select_n3A_523 : vector<4x8x1024xf32>
        %gt3A_611 = arith.constant 5.000000e-01 : f32
        %gt3A_612 = vector.broadcast %gt3A_611 : f32 to vector<4x8x1024xf32>
        %gt3A_613 = arith.cmpf ogt, %div3A_607, %gt3A_612 : vector<4x8x1024xf32>
        %broadcast_in_dim3A_614 = vector.broadcast %while3A_43 : f32 to vector<4x8x1024xf32>
        %select_n3A_615 = arith.select %gt3A_613, %broadcast_in_dim3A_614, %select_n3A_523 : vector<4x8x1024xi1>, vector<4x8x1024xf32>
        %select_n3A_616 = arith.select %eq3A_548, %neg3A_610, %select_n3A_615 : vector<4x8x1024xi1>, vector<4x8x1024xf32>
        %reduce_max3A_617 = arith.constant dense<0xFF800000> : vector<4x8xf32>
        %reduce_max3A_618 = vector.multi_reduction <maximumf>, %select_n3A_616, %reduce_max3A_617 [2] : vector<4x8x1024xf32> to vector<4x8xf32>
        %broadcast_in_dim3A_619 = vector.shape_cast %reduce_max3A_618 : vector<4x8xf32> to vector<4x8x1xf32>
        %reduce_max3A_620 = arith.constant dense<0xFF800000> : vector<4x1xf32>
        %reduce_max3A_621 = vector.multi_reduction <maximumf>, %broadcast_in_dim3A_619, %reduce_max3A_620 [1] : vector<4x8x1xf32> to vector<4x1xf32>
        %broadcast_in_dim3A_622 = vector.shape_cast %reduce_max3A_621 : vector<4x1xf32> to vector<4x1x1xf32>
        %eq3A_623 = vector.broadcast %broadcast_in_dim3A_622 : vector<4x1x1xf32> to vector<4x8x1024xf32>
        %eq3A_624 = arith.cmpf oeq, %select_n3A_616, %eq3A_623 : vector<4x8x1024xf32>
        %jit3A_625 = arith.constant 1073741824 : i32
        %broadcast_in_dim3A_626 = vector.broadcast %jit3A_625 : i32 to vector<4x8x1024xi32>
        %select_n3A_627 = arith.select %eq3A_624, %get3A_37, %broadcast_in_dim3A_626 : vector<4x8x1024xi1>, vector<4x8x1024xi32>
        %reduce_min3A_628 = arith.constant dense<2147483647> : vector<4x8xi32>
        %reduce_min3A_629 = vector.multi_reduction <minsi>, %select_n3A_627, %reduce_min3A_628 [2] : vector<4x8x1024xi32> to vector<4x8xi32>
        %broadcast_in_dim3A_630 = vector.shape_cast %reduce_min3A_629 : vector<4x8xi32> to vector<4x8x1xi32>
        %reduce_min3A_631 = arith.constant dense<2147483647> : vector<4x1xi32>
        %reduce_min3A_632 = vector.multi_reduction <minsi>, %broadcast_in_dim3A_630, %reduce_min3A_631 [1] : vector<4x8x1xi32> to vector<4x1xi32>
        %broadcast_in_dim3A_633 = vector.shape_cast %reduce_min3A_632 : vector<4x1xi32> to vector<4x1x1xi32>
        %gt3A_634 = arith.constant 0.000000e+00 : f32
        %gt3A_635 = vector.broadcast %gt3A_634 : f32 to vector<4x1x1xf32>
        %gt3A_636 = arith.cmpf ogt, %broadcast_in_dim3A_622, %gt3A_635 : vector<4x1x1xf32>
        %jit3A_637 = arith.constant -1 : i32
        %broadcast_in_dim3A_638 = vector.broadcast %jit3A_637 : i32 to vector<4x1x1xi32>
        %select_n3A_639 = arith.select %gt3A_636, %broadcast_in_dim3A_633, %broadcast_in_dim3A_638 : vector<4x1x1xi1>, vector<4x1x1xi32>
        %eq3A_640 = vector.broadcast %select_n3A_639 : vector<4x1x1xi32> to vector<4x8x1024xi32>
        %eq3A_641 = arith.cmpi eq, %get3A_37, %eq3A_640 : vector<4x8x1024xi32>
        %broadcast_in_dim3A_642 = vector.broadcast %while3A : f32 to vector<4x8x1024xf32>
        %select_n3A_643 = arith.select %eq3A_641, %get3A_20, %broadcast_in_dim3A_642 : vector<4x8x1024xi1>, vector<4x8x1024xf32>
        %reduce_max3A_644 = arith.constant dense<0xFF800000> : vector<4x8xf32>
        %reduce_max3A_645 = vector.multi_reduction <maximumf>, %select_n3A_643, %reduce_max3A_644 [2] : vector<4x8x1024xf32> to vector<4x8xf32>
        %broadcast_in_dim3A_646 = vector.shape_cast %reduce_max3A_645 : vector<4x8xf32> to vector<4x8x1xf32>
        %reduce_max3A_647 = arith.constant dense<0xFF800000> : vector<4x1xf32>
        %reduce_max3A_648 = vector.multi_reduction <maximumf>, %broadcast_in_dim3A_646, %reduce_max3A_647 [1] : vector<4x8x1xf32> to vector<4x1xf32>
        %broadcast_in_dim3A_649 = vector.shape_cast %reduce_max3A_648 : vector<4x1xf32> to vector<4x1x1xf32>
        %broadcast_in_dim3A_650 = vector.broadcast %while3A : f32 to vector<4x8x1024xf32>
        %select_n3A_651 = arith.select %eq3A_641, %get3A_24, %broadcast_in_dim3A_650 : vector<4x8x1024xi1>, vector<4x8x1024xf32>
        %reduce_max3A_652 = arith.constant dense<0xFF800000> : vector<4x8xf32>
        %reduce_max3A_653 = vector.multi_reduction <maximumf>, %select_n3A_651, %reduce_max3A_652 [2] : vector<4x8x1024xf32> to vector<4x8xf32>
        %broadcast_in_dim3A_654 = vector.shape_cast %reduce_max3A_653 : vector<4x8xf32> to vector<4x8x1xf32>
        %reduce_max3A_655 = arith.constant dense<0xFF800000> : vector<4x1xf32>
        %reduce_max3A_656 = vector.multi_reduction <maximumf>, %broadcast_in_dim3A_654, %reduce_max3A_655 [1] : vector<4x8x1xf32> to vector<4x1xf32>
        %broadcast_in_dim3A_657 = vector.shape_cast %reduce_max3A_656 : vector<4x1xf32> to vector<4x1x1xf32>
        %broadcast_in_dim3A_658 = vector.broadcast %while3A : f32 to vector<4x8x1024xf32>
        %select_n3A_659 = arith.select %eq3A_641, %get3A_28, %broadcast_in_dim3A_658 : vector<4x8x1024xi1>, vector<4x8x1024xf32>
        %reduce_max3A_660 = arith.constant dense<0xFF800000> : vector<4x8xf32>
        %reduce_max3A_661 = vector.multi_reduction <maximumf>, %select_n3A_659, %reduce_max3A_660 [2] : vector<4x8x1024xf32> to vector<4x8xf32>
        %broadcast_in_dim3A_662 = vector.shape_cast %reduce_max3A_661 : vector<4x8xf32> to vector<4x8x1xf32>
        %reduce_max3A_663 = arith.constant dense<0xFF800000> : vector<4x1xf32>
        %reduce_max3A_664 = vector.multi_reduction <maximumf>, %broadcast_in_dim3A_662, %reduce_max3A_663 [1] : vector<4x8x1xf32> to vector<4x1xf32>
        %broadcast_in_dim3A_665 = vector.shape_cast %reduce_max3A_664 : vector<4x1xf32> to vector<4x1x1xf32>
        %broadcast_in_dim3A_666 = vector.broadcast %while3A : f32 to vector<4x8x1024xf32>
        %select_n3A_667 = arith.select %eq3A_641, %get3A_32, %broadcast_in_dim3A_666 : vector<4x8x1024xi1>, vector<4x8x1024xf32>
        %reduce_max3A_668 = arith.constant dense<0xFF800000> : vector<4x8xf32>
        %reduce_max3A_669 = vector.multi_reduction <maximumf>, %select_n3A_667, %reduce_max3A_668 [2] : vector<4x8x1024xf32> to vector<4x8xf32>
        %broadcast_in_dim3A_670 = vector.shape_cast %reduce_max3A_669 : vector<4x8xf32> to vector<4x8x1xf32>
        %reduce_max3A_671 = arith.constant dense<0xFF800000> : vector<4x1xf32>
        %reduce_max3A_672 = vector.multi_reduction <maximumf>, %broadcast_in_dim3A_670, %reduce_max3A_671 [1] : vector<4x8x1xf32> to vector<4x1xf32>
        %broadcast_in_dim3A_673 = vector.shape_cast %reduce_max3A_672 : vector<4x1xf32> to vector<4x1x1xf32>
        %sub3A_674 = arith.subf %broadcast_in_dim3A_665, %broadcast_in_dim3A_649 : vector<4x1x1xf32>
        %sub3A_675 = arith.subf %broadcast_in_dim3A_673, %broadcast_in_dim3A_657 : vector<4x1x1xf32>
        %mul3A_676 = arith.mulf %sub3A_674, %sub3A_675 : vector<4x1x1xf32>
        %max3A_677 = vector.broadcast %broadcast_in_dim3A_649 : vector<4x1x1xf32> to vector<4x8x1024xf32>
        %max3A_678 = arith.maximumf %max3A_677, %get3A_20 : vector<4x8x1024xf32>
        %max3A_679 = vector.broadcast %broadcast_in_dim3A_657 : vector<4x1x1xf32> to vector<4x8x1024xf32>
        %max3A_680 = arith.maximumf %max3A_679, %get3A_24 : vector<4x8x1024xf32>
        %min3A_681 = vector.broadcast %broadcast_in_dim3A_665 : vector<4x1x1xf32> to vector<4x8x1024xf32>
        %min3A_682 = arith.minimumf %min3A_681, %get3A_28 : vector<4x8x1024xf32>
        %min3A_683 = vector.broadcast %broadcast_in_dim3A_673 : vector<4x1x1xf32> to vector<4x8x1024xf32>
        %min3A_684 = arith.minimumf %min3A_683, %get3A_32 : vector<4x8x1024xf32>
        %sub3A_685 = arith.subf %min3A_682, %max3A_678 : vector<4x8x1024xf32>
        %max3A_686 = arith.constant 0.000000e+00 : f32
        %max3A_687 = vector.broadcast %max3A_686 : f32 to vector<4x8x1024xf32>
        %max3A_688 = arith.maximumf %max3A_687, %sub3A_685 : vector<4x8x1024xf32>
        %sub3A_689 = arith.subf %min3A_684, %max3A_680 : vector<4x8x1024xf32>
        %max3A_690 = arith.constant 0.000000e+00 : f32
        %max3A_691 = vector.broadcast %max3A_690 : f32 to vector<4x8x1024xf32>
        %max3A_692 = arith.maximumf %max3A_691, %sub3A_689 : vector<4x8x1024xf32>
        %mul3A_693 = arith.mulf %max3A_688, %max3A_692 : vector<4x8x1024xf32>
        %add3A_694 = vector.broadcast %mul3A_676 : vector<4x1x1xf32> to vector<4x8x1024xf32>
        %add3A_695 = arith.addf %add3A_694, %mul3A : vector<4x8x1024xf32>
        %sub3A_696 = arith.subf %add3A_695, %mul3A_693 : vector<4x8x1024xf32>
        %add3A_697 = arith.constant 9.99999996E-13 : f32
        %add3A_698 = vector.broadcast %add3A_697 : f32 to vector<4x8x1024xf32>
        %add3A_699 = arith.addf %sub3A_696, %add3A_698 : vector<4x8x1024xf32>
        %div3A_700 = arith.divf %mul3A_693, %add3A_699 : vector<4x8x1024xf32>
        %neg3A_701 = arith.constant 0.000000e+00 : f32
        %neg3A_702 = vector.broadcast %neg3A_701 : f32 to vector<4x8x1024xf32>
        %neg3A_703 = arith.subf %neg3A_702, %select_n3A_616 : vector<4x8x1024xf32>
        %gt3A_704 = arith.constant 5.000000e-01 : f32
        %gt3A_705 = vector.broadcast %gt3A_704 : f32 to vector<4x8x1024xf32>
        %gt3A_706 = arith.cmpf ogt, %div3A_700, %gt3A_705 : vector<4x8x1024xf32>
        %broadcast_in_dim3A_707 = vector.broadcast %while3A_43 : f32 to vector<4x8x1024xf32>
        %select_n3A_708 = arith.select %gt3A_706, %broadcast_in_dim3A_707, %select_n3A_616 : vector<4x8x1024xi1>, vector<4x8x1024xf32>
        %select_n3A_709 = arith.select %eq3A_641, %neg3A_703, %select_n3A_708 : vector<4x8x1024xi1>, vector<4x8x1024xf32>
        %reduce_max3A_710 = arith.constant dense<0xFF800000> : vector<4x8xf32>
        %reduce_max3A_711 = vector.multi_reduction <maximumf>, %select_n3A_709, %reduce_max3A_710 [2] : vector<4x8x1024xf32> to vector<4x8xf32>
        %broadcast_in_dim3A_712 = vector.shape_cast %reduce_max3A_711 : vector<4x8xf32> to vector<4x8x1xf32>
        %reduce_max3A_713 = arith.constant dense<0xFF800000> : vector<4x1xf32>
        %reduce_max3A_714 = vector.multi_reduction <maximumf>, %broadcast_in_dim3A_712, %reduce_max3A_713 [1] : vector<4x8x1xf32> to vector<4x1xf32>
        %broadcast_in_dim3A_715 = vector.shape_cast %reduce_max3A_714 : vector<4x1xf32> to vector<4x1x1xf32>
        %eq3A_716 = vector.broadcast %broadcast_in_dim3A_715 : vector<4x1x1xf32> to vector<4x8x1024xf32>
        %eq3A_717 = arith.cmpf oeq, %select_n3A_709, %eq3A_716 : vector<4x8x1024xf32>
        %jit3A_718 = arith.constant 1073741824 : i32
        %broadcast_in_dim3A_719 = vector.broadcast %jit3A_718 : i32 to vector<4x8x1024xi32>
        %select_n3A_720 = arith.select %eq3A_717, %get3A_37, %broadcast_in_dim3A_719 : vector<4x8x1024xi1>, vector<4x8x1024xi32>
        %reduce_min3A_721 = arith.constant dense<2147483647> : vector<4x8xi32>
        %reduce_min3A_722 = vector.multi_reduction <minsi>, %select_n3A_720, %reduce_min3A_721 [2] : vector<4x8x1024xi32> to vector<4x8xi32>
        %broadcast_in_dim3A_723 = vector.shape_cast %reduce_min3A_722 : vector<4x8xi32> to vector<4x8x1xi32>
        %reduce_min3A_724 = arith.constant dense<2147483647> : vector<4x1xi32>
        %reduce_min3A_725 = vector.multi_reduction <minsi>, %broadcast_in_dim3A_723, %reduce_min3A_724 [1] : vector<4x8x1xi32> to vector<4x1xi32>
        %broadcast_in_dim3A_726 = vector.shape_cast %reduce_min3A_725 : vector<4x1xi32> to vector<4x1x1xi32>
        %gt3A_727 = arith.constant 0.000000e+00 : f32
        %gt3A_728 = vector.broadcast %gt3A_727 : f32 to vector<4x1x1xf32>
        %gt3A_729 = arith.cmpf ogt, %broadcast_in_dim3A_715, %gt3A_728 : vector<4x1x1xf32>
        %jit3A_730 = arith.constant -1 : i32
        %broadcast_in_dim3A_731 = vector.broadcast %jit3A_730 : i32 to vector<4x1x1xi32>
        %select_n3A_732 = arith.select %gt3A_729, %broadcast_in_dim3A_726, %broadcast_in_dim3A_731 : vector<4x1x1xi1>, vector<4x1x1xi32>
        %eq3A_733 = vector.broadcast %select_n3A_732 : vector<4x1x1xi32> to vector<4x8x1024xi32>
        %eq3A_734 = arith.cmpi eq, %get3A_37, %eq3A_733 : vector<4x8x1024xi32>
        %broadcast_in_dim3A_735 = vector.broadcast %while3A : f32 to vector<4x8x1024xf32>
        %select_n3A_736 = arith.select %eq3A_734, %get3A_20, %broadcast_in_dim3A_735 : vector<4x8x1024xi1>, vector<4x8x1024xf32>
        %reduce_max3A_737 = arith.constant dense<0xFF800000> : vector<4x8xf32>
        %reduce_max3A_738 = vector.multi_reduction <maximumf>, %select_n3A_736, %reduce_max3A_737 [2] : vector<4x8x1024xf32> to vector<4x8xf32>
        %broadcast_in_dim3A_739 = vector.shape_cast %reduce_max3A_738 : vector<4x8xf32> to vector<4x8x1xf32>
        %reduce_max3A_740 = arith.constant dense<0xFF800000> : vector<4x1xf32>
        %reduce_max3A_741 = vector.multi_reduction <maximumf>, %broadcast_in_dim3A_739, %reduce_max3A_740 [1] : vector<4x8x1xf32> to vector<4x1xf32>
        %broadcast_in_dim3A_742 = vector.shape_cast %reduce_max3A_741 : vector<4x1xf32> to vector<4x1x1xf32>
        %broadcast_in_dim3A_743 = vector.broadcast %while3A : f32 to vector<4x8x1024xf32>
        %select_n3A_744 = arith.select %eq3A_734, %get3A_24, %broadcast_in_dim3A_743 : vector<4x8x1024xi1>, vector<4x8x1024xf32>
        %reduce_max3A_745 = arith.constant dense<0xFF800000> : vector<4x8xf32>
        %reduce_max3A_746 = vector.multi_reduction <maximumf>, %select_n3A_744, %reduce_max3A_745 [2] : vector<4x8x1024xf32> to vector<4x8xf32>
        %broadcast_in_dim3A_747 = vector.shape_cast %reduce_max3A_746 : vector<4x8xf32> to vector<4x8x1xf32>
        %reduce_max3A_748 = arith.constant dense<0xFF800000> : vector<4x1xf32>
        %reduce_max3A_749 = vector.multi_reduction <maximumf>, %broadcast_in_dim3A_747, %reduce_max3A_748 [1] : vector<4x8x1xf32> to vector<4x1xf32>
        %broadcast_in_dim3A_750 = vector.shape_cast %reduce_max3A_749 : vector<4x1xf32> to vector<4x1x1xf32>
        %broadcast_in_dim3A_751 = vector.broadcast %while3A : f32 to vector<4x8x1024xf32>
        %select_n3A_752 = arith.select %eq3A_734, %get3A_28, %broadcast_in_dim3A_751 : vector<4x8x1024xi1>, vector<4x8x1024xf32>
        %reduce_max3A_753 = arith.constant dense<0xFF800000> : vector<4x8xf32>
        %reduce_max3A_754 = vector.multi_reduction <maximumf>, %select_n3A_752, %reduce_max3A_753 [2] : vector<4x8x1024xf32> to vector<4x8xf32>
        %broadcast_in_dim3A_755 = vector.shape_cast %reduce_max3A_754 : vector<4x8xf32> to vector<4x8x1xf32>
        %reduce_max3A_756 = arith.constant dense<0xFF800000> : vector<4x1xf32>
        %reduce_max3A_757 = vector.multi_reduction <maximumf>, %broadcast_in_dim3A_755, %reduce_max3A_756 [1] : vector<4x8x1xf32> to vector<4x1xf32>
        %broadcast_in_dim3A_758 = vector.shape_cast %reduce_max3A_757 : vector<4x1xf32> to vector<4x1x1xf32>
        %broadcast_in_dim3A_759 = vector.broadcast %while3A : f32 to vector<4x8x1024xf32>
        %select_n3A_760 = arith.select %eq3A_734, %get3A_32, %broadcast_in_dim3A_759 : vector<4x8x1024xi1>, vector<4x8x1024xf32>
        %reduce_max3A_761 = arith.constant dense<0xFF800000> : vector<4x8xf32>
        %reduce_max3A_762 = vector.multi_reduction <maximumf>, %select_n3A_760, %reduce_max3A_761 [2] : vector<4x8x1024xf32> to vector<4x8xf32>
        %broadcast_in_dim3A_763 = vector.shape_cast %reduce_max3A_762 : vector<4x8xf32> to vector<4x8x1xf32>
        %reduce_max3A_764 = arith.constant dense<0xFF800000> : vector<4x1xf32>
        %reduce_max3A_765 = vector.multi_reduction <maximumf>, %broadcast_in_dim3A_763, %reduce_max3A_764 [1] : vector<4x8x1xf32> to vector<4x1xf32>
        %broadcast_in_dim3A_766 = vector.shape_cast %reduce_max3A_765 : vector<4x1xf32> to vector<4x1x1xf32>
        %sub3A_767 = arith.subf %broadcast_in_dim3A_758, %broadcast_in_dim3A_742 : vector<4x1x1xf32>
        %sub3A_768 = arith.subf %broadcast_in_dim3A_766, %broadcast_in_dim3A_750 : vector<4x1x1xf32>
        %mul3A_769 = arith.mulf %sub3A_767, %sub3A_768 : vector<4x1x1xf32>
        %max3A_770 = vector.broadcast %broadcast_in_dim3A_742 : vector<4x1x1xf32> to vector<4x8x1024xf32>
        %max3A_771 = arith.maximumf %max3A_770, %get3A_20 : vector<4x8x1024xf32>
        %max3A_772 = vector.broadcast %broadcast_in_dim3A_750 : vector<4x1x1xf32> to vector<4x8x1024xf32>
        %max3A_773 = arith.maximumf %max3A_772, %get3A_24 : vector<4x8x1024xf32>
        %min3A_774 = vector.broadcast %broadcast_in_dim3A_758 : vector<4x1x1xf32> to vector<4x8x1024xf32>
        %min3A_775 = arith.minimumf %min3A_774, %get3A_28 : vector<4x8x1024xf32>
        %min3A_776 = vector.broadcast %broadcast_in_dim3A_766 : vector<4x1x1xf32> to vector<4x8x1024xf32>
        %min3A_777 = arith.minimumf %min3A_776, %get3A_32 : vector<4x8x1024xf32>
        %sub3A_778 = arith.subf %min3A_775, %max3A_771 : vector<4x8x1024xf32>
        %max3A_779 = arith.constant 0.000000e+00 : f32
        %max3A_780 = vector.broadcast %max3A_779 : f32 to vector<4x8x1024xf32>
        %max3A_781 = arith.maximumf %max3A_780, %sub3A_778 : vector<4x8x1024xf32>
        %sub3A_782 = arith.subf %min3A_777, %max3A_773 : vector<4x8x1024xf32>
        %max3A_783 = arith.constant 0.000000e+00 : f32
        %max3A_784 = vector.broadcast %max3A_783 : f32 to vector<4x8x1024xf32>
        %max3A_785 = arith.maximumf %max3A_784, %sub3A_782 : vector<4x8x1024xf32>
        %mul3A_786 = arith.mulf %max3A_781, %max3A_785 : vector<4x8x1024xf32>
        %add3A_787 = vector.broadcast %mul3A_769 : vector<4x1x1xf32> to vector<4x8x1024xf32>
        %add3A_788 = arith.addf %add3A_787, %mul3A : vector<4x8x1024xf32>
        %sub3A_789 = arith.subf %add3A_788, %mul3A_786 : vector<4x8x1024xf32>
        %add3A_790 = arith.constant 9.99999996E-13 : f32
        %add3A_791 = vector.broadcast %add3A_790 : f32 to vector<4x8x1024xf32>
        %add3A_792 = arith.addf %sub3A_789, %add3A_791 : vector<4x8x1024xf32>
        %div3A_793 = arith.divf %mul3A_786, %add3A_792 : vector<4x8x1024xf32>
        %neg3A_794 = arith.constant 0.000000e+00 : f32
        %neg3A_795 = vector.broadcast %neg3A_794 : f32 to vector<4x8x1024xf32>
        %neg3A_796 = arith.subf %neg3A_795, %select_n3A_709 : vector<4x8x1024xf32>
        %gt3A_797 = arith.constant 5.000000e-01 : f32
        %gt3A_798 = vector.broadcast %gt3A_797 : f32 to vector<4x8x1024xf32>
        %gt3A_799 = arith.cmpf ogt, %div3A_793, %gt3A_798 : vector<4x8x1024xf32>
        %broadcast_in_dim3A_800 = vector.broadcast %while3A_43 : f32 to vector<4x8x1024xf32>
        %select_n3A_801 = arith.select %gt3A_799, %broadcast_in_dim3A_800, %select_n3A_709 : vector<4x8x1024xi1>, vector<4x8x1024xf32>
        %select_n3A_802 = arith.select %eq3A_734, %neg3A_796, %select_n3A_801 : vector<4x8x1024xi1>, vector<4x8x1024xf32>
        %reduce_max3A_803 = arith.constant dense<0xFF800000> : vector<4x8xf32>
        %reduce_max3A_804 = vector.multi_reduction <maximumf>, %select_n3A_802, %reduce_max3A_803 [2] : vector<4x8x1024xf32> to vector<4x8xf32>
        %broadcast_in_dim3A_805 = vector.shape_cast %reduce_max3A_804 : vector<4x8xf32> to vector<4x8x1xf32>
        %reduce_max3A_806 = arith.constant dense<0xFF800000> : vector<4x1xf32>
        %reduce_max3A_807 = vector.multi_reduction <maximumf>, %broadcast_in_dim3A_805, %reduce_max3A_806 [1] : vector<4x8x1xf32> to vector<4x1xf32>
        %broadcast_in_dim3A_808 = vector.shape_cast %reduce_max3A_807 : vector<4x1xf32> to vector<4x1x1xf32>
        %eq3A_809 = vector.broadcast %broadcast_in_dim3A_808 : vector<4x1x1xf32> to vector<4x8x1024xf32>
        %eq3A_810 = arith.cmpf oeq, %select_n3A_802, %eq3A_809 : vector<4x8x1024xf32>
        %jit3A_811 = arith.constant 1073741824 : i32
        %broadcast_in_dim3A_812 = vector.broadcast %jit3A_811 : i32 to vector<4x8x1024xi32>
        %select_n3A_813 = arith.select %eq3A_810, %get3A_37, %broadcast_in_dim3A_812 : vector<4x8x1024xi1>, vector<4x8x1024xi32>
        %reduce_min3A_814 = arith.constant dense<2147483647> : vector<4x8xi32>
        %reduce_min3A_815 = vector.multi_reduction <minsi>, %select_n3A_813, %reduce_min3A_814 [2] : vector<4x8x1024xi32> to vector<4x8xi32>
        %broadcast_in_dim3A_816 = vector.shape_cast %reduce_min3A_815 : vector<4x8xi32> to vector<4x8x1xi32>
        %reduce_min3A_817 = arith.constant dense<2147483647> : vector<4x1xi32>
        %reduce_min3A_818 = vector.multi_reduction <minsi>, %broadcast_in_dim3A_816, %reduce_min3A_817 [1] : vector<4x8x1xi32> to vector<4x1xi32>
        %broadcast_in_dim3A_819 = vector.shape_cast %reduce_min3A_818 : vector<4x1xi32> to vector<4x1x1xi32>
        %gt3A_820 = arith.constant 0.000000e+00 : f32
        %gt3A_821 = vector.broadcast %gt3A_820 : f32 to vector<4x1x1xf32>
        %gt3A_822 = arith.cmpf ogt, %broadcast_in_dim3A_808, %gt3A_821 : vector<4x1x1xf32>
        %jit3A_823 = arith.constant -1 : i32
        %broadcast_in_dim3A_824 = vector.broadcast %jit3A_823 : i32 to vector<4x1x1xi32>
        %select_n3A_825 = arith.select %gt3A_822, %broadcast_in_dim3A_819, %broadcast_in_dim3A_824 : vector<4x1x1xi1>, vector<4x1x1xi32>
        %eq3A_826 = vector.broadcast %select_n3A_825 : vector<4x1x1xi32> to vector<4x8x1024xi32>
        %eq3A_827 = arith.cmpi eq, %get3A_37, %eq3A_826 : vector<4x8x1024xi32>
        %broadcast_in_dim3A_828 = vector.broadcast %while3A : f32 to vector<4x8x1024xf32>
        %select_n3A_829 = arith.select %eq3A_827, %get3A_20, %broadcast_in_dim3A_828 : vector<4x8x1024xi1>, vector<4x8x1024xf32>
        %reduce_max3A_830 = arith.constant dense<0xFF800000> : vector<4x8xf32>
        %reduce_max3A_831 = vector.multi_reduction <maximumf>, %select_n3A_829, %reduce_max3A_830 [2] : vector<4x8x1024xf32> to vector<4x8xf32>
        %broadcast_in_dim3A_832 = vector.shape_cast %reduce_max3A_831 : vector<4x8xf32> to vector<4x8x1xf32>
        %reduce_max3A_833 = arith.constant dense<0xFF800000> : vector<4x1xf32>
        %reduce_max3A_834 = vector.multi_reduction <maximumf>, %broadcast_in_dim3A_832, %reduce_max3A_833 [1] : vector<4x8x1xf32> to vector<4x1xf32>
        %broadcast_in_dim3A_835 = vector.shape_cast %reduce_max3A_834 : vector<4x1xf32> to vector<4x1x1xf32>
        %broadcast_in_dim3A_836 = vector.broadcast %while3A : f32 to vector<4x8x1024xf32>
        %select_n3A_837 = arith.select %eq3A_827, %get3A_24, %broadcast_in_dim3A_836 : vector<4x8x1024xi1>, vector<4x8x1024xf32>
        %reduce_max3A_838 = arith.constant dense<0xFF800000> : vector<4x8xf32>
        %reduce_max3A_839 = vector.multi_reduction <maximumf>, %select_n3A_837, %reduce_max3A_838 [2] : vector<4x8x1024xf32> to vector<4x8xf32>
        %broadcast_in_dim3A_840 = vector.shape_cast %reduce_max3A_839 : vector<4x8xf32> to vector<4x8x1xf32>
        %reduce_max3A_841 = arith.constant dense<0xFF800000> : vector<4x1xf32>
        %reduce_max3A_842 = vector.multi_reduction <maximumf>, %broadcast_in_dim3A_840, %reduce_max3A_841 [1] : vector<4x8x1xf32> to vector<4x1xf32>
        %broadcast_in_dim3A_843 = vector.shape_cast %reduce_max3A_842 : vector<4x1xf32> to vector<4x1x1xf32>
        %broadcast_in_dim3A_844 = vector.broadcast %while3A : f32 to vector<4x8x1024xf32>
        %select_n3A_845 = arith.select %eq3A_827, %get3A_28, %broadcast_in_dim3A_844 : vector<4x8x1024xi1>, vector<4x8x1024xf32>
        %reduce_max3A_846 = arith.constant dense<0xFF800000> : vector<4x8xf32>
        %reduce_max3A_847 = vector.multi_reduction <maximumf>, %select_n3A_845, %reduce_max3A_846 [2] : vector<4x8x1024xf32> to vector<4x8xf32>
        %broadcast_in_dim3A_848 = vector.shape_cast %reduce_max3A_847 : vector<4x8xf32> to vector<4x8x1xf32>
        %reduce_max3A_849 = arith.constant dense<0xFF800000> : vector<4x1xf32>
        %reduce_max3A_850 = vector.multi_reduction <maximumf>, %broadcast_in_dim3A_848, %reduce_max3A_849 [1] : vector<4x8x1xf32> to vector<4x1xf32>
        %broadcast_in_dim3A_851 = vector.shape_cast %reduce_max3A_850 : vector<4x1xf32> to vector<4x1x1xf32>
        %broadcast_in_dim3A_852 = vector.broadcast %while3A : f32 to vector<4x8x1024xf32>
        %select_n3A_853 = arith.select %eq3A_827, %get3A_32, %broadcast_in_dim3A_852 : vector<4x8x1024xi1>, vector<4x8x1024xf32>
        %reduce_max3A_854 = arith.constant dense<0xFF800000> : vector<4x8xf32>
        %reduce_max3A_855 = vector.multi_reduction <maximumf>, %select_n3A_853, %reduce_max3A_854 [2] : vector<4x8x1024xf32> to vector<4x8xf32>
        %broadcast_in_dim3A_856 = vector.shape_cast %reduce_max3A_855 : vector<4x8xf32> to vector<4x8x1xf32>
        %reduce_max3A_857 = arith.constant dense<0xFF800000> : vector<4x1xf32>
        %reduce_max3A_858 = vector.multi_reduction <maximumf>, %broadcast_in_dim3A_856, %reduce_max3A_857 [1] : vector<4x8x1xf32> to vector<4x1xf32>
        %broadcast_in_dim3A_859 = vector.shape_cast %reduce_max3A_858 : vector<4x1xf32> to vector<4x1x1xf32>
        %sub3A_860 = arith.subf %broadcast_in_dim3A_851, %broadcast_in_dim3A_835 : vector<4x1x1xf32>
        %sub3A_861 = arith.subf %broadcast_in_dim3A_859, %broadcast_in_dim3A_843 : vector<4x1x1xf32>
        %mul3A_862 = arith.mulf %sub3A_860, %sub3A_861 : vector<4x1x1xf32>
        %max3A_863 = vector.broadcast %broadcast_in_dim3A_835 : vector<4x1x1xf32> to vector<4x8x1024xf32>
        %max3A_864 = arith.maximumf %max3A_863, %get3A_20 : vector<4x8x1024xf32>
        %max3A_865 = vector.broadcast %broadcast_in_dim3A_843 : vector<4x1x1xf32> to vector<4x8x1024xf32>
        %max3A_866 = arith.maximumf %max3A_865, %get3A_24 : vector<4x8x1024xf32>
        %min3A_867 = vector.broadcast %broadcast_in_dim3A_851 : vector<4x1x1xf32> to vector<4x8x1024xf32>
        %min3A_868 = arith.minimumf %min3A_867, %get3A_28 : vector<4x8x1024xf32>
        %min3A_869 = vector.broadcast %broadcast_in_dim3A_859 : vector<4x1x1xf32> to vector<4x8x1024xf32>
        %min3A_870 = arith.minimumf %min3A_869, %get3A_32 : vector<4x8x1024xf32>
        %sub3A_871 = arith.subf %min3A_868, %max3A_864 : vector<4x8x1024xf32>
        %max3A_872 = arith.constant 0.000000e+00 : f32
        %max3A_873 = vector.broadcast %max3A_872 : f32 to vector<4x8x1024xf32>
        %max3A_874 = arith.maximumf %max3A_873, %sub3A_871 : vector<4x8x1024xf32>
        %sub3A_875 = arith.subf %min3A_870, %max3A_866 : vector<4x8x1024xf32>
        %max3A_876 = arith.constant 0.000000e+00 : f32
        %max3A_877 = vector.broadcast %max3A_876 : f32 to vector<4x8x1024xf32>
        %max3A_878 = arith.maximumf %max3A_877, %sub3A_875 : vector<4x8x1024xf32>
        %mul3A_879 = arith.mulf %max3A_874, %max3A_878 : vector<4x8x1024xf32>
        %add3A_880 = vector.broadcast %mul3A_862 : vector<4x1x1xf32> to vector<4x8x1024xf32>
        %add3A_881 = arith.addf %add3A_880, %mul3A : vector<4x8x1024xf32>
        %sub3A_882 = arith.subf %add3A_881, %mul3A_879 : vector<4x8x1024xf32>
        %add3A_883 = arith.constant 9.99999996E-13 : f32
        %add3A_884 = vector.broadcast %add3A_883 : f32 to vector<4x8x1024xf32>
        %add3A_885 = arith.addf %sub3A_882, %add3A_884 : vector<4x8x1024xf32>
        %div3A_886 = arith.divf %mul3A_879, %add3A_885 : vector<4x8x1024xf32>
        %neg3A_887 = arith.constant 0.000000e+00 : f32
        %neg3A_888 = vector.broadcast %neg3A_887 : f32 to vector<4x8x1024xf32>
        %neg3A_889 = arith.subf %neg3A_888, %select_n3A_802 : vector<4x8x1024xf32>
        %gt3A_890 = arith.constant 5.000000e-01 : f32
        %gt3A_891 = vector.broadcast %gt3A_890 : f32 to vector<4x8x1024xf32>
        %gt3A_892 = arith.cmpf ogt, %div3A_886, %gt3A_891 : vector<4x8x1024xf32>
        %broadcast_in_dim3A_893 = vector.broadcast %while3A_43 : f32 to vector<4x8x1024xf32>
        %select_n3A_894 = arith.select %gt3A_892, %broadcast_in_dim3A_893, %select_n3A_802 : vector<4x8x1024xi1>, vector<4x8x1024xf32>
        %select_n3A_895 = arith.select %eq3A_827, %neg3A_889, %select_n3A_894 : vector<4x8x1024xi1>, vector<4x8x1024xf32>
        %reduce_max3A_896 = arith.constant dense<0xFF800000> : vector<4x8xf32>
        %reduce_max3A_897 = vector.multi_reduction <maximumf>, %select_n3A_895, %reduce_max3A_896 [2] : vector<4x8x1024xf32> to vector<4x8xf32>
        %broadcast_in_dim3A_898 = vector.shape_cast %reduce_max3A_897 : vector<4x8xf32> to vector<4x8x1xf32>
        %reduce_max3A_899 = arith.constant dense<0xFF800000> : vector<4x1xf32>
        %reduce_max3A_900 = vector.multi_reduction <maximumf>, %broadcast_in_dim3A_898, %reduce_max3A_899 [1] : vector<4x8x1xf32> to vector<4x1xf32>
        %broadcast_in_dim3A_901 = vector.shape_cast %reduce_max3A_900 : vector<4x1xf32> to vector<4x1x1xf32>
        %eq3A_902 = vector.broadcast %broadcast_in_dim3A_901 : vector<4x1x1xf32> to vector<4x8x1024xf32>
        %eq3A_903 = arith.cmpf oeq, %select_n3A_895, %eq3A_902 : vector<4x8x1024xf32>
        %jit3A_904 = arith.constant 1073741824 : i32
        %broadcast_in_dim3A_905 = vector.broadcast %jit3A_904 : i32 to vector<4x8x1024xi32>
        %select_n3A_906 = arith.select %eq3A_903, %get3A_37, %broadcast_in_dim3A_905 : vector<4x8x1024xi1>, vector<4x8x1024xi32>
        %reduce_min3A_907 = arith.constant dense<2147483647> : vector<4x8xi32>
        %reduce_min3A_908 = vector.multi_reduction <minsi>, %select_n3A_906, %reduce_min3A_907 [2] : vector<4x8x1024xi32> to vector<4x8xi32>
        %broadcast_in_dim3A_909 = vector.shape_cast %reduce_min3A_908 : vector<4x8xi32> to vector<4x8x1xi32>
        %reduce_min3A_910 = arith.constant dense<2147483647> : vector<4x1xi32>
        %reduce_min3A_911 = vector.multi_reduction <minsi>, %broadcast_in_dim3A_909, %reduce_min3A_910 [1] : vector<4x8x1xi32> to vector<4x1xi32>
        %broadcast_in_dim3A_912 = vector.shape_cast %reduce_min3A_911 : vector<4x1xi32> to vector<4x1x1xi32>
        %gt3A_913 = arith.constant 0.000000e+00 : f32
        %gt3A_914 = vector.broadcast %gt3A_913 : f32 to vector<4x1x1xf32>
        %gt3A_915 = arith.cmpf ogt, %broadcast_in_dim3A_901, %gt3A_914 : vector<4x1x1xf32>
        %jit3A_916 = arith.constant -1 : i32
        %broadcast_in_dim3A_917 = vector.broadcast %jit3A_916 : i32 to vector<4x1x1xi32>
        %select_n3A_918 = arith.select %gt3A_915, %broadcast_in_dim3A_912, %broadcast_in_dim3A_917 : vector<4x1x1xi1>, vector<4x1x1xi32>
        %eq3A_919 = vector.broadcast %select_n3A_918 : vector<4x1x1xi32> to vector<4x8x1024xi32>
        %eq3A_920 = arith.cmpi eq, %get3A_37, %eq3A_919 : vector<4x8x1024xi32>
        %broadcast_in_dim3A_921 = vector.broadcast %while3A : f32 to vector<4x8x1024xf32>
        %select_n3A_922 = arith.select %eq3A_920, %get3A_20, %broadcast_in_dim3A_921 : vector<4x8x1024xi1>, vector<4x8x1024xf32>
        %reduce_max3A_923 = arith.constant dense<0xFF800000> : vector<4x8xf32>
        %reduce_max3A_924 = vector.multi_reduction <maximumf>, %select_n3A_922, %reduce_max3A_923 [2] : vector<4x8x1024xf32> to vector<4x8xf32>
        %broadcast_in_dim3A_925 = vector.shape_cast %reduce_max3A_924 : vector<4x8xf32> to vector<4x8x1xf32>
        %reduce_max3A_926 = arith.constant dense<0xFF800000> : vector<4x1xf32>
        %reduce_max3A_927 = vector.multi_reduction <maximumf>, %broadcast_in_dim3A_925, %reduce_max3A_926 [1] : vector<4x8x1xf32> to vector<4x1xf32>
        %broadcast_in_dim3A_928 = vector.shape_cast %reduce_max3A_927 : vector<4x1xf32> to vector<4x1x1xf32>
        %broadcast_in_dim3A_929 = vector.broadcast %while3A : f32 to vector<4x8x1024xf32>
        %select_n3A_930 = arith.select %eq3A_920, %get3A_24, %broadcast_in_dim3A_929 : vector<4x8x1024xi1>, vector<4x8x1024xf32>
        %reduce_max3A_931 = arith.constant dense<0xFF800000> : vector<4x8xf32>
        %reduce_max3A_932 = vector.multi_reduction <maximumf>, %select_n3A_930, %reduce_max3A_931 [2] : vector<4x8x1024xf32> to vector<4x8xf32>
        %broadcast_in_dim3A_933 = vector.shape_cast %reduce_max3A_932 : vector<4x8xf32> to vector<4x8x1xf32>
        %reduce_max3A_934 = arith.constant dense<0xFF800000> : vector<4x1xf32>
        %reduce_max3A_935 = vector.multi_reduction <maximumf>, %broadcast_in_dim3A_933, %reduce_max3A_934 [1] : vector<4x8x1xf32> to vector<4x1xf32>
        %broadcast_in_dim3A_936 = vector.shape_cast %reduce_max3A_935 : vector<4x1xf32> to vector<4x1x1xf32>
        %broadcast_in_dim3A_937 = vector.broadcast %while3A : f32 to vector<4x8x1024xf32>
        %select_n3A_938 = arith.select %eq3A_920, %get3A_28, %broadcast_in_dim3A_937 : vector<4x8x1024xi1>, vector<4x8x1024xf32>
        %reduce_max3A_939 = arith.constant dense<0xFF800000> : vector<4x8xf32>
        %reduce_max3A_940 = vector.multi_reduction <maximumf>, %select_n3A_938, %reduce_max3A_939 [2] : vector<4x8x1024xf32> to vector<4x8xf32>
        %broadcast_in_dim3A_941 = vector.shape_cast %reduce_max3A_940 : vector<4x8xf32> to vector<4x8x1xf32>
        %reduce_max3A_942 = arith.constant dense<0xFF800000> : vector<4x1xf32>
        %reduce_max3A_943 = vector.multi_reduction <maximumf>, %broadcast_in_dim3A_941, %reduce_max3A_942 [1] : vector<4x8x1xf32> to vector<4x1xf32>
        %broadcast_in_dim3A_944 = vector.shape_cast %reduce_max3A_943 : vector<4x1xf32> to vector<4x1x1xf32>
        %broadcast_in_dim3A_945 = vector.broadcast %while3A : f32 to vector<4x8x1024xf32>
        %select_n3A_946 = arith.select %eq3A_920, %get3A_32, %broadcast_in_dim3A_945 : vector<4x8x1024xi1>, vector<4x8x1024xf32>
        %reduce_max3A_947 = arith.constant dense<0xFF800000> : vector<4x8xf32>
        %reduce_max3A_948 = vector.multi_reduction <maximumf>, %select_n3A_946, %reduce_max3A_947 [2] : vector<4x8x1024xf32> to vector<4x8xf32>
        %broadcast_in_dim3A_949 = vector.shape_cast %reduce_max3A_948 : vector<4x8xf32> to vector<4x8x1xf32>
        %reduce_max3A_950 = arith.constant dense<0xFF800000> : vector<4x1xf32>
        %reduce_max3A_951 = vector.multi_reduction <maximumf>, %broadcast_in_dim3A_949, %reduce_max3A_950 [1] : vector<4x8x1xf32> to vector<4x1xf32>
        %broadcast_in_dim3A_952 = vector.shape_cast %reduce_max3A_951 : vector<4x1xf32> to vector<4x1x1xf32>
        %sub3A_953 = arith.subf %broadcast_in_dim3A_944, %broadcast_in_dim3A_928 : vector<4x1x1xf32>
        %sub3A_954 = arith.subf %broadcast_in_dim3A_952, %broadcast_in_dim3A_936 : vector<4x1x1xf32>
        %mul3A_955 = arith.mulf %sub3A_953, %sub3A_954 : vector<4x1x1xf32>
        %max3A_956 = vector.broadcast %broadcast_in_dim3A_928 : vector<4x1x1xf32> to vector<4x8x1024xf32>
        %max3A_957 = arith.maximumf %max3A_956, %get3A_20 : vector<4x8x1024xf32>
        %max3A_958 = vector.broadcast %broadcast_in_dim3A_936 : vector<4x1x1xf32> to vector<4x8x1024xf32>
        %max3A_959 = arith.maximumf %max3A_958, %get3A_24 : vector<4x8x1024xf32>
        %min3A_960 = vector.broadcast %broadcast_in_dim3A_944 : vector<4x1x1xf32> to vector<4x8x1024xf32>
        %min3A_961 = arith.minimumf %min3A_960, %get3A_28 : vector<4x8x1024xf32>
        %min3A_962 = vector.broadcast %broadcast_in_dim3A_952 : vector<4x1x1xf32> to vector<4x8x1024xf32>
        %min3A_963 = arith.minimumf %min3A_962, %get3A_32 : vector<4x8x1024xf32>
        %sub3A_964 = arith.subf %min3A_961, %max3A_957 : vector<4x8x1024xf32>
        %max3A_965 = arith.constant 0.000000e+00 : f32
        %max3A_966 = vector.broadcast %max3A_965 : f32 to vector<4x8x1024xf32>
        %max3A_967 = arith.maximumf %max3A_966, %sub3A_964 : vector<4x8x1024xf32>
        %sub3A_968 = arith.subf %min3A_963, %max3A_959 : vector<4x8x1024xf32>
        %max3A_969 = arith.constant 0.000000e+00 : f32
        %max3A_970 = vector.broadcast %max3A_969 : f32 to vector<4x8x1024xf32>
        %max3A_971 = arith.maximumf %max3A_970, %sub3A_968 : vector<4x8x1024xf32>
        %mul3A_972 = arith.mulf %max3A_967, %max3A_971 : vector<4x8x1024xf32>
        %add3A_973 = vector.broadcast %mul3A_955 : vector<4x1x1xf32> to vector<4x8x1024xf32>
        %add3A_974 = arith.addf %add3A_973, %mul3A : vector<4x8x1024xf32>
        %sub3A_975 = arith.subf %add3A_974, %mul3A_972 : vector<4x8x1024xf32>
        %add3A_976 = arith.constant 9.99999996E-13 : f32
        %add3A_977 = vector.broadcast %add3A_976 : f32 to vector<4x8x1024xf32>
        %add3A_978 = arith.addf %sub3A_975, %add3A_977 : vector<4x8x1024xf32>
        %div3A_979 = arith.divf %mul3A_972, %add3A_978 : vector<4x8x1024xf32>
        %neg3A_980 = arith.constant 0.000000e+00 : f32
        %neg3A_981 = vector.broadcast %neg3A_980 : f32 to vector<4x8x1024xf32>
        %neg3A_982 = arith.subf %neg3A_981, %select_n3A_895 : vector<4x8x1024xf32>
        %gt3A_983 = arith.constant 5.000000e-01 : f32
        %gt3A_984 = vector.broadcast %gt3A_983 : f32 to vector<4x8x1024xf32>
        %gt3A_985 = arith.cmpf ogt, %div3A_979, %gt3A_984 : vector<4x8x1024xf32>
        %broadcast_in_dim3A_986 = vector.broadcast %while3A_43 : f32 to vector<4x8x1024xf32>
        %select_n3A_987 = arith.select %gt3A_985, %broadcast_in_dim3A_986, %select_n3A_895 : vector<4x8x1024xi1>, vector<4x8x1024xf32>
        %select_n3A_988 = arith.select %eq3A_920, %neg3A_982, %select_n3A_987 : vector<4x8x1024xi1>, vector<4x8x1024xf32>
        %reduce_max3A_989 = arith.constant dense<0xFF800000> : vector<4x8xf32>
        %reduce_max3A_990 = vector.multi_reduction <maximumf>, %select_n3A_988, %reduce_max3A_989 [2] : vector<4x8x1024xf32> to vector<4x8xf32>
        %broadcast_in_dim3A_991 = vector.shape_cast %reduce_max3A_990 : vector<4x8xf32> to vector<4x8x1xf32>
        %reduce_max3A_992 = arith.constant dense<0xFF800000> : vector<4x1xf32>
        %reduce_max3A_993 = vector.multi_reduction <maximumf>, %broadcast_in_dim3A_991, %reduce_max3A_992 [1] : vector<4x8x1xf32> to vector<4x1xf32>
        %broadcast_in_dim3A_994 = vector.shape_cast %reduce_max3A_993 : vector<4x1xf32> to vector<4x1x1xf32>
        %eq3A_995 = vector.broadcast %broadcast_in_dim3A_994 : vector<4x1x1xf32> to vector<4x8x1024xf32>
        %eq3A_996 = arith.cmpf oeq, %select_n3A_988, %eq3A_995 : vector<4x8x1024xf32>
        %jit3A_997 = arith.constant 1073741824 : i32
        %broadcast_in_dim3A_998 = vector.broadcast %jit3A_997 : i32 to vector<4x8x1024xi32>
        %select_n3A_999 = arith.select %eq3A_996, %get3A_37, %broadcast_in_dim3A_998 : vector<4x8x1024xi1>, vector<4x8x1024xi32>
        %reduce_min3A_1000 = arith.constant dense<2147483647> : vector<4x8xi32>
        %reduce_min3A_1001 = vector.multi_reduction <minsi>, %select_n3A_999, %reduce_min3A_1000 [2] : vector<4x8x1024xi32> to vector<4x8xi32>
        %broadcast_in_dim3A_1002 = vector.shape_cast %reduce_min3A_1001 : vector<4x8xi32> to vector<4x8x1xi32>
        %reduce_min3A_1003 = arith.constant dense<2147483647> : vector<4x1xi32>
        %reduce_min3A_1004 = vector.multi_reduction <minsi>, %broadcast_in_dim3A_1002, %reduce_min3A_1003 [1] : vector<4x8x1xi32> to vector<4x1xi32>
        %broadcast_in_dim3A_1005 = vector.shape_cast %reduce_min3A_1004 : vector<4x1xi32> to vector<4x1x1xi32>
        %gt3A_1006 = arith.constant 0.000000e+00 : f32
        %gt3A_1007 = vector.broadcast %gt3A_1006 : f32 to vector<4x1x1xf32>
        %gt3A_1008 = arith.cmpf ogt, %broadcast_in_dim3A_994, %gt3A_1007 : vector<4x1x1xf32>
        %jit3A_1009 = arith.constant -1 : i32
        %broadcast_in_dim3A_1010 = vector.broadcast %jit3A_1009 : i32 to vector<4x1x1xi32>
        %select_n3A_1011 = arith.select %gt3A_1008, %broadcast_in_dim3A_1005, %broadcast_in_dim3A_1010 : vector<4x1x1xi1>, vector<4x1x1xi32>
        %eq3A_1012 = vector.broadcast %select_n3A_1011 : vector<4x1x1xi32> to vector<4x8x1024xi32>
        %eq3A_1013 = arith.cmpi eq, %get3A_37, %eq3A_1012 : vector<4x8x1024xi32>
        %broadcast_in_dim3A_1014 = vector.broadcast %while3A : f32 to vector<4x8x1024xf32>
        %select_n3A_1015 = arith.select %eq3A_1013, %get3A_20, %broadcast_in_dim3A_1014 : vector<4x8x1024xi1>, vector<4x8x1024xf32>
        %reduce_max3A_1016 = arith.constant dense<0xFF800000> : vector<4x8xf32>
        %reduce_max3A_1017 = vector.multi_reduction <maximumf>, %select_n3A_1015, %reduce_max3A_1016 [2] : vector<4x8x1024xf32> to vector<4x8xf32>
        %broadcast_in_dim3A_1018 = vector.shape_cast %reduce_max3A_1017 : vector<4x8xf32> to vector<4x8x1xf32>
        %reduce_max3A_1019 = arith.constant dense<0xFF800000> : vector<4x1xf32>
        %reduce_max3A_1020 = vector.multi_reduction <maximumf>, %broadcast_in_dim3A_1018, %reduce_max3A_1019 [1] : vector<4x8x1xf32> to vector<4x1xf32>
        %broadcast_in_dim3A_1021 = vector.shape_cast %reduce_max3A_1020 : vector<4x1xf32> to vector<4x1x1xf32>
        %broadcast_in_dim3A_1022 = vector.broadcast %while3A : f32 to vector<4x8x1024xf32>
        %select_n3A_1023 = arith.select %eq3A_1013, %get3A_24, %broadcast_in_dim3A_1022 : vector<4x8x1024xi1>, vector<4x8x1024xf32>
        %reduce_max3A_1024 = arith.constant dense<0xFF800000> : vector<4x8xf32>
        %reduce_max3A_1025 = vector.multi_reduction <maximumf>, %select_n3A_1023, %reduce_max3A_1024 [2] : vector<4x8x1024xf32> to vector<4x8xf32>
        %broadcast_in_dim3A_1026 = vector.shape_cast %reduce_max3A_1025 : vector<4x8xf32> to vector<4x8x1xf32>
        %reduce_max3A_1027 = arith.constant dense<0xFF800000> : vector<4x1xf32>
        %reduce_max3A_1028 = vector.multi_reduction <maximumf>, %broadcast_in_dim3A_1026, %reduce_max3A_1027 [1] : vector<4x8x1xf32> to vector<4x1xf32>
        %broadcast_in_dim3A_1029 = vector.shape_cast %reduce_max3A_1028 : vector<4x1xf32> to vector<4x1x1xf32>
        %broadcast_in_dim3A_1030 = vector.broadcast %while3A : f32 to vector<4x8x1024xf32>
        %select_n3A_1031 = arith.select %eq3A_1013, %get3A_28, %broadcast_in_dim3A_1030 : vector<4x8x1024xi1>, vector<4x8x1024xf32>
        %reduce_max3A_1032 = arith.constant dense<0xFF800000> : vector<4x8xf32>
        %reduce_max3A_1033 = vector.multi_reduction <maximumf>, %select_n3A_1031, %reduce_max3A_1032 [2] : vector<4x8x1024xf32> to vector<4x8xf32>
        %broadcast_in_dim3A_1034 = vector.shape_cast %reduce_max3A_1033 : vector<4x8xf32> to vector<4x8x1xf32>
        %reduce_max3A_1035 = arith.constant dense<0xFF800000> : vector<4x1xf32>
        %reduce_max3A_1036 = vector.multi_reduction <maximumf>, %broadcast_in_dim3A_1034, %reduce_max3A_1035 [1] : vector<4x8x1xf32> to vector<4x1xf32>
        %broadcast_in_dim3A_1037 = vector.shape_cast %reduce_max3A_1036 : vector<4x1xf32> to vector<4x1x1xf32>
        %broadcast_in_dim3A_1038 = vector.broadcast %while3A : f32 to vector<4x8x1024xf32>
        %select_n3A_1039 = arith.select %eq3A_1013, %get3A_32, %broadcast_in_dim3A_1038 : vector<4x8x1024xi1>, vector<4x8x1024xf32>
        %reduce_max3A_1040 = arith.constant dense<0xFF800000> : vector<4x8xf32>
        %reduce_max3A_1041 = vector.multi_reduction <maximumf>, %select_n3A_1039, %reduce_max3A_1040 [2] : vector<4x8x1024xf32> to vector<4x8xf32>
        %broadcast_in_dim3A_1042 = vector.shape_cast %reduce_max3A_1041 : vector<4x8xf32> to vector<4x8x1xf32>
        %reduce_max3A_1043 = arith.constant dense<0xFF800000> : vector<4x1xf32>
        %reduce_max3A_1044 = vector.multi_reduction <maximumf>, %broadcast_in_dim3A_1042, %reduce_max3A_1043 [1] : vector<4x8x1xf32> to vector<4x1xf32>
        %broadcast_in_dim3A_1045 = vector.shape_cast %reduce_max3A_1044 : vector<4x1xf32> to vector<4x1x1xf32>
        %sub3A_1046 = arith.subf %broadcast_in_dim3A_1037, %broadcast_in_dim3A_1021 : vector<4x1x1xf32>
        %sub3A_1047 = arith.subf %broadcast_in_dim3A_1045, %broadcast_in_dim3A_1029 : vector<4x1x1xf32>
        %mul3A_1048 = arith.mulf %sub3A_1046, %sub3A_1047 : vector<4x1x1xf32>
        %max3A_1049 = vector.broadcast %broadcast_in_dim3A_1021 : vector<4x1x1xf32> to vector<4x8x1024xf32>
        %max3A_1050 = arith.maximumf %max3A_1049, %get3A_20 : vector<4x8x1024xf32>
        %max3A_1051 = vector.broadcast %broadcast_in_dim3A_1029 : vector<4x1x1xf32> to vector<4x8x1024xf32>
        %max3A_1052 = arith.maximumf %max3A_1051, %get3A_24 : vector<4x8x1024xf32>
        %min3A_1053 = vector.broadcast %broadcast_in_dim3A_1037 : vector<4x1x1xf32> to vector<4x8x1024xf32>
        %min3A_1054 = arith.minimumf %min3A_1053, %get3A_28 : vector<4x8x1024xf32>
        %min3A_1055 = vector.broadcast %broadcast_in_dim3A_1045 : vector<4x1x1xf32> to vector<4x8x1024xf32>
        %min3A_1056 = arith.minimumf %min3A_1055, %get3A_32 : vector<4x8x1024xf32>
        %sub3A_1057 = arith.subf %min3A_1054, %max3A_1050 : vector<4x8x1024xf32>
        %max3A_1058 = arith.constant 0.000000e+00 : f32
        %max3A_1059 = vector.broadcast %max3A_1058 : f32 to vector<4x8x1024xf32>
        %max3A_1060 = arith.maximumf %max3A_1059, %sub3A_1057 : vector<4x8x1024xf32>
        %sub3A_1061 = arith.subf %min3A_1056, %max3A_1052 : vector<4x8x1024xf32>
        %max3A_1062 = arith.constant 0.000000e+00 : f32
        %max3A_1063 = vector.broadcast %max3A_1062 : f32 to vector<4x8x1024xf32>
        %max3A_1064 = arith.maximumf %max3A_1063, %sub3A_1061 : vector<4x8x1024xf32>
        %mul3A_1065 = arith.mulf %max3A_1060, %max3A_1064 : vector<4x8x1024xf32>
        %add3A_1066 = vector.broadcast %mul3A_1048 : vector<4x1x1xf32> to vector<4x8x1024xf32>
        %add3A_1067 = arith.addf %add3A_1066, %mul3A : vector<4x8x1024xf32>
        %sub3A_1068 = arith.subf %add3A_1067, %mul3A_1065 : vector<4x8x1024xf32>
        %add3A_1069 = arith.constant 9.99999996E-13 : f32
        %add3A_1070 = vector.broadcast %add3A_1069 : f32 to vector<4x8x1024xf32>
        %add3A_1071 = arith.addf %sub3A_1068, %add3A_1070 : vector<4x8x1024xf32>
        %div3A_1072 = arith.divf %mul3A_1065, %add3A_1071 : vector<4x8x1024xf32>
        %neg3A_1073 = arith.constant 0.000000e+00 : f32
        %neg3A_1074 = vector.broadcast %neg3A_1073 : f32 to vector<4x8x1024xf32>
        %neg3A_1075 = arith.subf %neg3A_1074, %select_n3A_988 : vector<4x8x1024xf32>
        %gt3A_1076 = arith.constant 5.000000e-01 : f32
        %gt3A_1077 = vector.broadcast %gt3A_1076 : f32 to vector<4x8x1024xf32>
        %gt3A_1078 = arith.cmpf ogt, %div3A_1072, %gt3A_1077 : vector<4x8x1024xf32>
        %broadcast_in_dim3A_1079 = vector.broadcast %while3A_43 : f32 to vector<4x8x1024xf32>
        %select_n3A_1080 = arith.select %gt3A_1078, %broadcast_in_dim3A_1079, %select_n3A_988 : vector<4x8x1024xi1>, vector<4x8x1024xf32>
        %select_n3A_1081 = arith.select %eq3A_1013, %neg3A_1075, %select_n3A_1080 : vector<4x8x1024xi1>, vector<4x8x1024xf32>
        %reduce_max3A_1082 = arith.constant dense<0xFF800000> : vector<4x8xf32>
        %reduce_max3A_1083 = vector.multi_reduction <maximumf>, %select_n3A_1081, %reduce_max3A_1082 [2] : vector<4x8x1024xf32> to vector<4x8xf32>
        %broadcast_in_dim3A_1084 = vector.shape_cast %reduce_max3A_1083 : vector<4x8xf32> to vector<4x8x1xf32>
        %reduce_max3A_1085 = arith.constant dense<0xFF800000> : vector<4x1xf32>
        %reduce_max3A_1086 = vector.multi_reduction <maximumf>, %broadcast_in_dim3A_1084, %reduce_max3A_1085 [1] : vector<4x8x1xf32> to vector<4x1xf32>
        %broadcast_in_dim3A_1087 = vector.shape_cast %reduce_max3A_1086 : vector<4x1xf32> to vector<4x1x1xf32>
        %eq3A_1088 = vector.broadcast %broadcast_in_dim3A_1087 : vector<4x1x1xf32> to vector<4x8x1024xf32>
        %eq3A_1089 = arith.cmpf oeq, %select_n3A_1081, %eq3A_1088 : vector<4x8x1024xf32>
        %jit3A_1090 = arith.constant 1073741824 : i32
        %broadcast_in_dim3A_1091 = vector.broadcast %jit3A_1090 : i32 to vector<4x8x1024xi32>
        %select_n3A_1092 = arith.select %eq3A_1089, %get3A_37, %broadcast_in_dim3A_1091 : vector<4x8x1024xi1>, vector<4x8x1024xi32>
        %reduce_min3A_1093 = arith.constant dense<2147483647> : vector<4x8xi32>
        %reduce_min3A_1094 = vector.multi_reduction <minsi>, %select_n3A_1092, %reduce_min3A_1093 [2] : vector<4x8x1024xi32> to vector<4x8xi32>
        %broadcast_in_dim3A_1095 = vector.shape_cast %reduce_min3A_1094 : vector<4x8xi32> to vector<4x8x1xi32>
        %reduce_min3A_1096 = arith.constant dense<2147483647> : vector<4x1xi32>
        %reduce_min3A_1097 = vector.multi_reduction <minsi>, %broadcast_in_dim3A_1095, %reduce_min3A_1096 [1] : vector<4x8x1xi32> to vector<4x1xi32>
        %broadcast_in_dim3A_1098 = vector.shape_cast %reduce_min3A_1097 : vector<4x1xi32> to vector<4x1x1xi32>
        %gt3A_1099 = arith.constant 0.000000e+00 : f32
        %gt3A_1100 = vector.broadcast %gt3A_1099 : f32 to vector<4x1x1xf32>
        %gt3A_1101 = arith.cmpf ogt, %broadcast_in_dim3A_1087, %gt3A_1100 : vector<4x1x1xf32>
        %jit3A_1102 = arith.constant -1 : i32
        %broadcast_in_dim3A_1103 = vector.broadcast %jit3A_1102 : i32 to vector<4x1x1xi32>
        %select_n3A_1104 = arith.select %gt3A_1101, %broadcast_in_dim3A_1098, %broadcast_in_dim3A_1103 : vector<4x1x1xi1>, vector<4x1x1xi32>
        %eq3A_1105 = vector.broadcast %select_n3A_1104 : vector<4x1x1xi32> to vector<4x8x1024xi32>
        %eq3A_1106 = arith.cmpi eq, %get3A_37, %eq3A_1105 : vector<4x8x1024xi32>
        %broadcast_in_dim3A_1107 = vector.broadcast %while3A : f32 to vector<4x8x1024xf32>
        %select_n3A_1108 = arith.select %eq3A_1106, %get3A_20, %broadcast_in_dim3A_1107 : vector<4x8x1024xi1>, vector<4x8x1024xf32>
        %reduce_max3A_1109 = arith.constant dense<0xFF800000> : vector<4x8xf32>
        %reduce_max3A_1110 = vector.multi_reduction <maximumf>, %select_n3A_1108, %reduce_max3A_1109 [2] : vector<4x8x1024xf32> to vector<4x8xf32>
        %broadcast_in_dim3A_1111 = vector.shape_cast %reduce_max3A_1110 : vector<4x8xf32> to vector<4x8x1xf32>
        %reduce_max3A_1112 = arith.constant dense<0xFF800000> : vector<4x1xf32>
        %reduce_max3A_1113 = vector.multi_reduction <maximumf>, %broadcast_in_dim3A_1111, %reduce_max3A_1112 [1] : vector<4x8x1xf32> to vector<4x1xf32>
        %broadcast_in_dim3A_1114 = vector.shape_cast %reduce_max3A_1113 : vector<4x1xf32> to vector<4x1x1xf32>
        %broadcast_in_dim3A_1115 = vector.broadcast %while3A : f32 to vector<4x8x1024xf32>
        %select_n3A_1116 = arith.select %eq3A_1106, %get3A_24, %broadcast_in_dim3A_1115 : vector<4x8x1024xi1>, vector<4x8x1024xf32>
        %reduce_max3A_1117 = arith.constant dense<0xFF800000> : vector<4x8xf32>
        %reduce_max3A_1118 = vector.multi_reduction <maximumf>, %select_n3A_1116, %reduce_max3A_1117 [2] : vector<4x8x1024xf32> to vector<4x8xf32>
        %broadcast_in_dim3A_1119 = vector.shape_cast %reduce_max3A_1118 : vector<4x8xf32> to vector<4x8x1xf32>
        %reduce_max3A_1120 = arith.constant dense<0xFF800000> : vector<4x1xf32>
        %reduce_max3A_1121 = vector.multi_reduction <maximumf>, %broadcast_in_dim3A_1119, %reduce_max3A_1120 [1] : vector<4x8x1xf32> to vector<4x1xf32>
        %broadcast_in_dim3A_1122 = vector.shape_cast %reduce_max3A_1121 : vector<4x1xf32> to vector<4x1x1xf32>
        %broadcast_in_dim3A_1123 = vector.broadcast %while3A : f32 to vector<4x8x1024xf32>
        %select_n3A_1124 = arith.select %eq3A_1106, %get3A_28, %broadcast_in_dim3A_1123 : vector<4x8x1024xi1>, vector<4x8x1024xf32>
        %reduce_max3A_1125 = arith.constant dense<0xFF800000> : vector<4x8xf32>
        %reduce_max3A_1126 = vector.multi_reduction <maximumf>, %select_n3A_1124, %reduce_max3A_1125 [2] : vector<4x8x1024xf32> to vector<4x8xf32>
        %broadcast_in_dim3A_1127 = vector.shape_cast %reduce_max3A_1126 : vector<4x8xf32> to vector<4x8x1xf32>
        %reduce_max3A_1128 = arith.constant dense<0xFF800000> : vector<4x1xf32>
        %reduce_max3A_1129 = vector.multi_reduction <maximumf>, %broadcast_in_dim3A_1127, %reduce_max3A_1128 [1] : vector<4x8x1xf32> to vector<4x1xf32>
        %broadcast_in_dim3A_1130 = vector.shape_cast %reduce_max3A_1129 : vector<4x1xf32> to vector<4x1x1xf32>
        %broadcast_in_dim3A_1131 = vector.broadcast %while3A : f32 to vector<4x8x1024xf32>
        %select_n3A_1132 = arith.select %eq3A_1106, %get3A_32, %broadcast_in_dim3A_1131 : vector<4x8x1024xi1>, vector<4x8x1024xf32>
        %reduce_max3A_1133 = arith.constant dense<0xFF800000> : vector<4x8xf32>
        %reduce_max3A_1134 = vector.multi_reduction <maximumf>, %select_n3A_1132, %reduce_max3A_1133 [2] : vector<4x8x1024xf32> to vector<4x8xf32>
        %broadcast_in_dim3A_1135 = vector.shape_cast %reduce_max3A_1134 : vector<4x8xf32> to vector<4x8x1xf32>
        %reduce_max3A_1136 = arith.constant dense<0xFF800000> : vector<4x1xf32>
        %reduce_max3A_1137 = vector.multi_reduction <maximumf>, %broadcast_in_dim3A_1135, %reduce_max3A_1136 [1] : vector<4x8x1xf32> to vector<4x1xf32>
        %broadcast_in_dim3A_1138 = vector.shape_cast %reduce_max3A_1137 : vector<4x1xf32> to vector<4x1x1xf32>
        %sub3A_1139 = arith.subf %broadcast_in_dim3A_1130, %broadcast_in_dim3A_1114 : vector<4x1x1xf32>
        %sub3A_1140 = arith.subf %broadcast_in_dim3A_1138, %broadcast_in_dim3A_1122 : vector<4x1x1xf32>
        %mul3A_1141 = arith.mulf %sub3A_1139, %sub3A_1140 : vector<4x1x1xf32>
        %max3A_1142 = vector.broadcast %broadcast_in_dim3A_1114 : vector<4x1x1xf32> to vector<4x8x1024xf32>
        %max3A_1143 = arith.maximumf %max3A_1142, %get3A_20 : vector<4x8x1024xf32>
        %max3A_1144 = vector.broadcast %broadcast_in_dim3A_1122 : vector<4x1x1xf32> to vector<4x8x1024xf32>
        %max3A_1145 = arith.maximumf %max3A_1144, %get3A_24 : vector<4x8x1024xf32>
        %min3A_1146 = vector.broadcast %broadcast_in_dim3A_1130 : vector<4x1x1xf32> to vector<4x8x1024xf32>
        %min3A_1147 = arith.minimumf %min3A_1146, %get3A_28 : vector<4x8x1024xf32>
        %min3A_1148 = vector.broadcast %broadcast_in_dim3A_1138 : vector<4x1x1xf32> to vector<4x8x1024xf32>
        %min3A_1149 = arith.minimumf %min3A_1148, %get3A_32 : vector<4x8x1024xf32>
        %sub3A_1150 = arith.subf %min3A_1147, %max3A_1143 : vector<4x8x1024xf32>
        %max3A_1151 = arith.constant 0.000000e+00 : f32
        %max3A_1152 = vector.broadcast %max3A_1151 : f32 to vector<4x8x1024xf32>
        %max3A_1153 = arith.maximumf %max3A_1152, %sub3A_1150 : vector<4x8x1024xf32>
        %sub3A_1154 = arith.subf %min3A_1149, %max3A_1145 : vector<4x8x1024xf32>
        %max3A_1155 = arith.constant 0.000000e+00 : f32
        %max3A_1156 = vector.broadcast %max3A_1155 : f32 to vector<4x8x1024xf32>
        %max3A_1157 = arith.maximumf %max3A_1156, %sub3A_1154 : vector<4x8x1024xf32>
        %mul3A_1158 = arith.mulf %max3A_1153, %max3A_1157 : vector<4x8x1024xf32>
        %add3A_1159 = vector.broadcast %mul3A_1141 : vector<4x1x1xf32> to vector<4x8x1024xf32>
        %add3A_1160 = arith.addf %add3A_1159, %mul3A : vector<4x8x1024xf32>
        %sub3A_1161 = arith.subf %add3A_1160, %mul3A_1158 : vector<4x8x1024xf32>
        %add3A_1162 = arith.constant 9.99999996E-13 : f32
        %add3A_1163 = vector.broadcast %add3A_1162 : f32 to vector<4x8x1024xf32>
        %add3A_1164 = arith.addf %sub3A_1161, %add3A_1163 : vector<4x8x1024xf32>
        %div3A_1165 = arith.divf %mul3A_1158, %add3A_1164 : vector<4x8x1024xf32>
        %neg3A_1166 = arith.constant 0.000000e+00 : f32
        %neg3A_1167 = vector.broadcast %neg3A_1166 : f32 to vector<4x8x1024xf32>
        %neg3A_1168 = arith.subf %neg3A_1167, %select_n3A_1081 : vector<4x8x1024xf32>
        %gt3A_1169 = arith.constant 5.000000e-01 : f32
        %gt3A_1170 = vector.broadcast %gt3A_1169 : f32 to vector<4x8x1024xf32>
        %gt3A_1171 = arith.cmpf ogt, %div3A_1165, %gt3A_1170 : vector<4x8x1024xf32>
        %broadcast_in_dim3A_1172 = vector.broadcast %while3A_43 : f32 to vector<4x8x1024xf32>
        %select_n3A_1173 = arith.select %gt3A_1171, %broadcast_in_dim3A_1172, %select_n3A_1081 : vector<4x8x1024xi1>, vector<4x8x1024xf32>
        %select_n3A_1174 = arith.select %eq3A_1106, %neg3A_1168, %select_n3A_1173 : vector<4x8x1024xi1>, vector<4x8x1024xf32>
        %reduce_max3A_1175 = arith.constant dense<0xFF800000> : vector<4x8xf32>
        %reduce_max3A_1176 = vector.multi_reduction <maximumf>, %select_n3A_1174, %reduce_max3A_1175 [2] : vector<4x8x1024xf32> to vector<4x8xf32>
        %broadcast_in_dim3A_1177 = vector.shape_cast %reduce_max3A_1176 : vector<4x8xf32> to vector<4x8x1xf32>
        %reduce_max3A_1178 = arith.constant dense<0xFF800000> : vector<4x1xf32>
        %reduce_max3A_1179 = vector.multi_reduction <maximumf>, %broadcast_in_dim3A_1177, %reduce_max3A_1178 [1] : vector<4x8x1xf32> to vector<4x1xf32>
        %broadcast_in_dim3A_1180 = vector.shape_cast %reduce_max3A_1179 : vector<4x1xf32> to vector<4x1x1xf32>
        %eq3A_1181 = vector.broadcast %broadcast_in_dim3A_1180 : vector<4x1x1xf32> to vector<4x8x1024xf32>
        %eq3A_1182 = arith.cmpf oeq, %select_n3A_1174, %eq3A_1181 : vector<4x8x1024xf32>
        %jit3A_1183 = arith.constant 1073741824 : i32
        %broadcast_in_dim3A_1184 = vector.broadcast %jit3A_1183 : i32 to vector<4x8x1024xi32>
        %select_n3A_1185 = arith.select %eq3A_1182, %get3A_37, %broadcast_in_dim3A_1184 : vector<4x8x1024xi1>, vector<4x8x1024xi32>
        %reduce_min3A_1186 = arith.constant dense<2147483647> : vector<4x8xi32>
        %reduce_min3A_1187 = vector.multi_reduction <minsi>, %select_n3A_1185, %reduce_min3A_1186 [2] : vector<4x8x1024xi32> to vector<4x8xi32>
        %broadcast_in_dim3A_1188 = vector.shape_cast %reduce_min3A_1187 : vector<4x8xi32> to vector<4x8x1xi32>
        %reduce_min3A_1189 = arith.constant dense<2147483647> : vector<4x1xi32>
        %reduce_min3A_1190 = vector.multi_reduction <minsi>, %broadcast_in_dim3A_1188, %reduce_min3A_1189 [1] : vector<4x8x1xi32> to vector<4x1xi32>
        %broadcast_in_dim3A_1191 = vector.shape_cast %reduce_min3A_1190 : vector<4x1xi32> to vector<4x1x1xi32>
        %gt3A_1192 = arith.constant 0.000000e+00 : f32
        %gt3A_1193 = vector.broadcast %gt3A_1192 : f32 to vector<4x1x1xf32>
        %gt3A_1194 = arith.cmpf ogt, %broadcast_in_dim3A_1180, %gt3A_1193 : vector<4x1x1xf32>
        %jit3A_1195 = arith.constant -1 : i32
        %broadcast_in_dim3A_1196 = vector.broadcast %jit3A_1195 : i32 to vector<4x1x1xi32>
        %select_n3A_1197 = arith.select %gt3A_1194, %broadcast_in_dim3A_1191, %broadcast_in_dim3A_1196 : vector<4x1x1xi1>, vector<4x1x1xi32>
        %eq3A_1198 = vector.broadcast %select_n3A_1197 : vector<4x1x1xi32> to vector<4x8x1024xi32>
        %eq3A_1199 = arith.cmpi eq, %get3A_37, %eq3A_1198 : vector<4x8x1024xi32>
        %broadcast_in_dim3A_1200 = vector.broadcast %while3A : f32 to vector<4x8x1024xf32>
        %select_n3A_1201 = arith.select %eq3A_1199, %get3A_20, %broadcast_in_dim3A_1200 : vector<4x8x1024xi1>, vector<4x8x1024xf32>
        %reduce_max3A_1202 = arith.constant dense<0xFF800000> : vector<4x8xf32>
        %reduce_max3A_1203 = vector.multi_reduction <maximumf>, %select_n3A_1201, %reduce_max3A_1202 [2] : vector<4x8x1024xf32> to vector<4x8xf32>
        %broadcast_in_dim3A_1204 = vector.shape_cast %reduce_max3A_1203 : vector<4x8xf32> to vector<4x8x1xf32>
        %reduce_max3A_1205 = arith.constant dense<0xFF800000> : vector<4x1xf32>
        %reduce_max3A_1206 = vector.multi_reduction <maximumf>, %broadcast_in_dim3A_1204, %reduce_max3A_1205 [1] : vector<4x8x1xf32> to vector<4x1xf32>
        %broadcast_in_dim3A_1207 = vector.shape_cast %reduce_max3A_1206 : vector<4x1xf32> to vector<4x1x1xf32>
        %broadcast_in_dim3A_1208 = vector.broadcast %while3A : f32 to vector<4x8x1024xf32>
        %select_n3A_1209 = arith.select %eq3A_1199, %get3A_24, %broadcast_in_dim3A_1208 : vector<4x8x1024xi1>, vector<4x8x1024xf32>
        %reduce_max3A_1210 = arith.constant dense<0xFF800000> : vector<4x8xf32>
        %reduce_max3A_1211 = vector.multi_reduction <maximumf>, %select_n3A_1209, %reduce_max3A_1210 [2] : vector<4x8x1024xf32> to vector<4x8xf32>
        %broadcast_in_dim3A_1212 = vector.shape_cast %reduce_max3A_1211 : vector<4x8xf32> to vector<4x8x1xf32>
        %reduce_max3A_1213 = arith.constant dense<0xFF800000> : vector<4x1xf32>
        %reduce_max3A_1214 = vector.multi_reduction <maximumf>, %broadcast_in_dim3A_1212, %reduce_max3A_1213 [1] : vector<4x8x1xf32> to vector<4x1xf32>
        %broadcast_in_dim3A_1215 = vector.shape_cast %reduce_max3A_1214 : vector<4x1xf32> to vector<4x1x1xf32>
        %broadcast_in_dim3A_1216 = vector.broadcast %while3A : f32 to vector<4x8x1024xf32>
        %select_n3A_1217 = arith.select %eq3A_1199, %get3A_28, %broadcast_in_dim3A_1216 : vector<4x8x1024xi1>, vector<4x8x1024xf32>
        %reduce_max3A_1218 = arith.constant dense<0xFF800000> : vector<4x8xf32>
        %reduce_max3A_1219 = vector.multi_reduction <maximumf>, %select_n3A_1217, %reduce_max3A_1218 [2] : vector<4x8x1024xf32> to vector<4x8xf32>
        %broadcast_in_dim3A_1220 = vector.shape_cast %reduce_max3A_1219 : vector<4x8xf32> to vector<4x8x1xf32>
        %reduce_max3A_1221 = arith.constant dense<0xFF800000> : vector<4x1xf32>
        %reduce_max3A_1222 = vector.multi_reduction <maximumf>, %broadcast_in_dim3A_1220, %reduce_max3A_1221 [1] : vector<4x8x1xf32> to vector<4x1xf32>
        %broadcast_in_dim3A_1223 = vector.shape_cast %reduce_max3A_1222 : vector<4x1xf32> to vector<4x1x1xf32>
        %broadcast_in_dim3A_1224 = vector.broadcast %while3A : f32 to vector<4x8x1024xf32>
        %select_n3A_1225 = arith.select %eq3A_1199, %get3A_32, %broadcast_in_dim3A_1224 : vector<4x8x1024xi1>, vector<4x8x1024xf32>
        %reduce_max3A_1226 = arith.constant dense<0xFF800000> : vector<4x8xf32>
        %reduce_max3A_1227 = vector.multi_reduction <maximumf>, %select_n3A_1225, %reduce_max3A_1226 [2] : vector<4x8x1024xf32> to vector<4x8xf32>
        %broadcast_in_dim3A_1228 = vector.shape_cast %reduce_max3A_1227 : vector<4x8xf32> to vector<4x8x1xf32>
        %reduce_max3A_1229 = arith.constant dense<0xFF800000> : vector<4x1xf32>
        %reduce_max3A_1230 = vector.multi_reduction <maximumf>, %broadcast_in_dim3A_1228, %reduce_max3A_1229 [1] : vector<4x8x1xf32> to vector<4x1xf32>
        %broadcast_in_dim3A_1231 = vector.shape_cast %reduce_max3A_1230 : vector<4x1xf32> to vector<4x1x1xf32>
        %sub3A_1232 = arith.subf %broadcast_in_dim3A_1223, %broadcast_in_dim3A_1207 : vector<4x1x1xf32>
        %sub3A_1233 = arith.subf %broadcast_in_dim3A_1231, %broadcast_in_dim3A_1215 : vector<4x1x1xf32>
        %mul3A_1234 = arith.mulf %sub3A_1232, %sub3A_1233 : vector<4x1x1xf32>
        %max3A_1235 = vector.broadcast %broadcast_in_dim3A_1207 : vector<4x1x1xf32> to vector<4x8x1024xf32>
        %max3A_1236 = arith.maximumf %max3A_1235, %get3A_20 : vector<4x8x1024xf32>
        %max3A_1237 = vector.broadcast %broadcast_in_dim3A_1215 : vector<4x1x1xf32> to vector<4x8x1024xf32>
        %max3A_1238 = arith.maximumf %max3A_1237, %get3A_24 : vector<4x8x1024xf32>
        %min3A_1239 = vector.broadcast %broadcast_in_dim3A_1223 : vector<4x1x1xf32> to vector<4x8x1024xf32>
        %min3A_1240 = arith.minimumf %min3A_1239, %get3A_28 : vector<4x8x1024xf32>
        %min3A_1241 = vector.broadcast %broadcast_in_dim3A_1231 : vector<4x1x1xf32> to vector<4x8x1024xf32>
        %min3A_1242 = arith.minimumf %min3A_1241, %get3A_32 : vector<4x8x1024xf32>
        %sub3A_1243 = arith.subf %min3A_1240, %max3A_1236 : vector<4x8x1024xf32>
        %max3A_1244 = arith.constant 0.000000e+00 : f32
        %max3A_1245 = vector.broadcast %max3A_1244 : f32 to vector<4x8x1024xf32>
        %max3A_1246 = arith.maximumf %max3A_1245, %sub3A_1243 : vector<4x8x1024xf32>
        %sub3A_1247 = arith.subf %min3A_1242, %max3A_1238 : vector<4x8x1024xf32>
        %max3A_1248 = arith.constant 0.000000e+00 : f32
        %max3A_1249 = vector.broadcast %max3A_1248 : f32 to vector<4x8x1024xf32>
        %max3A_1250 = arith.maximumf %max3A_1249, %sub3A_1247 : vector<4x8x1024xf32>
        %mul3A_1251 = arith.mulf %max3A_1246, %max3A_1250 : vector<4x8x1024xf32>
        %add3A_1252 = vector.broadcast %mul3A_1234 : vector<4x1x1xf32> to vector<4x8x1024xf32>
        %add3A_1253 = arith.addf %add3A_1252, %mul3A : vector<4x8x1024xf32>
        %sub3A_1254 = arith.subf %add3A_1253, %mul3A_1251 : vector<4x8x1024xf32>
        %add3A_1255 = arith.constant 9.99999996E-13 : f32
        %add3A_1256 = vector.broadcast %add3A_1255 : f32 to vector<4x8x1024xf32>
        %add3A_1257 = arith.addf %sub3A_1254, %add3A_1256 : vector<4x8x1024xf32>
        %div3A_1258 = arith.divf %mul3A_1251, %add3A_1257 : vector<4x8x1024xf32>
        %neg3A_1259 = arith.constant 0.000000e+00 : f32
        %neg3A_1260 = vector.broadcast %neg3A_1259 : f32 to vector<4x8x1024xf32>
        %neg3A_1261 = arith.subf %neg3A_1260, %select_n3A_1174 : vector<4x8x1024xf32>
        %gt3A_1262 = arith.constant 5.000000e-01 : f32
        %gt3A_1263 = vector.broadcast %gt3A_1262 : f32 to vector<4x8x1024xf32>
        %gt3A_1264 = arith.cmpf ogt, %div3A_1258, %gt3A_1263 : vector<4x8x1024xf32>
        %broadcast_in_dim3A_1265 = vector.broadcast %while3A_43 : f32 to vector<4x8x1024xf32>
        %select_n3A_1266 = arith.select %gt3A_1264, %broadcast_in_dim3A_1265, %select_n3A_1174 : vector<4x8x1024xi1>, vector<4x8x1024xf32>
        %select_n3A_1267 = arith.select %eq3A_1199, %neg3A_1261, %select_n3A_1266 : vector<4x8x1024xi1>, vector<4x8x1024xf32>
        %reduce_max3A_1268 = arith.constant dense<0xFF800000> : vector<4x8xf32>
        %reduce_max3A_1269 = vector.multi_reduction <maximumf>, %select_n3A_1267, %reduce_max3A_1268 [2] : vector<4x8x1024xf32> to vector<4x8xf32>
        %broadcast_in_dim3A_1270 = vector.shape_cast %reduce_max3A_1269 : vector<4x8xf32> to vector<4x8x1xf32>
        %reduce_max3A_1271 = arith.constant dense<0xFF800000> : vector<4x1xf32>
        %reduce_max3A_1272 = vector.multi_reduction <maximumf>, %broadcast_in_dim3A_1270, %reduce_max3A_1271 [1] : vector<4x8x1xf32> to vector<4x1xf32>
        %broadcast_in_dim3A_1273 = vector.shape_cast %reduce_max3A_1272 : vector<4x1xf32> to vector<4x1x1xf32>
        %eq3A_1274 = vector.broadcast %broadcast_in_dim3A_1273 : vector<4x1x1xf32> to vector<4x8x1024xf32>
        %eq3A_1275 = arith.cmpf oeq, %select_n3A_1267, %eq3A_1274 : vector<4x8x1024xf32>
        %jit3A_1276 = arith.constant 1073741824 : i32
        %broadcast_in_dim3A_1277 = vector.broadcast %jit3A_1276 : i32 to vector<4x8x1024xi32>
        %select_n3A_1278 = arith.select %eq3A_1275, %get3A_37, %broadcast_in_dim3A_1277 : vector<4x8x1024xi1>, vector<4x8x1024xi32>
        %reduce_min3A_1279 = arith.constant dense<2147483647> : vector<4x8xi32>
        %reduce_min3A_1280 = vector.multi_reduction <minsi>, %select_n3A_1278, %reduce_min3A_1279 [2] : vector<4x8x1024xi32> to vector<4x8xi32>
        %broadcast_in_dim3A_1281 = vector.shape_cast %reduce_min3A_1280 : vector<4x8xi32> to vector<4x8x1xi32>
        %reduce_min3A_1282 = arith.constant dense<2147483647> : vector<4x1xi32>
        %reduce_min3A_1283 = vector.multi_reduction <minsi>, %broadcast_in_dim3A_1281, %reduce_min3A_1282 [1] : vector<4x8x1xi32> to vector<4x1xi32>
        %broadcast_in_dim3A_1284 = vector.shape_cast %reduce_min3A_1283 : vector<4x1xi32> to vector<4x1x1xi32>
        %gt3A_1285 = arith.constant 0.000000e+00 : f32
        %gt3A_1286 = vector.broadcast %gt3A_1285 : f32 to vector<4x1x1xf32>
        %gt3A_1287 = arith.cmpf ogt, %broadcast_in_dim3A_1273, %gt3A_1286 : vector<4x1x1xf32>
        %jit3A_1288 = arith.constant -1 : i32
        %broadcast_in_dim3A_1289 = vector.broadcast %jit3A_1288 : i32 to vector<4x1x1xi32>
        %select_n3A_1290 = arith.select %gt3A_1287, %broadcast_in_dim3A_1284, %broadcast_in_dim3A_1289 : vector<4x1x1xi1>, vector<4x1x1xi32>
        %eq3A_1291 = vector.broadcast %select_n3A_1290 : vector<4x1x1xi32> to vector<4x8x1024xi32>
        %eq3A_1292 = arith.cmpi eq, %get3A_37, %eq3A_1291 : vector<4x8x1024xi32>
        %broadcast_in_dim3A_1293 = vector.broadcast %while3A : f32 to vector<4x8x1024xf32>
        %select_n3A_1294 = arith.select %eq3A_1292, %get3A_20, %broadcast_in_dim3A_1293 : vector<4x8x1024xi1>, vector<4x8x1024xf32>
        %reduce_max3A_1295 = arith.constant dense<0xFF800000> : vector<4x8xf32>
        %reduce_max3A_1296 = vector.multi_reduction <maximumf>, %select_n3A_1294, %reduce_max3A_1295 [2] : vector<4x8x1024xf32> to vector<4x8xf32>
        %broadcast_in_dim3A_1297 = vector.shape_cast %reduce_max3A_1296 : vector<4x8xf32> to vector<4x8x1xf32>
        %reduce_max3A_1298 = arith.constant dense<0xFF800000> : vector<4x1xf32>
        %reduce_max3A_1299 = vector.multi_reduction <maximumf>, %broadcast_in_dim3A_1297, %reduce_max3A_1298 [1] : vector<4x8x1xf32> to vector<4x1xf32>
        %broadcast_in_dim3A_1300 = vector.shape_cast %reduce_max3A_1299 : vector<4x1xf32> to vector<4x1x1xf32>
        %broadcast_in_dim3A_1301 = vector.broadcast %while3A : f32 to vector<4x8x1024xf32>
        %select_n3A_1302 = arith.select %eq3A_1292, %get3A_24, %broadcast_in_dim3A_1301 : vector<4x8x1024xi1>, vector<4x8x1024xf32>
        %reduce_max3A_1303 = arith.constant dense<0xFF800000> : vector<4x8xf32>
        %reduce_max3A_1304 = vector.multi_reduction <maximumf>, %select_n3A_1302, %reduce_max3A_1303 [2] : vector<4x8x1024xf32> to vector<4x8xf32>
        %broadcast_in_dim3A_1305 = vector.shape_cast %reduce_max3A_1304 : vector<4x8xf32> to vector<4x8x1xf32>
        %reduce_max3A_1306 = arith.constant dense<0xFF800000> : vector<4x1xf32>
        %reduce_max3A_1307 = vector.multi_reduction <maximumf>, %broadcast_in_dim3A_1305, %reduce_max3A_1306 [1] : vector<4x8x1xf32> to vector<4x1xf32>
        %broadcast_in_dim3A_1308 = vector.shape_cast %reduce_max3A_1307 : vector<4x1xf32> to vector<4x1x1xf32>
        %broadcast_in_dim3A_1309 = vector.broadcast %while3A : f32 to vector<4x8x1024xf32>
        %select_n3A_1310 = arith.select %eq3A_1292, %get3A_28, %broadcast_in_dim3A_1309 : vector<4x8x1024xi1>, vector<4x8x1024xf32>
        %reduce_max3A_1311 = arith.constant dense<0xFF800000> : vector<4x8xf32>
        %reduce_max3A_1312 = vector.multi_reduction <maximumf>, %select_n3A_1310, %reduce_max3A_1311 [2] : vector<4x8x1024xf32> to vector<4x8xf32>
        %broadcast_in_dim3A_1313 = vector.shape_cast %reduce_max3A_1312 : vector<4x8xf32> to vector<4x8x1xf32>
        %reduce_max3A_1314 = arith.constant dense<0xFF800000> : vector<4x1xf32>
        %reduce_max3A_1315 = vector.multi_reduction <maximumf>, %broadcast_in_dim3A_1313, %reduce_max3A_1314 [1] : vector<4x8x1xf32> to vector<4x1xf32>
        %broadcast_in_dim3A_1316 = vector.shape_cast %reduce_max3A_1315 : vector<4x1xf32> to vector<4x1x1xf32>
        %broadcast_in_dim3A_1317 = vector.broadcast %while3A : f32 to vector<4x8x1024xf32>
        %select_n3A_1318 = arith.select %eq3A_1292, %get3A_32, %broadcast_in_dim3A_1317 : vector<4x8x1024xi1>, vector<4x8x1024xf32>
        %reduce_max3A_1319 = arith.constant dense<0xFF800000> : vector<4x8xf32>
        %reduce_max3A_1320 = vector.multi_reduction <maximumf>, %select_n3A_1318, %reduce_max3A_1319 [2] : vector<4x8x1024xf32> to vector<4x8xf32>
        %broadcast_in_dim3A_1321 = vector.shape_cast %reduce_max3A_1320 : vector<4x8xf32> to vector<4x8x1xf32>
        %reduce_max3A_1322 = arith.constant dense<0xFF800000> : vector<4x1xf32>
        %reduce_max3A_1323 = vector.multi_reduction <maximumf>, %broadcast_in_dim3A_1321, %reduce_max3A_1322 [1] : vector<4x8x1xf32> to vector<4x1xf32>
        %broadcast_in_dim3A_1324 = vector.shape_cast %reduce_max3A_1323 : vector<4x1xf32> to vector<4x1x1xf32>
        %sub3A_1325 = arith.subf %broadcast_in_dim3A_1316, %broadcast_in_dim3A_1300 : vector<4x1x1xf32>
        %sub3A_1326 = arith.subf %broadcast_in_dim3A_1324, %broadcast_in_dim3A_1308 : vector<4x1x1xf32>
        %mul3A_1327 = arith.mulf %sub3A_1325, %sub3A_1326 : vector<4x1x1xf32>
        %max3A_1328 = vector.broadcast %broadcast_in_dim3A_1300 : vector<4x1x1xf32> to vector<4x8x1024xf32>
        %max3A_1329 = arith.maximumf %max3A_1328, %get3A_20 : vector<4x8x1024xf32>
        %max3A_1330 = vector.broadcast %broadcast_in_dim3A_1308 : vector<4x1x1xf32> to vector<4x8x1024xf32>
        %max3A_1331 = arith.maximumf %max3A_1330, %get3A_24 : vector<4x8x1024xf32>
        %min3A_1332 = vector.broadcast %broadcast_in_dim3A_1316 : vector<4x1x1xf32> to vector<4x8x1024xf32>
        %min3A_1333 = arith.minimumf %min3A_1332, %get3A_28 : vector<4x8x1024xf32>
        %min3A_1334 = vector.broadcast %broadcast_in_dim3A_1324 : vector<4x1x1xf32> to vector<4x8x1024xf32>
        %min3A_1335 = arith.minimumf %min3A_1334, %get3A_32 : vector<4x8x1024xf32>
        %sub3A_1336 = arith.subf %min3A_1333, %max3A_1329 : vector<4x8x1024xf32>
        %max3A_1337 = arith.constant 0.000000e+00 : f32
        %max3A_1338 = vector.broadcast %max3A_1337 : f32 to vector<4x8x1024xf32>
        %max3A_1339 = arith.maximumf %max3A_1338, %sub3A_1336 : vector<4x8x1024xf32>
        %sub3A_1340 = arith.subf %min3A_1335, %max3A_1331 : vector<4x8x1024xf32>
        %max3A_1341 = arith.constant 0.000000e+00 : f32
        %max3A_1342 = vector.broadcast %max3A_1341 : f32 to vector<4x8x1024xf32>
        %max3A_1343 = arith.maximumf %max3A_1342, %sub3A_1340 : vector<4x8x1024xf32>
        %mul3A_1344 = arith.mulf %max3A_1339, %max3A_1343 : vector<4x8x1024xf32>
        %add3A_1345 = vector.broadcast %mul3A_1327 : vector<4x1x1xf32> to vector<4x8x1024xf32>
        %add3A_1346 = arith.addf %add3A_1345, %mul3A : vector<4x8x1024xf32>
        %sub3A_1347 = arith.subf %add3A_1346, %mul3A_1344 : vector<4x8x1024xf32>
        %add3A_1348 = arith.constant 9.99999996E-13 : f32
        %add3A_1349 = vector.broadcast %add3A_1348 : f32 to vector<4x8x1024xf32>
        %add3A_1350 = arith.addf %sub3A_1347, %add3A_1349 : vector<4x8x1024xf32>
        %div3A_1351 = arith.divf %mul3A_1344, %add3A_1350 : vector<4x8x1024xf32>
        %neg3A_1352 = arith.constant 0.000000e+00 : f32
        %neg3A_1353 = vector.broadcast %neg3A_1352 : f32 to vector<4x8x1024xf32>
        %neg3A_1354 = arith.subf %neg3A_1353, %select_n3A_1267 : vector<4x8x1024xf32>
        %gt3A_1355 = arith.constant 5.000000e-01 : f32
        %gt3A_1356 = vector.broadcast %gt3A_1355 : f32 to vector<4x8x1024xf32>
        %gt3A_1357 = arith.cmpf ogt, %div3A_1351, %gt3A_1356 : vector<4x8x1024xf32>
        %broadcast_in_dim3A_1358 = vector.broadcast %while3A_43 : f32 to vector<4x8x1024xf32>
        %select_n3A_1359 = arith.select %gt3A_1357, %broadcast_in_dim3A_1358, %select_n3A_1267 : vector<4x8x1024xi1>, vector<4x8x1024xf32>
        %select_n3A_1360 = arith.select %eq3A_1292, %neg3A_1354, %select_n3A_1359 : vector<4x8x1024xi1>, vector<4x8x1024xf32>
        %reduce_max3A_1361 = arith.constant dense<0xFF800000> : vector<4x8xf32>
        %reduce_max3A_1362 = vector.multi_reduction <maximumf>, %select_n3A_1360, %reduce_max3A_1361 [2] : vector<4x8x1024xf32> to vector<4x8xf32>
        %broadcast_in_dim3A_1363 = vector.shape_cast %reduce_max3A_1362 : vector<4x8xf32> to vector<4x8x1xf32>
        %reduce_max3A_1364 = arith.constant dense<0xFF800000> : vector<4x1xf32>
        %reduce_max3A_1365 = vector.multi_reduction <maximumf>, %broadcast_in_dim3A_1363, %reduce_max3A_1364 [1] : vector<4x8x1xf32> to vector<4x1xf32>
        %broadcast_in_dim3A_1366 = vector.shape_cast %reduce_max3A_1365 : vector<4x1xf32> to vector<4x1x1xf32>
        %eq3A_1367 = vector.broadcast %broadcast_in_dim3A_1366 : vector<4x1x1xf32> to vector<4x8x1024xf32>
        %eq3A_1368 = arith.cmpf oeq, %select_n3A_1360, %eq3A_1367 : vector<4x8x1024xf32>
        %jit3A_1369 = arith.constant 1073741824 : i32
        %broadcast_in_dim3A_1370 = vector.broadcast %jit3A_1369 : i32 to vector<4x8x1024xi32>
        %select_n3A_1371 = arith.select %eq3A_1368, %get3A_37, %broadcast_in_dim3A_1370 : vector<4x8x1024xi1>, vector<4x8x1024xi32>
        %reduce_min3A_1372 = arith.constant dense<2147483647> : vector<4x8xi32>
        %reduce_min3A_1373 = vector.multi_reduction <minsi>, %select_n3A_1371, %reduce_min3A_1372 [2] : vector<4x8x1024xi32> to vector<4x8xi32>
        %broadcast_in_dim3A_1374 = vector.shape_cast %reduce_min3A_1373 : vector<4x8xi32> to vector<4x8x1xi32>
        %reduce_min3A_1375 = arith.constant dense<2147483647> : vector<4x1xi32>
        %reduce_min3A_1376 = vector.multi_reduction <minsi>, %broadcast_in_dim3A_1374, %reduce_min3A_1375 [1] : vector<4x8x1xi32> to vector<4x1xi32>
        %broadcast_in_dim3A_1377 = vector.shape_cast %reduce_min3A_1376 : vector<4x1xi32> to vector<4x1x1xi32>
        %gt3A_1378 = arith.constant 0.000000e+00 : f32
        %gt3A_1379 = vector.broadcast %gt3A_1378 : f32 to vector<4x1x1xf32>
        %gt3A_1380 = arith.cmpf ogt, %broadcast_in_dim3A_1366, %gt3A_1379 : vector<4x1x1xf32>
        %jit3A_1381 = arith.constant -1 : i32
        %broadcast_in_dim3A_1382 = vector.broadcast %jit3A_1381 : i32 to vector<4x1x1xi32>
        %select_n3A_1383 = arith.select %gt3A_1380, %broadcast_in_dim3A_1377, %broadcast_in_dim3A_1382 : vector<4x1x1xi1>, vector<4x1x1xi32>
        %eq3A_1384 = vector.broadcast %select_n3A_1383 : vector<4x1x1xi32> to vector<4x8x1024xi32>
        %eq3A_1385 = arith.cmpi eq, %get3A_37, %eq3A_1384 : vector<4x8x1024xi32>
        %broadcast_in_dim3A_1386 = vector.broadcast %while3A : f32 to vector<4x8x1024xf32>
        %select_n3A_1387 = arith.select %eq3A_1385, %get3A_20, %broadcast_in_dim3A_1386 : vector<4x8x1024xi1>, vector<4x8x1024xf32>
        %reduce_max3A_1388 = arith.constant dense<0xFF800000> : vector<4x8xf32>
        %reduce_max3A_1389 = vector.multi_reduction <maximumf>, %select_n3A_1387, %reduce_max3A_1388 [2] : vector<4x8x1024xf32> to vector<4x8xf32>
        %broadcast_in_dim3A_1390 = vector.shape_cast %reduce_max3A_1389 : vector<4x8xf32> to vector<4x8x1xf32>
        %reduce_max3A_1391 = arith.constant dense<0xFF800000> : vector<4x1xf32>
        %reduce_max3A_1392 = vector.multi_reduction <maximumf>, %broadcast_in_dim3A_1390, %reduce_max3A_1391 [1] : vector<4x8x1xf32> to vector<4x1xf32>
        %broadcast_in_dim3A_1393 = vector.shape_cast %reduce_max3A_1392 : vector<4x1xf32> to vector<4x1x1xf32>
        %broadcast_in_dim3A_1394 = vector.broadcast %while3A : f32 to vector<4x8x1024xf32>
        %select_n3A_1395 = arith.select %eq3A_1385, %get3A_24, %broadcast_in_dim3A_1394 : vector<4x8x1024xi1>, vector<4x8x1024xf32>
        %reduce_max3A_1396 = arith.constant dense<0xFF800000> : vector<4x8xf32>
        %reduce_max3A_1397 = vector.multi_reduction <maximumf>, %select_n3A_1395, %reduce_max3A_1396 [2] : vector<4x8x1024xf32> to vector<4x8xf32>
        %broadcast_in_dim3A_1398 = vector.shape_cast %reduce_max3A_1397 : vector<4x8xf32> to vector<4x8x1xf32>
        %reduce_max3A_1399 = arith.constant dense<0xFF800000> : vector<4x1xf32>
        %reduce_max3A_1400 = vector.multi_reduction <maximumf>, %broadcast_in_dim3A_1398, %reduce_max3A_1399 [1] : vector<4x8x1xf32> to vector<4x1xf32>
        %broadcast_in_dim3A_1401 = vector.shape_cast %reduce_max3A_1400 : vector<4x1xf32> to vector<4x1x1xf32>
        %broadcast_in_dim3A_1402 = vector.broadcast %while3A : f32 to vector<4x8x1024xf32>
        %select_n3A_1403 = arith.select %eq3A_1385, %get3A_28, %broadcast_in_dim3A_1402 : vector<4x8x1024xi1>, vector<4x8x1024xf32>
        %reduce_max3A_1404 = arith.constant dense<0xFF800000> : vector<4x8xf32>
        %reduce_max3A_1405 = vector.multi_reduction <maximumf>, %select_n3A_1403, %reduce_max3A_1404 [2] : vector<4x8x1024xf32> to vector<4x8xf32>
        %broadcast_in_dim3A_1406 = vector.shape_cast %reduce_max3A_1405 : vector<4x8xf32> to vector<4x8x1xf32>
        %reduce_max3A_1407 = arith.constant dense<0xFF800000> : vector<4x1xf32>
        %reduce_max3A_1408 = vector.multi_reduction <maximumf>, %broadcast_in_dim3A_1406, %reduce_max3A_1407 [1] : vector<4x8x1xf32> to vector<4x1xf32>
        %broadcast_in_dim3A_1409 = vector.shape_cast %reduce_max3A_1408 : vector<4x1xf32> to vector<4x1x1xf32>
        %broadcast_in_dim3A_1410 = vector.broadcast %while3A : f32 to vector<4x8x1024xf32>
        %select_n3A_1411 = arith.select %eq3A_1385, %get3A_32, %broadcast_in_dim3A_1410 : vector<4x8x1024xi1>, vector<4x8x1024xf32>
        %reduce_max3A_1412 = arith.constant dense<0xFF800000> : vector<4x8xf32>
        %reduce_max3A_1413 = vector.multi_reduction <maximumf>, %select_n3A_1411, %reduce_max3A_1412 [2] : vector<4x8x1024xf32> to vector<4x8xf32>
        %broadcast_in_dim3A_1414 = vector.shape_cast %reduce_max3A_1413 : vector<4x8xf32> to vector<4x8x1xf32>
        %reduce_max3A_1415 = arith.constant dense<0xFF800000> : vector<4x1xf32>
        %reduce_max3A_1416 = vector.multi_reduction <maximumf>, %broadcast_in_dim3A_1414, %reduce_max3A_1415 [1] : vector<4x8x1xf32> to vector<4x1xf32>
        %broadcast_in_dim3A_1417 = vector.shape_cast %reduce_max3A_1416 : vector<4x1xf32> to vector<4x1x1xf32>
        %sub3A_1418 = arith.subf %broadcast_in_dim3A_1409, %broadcast_in_dim3A_1393 : vector<4x1x1xf32>
        %sub3A_1419 = arith.subf %broadcast_in_dim3A_1417, %broadcast_in_dim3A_1401 : vector<4x1x1xf32>
        %mul3A_1420 = arith.mulf %sub3A_1418, %sub3A_1419 : vector<4x1x1xf32>
        %max3A_1421 = vector.broadcast %broadcast_in_dim3A_1393 : vector<4x1x1xf32> to vector<4x8x1024xf32>
        %max3A_1422 = arith.maximumf %max3A_1421, %get3A_20 : vector<4x8x1024xf32>
        %max3A_1423 = vector.broadcast %broadcast_in_dim3A_1401 : vector<4x1x1xf32> to vector<4x8x1024xf32>
        %max3A_1424 = arith.maximumf %max3A_1423, %get3A_24 : vector<4x8x1024xf32>
        %min3A_1425 = vector.broadcast %broadcast_in_dim3A_1409 : vector<4x1x1xf32> to vector<4x8x1024xf32>
        %min3A_1426 = arith.minimumf %min3A_1425, %get3A_28 : vector<4x8x1024xf32>
        %min3A_1427 = vector.broadcast %broadcast_in_dim3A_1417 : vector<4x1x1xf32> to vector<4x8x1024xf32>
        %min3A_1428 = arith.minimumf %min3A_1427, %get3A_32 : vector<4x8x1024xf32>
        %sub3A_1429 = arith.subf %min3A_1426, %max3A_1422 : vector<4x8x1024xf32>
        %max3A_1430 = arith.constant 0.000000e+00 : f32
        %max3A_1431 = vector.broadcast %max3A_1430 : f32 to vector<4x8x1024xf32>
        %max3A_1432 = arith.maximumf %max3A_1431, %sub3A_1429 : vector<4x8x1024xf32>
        %sub3A_1433 = arith.subf %min3A_1428, %max3A_1424 : vector<4x8x1024xf32>
        %max3A_1434 = arith.constant 0.000000e+00 : f32
        %max3A_1435 = vector.broadcast %max3A_1434 : f32 to vector<4x8x1024xf32>
        %max3A_1436 = arith.maximumf %max3A_1435, %sub3A_1433 : vector<4x8x1024xf32>
        %mul3A_1437 = arith.mulf %max3A_1432, %max3A_1436 : vector<4x8x1024xf32>
        %add3A_1438 = vector.broadcast %mul3A_1420 : vector<4x1x1xf32> to vector<4x8x1024xf32>
        %add3A_1439 = arith.addf %add3A_1438, %mul3A : vector<4x8x1024xf32>
        %sub3A_1440 = arith.subf %add3A_1439, %mul3A_1437 : vector<4x8x1024xf32>
        %add3A_1441 = arith.constant 9.99999996E-13 : f32
        %add3A_1442 = vector.broadcast %add3A_1441 : f32 to vector<4x8x1024xf32>
        %add3A_1443 = arith.addf %sub3A_1440, %add3A_1442 : vector<4x8x1024xf32>
        %div3A_1444 = arith.divf %mul3A_1437, %add3A_1443 : vector<4x8x1024xf32>
        %neg3A_1445 = arith.constant 0.000000e+00 : f32
        %neg3A_1446 = vector.broadcast %neg3A_1445 : f32 to vector<4x8x1024xf32>
        %neg3A_1447 = arith.subf %neg3A_1446, %select_n3A_1360 : vector<4x8x1024xf32>
        %gt3A_1448 = arith.constant 5.000000e-01 : f32
        %gt3A_1449 = vector.broadcast %gt3A_1448 : f32 to vector<4x8x1024xf32>
        %gt3A_1450 = arith.cmpf ogt, %div3A_1444, %gt3A_1449 : vector<4x8x1024xf32>
        %broadcast_in_dim3A_1451 = vector.broadcast %while3A_43 : f32 to vector<4x8x1024xf32>
        %select_n3A_1452 = arith.select %gt3A_1450, %broadcast_in_dim3A_1451, %select_n3A_1360 : vector<4x8x1024xi1>, vector<4x8x1024xf32>
        %select_n3A_1453 = arith.select %eq3A_1385, %neg3A_1447, %select_n3A_1452 : vector<4x8x1024xi1>, vector<4x8x1024xf32>
        %reduce_max3A_1454 = arith.constant dense<0xFF800000> : vector<4x8xf32>
        %reduce_max3A_1455 = vector.multi_reduction <maximumf>, %select_n3A_1453, %reduce_max3A_1454 [2] : vector<4x8x1024xf32> to vector<4x8xf32>
        %broadcast_in_dim3A_1456 = vector.shape_cast %reduce_max3A_1455 : vector<4x8xf32> to vector<4x8x1xf32>
        %reduce_max3A_1457 = arith.constant dense<0xFF800000> : vector<4x1xf32>
        %reduce_max3A_1458 = vector.multi_reduction <maximumf>, %broadcast_in_dim3A_1456, %reduce_max3A_1457 [1] : vector<4x8x1xf32> to vector<4x1xf32>
        %broadcast_in_dim3A_1459 = vector.shape_cast %reduce_max3A_1458 : vector<4x1xf32> to vector<4x1x1xf32>
        %eq3A_1460 = vector.broadcast %broadcast_in_dim3A_1459 : vector<4x1x1xf32> to vector<4x8x1024xf32>
        %eq3A_1461 = arith.cmpf oeq, %select_n3A_1453, %eq3A_1460 : vector<4x8x1024xf32>
        %jit3A_1462 = arith.constant 1073741824 : i32
        %broadcast_in_dim3A_1463 = vector.broadcast %jit3A_1462 : i32 to vector<4x8x1024xi32>
        %select_n3A_1464 = arith.select %eq3A_1461, %get3A_37, %broadcast_in_dim3A_1463 : vector<4x8x1024xi1>, vector<4x8x1024xi32>
        %reduce_min3A_1465 = arith.constant dense<2147483647> : vector<4x8xi32>
        %reduce_min3A_1466 = vector.multi_reduction <minsi>, %select_n3A_1464, %reduce_min3A_1465 [2] : vector<4x8x1024xi32> to vector<4x8xi32>
        %broadcast_in_dim3A_1467 = vector.shape_cast %reduce_min3A_1466 : vector<4x8xi32> to vector<4x8x1xi32>
        %reduce_min3A_1468 = arith.constant dense<2147483647> : vector<4x1xi32>
        %reduce_min3A_1469 = vector.multi_reduction <minsi>, %broadcast_in_dim3A_1467, %reduce_min3A_1468 [1] : vector<4x8x1xi32> to vector<4x1xi32>
        %broadcast_in_dim3A_1470 = vector.shape_cast %reduce_min3A_1469 : vector<4x1xi32> to vector<4x1x1xi32>
        %gt3A_1471 = arith.constant 0.000000e+00 : f32
        %gt3A_1472 = vector.broadcast %gt3A_1471 : f32 to vector<4x1x1xf32>
        %gt3A_1473 = arith.cmpf ogt, %broadcast_in_dim3A_1459, %gt3A_1472 : vector<4x1x1xf32>
        %jit3A_1474 = arith.constant -1 : i32
        %broadcast_in_dim3A_1475 = vector.broadcast %jit3A_1474 : i32 to vector<4x1x1xi32>
        %select_n3A_1476 = arith.select %gt3A_1473, %broadcast_in_dim3A_1470, %broadcast_in_dim3A_1475 : vector<4x1x1xi1>, vector<4x1x1xi32>
        %eq3A_1477 = vector.broadcast %select_n3A_1476 : vector<4x1x1xi32> to vector<4x8x1024xi32>
        %eq3A_1478 = arith.cmpi eq, %get3A_37, %eq3A_1477 : vector<4x8x1024xi32>
        %broadcast_in_dim3A_1479 = vector.broadcast %while3A : f32 to vector<4x8x1024xf32>
        %select_n3A_1480 = arith.select %eq3A_1478, %get3A_20, %broadcast_in_dim3A_1479 : vector<4x8x1024xi1>, vector<4x8x1024xf32>
        %reduce_max3A_1481 = arith.constant dense<0xFF800000> : vector<4x8xf32>
        %reduce_max3A_1482 = vector.multi_reduction <maximumf>, %select_n3A_1480, %reduce_max3A_1481 [2] : vector<4x8x1024xf32> to vector<4x8xf32>
        %broadcast_in_dim3A_1483 = vector.shape_cast %reduce_max3A_1482 : vector<4x8xf32> to vector<4x8x1xf32>
        %reduce_max3A_1484 = arith.constant dense<0xFF800000> : vector<4x1xf32>
        %reduce_max3A_1485 = vector.multi_reduction <maximumf>, %broadcast_in_dim3A_1483, %reduce_max3A_1484 [1] : vector<4x8x1xf32> to vector<4x1xf32>
        %broadcast_in_dim3A_1486 = vector.shape_cast %reduce_max3A_1485 : vector<4x1xf32> to vector<4x1x1xf32>
        %broadcast_in_dim3A_1487 = vector.broadcast %while3A : f32 to vector<4x8x1024xf32>
        %select_n3A_1488 = arith.select %eq3A_1478, %get3A_24, %broadcast_in_dim3A_1487 : vector<4x8x1024xi1>, vector<4x8x1024xf32>
        %reduce_max3A_1489 = arith.constant dense<0xFF800000> : vector<4x8xf32>
        %reduce_max3A_1490 = vector.multi_reduction <maximumf>, %select_n3A_1488, %reduce_max3A_1489 [2] : vector<4x8x1024xf32> to vector<4x8xf32>
        %broadcast_in_dim3A_1491 = vector.shape_cast %reduce_max3A_1490 : vector<4x8xf32> to vector<4x8x1xf32>
        %reduce_max3A_1492 = arith.constant dense<0xFF800000> : vector<4x1xf32>
        %reduce_max3A_1493 = vector.multi_reduction <maximumf>, %broadcast_in_dim3A_1491, %reduce_max3A_1492 [1] : vector<4x8x1xf32> to vector<4x1xf32>
        %broadcast_in_dim3A_1494 = vector.shape_cast %reduce_max3A_1493 : vector<4x1xf32> to vector<4x1x1xf32>
        %broadcast_in_dim3A_1495 = vector.broadcast %while3A : f32 to vector<4x8x1024xf32>
        %select_n3A_1496 = arith.select %eq3A_1478, %get3A_28, %broadcast_in_dim3A_1495 : vector<4x8x1024xi1>, vector<4x8x1024xf32>
        %reduce_max3A_1497 = arith.constant dense<0xFF800000> : vector<4x8xf32>
        %reduce_max3A_1498 = vector.multi_reduction <maximumf>, %select_n3A_1496, %reduce_max3A_1497 [2] : vector<4x8x1024xf32> to vector<4x8xf32>
        %broadcast_in_dim3A_1499 = vector.shape_cast %reduce_max3A_1498 : vector<4x8xf32> to vector<4x8x1xf32>
        %reduce_max3A_1500 = arith.constant dense<0xFF800000> : vector<4x1xf32>
        %reduce_max3A_1501 = vector.multi_reduction <maximumf>, %broadcast_in_dim3A_1499, %reduce_max3A_1500 [1] : vector<4x8x1xf32> to vector<4x1xf32>
        %broadcast_in_dim3A_1502 = vector.shape_cast %reduce_max3A_1501 : vector<4x1xf32> to vector<4x1x1xf32>
        %broadcast_in_dim3A_1503 = vector.broadcast %while3A : f32 to vector<4x8x1024xf32>
        %select_n3A_1504 = arith.select %eq3A_1478, %get3A_32, %broadcast_in_dim3A_1503 : vector<4x8x1024xi1>, vector<4x8x1024xf32>
        %reduce_max3A_1505 = arith.constant dense<0xFF800000> : vector<4x8xf32>
        %reduce_max3A_1506 = vector.multi_reduction <maximumf>, %select_n3A_1504, %reduce_max3A_1505 [2] : vector<4x8x1024xf32> to vector<4x8xf32>
        %broadcast_in_dim3A_1507 = vector.shape_cast %reduce_max3A_1506 : vector<4x8xf32> to vector<4x8x1xf32>
        %reduce_max3A_1508 = arith.constant dense<0xFF800000> : vector<4x1xf32>
        %reduce_max3A_1509 = vector.multi_reduction <maximumf>, %broadcast_in_dim3A_1507, %reduce_max3A_1508 [1] : vector<4x8x1xf32> to vector<4x1xf32>
        %broadcast_in_dim3A_1510 = vector.shape_cast %reduce_max3A_1509 : vector<4x1xf32> to vector<4x1x1xf32>
        %sub3A_1511 = arith.subf %broadcast_in_dim3A_1502, %broadcast_in_dim3A_1486 : vector<4x1x1xf32>
        %sub3A_1512 = arith.subf %broadcast_in_dim3A_1510, %broadcast_in_dim3A_1494 : vector<4x1x1xf32>
        %mul3A_1513 = arith.mulf %sub3A_1511, %sub3A_1512 : vector<4x1x1xf32>
        %max3A_1514 = vector.broadcast %broadcast_in_dim3A_1486 : vector<4x1x1xf32> to vector<4x8x1024xf32>
        %max3A_1515 = arith.maximumf %max3A_1514, %get3A_20 : vector<4x8x1024xf32>
        %max3A_1516 = vector.broadcast %broadcast_in_dim3A_1494 : vector<4x1x1xf32> to vector<4x8x1024xf32>
        %max3A_1517 = arith.maximumf %max3A_1516, %get3A_24 : vector<4x8x1024xf32>
        %min3A_1518 = vector.broadcast %broadcast_in_dim3A_1502 : vector<4x1x1xf32> to vector<4x8x1024xf32>
        %min3A_1519 = arith.minimumf %min3A_1518, %get3A_28 : vector<4x8x1024xf32>
        %min3A_1520 = vector.broadcast %broadcast_in_dim3A_1510 : vector<4x1x1xf32> to vector<4x8x1024xf32>
        %min3A_1521 = arith.minimumf %min3A_1520, %get3A_32 : vector<4x8x1024xf32>
        %sub3A_1522 = arith.subf %min3A_1519, %max3A_1515 : vector<4x8x1024xf32>
        %max3A_1523 = arith.constant 0.000000e+00 : f32
        %max3A_1524 = vector.broadcast %max3A_1523 : f32 to vector<4x8x1024xf32>
        %max3A_1525 = arith.maximumf %max3A_1524, %sub3A_1522 : vector<4x8x1024xf32>
        %sub3A_1526 = arith.subf %min3A_1521, %max3A_1517 : vector<4x8x1024xf32>
        %max3A_1527 = arith.constant 0.000000e+00 : f32
        %max3A_1528 = vector.broadcast %max3A_1527 : f32 to vector<4x8x1024xf32>
        %max3A_1529 = arith.maximumf %max3A_1528, %sub3A_1526 : vector<4x8x1024xf32>
        %mul3A_1530 = arith.mulf %max3A_1525, %max3A_1529 : vector<4x8x1024xf32>
        %add3A_1531 = vector.broadcast %mul3A_1513 : vector<4x1x1xf32> to vector<4x8x1024xf32>
        %add3A_1532 = arith.addf %add3A_1531, %mul3A : vector<4x8x1024xf32>
        %sub3A_1533 = arith.subf %add3A_1532, %mul3A_1530 : vector<4x8x1024xf32>
        %add3A_1534 = arith.constant 9.99999996E-13 : f32
        %add3A_1535 = vector.broadcast %add3A_1534 : f32 to vector<4x8x1024xf32>
        %add3A_1536 = arith.addf %sub3A_1533, %add3A_1535 : vector<4x8x1024xf32>
        %div3A_1537 = arith.divf %mul3A_1530, %add3A_1536 : vector<4x8x1024xf32>
        %neg3A_1538 = arith.constant 0.000000e+00 : f32
        %neg3A_1539 = vector.broadcast %neg3A_1538 : f32 to vector<4x8x1024xf32>
        %neg3A_1540 = arith.subf %neg3A_1539, %select_n3A_1453 : vector<4x8x1024xf32>
        %gt3A_1541 = arith.constant 5.000000e-01 : f32
        %gt3A_1542 = vector.broadcast %gt3A_1541 : f32 to vector<4x8x1024xf32>
        %gt3A_1543 = arith.cmpf ogt, %div3A_1537, %gt3A_1542 : vector<4x8x1024xf32>
        %broadcast_in_dim3A_1544 = vector.broadcast %while3A_43 : f32 to vector<4x8x1024xf32>
        %select_n3A_1545 = arith.select %gt3A_1543, %broadcast_in_dim3A_1544, %select_n3A_1453 : vector<4x8x1024xi1>, vector<4x8x1024xf32>
        %select_n3A_1546 = arith.select %eq3A_1478, %neg3A_1540, %select_n3A_1545 : vector<4x8x1024xi1>, vector<4x8x1024xf32>
        %reduce_max3A_1547 = arith.constant dense<0xFF800000> : vector<4x8xf32>
        %reduce_max3A_1548 = vector.multi_reduction <maximumf>, %select_n3A_1546, %reduce_max3A_1547 [2] : vector<4x8x1024xf32> to vector<4x8xf32>
        %broadcast_in_dim3A_1549 = vector.shape_cast %reduce_max3A_1548 : vector<4x8xf32> to vector<4x8x1xf32>
        %reduce_max3A_1550 = arith.constant dense<0xFF800000> : vector<4x1xf32>
        %reduce_max3A_1551 = vector.multi_reduction <maximumf>, %broadcast_in_dim3A_1549, %reduce_max3A_1550 [1] : vector<4x8x1xf32> to vector<4x1xf32>
        %broadcast_in_dim3A_1552 = vector.shape_cast %reduce_max3A_1551 : vector<4x1xf32> to vector<4x1x1xf32>
        scf.yield %select_n3A_1546, %broadcast_in_dim3A_1552 : vector<4x8x1024xf32>, vector<4x1x1xf32>
      }
      %broadcast_in_dim3A_45 = arith.constant 0.000000e+00 : f32
      %broadcast_in_dim3A_46 = vector.broadcast %broadcast_in_dim3A_45 : f32 to vector<4x8x2500xf32>
      %swap3A = arith.constant 0 : index
      %swap3A_47 = arith.constant 0 : index
      %swap3A_48 = arith.constant 0 : index
      %swap3A_49 = vector.load %arg10[%swap3A, %swap3A_47, %swap3A_48] : memref<4x8x2500xf32, #tpu.memory_space<vmem>>, vector<4x8x2500xf32>
      tpu.vector_store %arg10[%swap3A, %swap3A_47, %swap3A_48], %broadcast_in_dim3A_46 {strides = array<i32>} : memref<4x8x2500xf32, #tpu.memory_space<vmem>>, vector<4x8x2500xf32>,
      %broadcast_in_dim3A_50 = arith.constant 1073741824 : i32
      %broadcast_in_dim3A_51 = vector.broadcast %broadcast_in_dim3A_50 : i32 to vector<4x8x2500xi32>
      %swap3A_52 = arith.constant 0 : index
      %swap3A_53 = arith.constant 0 : index
      %swap3A_54 = arith.constant 0 : index
      %swap3A_55 = vector.load %arg11[%swap3A_52, %swap3A_53, %swap3A_54] : memref<4x8x2500xi32, #tpu.memory_space<vmem>>, vector<4x8x2500xi32>
      tpu.vector_store %arg11[%swap3A_52, %swap3A_53, %swap3A_54], %broadcast_in_dim3A_51 {strides = array<i32>} : memref<4x8x2500xi32, #tpu.memory_space<vmem>>, vector<4x8x2500xi32>,
      %gt3A_56 = arith.constant -2.000000e+00 : f32
      %gt3A_57 = vector.broadcast %gt3A_56 : f32 to vector<4x8x1024xf32>
      %gt3A_58 = arith.cmpf ogt, %while3A_44#0, %gt3A_57 : vector<4x8x1024xf32>
      %jit3A = arith.constant 1.000000e+00 : f32
      %jit3A_59 = arith.constant 0.000000e+00 : f32
      %broadcast_in_dim3A_60 = vector.broadcast %jit3A : f32 to vector<4x8x1024xf32>
      %broadcast_in_dim3A_61 = vector.broadcast %jit3A_59 : f32 to vector<4x8x1024xf32>
      %select_n3A = arith.select %gt3A_58, %broadcast_in_dim3A_60, %broadcast_in_dim3A_61 : vector<4x8x1024xi1>, vector<4x8x1024xf32>
      %swap3A_62 = arith.constant 0 : index
      %swap3A_63 = arith.constant 0 : index
      %swap3A_64 = arith.constant 0 : index
      %swap3A_65 = vector.load %arg10[%swap3A_62, %swap3A_63, %swap3A_64] : memref<4x8x2500xf32, #tpu.memory_space<vmem>>, vector<4x8x1024xf32>
      tpu.vector_store %arg10[%swap3A_62, %swap3A_63, %swap3A_64], %select_n3A {strides = array<i32>} : memref<4x8x2500xf32, #tpu.memory_space<vmem>>, vector<4x8x1024xf32>,
      %swap3A_66 = arith.constant 0 : index
      %swap3A_67 = arith.constant 0 : index
      %swap3A_68 = arith.constant 0 : index
      %swap3A_69 = vector.load %arg11[%swap3A_66, %swap3A_67, %swap3A_68] : memref<4x8x2500xi32, #tpu.memory_space<vmem>>, vector<4x8x1024xi32>
      tpu.vector_store %arg11[%swap3A_66, %swap3A_67, %swap3A_68], %get3A_37 {strides = array<i32>} : memref<4x8x2500xi32, #tpu.memory_space<vmem>>, vector<4x8x1024xi32>,
    } else {
    }
    %convert_element_type3A_10 = arith.extui %gt3A_7 : i1 to i32
    %cond3A_11 = arith.constant 0 : i32
    %cond3A_12 = arith.cmpi ne, %convert_element_type3A_10, %cond3A_11 : i32
    scf.if %cond3A_12 {
      %get3A_13 = arith.constant 0 : index
      %get3A_14 = arith.constant 0 : index
      %get3A_15 = arith.constant 0 : index
      %get3A_16 = arith.constant 0 : index
      %get3A_17 = vector.load %arg8[%get3A_13, %get3A_14, %get3A_15, %get3A_16] : memref<4x2x8x2500xf32, #tpu.memory_space<vmem>>, vector<4x1x8x2500xf32>
      %get3A_18 = vector.shape_cast %get3A_17 : vector<4x1x8x2500xf32> to vector<4x8x2500xf32>
      %get3A_19 = arith.constant 0 : index
      %get3A_20 = arith.constant 1 : index
      %get3A_21 = arith.constant 0 : index
      %get3A_22 = arith.constant 0 : index
      %get3A_23 = vector.load %arg8[%get3A_19, %get3A_20, %get3A_21, %get3A_22] : memref<4x2x8x2500xf32, #tpu.memory_space<vmem>>, vector<4x1x8x2500xf32>
      %get3A_24 = vector.shape_cast %get3A_23 : vector<4x1x8x2500xf32> to vector<4x8x2500xf32>
      %max3A = arith.maximumf %get3A_18, %get3A_24 : vector<4x8x2500xf32>
      %sub3A = arith.subf %get3A_18, %max3A : vector<4x8x2500xf32>
      %exp3A = math.exp %sub3A : vector<4x8x2500xf32>
      %sub3A_25 = arith.subf %get3A_24, %max3A : vector<4x8x2500xf32>
      %exp3A_26 = math.exp %sub3A_25 : vector<4x8x2500xf32>
      %add3A = arith.addf %exp3A, %exp3A_26 : vector<4x8x2500xf32>
      %div3A = arith.divf %exp3A, %add3A : vector<4x8x2500xf32>
      %div3A_27 = arith.divf %exp3A_26, %add3A : vector<4x8x2500xf32>
      %max3A_28 = arith.maximumf %div3A, %div3A_27 : vector<4x8x2500xf32>
      %ge3A = arith.cmpf oge, %get3A_18, %get3A_24 : vector<4x8x2500xf32>
      %ge3A_29 = arith.constant 0.699999988 : f32
      %ge3A_30 = vector.broadcast %ge3A_29 : f32 to vector<4x8x2500xf32>
      %ge3A_31 = arith.cmpf oge, %max3A_28, %ge3A_30 : vector<4x8x2500xf32>
      %and3A = arith.andi %ge3A, %ge3A_31 : vector<4x8x2500xi1>
      %get3A_32 = arith.constant 0 : index
      %get3A_33 = memref.load %arg0[%get3A_32] : memref<4xf32, #tpu.memory_space<smem>>
      %get3A_34 = arith.constant 1 : index
      %get3A_35 = memref.load %arg0[%get3A_34] : memref<4xf32, #tpu.memory_space<smem>>
      %get3A_36 = arith.constant 0 : index
      %get3A_37 = arith.constant 0 : index
      %get3A_38 = arith.constant 0 : index
      %get3A_39 = arith.constant 0 : index
      %get3A_40 = vector.load %arg9[%get3A_36, %get3A_37, %get3A_38, %get3A_39] : memref<4x4x8x2500xf32, #tpu.memory_space<vmem>>, vector<4x1x8x2500xf32>
      %get3A_41 = vector.shape_cast %get3A_40 : vector<4x1x8x2500xf32> to vector<4x8x2500xf32>
      %get3A_42 = arith.constant 0 : index
      %get3A_43 = arith.constant 1 : index
      %get3A_44 = arith.constant 0 : index
      %get3A_45 = arith.constant 0 : index
      %get3A_46 = vector.load %arg9[%get3A_42, %get3A_43, %get3A_44, %get3A_45] : memref<4x4x8x2500xf32, #tpu.memory_space<vmem>>, vector<4x1x8x2500xf32>
      %get3A_47 = vector.shape_cast %get3A_46 : vector<4x1x8x2500xf32> to vector<4x8x2500xf32>
      %get3A_48 = arith.constant 0 : index
      %get3A_49 = arith.constant 2 : index
      %get3A_50 = arith.constant 0 : index
      %get3A_51 = arith.constant 0 : index
      %get3A_52 = vector.load %arg9[%get3A_48, %get3A_49, %get3A_50, %get3A_51] : memref<4x4x8x2500xf32, #tpu.memory_space<vmem>>, vector<4x1x8x2500xf32>
      %get3A_53 = vector.shape_cast %get3A_52 : vector<4x1x8x2500xf32> to vector<4x8x2500xf32>
      %get3A_54 = arith.constant 0 : index
      %get3A_55 = arith.constant 3 : index
      %get3A_56 = arith.constant 0 : index
      %get3A_57 = arith.constant 0 : index
      %get3A_58 = vector.load %arg9[%get3A_54, %get3A_55, %get3A_56, %get3A_57] : memref<4x4x8x2500xf32, #tpu.memory_space<vmem>>, vector<4x1x8x2500xf32>
      %get3A_59 = vector.shape_cast %get3A_58 : vector<4x1x8x2500xf32> to vector<4x8x2500xf32>
      %mul3A = arith.constant 5.000000e-01 : f32
      %mul3A_60 = vector.broadcast %mul3A : f32 to vector<4x8x2500xf32>
      %mul3A_61 = arith.mulf %mul3A_60, %get3A_53 : vector<4x8x2500xf32>
      %sub3A_62 = arith.subf %get3A_41, %mul3A_61 : vector<4x8x2500xf32>
      %mul3A_63 = vector.broadcast %get3A_33 : f32 to vector<4x8x2500xf32>
      %mul3A_64 = arith.mulf %sub3A_62, %mul3A_63 : vector<4x8x2500xf32>
      %mul3A_65 = arith.constant 5.000000e-01 : f32
      %mul3A_66 = vector.broadcast %mul3A_65 : f32 to vector<4x8x2500xf32>
      %mul3A_67 = arith.mulf %mul3A_66, %get3A_59 : vector<4x8x2500xf32>
      %sub3A_68 = arith.subf %get3A_47, %mul3A_67 : vector<4x8x2500xf32>
      %mul3A_69 = vector.broadcast %get3A_35 : f32 to vector<4x8x2500xf32>
      %mul3A_70 = arith.mulf %sub3A_68, %mul3A_69 : vector<4x8x2500xf32>
      %mul3A_71 = arith.constant 5.000000e-01 : f32
      %mul3A_72 = vector.broadcast %mul3A_71 : f32 to vector<4x8x2500xf32>
      %mul3A_73 = arith.mulf %mul3A_72, %get3A_53 : vector<4x8x2500xf32>
      %add3A_74 = arith.addf %get3A_41, %mul3A_73 : vector<4x8x2500xf32>
      %mul3A_75 = vector.broadcast %get3A_33 : f32 to vector<4x8x2500xf32>
      %mul3A_76 = arith.mulf %add3A_74, %mul3A_75 : vector<4x8x2500xf32>
      %mul3A_77 = arith.constant 5.000000e-01 : f32
      %mul3A_78 = vector.broadcast %mul3A_77 : f32 to vector<4x8x2500xf32>
      %mul3A_79 = arith.mulf %mul3A_78, %get3A_59 : vector<4x8x2500xf32>
      %add3A_80 = arith.addf %get3A_47, %mul3A_79 : vector<4x8x2500xf32>
      %mul3A_81 = vector.broadcast %get3A_35 : f32 to vector<4x8x2500xf32>
      %mul3A_82 = arith.mulf %add3A_80, %mul3A_81 : vector<4x8x2500xf32>
      %sub3A_83 = arith.subf %mul3A_76, %mul3A_64 : vector<4x8x2500xf32>
      %sub3A_84 = arith.subf %mul3A_82, %mul3A_70 : vector<4x8x2500xf32>
      %mul3A_85 = arith.mulf %sub3A_83, %sub3A_84 : vector<4x8x2500xf32>
      %iota3A = tpu.iota {dimensions = array<i32: 1>} : vector<4x8x2500xi32>
      %iota3A_86 = tpu.iota {dimensions = array<i32: 2>} : vector<4x8x2500xi32>
      %mul3A_87 = arith.constant 2500 : i32
      %mul3A_88 = vector.broadcast %mul3A_87 : i32 to vector<4x8x2500xi32>
      %mul3A_89 = arith.muli %iota3A, %mul3A_88 : vector<4x8x2500xi32>
      %add3A_90 = arith.addi %mul3A_89, %iota3A_86 : vector<4x8x2500xi32>
      %jit3A = arith.constant -4.000000e+00 : f32
      %broadcast_in_dim3A = vector.broadcast %jit3A : f32 to vector<4x8x2500xf32>
      %select_n3A = arith.select %and3A, %max3A_28, %broadcast_in_dim3A : vector<4x8x2500xi1>, vector<4x8x2500xf32>
      %reduce_max3A_91 = arith.constant dense<0xFF800000> : vector<4x8xf32>
      %reduce_max3A_92 = vector.multi_reduction <maximumf>, %select_n3A, %reduce_max3A_91 [2] : vector<4x8x2500xf32> to vector<4x8xf32>
      %broadcast_in_dim3A_93 = vector.shape_cast %reduce_max3A_92 : vector<4x8xf32> to vector<4x8x1xf32>
      %reduce_max3A_94 = arith.constant dense<0xFF800000> : vector<4x1xf32>
      %reduce_max3A_95 = vector.multi_reduction <maximumf>, %broadcast_in_dim3A_93, %reduce_max3A_94 [1] : vector<4x8x1xf32> to vector<4x1xf32>
      %broadcast_in_dim3A_96 = vector.shape_cast %reduce_max3A_95 : vector<4x1xf32> to vector<4x1x1xf32>
      %while3A = arith.constant 0xFF800000 : f32
      %while3A_97 = arith.constant -4.000000e+00 : f32
      %while3A_98:2 = scf.while (%while3A_114 = %select_n3A, %while3A_115 = %broadcast_in_dim3A_96) : (vector<4x8x2500xf32>, vector<4x1x1xf32>) -> (vector<4x8x2500xf32>, vector<4x1x1xf32>) {
        %reduce_max3A_116 = vector.shape_cast %while3A_115 : vector<4x1x1xf32> to vector<1x4x1x1xf32>
        %reduce_max3A_117 = arith.constant dense<0xFF800000> : vector<1xf32>
        %reduce_max3A_118 = vector.multi_reduction <maximumf>, %reduce_max3A_116, %reduce_max3A_117 [1, 2, 3] : vector<1x4x1x1xf32> to vector<1xf32>
        %reduce_max3A_119 = vector.shape_cast %reduce_max3A_118 : vector<1xf32> to vector<1x1x1x1xf32>
        %reduce_max3A_120 = vector.extract %reduce_max3A_119[0, 0, 0, 0] : f32 from vector<1x1x1x1xf32>
        %gt3A_121 = arith.constant 0.000000e+00 : f32
        %gt3A_122 = arith.cmpf ogt, %reduce_max3A_120, %gt3A_121 : f32
        scf.condition(%gt3A_122) %while3A_114, %while3A_115 : vector<4x8x2500xf32>, vector<4x1x1xf32>
      } do {
      ^bb0(%while3A_114: vector<4x8x2500xf32>, %while3A_115: vector<4x1x1xf32>):
        %eq3A = vector.broadcast %while3A_115 : vector<4x1x1xf32> to vector<4x8x2500xf32>
        %eq3A_116 = arith.cmpf oeq, %while3A_114, %eq3A : vector<4x8x2500xf32>
        %jit3A_117 = arith.constant 1073741824 : i32
        %broadcast_in_dim3A_118 = vector.broadcast %jit3A_117 : i32 to vector<4x8x2500xi32>
        %select_n3A_119 = arith.select %eq3A_116, %add3A_90, %broadcast_in_dim3A_118 : vector<4x8x2500xi1>, vector<4x8x2500xi32>
        %reduce_min3A = arith.constant dense<2147483647> : vector<4x8xi32>
        %reduce_min3A_120 = vector.multi_reduction <minsi>, %select_n3A_119, %reduce_min3A [2] : vector<4x8x2500xi32> to vector<4x8xi32>
        %broadcast_in_dim3A_121 = vector.shape_cast %reduce_min3A_120 : vector<4x8xi32> to vector<4x8x1xi32>
        %reduce_min3A_122 = arith.constant dense<2147483647> : vector<4x1xi32>
        %reduce_min3A_123 = vector.multi_reduction <minsi>, %broadcast_in_dim3A_121, %reduce_min3A_122 [1] : vector<4x8x1xi32> to vector<4x1xi32>
        %broadcast_in_dim3A_124 = vector.shape_cast %reduce_min3A_123 : vector<4x1xi32> to vector<4x1x1xi32>
        %gt3A_125 = arith.constant 0.000000e+00 : f32
        %gt3A_126 = vector.broadcast %gt3A_125 : f32 to vector<4x1x1xf32>
        %gt3A_127 = arith.cmpf ogt, %while3A_115, %gt3A_126 : vector<4x1x1xf32>
        %jit3A_128 = arith.constant -1 : i32
        %broadcast_in_dim3A_129 = vector.broadcast %jit3A_128 : i32 to vector<4x1x1xi32>
        %select_n3A_130 = arith.select %gt3A_127, %broadcast_in_dim3A_124, %broadcast_in_dim3A_129 : vector<4x1x1xi1>, vector<4x1x1xi32>
        %eq3A_131 = vector.broadcast %select_n3A_130 : vector<4x1x1xi32> to vector<4x8x2500xi32>
        %eq3A_132 = arith.cmpi eq, %add3A_90, %eq3A_131 : vector<4x8x2500xi32>
        %broadcast_in_dim3A_133 = vector.broadcast %while3A : f32 to vector<4x8x2500xf32>
        %select_n3A_134 = arith.select %eq3A_132, %mul3A_64, %broadcast_in_dim3A_133 : vector<4x8x2500xi1>, vector<4x8x2500xf32>
        %reduce_max3A_135 = arith.constant dense<0xFF800000> : vector<4x8xf32>
        %reduce_max3A_136 = vector.multi_reduction <maximumf>, %select_n3A_134, %reduce_max3A_135 [2] : vector<4x8x2500xf32> to vector<4x8xf32>
        %broadcast_in_dim3A_137 = vector.shape_cast %reduce_max3A_136 : vector<4x8xf32> to vector<4x8x1xf32>
        %reduce_max3A_138 = arith.constant dense<0xFF800000> : vector<4x1xf32>
        %reduce_max3A_139 = vector.multi_reduction <maximumf>, %broadcast_in_dim3A_137, %reduce_max3A_138 [1] : vector<4x8x1xf32> to vector<4x1xf32>
        %broadcast_in_dim3A_140 = vector.shape_cast %reduce_max3A_139 : vector<4x1xf32> to vector<4x1x1xf32>
        %broadcast_in_dim3A_141 = vector.broadcast %while3A : f32 to vector<4x8x2500xf32>
        %select_n3A_142 = arith.select %eq3A_132, %mul3A_70, %broadcast_in_dim3A_141 : vector<4x8x2500xi1>, vector<4x8x2500xf32>
        %reduce_max3A_143 = arith.constant dense<0xFF800000> : vector<4x8xf32>
        %reduce_max3A_144 = vector.multi_reduction <maximumf>, %select_n3A_142, %reduce_max3A_143 [2] : vector<4x8x2500xf32> to vector<4x8xf32>
        %broadcast_in_dim3A_145 = vector.shape_cast %reduce_max3A_144 : vector<4x8xf32> to vector<4x8x1xf32>
        %reduce_max3A_146 = arith.constant dense<0xFF800000> : vector<4x1xf32>
        %reduce_max3A_147 = vector.multi_reduction <maximumf>, %broadcast_in_dim3A_145, %reduce_max3A_146 [1] : vector<4x8x1xf32> to vector<4x1xf32>
        %broadcast_in_dim3A_148 = vector.shape_cast %reduce_max3A_147 : vector<4x1xf32> to vector<4x1x1xf32>
        %broadcast_in_dim3A_149 = vector.broadcast %while3A : f32 to vector<4x8x2500xf32>
        %select_n3A_150 = arith.select %eq3A_132, %mul3A_76, %broadcast_in_dim3A_149 : vector<4x8x2500xi1>, vector<4x8x2500xf32>
        %reduce_max3A_151 = arith.constant dense<0xFF800000> : vector<4x8xf32>
        %reduce_max3A_152 = vector.multi_reduction <maximumf>, %select_n3A_150, %reduce_max3A_151 [2] : vector<4x8x2500xf32> to vector<4x8xf32>
        %broadcast_in_dim3A_153 = vector.shape_cast %reduce_max3A_152 : vector<4x8xf32> to vector<4x8x1xf32>
        %reduce_max3A_154 = arith.constant dense<0xFF800000> : vector<4x1xf32>
        %reduce_max3A_155 = vector.multi_reduction <maximumf>, %broadcast_in_dim3A_153, %reduce_max3A_154 [1] : vector<4x8x1xf32> to vector<4x1xf32>
        %broadcast_in_dim3A_156 = vector.shape_cast %reduce_max3A_155 : vector<4x1xf32> to vector<4x1x1xf32>
        %broadcast_in_dim3A_157 = vector.broadcast %while3A : f32 to vector<4x8x2500xf32>
        %select_n3A_158 = arith.select %eq3A_132, %mul3A_82, %broadcast_in_dim3A_157 : vector<4x8x2500xi1>, vector<4x8x2500xf32>
        %reduce_max3A_159 = arith.constant dense<0xFF800000> : vector<4x8xf32>
        %reduce_max3A_160 = vector.multi_reduction <maximumf>, %select_n3A_158, %reduce_max3A_159 [2] : vector<4x8x2500xf32> to vector<4x8xf32>
        %broadcast_in_dim3A_161 = vector.shape_cast %reduce_max3A_160 : vector<4x8xf32> to vector<4x8x1xf32>
        %reduce_max3A_162 = arith.constant dense<0xFF800000> : vector<4x1xf32>
        %reduce_max3A_163 = vector.multi_reduction <maximumf>, %broadcast_in_dim3A_161, %reduce_max3A_162 [1] : vector<4x8x1xf32> to vector<4x1xf32>
        %broadcast_in_dim3A_164 = vector.shape_cast %reduce_max3A_163 : vector<4x1xf32> to vector<4x1x1xf32>
        %sub3A_165 = arith.subf %broadcast_in_dim3A_156, %broadcast_in_dim3A_140 : vector<4x1x1xf32>
        %sub3A_166 = arith.subf %broadcast_in_dim3A_164, %broadcast_in_dim3A_148 : vector<4x1x1xf32>
        %mul3A_167 = arith.mulf %sub3A_165, %sub3A_166 : vector<4x1x1xf32>
        %max3A_168 = vector.broadcast %broadcast_in_dim3A_140 : vector<4x1x1xf32> to vector<4x8x2500xf32>
        %max3A_169 = arith.maximumf %max3A_168, %mul3A_64 : vector<4x8x2500xf32>
        %max3A_170 = vector.broadcast %broadcast_in_dim3A_148 : vector<4x1x1xf32> to vector<4x8x2500xf32>
        %max3A_171 = arith.maximumf %max3A_170, %mul3A_70 : vector<4x8x2500xf32>
        %min3A = vector.broadcast %broadcast_in_dim3A_156 : vector<4x1x1xf32> to vector<4x8x2500xf32>
        %min3A_172 = arith.minimumf %min3A, %mul3A_76 : vector<4x8x2500xf32>
        %min3A_173 = vector.broadcast %broadcast_in_dim3A_164 : vector<4x1x1xf32> to vector<4x8x2500xf32>
        %min3A_174 = arith.minimumf %min3A_173, %mul3A_82 : vector<4x8x2500xf32>
        %sub3A_175 = arith.subf %min3A_172, %max3A_169 : vector<4x8x2500xf32>
        %max3A_176 = arith.constant 0.000000e+00 : f32
        %max3A_177 = vector.broadcast %max3A_176 : f32 to vector<4x8x2500xf32>
        %max3A_178 = arith.maximumf %max3A_177, %sub3A_175 : vector<4x8x2500xf32>
        %sub3A_179 = arith.subf %min3A_174, %max3A_171 : vector<4x8x2500xf32>
        %max3A_180 = arith.constant 0.000000e+00 : f32
        %max3A_181 = vector.broadcast %max3A_180 : f32 to vector<4x8x2500xf32>
        %max3A_182 = arith.maximumf %max3A_181, %sub3A_179 : vector<4x8x2500xf32>
        %mul3A_183 = arith.mulf %max3A_178, %max3A_182 : vector<4x8x2500xf32>
        %add3A_184 = vector.broadcast %mul3A_167 : vector<4x1x1xf32> to vector<4x8x2500xf32>
        %add3A_185 = arith.addf %add3A_184, %mul3A_85 : vector<4x8x2500xf32>
        %sub3A_186 = arith.subf %add3A_185, %mul3A_183 : vector<4x8x2500xf32>
        %add3A_187 = arith.constant 9.99999996E-13 : f32
        %add3A_188 = vector.broadcast %add3A_187 : f32 to vector<4x8x2500xf32>
        %add3A_189 = arith.addf %sub3A_186, %add3A_188 : vector<4x8x2500xf32>
        %div3A_190 = arith.divf %mul3A_183, %add3A_189 : vector<4x8x2500xf32>
        %neg3A = arith.constant 0.000000e+00 : f32
        %neg3A_191 = vector.broadcast %neg3A : f32 to vector<4x8x2500xf32>
        %neg3A_192 = arith.subf %neg3A_191, %while3A_114 : vector<4x8x2500xf32>
        %gt3A_193 = arith.constant 5.000000e-01 : f32
        %gt3A_194 = vector.broadcast %gt3A_193 : f32 to vector<4x8x2500xf32>
        %gt3A_195 = arith.cmpf ogt, %div3A_190, %gt3A_194 : vector<4x8x2500xf32>
        %broadcast_in_dim3A_196 = vector.broadcast %while3A_97 : f32 to vector<4x8x2500xf32>
        %select_n3A_197 = arith.select %gt3A_195, %broadcast_in_dim3A_196, %while3A_114 : vector<4x8x2500xi1>, vector<4x8x2500xf32>
        %select_n3A_198 = arith.select %eq3A_132, %neg3A_192, %select_n3A_197 : vector<4x8x2500xi1>, vector<4x8x2500xf32>
        %reduce_max3A_199 = arith.constant dense<0xFF800000> : vector<4x8xf32>
        %reduce_max3A_200 = vector.multi_reduction <maximumf>, %select_n3A_198, %reduce_max3A_199 [2] : vector<4x8x2500xf32> to vector<4x8xf32>
        %broadcast_in_dim3A_201 = vector.shape_cast %reduce_max3A_200 : vector<4x8xf32> to vector<4x8x1xf32>
        %reduce_max3A_202 = arith.constant dense<0xFF800000> : vector<4x1xf32>
        %reduce_max3A_203 = vector.multi_reduction <maximumf>, %broadcast_in_dim3A_201, %reduce_max3A_202 [1] : vector<4x8x1xf32> to vector<4x1xf32>
        %broadcast_in_dim3A_204 = vector.shape_cast %reduce_max3A_203 : vector<4x1xf32> to vector<4x1x1xf32>
        %eq3A_205 = vector.broadcast %broadcast_in_dim3A_204 : vector<4x1x1xf32> to vector<4x8x2500xf32>
        %eq3A_206 = arith.cmpf oeq, %select_n3A_198, %eq3A_205 : vector<4x8x2500xf32>
        %jit3A_207 = arith.constant 1073741824 : i32
        %broadcast_in_dim3A_208 = vector.broadcast %jit3A_207 : i32 to vector<4x8x2500xi32>
        %select_n3A_209 = arith.select %eq3A_206, %add3A_90, %broadcast_in_dim3A_208 : vector<4x8x2500xi1>, vector<4x8x2500xi32>
        %reduce_min3A_210 = arith.constant dense<2147483647> : vector<4x8xi32>
        %reduce_min3A_211 = vector.multi_reduction <minsi>, %select_n3A_209, %reduce_min3A_210 [2] : vector<4x8x2500xi32> to vector<4x8xi32>
        %broadcast_in_dim3A_212 = vector.shape_cast %reduce_min3A_211 : vector<4x8xi32> to vector<4x8x1xi32>
        %reduce_min3A_213 = arith.constant dense<2147483647> : vector<4x1xi32>
        %reduce_min3A_214 = vector.multi_reduction <minsi>, %broadcast_in_dim3A_212, %reduce_min3A_213 [1] : vector<4x8x1xi32> to vector<4x1xi32>
        %broadcast_in_dim3A_215 = vector.shape_cast %reduce_min3A_214 : vector<4x1xi32> to vector<4x1x1xi32>
        %gt3A_216 = arith.constant 0.000000e+00 : f32
        %gt3A_217 = vector.broadcast %gt3A_216 : f32 to vector<4x1x1xf32>
        %gt3A_218 = arith.cmpf ogt, %broadcast_in_dim3A_204, %gt3A_217 : vector<4x1x1xf32>
        %jit3A_219 = arith.constant -1 : i32
        %broadcast_in_dim3A_220 = vector.broadcast %jit3A_219 : i32 to vector<4x1x1xi32>
        %select_n3A_221 = arith.select %gt3A_218, %broadcast_in_dim3A_215, %broadcast_in_dim3A_220 : vector<4x1x1xi1>, vector<4x1x1xi32>
        %eq3A_222 = vector.broadcast %select_n3A_221 : vector<4x1x1xi32> to vector<4x8x2500xi32>
        %eq3A_223 = arith.cmpi eq, %add3A_90, %eq3A_222 : vector<4x8x2500xi32>
        %broadcast_in_dim3A_224 = vector.broadcast %while3A : f32 to vector<4x8x2500xf32>
        %select_n3A_225 = arith.select %eq3A_223, %mul3A_64, %broadcast_in_dim3A_224 : vector<4x8x2500xi1>, vector<4x8x2500xf32>
        %reduce_max3A_226 = arith.constant dense<0xFF800000> : vector<4x8xf32>
        %reduce_max3A_227 = vector.multi_reduction <maximumf>, %select_n3A_225, %reduce_max3A_226 [2] : vector<4x8x2500xf32> to vector<4x8xf32>
        %broadcast_in_dim3A_228 = vector.shape_cast %reduce_max3A_227 : vector<4x8xf32> to vector<4x8x1xf32>
        %reduce_max3A_229 = arith.constant dense<0xFF800000> : vector<4x1xf32>
        %reduce_max3A_230 = vector.multi_reduction <maximumf>, %broadcast_in_dim3A_228, %reduce_max3A_229 [1] : vector<4x8x1xf32> to vector<4x1xf32>
        %broadcast_in_dim3A_231 = vector.shape_cast %reduce_max3A_230 : vector<4x1xf32> to vector<4x1x1xf32>
        %broadcast_in_dim3A_232 = vector.broadcast %while3A : f32 to vector<4x8x2500xf32>
        %select_n3A_233 = arith.select %eq3A_223, %mul3A_70, %broadcast_in_dim3A_232 : vector<4x8x2500xi1>, vector<4x8x2500xf32>
        %reduce_max3A_234 = arith.constant dense<0xFF800000> : vector<4x8xf32>
        %reduce_max3A_235 = vector.multi_reduction <maximumf>, %select_n3A_233, %reduce_max3A_234 [2] : vector<4x8x2500xf32> to vector<4x8xf32>
        %broadcast_in_dim3A_236 = vector.shape_cast %reduce_max3A_235 : vector<4x8xf32> to vector<4x8x1xf32>
        %reduce_max3A_237 = arith.constant dense<0xFF800000> : vector<4x1xf32>
        %reduce_max3A_238 = vector.multi_reduction <maximumf>, %broadcast_in_dim3A_236, %reduce_max3A_237 [1] : vector<4x8x1xf32> to vector<4x1xf32>
        %broadcast_in_dim3A_239 = vector.shape_cast %reduce_max3A_238 : vector<4x1xf32> to vector<4x1x1xf32>
        %broadcast_in_dim3A_240 = vector.broadcast %while3A : f32 to vector<4x8x2500xf32>
        %select_n3A_241 = arith.select %eq3A_223, %mul3A_76, %broadcast_in_dim3A_240 : vector<4x8x2500xi1>, vector<4x8x2500xf32>
        %reduce_max3A_242 = arith.constant dense<0xFF800000> : vector<4x8xf32>
        %reduce_max3A_243 = vector.multi_reduction <maximumf>, %select_n3A_241, %reduce_max3A_242 [2] : vector<4x8x2500xf32> to vector<4x8xf32>
        %broadcast_in_dim3A_244 = vector.shape_cast %reduce_max3A_243 : vector<4x8xf32> to vector<4x8x1xf32>
        %reduce_max3A_245 = arith.constant dense<0xFF800000> : vector<4x1xf32>
        %reduce_max3A_246 = vector.multi_reduction <maximumf>, %broadcast_in_dim3A_244, %reduce_max3A_245 [1] : vector<4x8x1xf32> to vector<4x1xf32>
        %broadcast_in_dim3A_247 = vector.shape_cast %reduce_max3A_246 : vector<4x1xf32> to vector<4x1x1xf32>
        %broadcast_in_dim3A_248 = vector.broadcast %while3A : f32 to vector<4x8x2500xf32>
        %select_n3A_249 = arith.select %eq3A_223, %mul3A_82, %broadcast_in_dim3A_248 : vector<4x8x2500xi1>, vector<4x8x2500xf32>
        %reduce_max3A_250 = arith.constant dense<0xFF800000> : vector<4x8xf32>
        %reduce_max3A_251 = vector.multi_reduction <maximumf>, %select_n3A_249, %reduce_max3A_250 [2] : vector<4x8x2500xf32> to vector<4x8xf32>
        %broadcast_in_dim3A_252 = vector.shape_cast %reduce_max3A_251 : vector<4x8xf32> to vector<4x8x1xf32>
        %reduce_max3A_253 = arith.constant dense<0xFF800000> : vector<4x1xf32>
        %reduce_max3A_254 = vector.multi_reduction <maximumf>, %broadcast_in_dim3A_252, %reduce_max3A_253 [1] : vector<4x8x1xf32> to vector<4x1xf32>
        %broadcast_in_dim3A_255 = vector.shape_cast %reduce_max3A_254 : vector<4x1xf32> to vector<4x1x1xf32>
        %sub3A_256 = arith.subf %broadcast_in_dim3A_247, %broadcast_in_dim3A_231 : vector<4x1x1xf32>
        %sub3A_257 = arith.subf %broadcast_in_dim3A_255, %broadcast_in_dim3A_239 : vector<4x1x1xf32>
        %mul3A_258 = arith.mulf %sub3A_256, %sub3A_257 : vector<4x1x1xf32>
        %max3A_259 = vector.broadcast %broadcast_in_dim3A_231 : vector<4x1x1xf32> to vector<4x8x2500xf32>
        %max3A_260 = arith.maximumf %max3A_259, %mul3A_64 : vector<4x8x2500xf32>
        %max3A_261 = vector.broadcast %broadcast_in_dim3A_239 : vector<4x1x1xf32> to vector<4x8x2500xf32>
        %max3A_262 = arith.maximumf %max3A_261, %mul3A_70 : vector<4x8x2500xf32>
        %min3A_263 = vector.broadcast %broadcast_in_dim3A_247 : vector<4x1x1xf32> to vector<4x8x2500xf32>
        %min3A_264 = arith.minimumf %min3A_263, %mul3A_76 : vector<4x8x2500xf32>
        %min3A_265 = vector.broadcast %broadcast_in_dim3A_255 : vector<4x1x1xf32> to vector<4x8x2500xf32>
        %min3A_266 = arith.minimumf %min3A_265, %mul3A_82 : vector<4x8x2500xf32>
        %sub3A_267 = arith.subf %min3A_264, %max3A_260 : vector<4x8x2500xf32>
        %max3A_268 = arith.constant 0.000000e+00 : f32
        %max3A_269 = vector.broadcast %max3A_268 : f32 to vector<4x8x2500xf32>
        %max3A_270 = arith.maximumf %max3A_269, %sub3A_267 : vector<4x8x2500xf32>
        %sub3A_271 = arith.subf %min3A_266, %max3A_262 : vector<4x8x2500xf32>
        %max3A_272 = arith.constant 0.000000e+00 : f32
        %max3A_273 = vector.broadcast %max3A_272 : f32 to vector<4x8x2500xf32>
        %max3A_274 = arith.maximumf %max3A_273, %sub3A_271 : vector<4x8x2500xf32>
        %mul3A_275 = arith.mulf %max3A_270, %max3A_274 : vector<4x8x2500xf32>
        %add3A_276 = vector.broadcast %mul3A_258 : vector<4x1x1xf32> to vector<4x8x2500xf32>
        %add3A_277 = arith.addf %add3A_276, %mul3A_85 : vector<4x8x2500xf32>
        %sub3A_278 = arith.subf %add3A_277, %mul3A_275 : vector<4x8x2500xf32>
        %add3A_279 = arith.constant 9.99999996E-13 : f32
        %add3A_280 = vector.broadcast %add3A_279 : f32 to vector<4x8x2500xf32>
        %add3A_281 = arith.addf %sub3A_278, %add3A_280 : vector<4x8x2500xf32>
        %div3A_282 = arith.divf %mul3A_275, %add3A_281 : vector<4x8x2500xf32>
        %neg3A_283 = arith.constant 0.000000e+00 : f32
        %neg3A_284 = vector.broadcast %neg3A_283 : f32 to vector<4x8x2500xf32>
        %neg3A_285 = arith.subf %neg3A_284, %select_n3A_198 : vector<4x8x2500xf32>
        %gt3A_286 = arith.constant 5.000000e-01 : f32
        %gt3A_287 = vector.broadcast %gt3A_286 : f32 to vector<4x8x2500xf32>
        %gt3A_288 = arith.cmpf ogt, %div3A_282, %gt3A_287 : vector<4x8x2500xf32>
        %broadcast_in_dim3A_289 = vector.broadcast %while3A_97 : f32 to vector<4x8x2500xf32>
        %select_n3A_290 = arith.select %gt3A_288, %broadcast_in_dim3A_289, %select_n3A_198 : vector<4x8x2500xi1>, vector<4x8x2500xf32>
        %select_n3A_291 = arith.select %eq3A_223, %neg3A_285, %select_n3A_290 : vector<4x8x2500xi1>, vector<4x8x2500xf32>
        %reduce_max3A_292 = arith.constant dense<0xFF800000> : vector<4x8xf32>
        %reduce_max3A_293 = vector.multi_reduction <maximumf>, %select_n3A_291, %reduce_max3A_292 [2] : vector<4x8x2500xf32> to vector<4x8xf32>
        %broadcast_in_dim3A_294 = vector.shape_cast %reduce_max3A_293 : vector<4x8xf32> to vector<4x8x1xf32>
        %reduce_max3A_295 = arith.constant dense<0xFF800000> : vector<4x1xf32>
        %reduce_max3A_296 = vector.multi_reduction <maximumf>, %broadcast_in_dim3A_294, %reduce_max3A_295 [1] : vector<4x8x1xf32> to vector<4x1xf32>
        %broadcast_in_dim3A_297 = vector.shape_cast %reduce_max3A_296 : vector<4x1xf32> to vector<4x1x1xf32>
        %eq3A_298 = vector.broadcast %broadcast_in_dim3A_297 : vector<4x1x1xf32> to vector<4x8x2500xf32>
        %eq3A_299 = arith.cmpf oeq, %select_n3A_291, %eq3A_298 : vector<4x8x2500xf32>
        %jit3A_300 = arith.constant 1073741824 : i32
        %broadcast_in_dim3A_301 = vector.broadcast %jit3A_300 : i32 to vector<4x8x2500xi32>
        %select_n3A_302 = arith.select %eq3A_299, %add3A_90, %broadcast_in_dim3A_301 : vector<4x8x2500xi1>, vector<4x8x2500xi32>
        %reduce_min3A_303 = arith.constant dense<2147483647> : vector<4x8xi32>
        %reduce_min3A_304 = vector.multi_reduction <minsi>, %select_n3A_302, %reduce_min3A_303 [2] : vector<4x8x2500xi32> to vector<4x8xi32>
        %broadcast_in_dim3A_305 = vector.shape_cast %reduce_min3A_304 : vector<4x8xi32> to vector<4x8x1xi32>
        %reduce_min3A_306 = arith.constant dense<2147483647> : vector<4x1xi32>
        %reduce_min3A_307 = vector.multi_reduction <minsi>, %broadcast_in_dim3A_305, %reduce_min3A_306 [1] : vector<4x8x1xi32> to vector<4x1xi32>
        %broadcast_in_dim3A_308 = vector.shape_cast %reduce_min3A_307 : vector<4x1xi32> to vector<4x1x1xi32>
        %gt3A_309 = arith.constant 0.000000e+00 : f32
        %gt3A_310 = vector.broadcast %gt3A_309 : f32 to vector<4x1x1xf32>
        %gt3A_311 = arith.cmpf ogt, %broadcast_in_dim3A_297, %gt3A_310 : vector<4x1x1xf32>
        %jit3A_312 = arith.constant -1 : i32
        %broadcast_in_dim3A_313 = vector.broadcast %jit3A_312 : i32 to vector<4x1x1xi32>
        %select_n3A_314 = arith.select %gt3A_311, %broadcast_in_dim3A_308, %broadcast_in_dim3A_313 : vector<4x1x1xi1>, vector<4x1x1xi32>
        %eq3A_315 = vector.broadcast %select_n3A_314 : vector<4x1x1xi32> to vector<4x8x2500xi32>
        %eq3A_316 = arith.cmpi eq, %add3A_90, %eq3A_315 : vector<4x8x2500xi32>
        %broadcast_in_dim3A_317 = vector.broadcast %while3A : f32 to vector<4x8x2500xf32>
        %select_n3A_318 = arith.select %eq3A_316, %mul3A_64, %broadcast_in_dim3A_317 : vector<4x8x2500xi1>, vector<4x8x2500xf32>
        %reduce_max3A_319 = arith.constant dense<0xFF800000> : vector<4x8xf32>
        %reduce_max3A_320 = vector.multi_reduction <maximumf>, %select_n3A_318, %reduce_max3A_319 [2] : vector<4x8x2500xf32> to vector<4x8xf32>
        %broadcast_in_dim3A_321 = vector.shape_cast %reduce_max3A_320 : vector<4x8xf32> to vector<4x8x1xf32>
        %reduce_max3A_322 = arith.constant dense<0xFF800000> : vector<4x1xf32>
        %reduce_max3A_323 = vector.multi_reduction <maximumf>, %broadcast_in_dim3A_321, %reduce_max3A_322 [1] : vector<4x8x1xf32> to vector<4x1xf32>
        %broadcast_in_dim3A_324 = vector.shape_cast %reduce_max3A_323 : vector<4x1xf32> to vector<4x1x1xf32>
        %broadcast_in_dim3A_325 = vector.broadcast %while3A : f32 to vector<4x8x2500xf32>
        %select_n3A_326 = arith.select %eq3A_316, %mul3A_70, %broadcast_in_dim3A_325 : vector<4x8x2500xi1>, vector<4x8x2500xf32>
        %reduce_max3A_327 = arith.constant dense<0xFF800000> : vector<4x8xf32>
        %reduce_max3A_328 = vector.multi_reduction <maximumf>, %select_n3A_326, %reduce_max3A_327 [2] : vector<4x8x2500xf32> to vector<4x8xf32>
        %broadcast_in_dim3A_329 = vector.shape_cast %reduce_max3A_328 : vector<4x8xf32> to vector<4x8x1xf32>
        %reduce_max3A_330 = arith.constant dense<0xFF800000> : vector<4x1xf32>
        %reduce_max3A_331 = vector.multi_reduction <maximumf>, %broadcast_in_dim3A_329, %reduce_max3A_330 [1] : vector<4x8x1xf32> to vector<4x1xf32>
        %broadcast_in_dim3A_332 = vector.shape_cast %reduce_max3A_331 : vector<4x1xf32> to vector<4x1x1xf32>
        %broadcast_in_dim3A_333 = vector.broadcast %while3A : f32 to vector<4x8x2500xf32>
        %select_n3A_334 = arith.select %eq3A_316, %mul3A_76, %broadcast_in_dim3A_333 : vector<4x8x2500xi1>, vector<4x8x2500xf32>
        %reduce_max3A_335 = arith.constant dense<0xFF800000> : vector<4x8xf32>
        %reduce_max3A_336 = vector.multi_reduction <maximumf>, %select_n3A_334, %reduce_max3A_335 [2] : vector<4x8x2500xf32> to vector<4x8xf32>
        %broadcast_in_dim3A_337 = vector.shape_cast %reduce_max3A_336 : vector<4x8xf32> to vector<4x8x1xf32>
        %reduce_max3A_338 = arith.constant dense<0xFF800000> : vector<4x1xf32>
        %reduce_max3A_339 = vector.multi_reduction <maximumf>, %broadcast_in_dim3A_337, %reduce_max3A_338 [1] : vector<4x8x1xf32> to vector<4x1xf32>
        %broadcast_in_dim3A_340 = vector.shape_cast %reduce_max3A_339 : vector<4x1xf32> to vector<4x1x1xf32>
        %broadcast_in_dim3A_341 = vector.broadcast %while3A : f32 to vector<4x8x2500xf32>
        %select_n3A_342 = arith.select %eq3A_316, %mul3A_82, %broadcast_in_dim3A_341 : vector<4x8x2500xi1>, vector<4x8x2500xf32>
        %reduce_max3A_343 = arith.constant dense<0xFF800000> : vector<4x8xf32>
        %reduce_max3A_344 = vector.multi_reduction <maximumf>, %select_n3A_342, %reduce_max3A_343 [2] : vector<4x8x2500xf32> to vector<4x8xf32>
        %broadcast_in_dim3A_345 = vector.shape_cast %reduce_max3A_344 : vector<4x8xf32> to vector<4x8x1xf32>
        %reduce_max3A_346 = arith.constant dense<0xFF800000> : vector<4x1xf32>
        %reduce_max3A_347 = vector.multi_reduction <maximumf>, %broadcast_in_dim3A_345, %reduce_max3A_346 [1] : vector<4x8x1xf32> to vector<4x1xf32>
        %broadcast_in_dim3A_348 = vector.shape_cast %reduce_max3A_347 : vector<4x1xf32> to vector<4x1x1xf32>
        %sub3A_349 = arith.subf %broadcast_in_dim3A_340, %broadcast_in_dim3A_324 : vector<4x1x1xf32>
        %sub3A_350 = arith.subf %broadcast_in_dim3A_348, %broadcast_in_dim3A_332 : vector<4x1x1xf32>
        %mul3A_351 = arith.mulf %sub3A_349, %sub3A_350 : vector<4x1x1xf32>
        %max3A_352 = vector.broadcast %broadcast_in_dim3A_324 : vector<4x1x1xf32> to vector<4x8x2500xf32>
        %max3A_353 = arith.maximumf %max3A_352, %mul3A_64 : vector<4x8x2500xf32>
        %max3A_354 = vector.broadcast %broadcast_in_dim3A_332 : vector<4x1x1xf32> to vector<4x8x2500xf32>
        %max3A_355 = arith.maximumf %max3A_354, %mul3A_70 : vector<4x8x2500xf32>
        %min3A_356 = vector.broadcast %broadcast_in_dim3A_340 : vector<4x1x1xf32> to vector<4x8x2500xf32>
        %min3A_357 = arith.minimumf %min3A_356, %mul3A_76 : vector<4x8x2500xf32>
        %min3A_358 = vector.broadcast %broadcast_in_dim3A_348 : vector<4x1x1xf32> to vector<4x8x2500xf32>
        %min3A_359 = arith.minimumf %min3A_358, %mul3A_82 : vector<4x8x2500xf32>
        %sub3A_360 = arith.subf %min3A_357, %max3A_353 : vector<4x8x2500xf32>
        %max3A_361 = arith.constant 0.000000e+00 : f32
        %max3A_362 = vector.broadcast %max3A_361 : f32 to vector<4x8x2500xf32>
        %max3A_363 = arith.maximumf %max3A_362, %sub3A_360 : vector<4x8x2500xf32>
        %sub3A_364 = arith.subf %min3A_359, %max3A_355 : vector<4x8x2500xf32>
        %max3A_365 = arith.constant 0.000000e+00 : f32
        %max3A_366 = vector.broadcast %max3A_365 : f32 to vector<4x8x2500xf32>
        %max3A_367 = arith.maximumf %max3A_366, %sub3A_364 : vector<4x8x2500xf32>
        %mul3A_368 = arith.mulf %max3A_363, %max3A_367 : vector<4x8x2500xf32>
        %add3A_369 = vector.broadcast %mul3A_351 : vector<4x1x1xf32> to vector<4x8x2500xf32>
        %add3A_370 = arith.addf %add3A_369, %mul3A_85 : vector<4x8x2500xf32>
        %sub3A_371 = arith.subf %add3A_370, %mul3A_368 : vector<4x8x2500xf32>
        %add3A_372 = arith.constant 9.99999996E-13 : f32
        %add3A_373 = vector.broadcast %add3A_372 : f32 to vector<4x8x2500xf32>
        %add3A_374 = arith.addf %sub3A_371, %add3A_373 : vector<4x8x2500xf32>
        %div3A_375 = arith.divf %mul3A_368, %add3A_374 : vector<4x8x2500xf32>
        %neg3A_376 = arith.constant 0.000000e+00 : f32
        %neg3A_377 = vector.broadcast %neg3A_376 : f32 to vector<4x8x2500xf32>
        %neg3A_378 = arith.subf %neg3A_377, %select_n3A_291 : vector<4x8x2500xf32>
        %gt3A_379 = arith.constant 5.000000e-01 : f32
        %gt3A_380 = vector.broadcast %gt3A_379 : f32 to vector<4x8x2500xf32>
        %gt3A_381 = arith.cmpf ogt, %div3A_375, %gt3A_380 : vector<4x8x2500xf32>
        %broadcast_in_dim3A_382 = vector.broadcast %while3A_97 : f32 to vector<4x8x2500xf32>
        %select_n3A_383 = arith.select %gt3A_381, %broadcast_in_dim3A_382, %select_n3A_291 : vector<4x8x2500xi1>, vector<4x8x2500xf32>
        %select_n3A_384 = arith.select %eq3A_316, %neg3A_378, %select_n3A_383 : vector<4x8x2500xi1>, vector<4x8x2500xf32>
        %reduce_max3A_385 = arith.constant dense<0xFF800000> : vector<4x8xf32>
        %reduce_max3A_386 = vector.multi_reduction <maximumf>, %select_n3A_384, %reduce_max3A_385 [2] : vector<4x8x2500xf32> to vector<4x8xf32>
        %broadcast_in_dim3A_387 = vector.shape_cast %reduce_max3A_386 : vector<4x8xf32> to vector<4x8x1xf32>
        %reduce_max3A_388 = arith.constant dense<0xFF800000> : vector<4x1xf32>
        %reduce_max3A_389 = vector.multi_reduction <maximumf>, %broadcast_in_dim3A_387, %reduce_max3A_388 [1] : vector<4x8x1xf32> to vector<4x1xf32>
        %broadcast_in_dim3A_390 = vector.shape_cast %reduce_max3A_389 : vector<4x1xf32> to vector<4x1x1xf32>
        %eq3A_391 = vector.broadcast %broadcast_in_dim3A_390 : vector<4x1x1xf32> to vector<4x8x2500xf32>
        %eq3A_392 = arith.cmpf oeq, %select_n3A_384, %eq3A_391 : vector<4x8x2500xf32>
        %jit3A_393 = arith.constant 1073741824 : i32
        %broadcast_in_dim3A_394 = vector.broadcast %jit3A_393 : i32 to vector<4x8x2500xi32>
        %select_n3A_395 = arith.select %eq3A_392, %add3A_90, %broadcast_in_dim3A_394 : vector<4x8x2500xi1>, vector<4x8x2500xi32>
        %reduce_min3A_396 = arith.constant dense<2147483647> : vector<4x8xi32>
        %reduce_min3A_397 = vector.multi_reduction <minsi>, %select_n3A_395, %reduce_min3A_396 [2] : vector<4x8x2500xi32> to vector<4x8xi32>
        %broadcast_in_dim3A_398 = vector.shape_cast %reduce_min3A_397 : vector<4x8xi32> to vector<4x8x1xi32>
        %reduce_min3A_399 = arith.constant dense<2147483647> : vector<4x1xi32>
        %reduce_min3A_400 = vector.multi_reduction <minsi>, %broadcast_in_dim3A_398, %reduce_min3A_399 [1] : vector<4x8x1xi32> to vector<4x1xi32>
        %broadcast_in_dim3A_401 = vector.shape_cast %reduce_min3A_400 : vector<4x1xi32> to vector<4x1x1xi32>
        %gt3A_402 = arith.constant 0.000000e+00 : f32
        %gt3A_403 = vector.broadcast %gt3A_402 : f32 to vector<4x1x1xf32>
        %gt3A_404 = arith.cmpf ogt, %broadcast_in_dim3A_390, %gt3A_403 : vector<4x1x1xf32>
        %jit3A_405 = arith.constant -1 : i32
        %broadcast_in_dim3A_406 = vector.broadcast %jit3A_405 : i32 to vector<4x1x1xi32>
        %select_n3A_407 = arith.select %gt3A_404, %broadcast_in_dim3A_401, %broadcast_in_dim3A_406 : vector<4x1x1xi1>, vector<4x1x1xi32>
        %eq3A_408 = vector.broadcast %select_n3A_407 : vector<4x1x1xi32> to vector<4x8x2500xi32>
        %eq3A_409 = arith.cmpi eq, %add3A_90, %eq3A_408 : vector<4x8x2500xi32>
        %broadcast_in_dim3A_410 = vector.broadcast %while3A : f32 to vector<4x8x2500xf32>
        %select_n3A_411 = arith.select %eq3A_409, %mul3A_64, %broadcast_in_dim3A_410 : vector<4x8x2500xi1>, vector<4x8x2500xf32>
        %reduce_max3A_412 = arith.constant dense<0xFF800000> : vector<4x8xf32>
        %reduce_max3A_413 = vector.multi_reduction <maximumf>, %select_n3A_411, %reduce_max3A_412 [2] : vector<4x8x2500xf32> to vector<4x8xf32>
        %broadcast_in_dim3A_414 = vector.shape_cast %reduce_max3A_413 : vector<4x8xf32> to vector<4x8x1xf32>
        %reduce_max3A_415 = arith.constant dense<0xFF800000> : vector<4x1xf32>
        %reduce_max3A_416 = vector.multi_reduction <maximumf>, %broadcast_in_dim3A_414, %reduce_max3A_415 [1] : vector<4x8x1xf32> to vector<4x1xf32>
        %broadcast_in_dim3A_417 = vector.shape_cast %reduce_max3A_416 : vector<4x1xf32> to vector<4x1x1xf32>
        %broadcast_in_dim3A_418 = vector.broadcast %while3A : f32 to vector<4x8x2500xf32>
        %select_n3A_419 = arith.select %eq3A_409, %mul3A_70, %broadcast_in_dim3A_418 : vector<4x8x2500xi1>, vector<4x8x2500xf32>
        %reduce_max3A_420 = arith.constant dense<0xFF800000> : vector<4x8xf32>
        %reduce_max3A_421 = vector.multi_reduction <maximumf>, %select_n3A_419, %reduce_max3A_420 [2] : vector<4x8x2500xf32> to vector<4x8xf32>
        %broadcast_in_dim3A_422 = vector.shape_cast %reduce_max3A_421 : vector<4x8xf32> to vector<4x8x1xf32>
        %reduce_max3A_423 = arith.constant dense<0xFF800000> : vector<4x1xf32>
        %reduce_max3A_424 = vector.multi_reduction <maximumf>, %broadcast_in_dim3A_422, %reduce_max3A_423 [1] : vector<4x8x1xf32> to vector<4x1xf32>
        %broadcast_in_dim3A_425 = vector.shape_cast %reduce_max3A_424 : vector<4x1xf32> to vector<4x1x1xf32>
        %broadcast_in_dim3A_426 = vector.broadcast %while3A : f32 to vector<4x8x2500xf32>
        %select_n3A_427 = arith.select %eq3A_409, %mul3A_76, %broadcast_in_dim3A_426 : vector<4x8x2500xi1>, vector<4x8x2500xf32>
        %reduce_max3A_428 = arith.constant dense<0xFF800000> : vector<4x8xf32>
        %reduce_max3A_429 = vector.multi_reduction <maximumf>, %select_n3A_427, %reduce_max3A_428 [2] : vector<4x8x2500xf32> to vector<4x8xf32>
        %broadcast_in_dim3A_430 = vector.shape_cast %reduce_max3A_429 : vector<4x8xf32> to vector<4x8x1xf32>
        %reduce_max3A_431 = arith.constant dense<0xFF800000> : vector<4x1xf32>
        %reduce_max3A_432 = vector.multi_reduction <maximumf>, %broadcast_in_dim3A_430, %reduce_max3A_431 [1] : vector<4x8x1xf32> to vector<4x1xf32>
        %broadcast_in_dim3A_433 = vector.shape_cast %reduce_max3A_432 : vector<4x1xf32> to vector<4x1x1xf32>
        %broadcast_in_dim3A_434 = vector.broadcast %while3A : f32 to vector<4x8x2500xf32>
        %select_n3A_435 = arith.select %eq3A_409, %mul3A_82, %broadcast_in_dim3A_434 : vector<4x8x2500xi1>, vector<4x8x2500xf32>
        %reduce_max3A_436 = arith.constant dense<0xFF800000> : vector<4x8xf32>
        %reduce_max3A_437 = vector.multi_reduction <maximumf>, %select_n3A_435, %reduce_max3A_436 [2] : vector<4x8x2500xf32> to vector<4x8xf32>
        %broadcast_in_dim3A_438 = vector.shape_cast %reduce_max3A_437 : vector<4x8xf32> to vector<4x8x1xf32>
        %reduce_max3A_439 = arith.constant dense<0xFF800000> : vector<4x1xf32>
        %reduce_max3A_440 = vector.multi_reduction <maximumf>, %broadcast_in_dim3A_438, %reduce_max3A_439 [1] : vector<4x8x1xf32> to vector<4x1xf32>
        %broadcast_in_dim3A_441 = vector.shape_cast %reduce_max3A_440 : vector<4x1xf32> to vector<4x1x1xf32>
        %sub3A_442 = arith.subf %broadcast_in_dim3A_433, %broadcast_in_dim3A_417 : vector<4x1x1xf32>
        %sub3A_443 = arith.subf %broadcast_in_dim3A_441, %broadcast_in_dim3A_425 : vector<4x1x1xf32>
        %mul3A_444 = arith.mulf %sub3A_442, %sub3A_443 : vector<4x1x1xf32>
        %max3A_445 = vector.broadcast %broadcast_in_dim3A_417 : vector<4x1x1xf32> to vector<4x8x2500xf32>
        %max3A_446 = arith.maximumf %max3A_445, %mul3A_64 : vector<4x8x2500xf32>
        %max3A_447 = vector.broadcast %broadcast_in_dim3A_425 : vector<4x1x1xf32> to vector<4x8x2500xf32>
        %max3A_448 = arith.maximumf %max3A_447, %mul3A_70 : vector<4x8x2500xf32>
        %min3A_449 = vector.broadcast %broadcast_in_dim3A_433 : vector<4x1x1xf32> to vector<4x8x2500xf32>
        %min3A_450 = arith.minimumf %min3A_449, %mul3A_76 : vector<4x8x2500xf32>
        %min3A_451 = vector.broadcast %broadcast_in_dim3A_441 : vector<4x1x1xf32> to vector<4x8x2500xf32>
        %min3A_452 = arith.minimumf %min3A_451, %mul3A_82 : vector<4x8x2500xf32>
        %sub3A_453 = arith.subf %min3A_450, %max3A_446 : vector<4x8x2500xf32>
        %max3A_454 = arith.constant 0.000000e+00 : f32
        %max3A_455 = vector.broadcast %max3A_454 : f32 to vector<4x8x2500xf32>
        %max3A_456 = arith.maximumf %max3A_455, %sub3A_453 : vector<4x8x2500xf32>
        %sub3A_457 = arith.subf %min3A_452, %max3A_448 : vector<4x8x2500xf32>
        %max3A_458 = arith.constant 0.000000e+00 : f32
        %max3A_459 = vector.broadcast %max3A_458 : f32 to vector<4x8x2500xf32>
        %max3A_460 = arith.maximumf %max3A_459, %sub3A_457 : vector<4x8x2500xf32>
        %mul3A_461 = arith.mulf %max3A_456, %max3A_460 : vector<4x8x2500xf32>
        %add3A_462 = vector.broadcast %mul3A_444 : vector<4x1x1xf32> to vector<4x8x2500xf32>
        %add3A_463 = arith.addf %add3A_462, %mul3A_85 : vector<4x8x2500xf32>
        %sub3A_464 = arith.subf %add3A_463, %mul3A_461 : vector<4x8x2500xf32>
        %add3A_465 = arith.constant 9.99999996E-13 : f32
        %add3A_466 = vector.broadcast %add3A_465 : f32 to vector<4x8x2500xf32>
        %add3A_467 = arith.addf %sub3A_464, %add3A_466 : vector<4x8x2500xf32>
        %div3A_468 = arith.divf %mul3A_461, %add3A_467 : vector<4x8x2500xf32>
        %neg3A_469 = arith.constant 0.000000e+00 : f32
        %neg3A_470 = vector.broadcast %neg3A_469 : f32 to vector<4x8x2500xf32>
        %neg3A_471 = arith.subf %neg3A_470, %select_n3A_384 : vector<4x8x2500xf32>
        %gt3A_472 = arith.constant 5.000000e-01 : f32
        %gt3A_473 = vector.broadcast %gt3A_472 : f32 to vector<4x8x2500xf32>
        %gt3A_474 = arith.cmpf ogt, %div3A_468, %gt3A_473 : vector<4x8x2500xf32>
        %broadcast_in_dim3A_475 = vector.broadcast %while3A_97 : f32 to vector<4x8x2500xf32>
        %select_n3A_476 = arith.select %gt3A_474, %broadcast_in_dim3A_475, %select_n3A_384 : vector<4x8x2500xi1>, vector<4x8x2500xf32>
        %select_n3A_477 = arith.select %eq3A_409, %neg3A_471, %select_n3A_476 : vector<4x8x2500xi1>, vector<4x8x2500xf32>
        %reduce_max3A_478 = arith.constant dense<0xFF800000> : vector<4x8xf32>
        %reduce_max3A_479 = vector.multi_reduction <maximumf>, %select_n3A_477, %reduce_max3A_478 [2] : vector<4x8x2500xf32> to vector<4x8xf32>
        %broadcast_in_dim3A_480 = vector.shape_cast %reduce_max3A_479 : vector<4x8xf32> to vector<4x8x1xf32>
        %reduce_max3A_481 = arith.constant dense<0xFF800000> : vector<4x1xf32>
        %reduce_max3A_482 = vector.multi_reduction <maximumf>, %broadcast_in_dim3A_480, %reduce_max3A_481 [1] : vector<4x8x1xf32> to vector<4x1xf32>
        %broadcast_in_dim3A_483 = vector.shape_cast %reduce_max3A_482 : vector<4x1xf32> to vector<4x1x1xf32>
        %eq3A_484 = vector.broadcast %broadcast_in_dim3A_483 : vector<4x1x1xf32> to vector<4x8x2500xf32>
        %eq3A_485 = arith.cmpf oeq, %select_n3A_477, %eq3A_484 : vector<4x8x2500xf32>
        %jit3A_486 = arith.constant 1073741824 : i32
        %broadcast_in_dim3A_487 = vector.broadcast %jit3A_486 : i32 to vector<4x8x2500xi32>
        %select_n3A_488 = arith.select %eq3A_485, %add3A_90, %broadcast_in_dim3A_487 : vector<4x8x2500xi1>, vector<4x8x2500xi32>
        %reduce_min3A_489 = arith.constant dense<2147483647> : vector<4x8xi32>
        %reduce_min3A_490 = vector.multi_reduction <minsi>, %select_n3A_488, %reduce_min3A_489 [2] : vector<4x8x2500xi32> to vector<4x8xi32>
        %broadcast_in_dim3A_491 = vector.shape_cast %reduce_min3A_490 : vector<4x8xi32> to vector<4x8x1xi32>
        %reduce_min3A_492 = arith.constant dense<2147483647> : vector<4x1xi32>
        %reduce_min3A_493 = vector.multi_reduction <minsi>, %broadcast_in_dim3A_491, %reduce_min3A_492 [1] : vector<4x8x1xi32> to vector<4x1xi32>
        %broadcast_in_dim3A_494 = vector.shape_cast %reduce_min3A_493 : vector<4x1xi32> to vector<4x1x1xi32>
        %gt3A_495 = arith.constant 0.000000e+00 : f32
        %gt3A_496 = vector.broadcast %gt3A_495 : f32 to vector<4x1x1xf32>
        %gt3A_497 = arith.cmpf ogt, %broadcast_in_dim3A_483, %gt3A_496 : vector<4x1x1xf32>
        %jit3A_498 = arith.constant -1 : i32
        %broadcast_in_dim3A_499 = vector.broadcast %jit3A_498 : i32 to vector<4x1x1xi32>
        %select_n3A_500 = arith.select %gt3A_497, %broadcast_in_dim3A_494, %broadcast_in_dim3A_499 : vector<4x1x1xi1>, vector<4x1x1xi32>
        %eq3A_501 = vector.broadcast %select_n3A_500 : vector<4x1x1xi32> to vector<4x8x2500xi32>
        %eq3A_502 = arith.cmpi eq, %add3A_90, %eq3A_501 : vector<4x8x2500xi32>
        %broadcast_in_dim3A_503 = vector.broadcast %while3A : f32 to vector<4x8x2500xf32>
        %select_n3A_504 = arith.select %eq3A_502, %mul3A_64, %broadcast_in_dim3A_503 : vector<4x8x2500xi1>, vector<4x8x2500xf32>
        %reduce_max3A_505 = arith.constant dense<0xFF800000> : vector<4x8xf32>
        %reduce_max3A_506 = vector.multi_reduction <maximumf>, %select_n3A_504, %reduce_max3A_505 [2] : vector<4x8x2500xf32> to vector<4x8xf32>
        %broadcast_in_dim3A_507 = vector.shape_cast %reduce_max3A_506 : vector<4x8xf32> to vector<4x8x1xf32>
        %reduce_max3A_508 = arith.constant dense<0xFF800000> : vector<4x1xf32>
        %reduce_max3A_509 = vector.multi_reduction <maximumf>, %broadcast_in_dim3A_507, %reduce_max3A_508 [1] : vector<4x8x1xf32> to vector<4x1xf32>
        %broadcast_in_dim3A_510 = vector.shape_cast %reduce_max3A_509 : vector<4x1xf32> to vector<4x1x1xf32>
        %broadcast_in_dim3A_511 = vector.broadcast %while3A : f32 to vector<4x8x2500xf32>
        %select_n3A_512 = arith.select %eq3A_502, %mul3A_70, %broadcast_in_dim3A_511 : vector<4x8x2500xi1>, vector<4x8x2500xf32>
        %reduce_max3A_513 = arith.constant dense<0xFF800000> : vector<4x8xf32>
        %reduce_max3A_514 = vector.multi_reduction <maximumf>, %select_n3A_512, %reduce_max3A_513 [2] : vector<4x8x2500xf32> to vector<4x8xf32>
        %broadcast_in_dim3A_515 = vector.shape_cast %reduce_max3A_514 : vector<4x8xf32> to vector<4x8x1xf32>
        %reduce_max3A_516 = arith.constant dense<0xFF800000> : vector<4x1xf32>
        %reduce_max3A_517 = vector.multi_reduction <maximumf>, %broadcast_in_dim3A_515, %reduce_max3A_516 [1] : vector<4x8x1xf32> to vector<4x1xf32>
        %broadcast_in_dim3A_518 = vector.shape_cast %reduce_max3A_517 : vector<4x1xf32> to vector<4x1x1xf32>
        %broadcast_in_dim3A_519 = vector.broadcast %while3A : f32 to vector<4x8x2500xf32>
        %select_n3A_520 = arith.select %eq3A_502, %mul3A_76, %broadcast_in_dim3A_519 : vector<4x8x2500xi1>, vector<4x8x2500xf32>
        %reduce_max3A_521 = arith.constant dense<0xFF800000> : vector<4x8xf32>
        %reduce_max3A_522 = vector.multi_reduction <maximumf>, %select_n3A_520, %reduce_max3A_521 [2] : vector<4x8x2500xf32> to vector<4x8xf32>
        %broadcast_in_dim3A_523 = vector.shape_cast %reduce_max3A_522 : vector<4x8xf32> to vector<4x8x1xf32>
        %reduce_max3A_524 = arith.constant dense<0xFF800000> : vector<4x1xf32>
        %reduce_max3A_525 = vector.multi_reduction <maximumf>, %broadcast_in_dim3A_523, %reduce_max3A_524 [1] : vector<4x8x1xf32> to vector<4x1xf32>
        %broadcast_in_dim3A_526 = vector.shape_cast %reduce_max3A_525 : vector<4x1xf32> to vector<4x1x1xf32>
        %broadcast_in_dim3A_527 = vector.broadcast %while3A : f32 to vector<4x8x2500xf32>
        %select_n3A_528 = arith.select %eq3A_502, %mul3A_82, %broadcast_in_dim3A_527 : vector<4x8x2500xi1>, vector<4x8x2500xf32>
        %reduce_max3A_529 = arith.constant dense<0xFF800000> : vector<4x8xf32>
        %reduce_max3A_530 = vector.multi_reduction <maximumf>, %select_n3A_528, %reduce_max3A_529 [2] : vector<4x8x2500xf32> to vector<4x8xf32>
        %broadcast_in_dim3A_531 = vector.shape_cast %reduce_max3A_530 : vector<4x8xf32> to vector<4x8x1xf32>
        %reduce_max3A_532 = arith.constant dense<0xFF800000> : vector<4x1xf32>
        %reduce_max3A_533 = vector.multi_reduction <maximumf>, %broadcast_in_dim3A_531, %reduce_max3A_532 [1] : vector<4x8x1xf32> to vector<4x1xf32>
        %broadcast_in_dim3A_534 = vector.shape_cast %reduce_max3A_533 : vector<4x1xf32> to vector<4x1x1xf32>
        %sub3A_535 = arith.subf %broadcast_in_dim3A_526, %broadcast_in_dim3A_510 : vector<4x1x1xf32>
        %sub3A_536 = arith.subf %broadcast_in_dim3A_534, %broadcast_in_dim3A_518 : vector<4x1x1xf32>
        %mul3A_537 = arith.mulf %sub3A_535, %sub3A_536 : vector<4x1x1xf32>
        %max3A_538 = vector.broadcast %broadcast_in_dim3A_510 : vector<4x1x1xf32> to vector<4x8x2500xf32>
        %max3A_539 = arith.maximumf %max3A_538, %mul3A_64 : vector<4x8x2500xf32>
        %max3A_540 = vector.broadcast %broadcast_in_dim3A_518 : vector<4x1x1xf32> to vector<4x8x2500xf32>
        %max3A_541 = arith.maximumf %max3A_540, %mul3A_70 : vector<4x8x2500xf32>
        %min3A_542 = vector.broadcast %broadcast_in_dim3A_526 : vector<4x1x1xf32> to vector<4x8x2500xf32>
        %min3A_543 = arith.minimumf %min3A_542, %mul3A_76 : vector<4x8x2500xf32>
        %min3A_544 = vector.broadcast %broadcast_in_dim3A_534 : vector<4x1x1xf32> to vector<4x8x2500xf32>
        %min3A_545 = arith.minimumf %min3A_544, %mul3A_82 : vector<4x8x2500xf32>
        %sub3A_546 = arith.subf %min3A_543, %max3A_539 : vector<4x8x2500xf32>
        %max3A_547 = arith.constant 0.000000e+00 : f32
        %max3A_548 = vector.broadcast %max3A_547 : f32 to vector<4x8x2500xf32>
        %max3A_549 = arith.maximumf %max3A_548, %sub3A_546 : vector<4x8x2500xf32>
        %sub3A_550 = arith.subf %min3A_545, %max3A_541 : vector<4x8x2500xf32>
        %max3A_551 = arith.constant 0.000000e+00 : f32
        %max3A_552 = vector.broadcast %max3A_551 : f32 to vector<4x8x2500xf32>
        %max3A_553 = arith.maximumf %max3A_552, %sub3A_550 : vector<4x8x2500xf32>
        %mul3A_554 = arith.mulf %max3A_549, %max3A_553 : vector<4x8x2500xf32>
        %add3A_555 = vector.broadcast %mul3A_537 : vector<4x1x1xf32> to vector<4x8x2500xf32>
        %add3A_556 = arith.addf %add3A_555, %mul3A_85 : vector<4x8x2500xf32>
        %sub3A_557 = arith.subf %add3A_556, %mul3A_554 : vector<4x8x2500xf32>
        %add3A_558 = arith.constant 9.99999996E-13 : f32
        %add3A_559 = vector.broadcast %add3A_558 : f32 to vector<4x8x2500xf32>
        %add3A_560 = arith.addf %sub3A_557, %add3A_559 : vector<4x8x2500xf32>
        %div3A_561 = arith.divf %mul3A_554, %add3A_560 : vector<4x8x2500xf32>
        %neg3A_562 = arith.constant 0.000000e+00 : f32
        %neg3A_563 = vector.broadcast %neg3A_562 : f32 to vector<4x8x2500xf32>
        %neg3A_564 = arith.subf %neg3A_563, %select_n3A_477 : vector<4x8x2500xf32>
        %gt3A_565 = arith.constant 5.000000e-01 : f32
        %gt3A_566 = vector.broadcast %gt3A_565 : f32 to vector<4x8x2500xf32>
        %gt3A_567 = arith.cmpf ogt, %div3A_561, %gt3A_566 : vector<4x8x2500xf32>
        %broadcast_in_dim3A_568 = vector.broadcast %while3A_97 : f32 to vector<4x8x2500xf32>
        %select_n3A_569 = arith.select %gt3A_567, %broadcast_in_dim3A_568, %select_n3A_477 : vector<4x8x2500xi1>, vector<4x8x2500xf32>
        %select_n3A_570 = arith.select %eq3A_502, %neg3A_564, %select_n3A_569 : vector<4x8x2500xi1>, vector<4x8x2500xf32>
        %reduce_max3A_571 = arith.constant dense<0xFF800000> : vector<4x8xf32>
        %reduce_max3A_572 = vector.multi_reduction <maximumf>, %select_n3A_570, %reduce_max3A_571 [2] : vector<4x8x2500xf32> to vector<4x8xf32>
        %broadcast_in_dim3A_573 = vector.shape_cast %reduce_max3A_572 : vector<4x8xf32> to vector<4x8x1xf32>
        %reduce_max3A_574 = arith.constant dense<0xFF800000> : vector<4x1xf32>
        %reduce_max3A_575 = vector.multi_reduction <maximumf>, %broadcast_in_dim3A_573, %reduce_max3A_574 [1] : vector<4x8x1xf32> to vector<4x1xf32>
        %broadcast_in_dim3A_576 = vector.shape_cast %reduce_max3A_575 : vector<4x1xf32> to vector<4x1x1xf32>
        %eq3A_577 = vector.broadcast %broadcast_in_dim3A_576 : vector<4x1x1xf32> to vector<4x8x2500xf32>
        %eq3A_578 = arith.cmpf oeq, %select_n3A_570, %eq3A_577 : vector<4x8x2500xf32>
        %jit3A_579 = arith.constant 1073741824 : i32
        %broadcast_in_dim3A_580 = vector.broadcast %jit3A_579 : i32 to vector<4x8x2500xi32>
        %select_n3A_581 = arith.select %eq3A_578, %add3A_90, %broadcast_in_dim3A_580 : vector<4x8x2500xi1>, vector<4x8x2500xi32>
        %reduce_min3A_582 = arith.constant dense<2147483647> : vector<4x8xi32>
        %reduce_min3A_583 = vector.multi_reduction <minsi>, %select_n3A_581, %reduce_min3A_582 [2] : vector<4x8x2500xi32> to vector<4x8xi32>
        %broadcast_in_dim3A_584 = vector.shape_cast %reduce_min3A_583 : vector<4x8xi32> to vector<4x8x1xi32>
        %reduce_min3A_585 = arith.constant dense<2147483647> : vector<4x1xi32>
        %reduce_min3A_586 = vector.multi_reduction <minsi>, %broadcast_in_dim3A_584, %reduce_min3A_585 [1] : vector<4x8x1xi32> to vector<4x1xi32>
        %broadcast_in_dim3A_587 = vector.shape_cast %reduce_min3A_586 : vector<4x1xi32> to vector<4x1x1xi32>
        %gt3A_588 = arith.constant 0.000000e+00 : f32
        %gt3A_589 = vector.broadcast %gt3A_588 : f32 to vector<4x1x1xf32>
        %gt3A_590 = arith.cmpf ogt, %broadcast_in_dim3A_576, %gt3A_589 : vector<4x1x1xf32>
        %jit3A_591 = arith.constant -1 : i32
        %broadcast_in_dim3A_592 = vector.broadcast %jit3A_591 : i32 to vector<4x1x1xi32>
        %select_n3A_593 = arith.select %gt3A_590, %broadcast_in_dim3A_587, %broadcast_in_dim3A_592 : vector<4x1x1xi1>, vector<4x1x1xi32>
        %eq3A_594 = vector.broadcast %select_n3A_593 : vector<4x1x1xi32> to vector<4x8x2500xi32>
        %eq3A_595 = arith.cmpi eq, %add3A_90, %eq3A_594 : vector<4x8x2500xi32>
        %broadcast_in_dim3A_596 = vector.broadcast %while3A : f32 to vector<4x8x2500xf32>
        %select_n3A_597 = arith.select %eq3A_595, %mul3A_64, %broadcast_in_dim3A_596 : vector<4x8x2500xi1>, vector<4x8x2500xf32>
        %reduce_max3A_598 = arith.constant dense<0xFF800000> : vector<4x8xf32>
        %reduce_max3A_599 = vector.multi_reduction <maximumf>, %select_n3A_597, %reduce_max3A_598 [2] : vector<4x8x2500xf32> to vector<4x8xf32>
        %broadcast_in_dim3A_600 = vector.shape_cast %reduce_max3A_599 : vector<4x8xf32> to vector<4x8x1xf32>
        %reduce_max3A_601 = arith.constant dense<0xFF800000> : vector<4x1xf32>
        %reduce_max3A_602 = vector.multi_reduction <maximumf>, %broadcast_in_dim3A_600, %reduce_max3A_601 [1] : vector<4x8x1xf32> to vector<4x1xf32>
        %broadcast_in_dim3A_603 = vector.shape_cast %reduce_max3A_602 : vector<4x1xf32> to vector<4x1x1xf32>
        %broadcast_in_dim3A_604 = vector.broadcast %while3A : f32 to vector<4x8x2500xf32>
        %select_n3A_605 = arith.select %eq3A_595, %mul3A_70, %broadcast_in_dim3A_604 : vector<4x8x2500xi1>, vector<4x8x2500xf32>
        %reduce_max3A_606 = arith.constant dense<0xFF800000> : vector<4x8xf32>
        %reduce_max3A_607 = vector.multi_reduction <maximumf>, %select_n3A_605, %reduce_max3A_606 [2] : vector<4x8x2500xf32> to vector<4x8xf32>
        %broadcast_in_dim3A_608 = vector.shape_cast %reduce_max3A_607 : vector<4x8xf32> to vector<4x8x1xf32>
        %reduce_max3A_609 = arith.constant dense<0xFF800000> : vector<4x1xf32>
        %reduce_max3A_610 = vector.multi_reduction <maximumf>, %broadcast_in_dim3A_608, %reduce_max3A_609 [1] : vector<4x8x1xf32> to vector<4x1xf32>
        %broadcast_in_dim3A_611 = vector.shape_cast %reduce_max3A_610 : vector<4x1xf32> to vector<4x1x1xf32>
        %broadcast_in_dim3A_612 = vector.broadcast %while3A : f32 to vector<4x8x2500xf32>
        %select_n3A_613 = arith.select %eq3A_595, %mul3A_76, %broadcast_in_dim3A_612 : vector<4x8x2500xi1>, vector<4x8x2500xf32>
        %reduce_max3A_614 = arith.constant dense<0xFF800000> : vector<4x8xf32>
        %reduce_max3A_615 = vector.multi_reduction <maximumf>, %select_n3A_613, %reduce_max3A_614 [2] : vector<4x8x2500xf32> to vector<4x8xf32>
        %broadcast_in_dim3A_616 = vector.shape_cast %reduce_max3A_615 : vector<4x8xf32> to vector<4x8x1xf32>
        %reduce_max3A_617 = arith.constant dense<0xFF800000> : vector<4x1xf32>
        %reduce_max3A_618 = vector.multi_reduction <maximumf>, %broadcast_in_dim3A_616, %reduce_max3A_617 [1] : vector<4x8x1xf32> to vector<4x1xf32>
        %broadcast_in_dim3A_619 = vector.shape_cast %reduce_max3A_618 : vector<4x1xf32> to vector<4x1x1xf32>
        %broadcast_in_dim3A_620 = vector.broadcast %while3A : f32 to vector<4x8x2500xf32>
        %select_n3A_621 = arith.select %eq3A_595, %mul3A_82, %broadcast_in_dim3A_620 : vector<4x8x2500xi1>, vector<4x8x2500xf32>
        %reduce_max3A_622 = arith.constant dense<0xFF800000> : vector<4x8xf32>
        %reduce_max3A_623 = vector.multi_reduction <maximumf>, %select_n3A_621, %reduce_max3A_622 [2] : vector<4x8x2500xf32> to vector<4x8xf32>
        %broadcast_in_dim3A_624 = vector.shape_cast %reduce_max3A_623 : vector<4x8xf32> to vector<4x8x1xf32>
        %reduce_max3A_625 = arith.constant dense<0xFF800000> : vector<4x1xf32>
        %reduce_max3A_626 = vector.multi_reduction <maximumf>, %broadcast_in_dim3A_624, %reduce_max3A_625 [1] : vector<4x8x1xf32> to vector<4x1xf32>
        %broadcast_in_dim3A_627 = vector.shape_cast %reduce_max3A_626 : vector<4x1xf32> to vector<4x1x1xf32>
        %sub3A_628 = arith.subf %broadcast_in_dim3A_619, %broadcast_in_dim3A_603 : vector<4x1x1xf32>
        %sub3A_629 = arith.subf %broadcast_in_dim3A_627, %broadcast_in_dim3A_611 : vector<4x1x1xf32>
        %mul3A_630 = arith.mulf %sub3A_628, %sub3A_629 : vector<4x1x1xf32>
        %max3A_631 = vector.broadcast %broadcast_in_dim3A_603 : vector<4x1x1xf32> to vector<4x8x2500xf32>
        %max3A_632 = arith.maximumf %max3A_631, %mul3A_64 : vector<4x8x2500xf32>
        %max3A_633 = vector.broadcast %broadcast_in_dim3A_611 : vector<4x1x1xf32> to vector<4x8x2500xf32>
        %max3A_634 = arith.maximumf %max3A_633, %mul3A_70 : vector<4x8x2500xf32>
        %min3A_635 = vector.broadcast %broadcast_in_dim3A_619 : vector<4x1x1xf32> to vector<4x8x2500xf32>
        %min3A_636 = arith.minimumf %min3A_635, %mul3A_76 : vector<4x8x2500xf32>
        %min3A_637 = vector.broadcast %broadcast_in_dim3A_627 : vector<4x1x1xf32> to vector<4x8x2500xf32>
        %min3A_638 = arith.minimumf %min3A_637, %mul3A_82 : vector<4x8x2500xf32>
        %sub3A_639 = arith.subf %min3A_636, %max3A_632 : vector<4x8x2500xf32>
        %max3A_640 = arith.constant 0.000000e+00 : f32
        %max3A_641 = vector.broadcast %max3A_640 : f32 to vector<4x8x2500xf32>
        %max3A_642 = arith.maximumf %max3A_641, %sub3A_639 : vector<4x8x2500xf32>
        %sub3A_643 = arith.subf %min3A_638, %max3A_634 : vector<4x8x2500xf32>
        %max3A_644 = arith.constant 0.000000e+00 : f32
        %max3A_645 = vector.broadcast %max3A_644 : f32 to vector<4x8x2500xf32>
        %max3A_646 = arith.maximumf %max3A_645, %sub3A_643 : vector<4x8x2500xf32>
        %mul3A_647 = arith.mulf %max3A_642, %max3A_646 : vector<4x8x2500xf32>
        %add3A_648 = vector.broadcast %mul3A_630 : vector<4x1x1xf32> to vector<4x8x2500xf32>
        %add3A_649 = arith.addf %add3A_648, %mul3A_85 : vector<4x8x2500xf32>
        %sub3A_650 = arith.subf %add3A_649, %mul3A_647 : vector<4x8x2500xf32>
        %add3A_651 = arith.constant 9.99999996E-13 : f32
        %add3A_652 = vector.broadcast %add3A_651 : f32 to vector<4x8x2500xf32>
        %add3A_653 = arith.addf %sub3A_650, %add3A_652 : vector<4x8x2500xf32>
        %div3A_654 = arith.divf %mul3A_647, %add3A_653 : vector<4x8x2500xf32>
        %neg3A_655 = arith.constant 0.000000e+00 : f32
        %neg3A_656 = vector.broadcast %neg3A_655 : f32 to vector<4x8x2500xf32>
        %neg3A_657 = arith.subf %neg3A_656, %select_n3A_570 : vector<4x8x2500xf32>
        %gt3A_658 = arith.constant 5.000000e-01 : f32
        %gt3A_659 = vector.broadcast %gt3A_658 : f32 to vector<4x8x2500xf32>
        %gt3A_660 = arith.cmpf ogt, %div3A_654, %gt3A_659 : vector<4x8x2500xf32>
        %broadcast_in_dim3A_661 = vector.broadcast %while3A_97 : f32 to vector<4x8x2500xf32>
        %select_n3A_662 = arith.select %gt3A_660, %broadcast_in_dim3A_661, %select_n3A_570 : vector<4x8x2500xi1>, vector<4x8x2500xf32>
        %select_n3A_663 = arith.select %eq3A_595, %neg3A_657, %select_n3A_662 : vector<4x8x2500xi1>, vector<4x8x2500xf32>
        %reduce_max3A_664 = arith.constant dense<0xFF800000> : vector<4x8xf32>
        %reduce_max3A_665 = vector.multi_reduction <maximumf>, %select_n3A_663, %reduce_max3A_664 [2] : vector<4x8x2500xf32> to vector<4x8xf32>
        %broadcast_in_dim3A_666 = vector.shape_cast %reduce_max3A_665 : vector<4x8xf32> to vector<4x8x1xf32>
        %reduce_max3A_667 = arith.constant dense<0xFF800000> : vector<4x1xf32>
        %reduce_max3A_668 = vector.multi_reduction <maximumf>, %broadcast_in_dim3A_666, %reduce_max3A_667 [1] : vector<4x8x1xf32> to vector<4x1xf32>
        %broadcast_in_dim3A_669 = vector.shape_cast %reduce_max3A_668 : vector<4x1xf32> to vector<4x1x1xf32>
        %eq3A_670 = vector.broadcast %broadcast_in_dim3A_669 : vector<4x1x1xf32> to vector<4x8x2500xf32>
        %eq3A_671 = arith.cmpf oeq, %select_n3A_663, %eq3A_670 : vector<4x8x2500xf32>
        %jit3A_672 = arith.constant 1073741824 : i32
        %broadcast_in_dim3A_673 = vector.broadcast %jit3A_672 : i32 to vector<4x8x2500xi32>
        %select_n3A_674 = arith.select %eq3A_671, %add3A_90, %broadcast_in_dim3A_673 : vector<4x8x2500xi1>, vector<4x8x2500xi32>
        %reduce_min3A_675 = arith.constant dense<2147483647> : vector<4x8xi32>
        %reduce_min3A_676 = vector.multi_reduction <minsi>, %select_n3A_674, %reduce_min3A_675 [2] : vector<4x8x2500xi32> to vector<4x8xi32>
        %broadcast_in_dim3A_677 = vector.shape_cast %reduce_min3A_676 : vector<4x8xi32> to vector<4x8x1xi32>
        %reduce_min3A_678 = arith.constant dense<2147483647> : vector<4x1xi32>
        %reduce_min3A_679 = vector.multi_reduction <minsi>, %broadcast_in_dim3A_677, %reduce_min3A_678 [1] : vector<4x8x1xi32> to vector<4x1xi32>
        %broadcast_in_dim3A_680 = vector.shape_cast %reduce_min3A_679 : vector<4x1xi32> to vector<4x1x1xi32>
        %gt3A_681 = arith.constant 0.000000e+00 : f32
        %gt3A_682 = vector.broadcast %gt3A_681 : f32 to vector<4x1x1xf32>
        %gt3A_683 = arith.cmpf ogt, %broadcast_in_dim3A_669, %gt3A_682 : vector<4x1x1xf32>
        %jit3A_684 = arith.constant -1 : i32
        %broadcast_in_dim3A_685 = vector.broadcast %jit3A_684 : i32 to vector<4x1x1xi32>
        %select_n3A_686 = arith.select %gt3A_683, %broadcast_in_dim3A_680, %broadcast_in_dim3A_685 : vector<4x1x1xi1>, vector<4x1x1xi32>
        %eq3A_687 = vector.broadcast %select_n3A_686 : vector<4x1x1xi32> to vector<4x8x2500xi32>
        %eq3A_688 = arith.cmpi eq, %add3A_90, %eq3A_687 : vector<4x8x2500xi32>
        %broadcast_in_dim3A_689 = vector.broadcast %while3A : f32 to vector<4x8x2500xf32>
        %select_n3A_690 = arith.select %eq3A_688, %mul3A_64, %broadcast_in_dim3A_689 : vector<4x8x2500xi1>, vector<4x8x2500xf32>
        %reduce_max3A_691 = arith.constant dense<0xFF800000> : vector<4x8xf32>
        %reduce_max3A_692 = vector.multi_reduction <maximumf>, %select_n3A_690, %reduce_max3A_691 [2] : vector<4x8x2500xf32> to vector<4x8xf32>
        %broadcast_in_dim3A_693 = vector.shape_cast %reduce_max3A_692 : vector<4x8xf32> to vector<4x8x1xf32>
        %reduce_max3A_694 = arith.constant dense<0xFF800000> : vector<4x1xf32>
        %reduce_max3A_695 = vector.multi_reduction <maximumf>, %broadcast_in_dim3A_693, %reduce_max3A_694 [1] : vector<4x8x1xf32> to vector<4x1xf32>
        %broadcast_in_dim3A_696 = vector.shape_cast %reduce_max3A_695 : vector<4x1xf32> to vector<4x1x1xf32>
        %broadcast_in_dim3A_697 = vector.broadcast %while3A : f32 to vector<4x8x2500xf32>
        %select_n3A_698 = arith.select %eq3A_688, %mul3A_70, %broadcast_in_dim3A_697 : vector<4x8x2500xi1>, vector<4x8x2500xf32>
        %reduce_max3A_699 = arith.constant dense<0xFF800000> : vector<4x8xf32>
        %reduce_max3A_700 = vector.multi_reduction <maximumf>, %select_n3A_698, %reduce_max3A_699 [2] : vector<4x8x2500xf32> to vector<4x8xf32>
        %broadcast_in_dim3A_701 = vector.shape_cast %reduce_max3A_700 : vector<4x8xf32> to vector<4x8x1xf32>
        %reduce_max3A_702 = arith.constant dense<0xFF800000> : vector<4x1xf32>
        %reduce_max3A_703 = vector.multi_reduction <maximumf>, %broadcast_in_dim3A_701, %reduce_max3A_702 [1] : vector<4x8x1xf32> to vector<4x1xf32>
        %broadcast_in_dim3A_704 = vector.shape_cast %reduce_max3A_703 : vector<4x1xf32> to vector<4x1x1xf32>
        %broadcast_in_dim3A_705 = vector.broadcast %while3A : f32 to vector<4x8x2500xf32>
        %select_n3A_706 = arith.select %eq3A_688, %mul3A_76, %broadcast_in_dim3A_705 : vector<4x8x2500xi1>, vector<4x8x2500xf32>
        %reduce_max3A_707 = arith.constant dense<0xFF800000> : vector<4x8xf32>
        %reduce_max3A_708 = vector.multi_reduction <maximumf>, %select_n3A_706, %reduce_max3A_707 [2] : vector<4x8x2500xf32> to vector<4x8xf32>
        %broadcast_in_dim3A_709 = vector.shape_cast %reduce_max3A_708 : vector<4x8xf32> to vector<4x8x1xf32>
        %reduce_max3A_710 = arith.constant dense<0xFF800000> : vector<4x1xf32>
        %reduce_max3A_711 = vector.multi_reduction <maximumf>, %broadcast_in_dim3A_709, %reduce_max3A_710 [1] : vector<4x8x1xf32> to vector<4x1xf32>
        %broadcast_in_dim3A_712 = vector.shape_cast %reduce_max3A_711 : vector<4x1xf32> to vector<4x1x1xf32>
        %broadcast_in_dim3A_713 = vector.broadcast %while3A : f32 to vector<4x8x2500xf32>
        %select_n3A_714 = arith.select %eq3A_688, %mul3A_82, %broadcast_in_dim3A_713 : vector<4x8x2500xi1>, vector<4x8x2500xf32>
        %reduce_max3A_715 = arith.constant dense<0xFF800000> : vector<4x8xf32>
        %reduce_max3A_716 = vector.multi_reduction <maximumf>, %select_n3A_714, %reduce_max3A_715 [2] : vector<4x8x2500xf32> to vector<4x8xf32>
        %broadcast_in_dim3A_717 = vector.shape_cast %reduce_max3A_716 : vector<4x8xf32> to vector<4x8x1xf32>
        %reduce_max3A_718 = arith.constant dense<0xFF800000> : vector<4x1xf32>
        %reduce_max3A_719 = vector.multi_reduction <maximumf>, %broadcast_in_dim3A_717, %reduce_max3A_718 [1] : vector<4x8x1xf32> to vector<4x1xf32>
        %broadcast_in_dim3A_720 = vector.shape_cast %reduce_max3A_719 : vector<4x1xf32> to vector<4x1x1xf32>
        %sub3A_721 = arith.subf %broadcast_in_dim3A_712, %broadcast_in_dim3A_696 : vector<4x1x1xf32>
        %sub3A_722 = arith.subf %broadcast_in_dim3A_720, %broadcast_in_dim3A_704 : vector<4x1x1xf32>
        %mul3A_723 = arith.mulf %sub3A_721, %sub3A_722 : vector<4x1x1xf32>
        %max3A_724 = vector.broadcast %broadcast_in_dim3A_696 : vector<4x1x1xf32> to vector<4x8x2500xf32>
        %max3A_725 = arith.maximumf %max3A_724, %mul3A_64 : vector<4x8x2500xf32>
        %max3A_726 = vector.broadcast %broadcast_in_dim3A_704 : vector<4x1x1xf32> to vector<4x8x2500xf32>
        %max3A_727 = arith.maximumf %max3A_726, %mul3A_70 : vector<4x8x2500xf32>
        %min3A_728 = vector.broadcast %broadcast_in_dim3A_712 : vector<4x1x1xf32> to vector<4x8x2500xf32>
        %min3A_729 = arith.minimumf %min3A_728, %mul3A_76 : vector<4x8x2500xf32>
        %min3A_730 = vector.broadcast %broadcast_in_dim3A_720 : vector<4x1x1xf32> to vector<4x8x2500xf32>
        %min3A_731 = arith.minimumf %min3A_730, %mul3A_82 : vector<4x8x2500xf32>
        %sub3A_732 = arith.subf %min3A_729, %max3A_725 : vector<4x8x2500xf32>
        %max3A_733 = arith.constant 0.000000e+00 : f32
        %max3A_734 = vector.broadcast %max3A_733 : f32 to vector<4x8x2500xf32>
        %max3A_735 = arith.maximumf %max3A_734, %sub3A_732 : vector<4x8x2500xf32>
        %sub3A_736 = arith.subf %min3A_731, %max3A_727 : vector<4x8x2500xf32>
        %max3A_737 = arith.constant 0.000000e+00 : f32
        %max3A_738 = vector.broadcast %max3A_737 : f32 to vector<4x8x2500xf32>
        %max3A_739 = arith.maximumf %max3A_738, %sub3A_736 : vector<4x8x2500xf32>
        %mul3A_740 = arith.mulf %max3A_735, %max3A_739 : vector<4x8x2500xf32>
        %add3A_741 = vector.broadcast %mul3A_723 : vector<4x1x1xf32> to vector<4x8x2500xf32>
        %add3A_742 = arith.addf %add3A_741, %mul3A_85 : vector<4x8x2500xf32>
        %sub3A_743 = arith.subf %add3A_742, %mul3A_740 : vector<4x8x2500xf32>
        %add3A_744 = arith.constant 9.99999996E-13 : f32
        %add3A_745 = vector.broadcast %add3A_744 : f32 to vector<4x8x2500xf32>
        %add3A_746 = arith.addf %sub3A_743, %add3A_745 : vector<4x8x2500xf32>
        %div3A_747 = arith.divf %mul3A_740, %add3A_746 : vector<4x8x2500xf32>
        %neg3A_748 = arith.constant 0.000000e+00 : f32
        %neg3A_749 = vector.broadcast %neg3A_748 : f32 to vector<4x8x2500xf32>
        %neg3A_750 = arith.subf %neg3A_749, %select_n3A_663 : vector<4x8x2500xf32>
        %gt3A_751 = arith.constant 5.000000e-01 : f32
        %gt3A_752 = vector.broadcast %gt3A_751 : f32 to vector<4x8x2500xf32>
        %gt3A_753 = arith.cmpf ogt, %div3A_747, %gt3A_752 : vector<4x8x2500xf32>
        %broadcast_in_dim3A_754 = vector.broadcast %while3A_97 : f32 to vector<4x8x2500xf32>
        %select_n3A_755 = arith.select %gt3A_753, %broadcast_in_dim3A_754, %select_n3A_663 : vector<4x8x2500xi1>, vector<4x8x2500xf32>
        %select_n3A_756 = arith.select %eq3A_688, %neg3A_750, %select_n3A_755 : vector<4x8x2500xi1>, vector<4x8x2500xf32>
        %reduce_max3A_757 = arith.constant dense<0xFF800000> : vector<4x8xf32>
        %reduce_max3A_758 = vector.multi_reduction <maximumf>, %select_n3A_756, %reduce_max3A_757 [2] : vector<4x8x2500xf32> to vector<4x8xf32>
        %broadcast_in_dim3A_759 = vector.shape_cast %reduce_max3A_758 : vector<4x8xf32> to vector<4x8x1xf32>
        %reduce_max3A_760 = arith.constant dense<0xFF800000> : vector<4x1xf32>
        %reduce_max3A_761 = vector.multi_reduction <maximumf>, %broadcast_in_dim3A_759, %reduce_max3A_760 [1] : vector<4x8x1xf32> to vector<4x1xf32>
        %broadcast_in_dim3A_762 = vector.shape_cast %reduce_max3A_761 : vector<4x1xf32> to vector<4x1x1xf32>
        %eq3A_763 = vector.broadcast %broadcast_in_dim3A_762 : vector<4x1x1xf32> to vector<4x8x2500xf32>
        %eq3A_764 = arith.cmpf oeq, %select_n3A_756, %eq3A_763 : vector<4x8x2500xf32>
        %jit3A_765 = arith.constant 1073741824 : i32
        %broadcast_in_dim3A_766 = vector.broadcast %jit3A_765 : i32 to vector<4x8x2500xi32>
        %select_n3A_767 = arith.select %eq3A_764, %add3A_90, %broadcast_in_dim3A_766 : vector<4x8x2500xi1>, vector<4x8x2500xi32>
        %reduce_min3A_768 = arith.constant dense<2147483647> : vector<4x8xi32>
        %reduce_min3A_769 = vector.multi_reduction <minsi>, %select_n3A_767, %reduce_min3A_768 [2] : vector<4x8x2500xi32> to vector<4x8xi32>
        %broadcast_in_dim3A_770 = vector.shape_cast %reduce_min3A_769 : vector<4x8xi32> to vector<4x8x1xi32>
        %reduce_min3A_771 = arith.constant dense<2147483647> : vector<4x1xi32>
        %reduce_min3A_772 = vector.multi_reduction <minsi>, %broadcast_in_dim3A_770, %reduce_min3A_771 [1] : vector<4x8x1xi32> to vector<4x1xi32>
        %broadcast_in_dim3A_773 = vector.shape_cast %reduce_min3A_772 : vector<4x1xi32> to vector<4x1x1xi32>
        %gt3A_774 = arith.constant 0.000000e+00 : f32
        %gt3A_775 = vector.broadcast %gt3A_774 : f32 to vector<4x1x1xf32>
        %gt3A_776 = arith.cmpf ogt, %broadcast_in_dim3A_762, %gt3A_775 : vector<4x1x1xf32>
        %jit3A_777 = arith.constant -1 : i32
        %broadcast_in_dim3A_778 = vector.broadcast %jit3A_777 : i32 to vector<4x1x1xi32>
        %select_n3A_779 = arith.select %gt3A_776, %broadcast_in_dim3A_773, %broadcast_in_dim3A_778 : vector<4x1x1xi1>, vector<4x1x1xi32>
        %eq3A_780 = vector.broadcast %select_n3A_779 : vector<4x1x1xi32> to vector<4x8x2500xi32>
        %eq3A_781 = arith.cmpi eq, %add3A_90, %eq3A_780 : vector<4x8x2500xi32>
        %broadcast_in_dim3A_782 = vector.broadcast %while3A : f32 to vector<4x8x2500xf32>
        %select_n3A_783 = arith.select %eq3A_781, %mul3A_64, %broadcast_in_dim3A_782 : vector<4x8x2500xi1>, vector<4x8x2500xf32>
        %reduce_max3A_784 = arith.constant dense<0xFF800000> : vector<4x8xf32>
        %reduce_max3A_785 = vector.multi_reduction <maximumf>, %select_n3A_783, %reduce_max3A_784 [2] : vector<4x8x2500xf32> to vector<4x8xf32>
        %broadcast_in_dim3A_786 = vector.shape_cast %reduce_max3A_785 : vector<4x8xf32> to vector<4x8x1xf32>
        %reduce_max3A_787 = arith.constant dense<0xFF800000> : vector<4x1xf32>
        %reduce_max3A_788 = vector.multi_reduction <maximumf>, %broadcast_in_dim3A_786, %reduce_max3A_787 [1] : vector<4x8x1xf32> to vector<4x1xf32>
        %broadcast_in_dim3A_789 = vector.shape_cast %reduce_max3A_788 : vector<4x1xf32> to vector<4x1x1xf32>
        %broadcast_in_dim3A_790 = vector.broadcast %while3A : f32 to vector<4x8x2500xf32>
        %select_n3A_791 = arith.select %eq3A_781, %mul3A_70, %broadcast_in_dim3A_790 : vector<4x8x2500xi1>, vector<4x8x2500xf32>
        %reduce_max3A_792 = arith.constant dense<0xFF800000> : vector<4x8xf32>
        %reduce_max3A_793 = vector.multi_reduction <maximumf>, %select_n3A_791, %reduce_max3A_792 [2] : vector<4x8x2500xf32> to vector<4x8xf32>
        %broadcast_in_dim3A_794 = vector.shape_cast %reduce_max3A_793 : vector<4x8xf32> to vector<4x8x1xf32>
        %reduce_max3A_795 = arith.constant dense<0xFF800000> : vector<4x1xf32>
        %reduce_max3A_796 = vector.multi_reduction <maximumf>, %broadcast_in_dim3A_794, %reduce_max3A_795 [1] : vector<4x8x1xf32> to vector<4x1xf32>
        %broadcast_in_dim3A_797 = vector.shape_cast %reduce_max3A_796 : vector<4x1xf32> to vector<4x1x1xf32>
        %broadcast_in_dim3A_798 = vector.broadcast %while3A : f32 to vector<4x8x2500xf32>
        %select_n3A_799 = arith.select %eq3A_781, %mul3A_76, %broadcast_in_dim3A_798 : vector<4x8x2500xi1>, vector<4x8x2500xf32>
        %reduce_max3A_800 = arith.constant dense<0xFF800000> : vector<4x8xf32>
        %reduce_max3A_801 = vector.multi_reduction <maximumf>, %select_n3A_799, %reduce_max3A_800 [2] : vector<4x8x2500xf32> to vector<4x8xf32>
        %broadcast_in_dim3A_802 = vector.shape_cast %reduce_max3A_801 : vector<4x8xf32> to vector<4x8x1xf32>
        %reduce_max3A_803 = arith.constant dense<0xFF800000> : vector<4x1xf32>
        %reduce_max3A_804 = vector.multi_reduction <maximumf>, %broadcast_in_dim3A_802, %reduce_max3A_803 [1] : vector<4x8x1xf32> to vector<4x1xf32>
        %broadcast_in_dim3A_805 = vector.shape_cast %reduce_max3A_804 : vector<4x1xf32> to vector<4x1x1xf32>
        %broadcast_in_dim3A_806 = vector.broadcast %while3A : f32 to vector<4x8x2500xf32>
        %select_n3A_807 = arith.select %eq3A_781, %mul3A_82, %broadcast_in_dim3A_806 : vector<4x8x2500xi1>, vector<4x8x2500xf32>
        %reduce_max3A_808 = arith.constant dense<0xFF800000> : vector<4x8xf32>
        %reduce_max3A_809 = vector.multi_reduction <maximumf>, %select_n3A_807, %reduce_max3A_808 [2] : vector<4x8x2500xf32> to vector<4x8xf32>
        %broadcast_in_dim3A_810 = vector.shape_cast %reduce_max3A_809 : vector<4x8xf32> to vector<4x8x1xf32>
        %reduce_max3A_811 = arith.constant dense<0xFF800000> : vector<4x1xf32>
        %reduce_max3A_812 = vector.multi_reduction <maximumf>, %broadcast_in_dim3A_810, %reduce_max3A_811 [1] : vector<4x8x1xf32> to vector<4x1xf32>
        %broadcast_in_dim3A_813 = vector.shape_cast %reduce_max3A_812 : vector<4x1xf32> to vector<4x1x1xf32>
        %sub3A_814 = arith.subf %broadcast_in_dim3A_805, %broadcast_in_dim3A_789 : vector<4x1x1xf32>
        %sub3A_815 = arith.subf %broadcast_in_dim3A_813, %broadcast_in_dim3A_797 : vector<4x1x1xf32>
        %mul3A_816 = arith.mulf %sub3A_814, %sub3A_815 : vector<4x1x1xf32>
        %max3A_817 = vector.broadcast %broadcast_in_dim3A_789 : vector<4x1x1xf32> to vector<4x8x2500xf32>
        %max3A_818 = arith.maximumf %max3A_817, %mul3A_64 : vector<4x8x2500xf32>
        %max3A_819 = vector.broadcast %broadcast_in_dim3A_797 : vector<4x1x1xf32> to vector<4x8x2500xf32>
        %max3A_820 = arith.maximumf %max3A_819, %mul3A_70 : vector<4x8x2500xf32>
        %min3A_821 = vector.broadcast %broadcast_in_dim3A_805 : vector<4x1x1xf32> to vector<4x8x2500xf32>
        %min3A_822 = arith.minimumf %min3A_821, %mul3A_76 : vector<4x8x2500xf32>
        %min3A_823 = vector.broadcast %broadcast_in_dim3A_813 : vector<4x1x1xf32> to vector<4x8x2500xf32>
        %min3A_824 = arith.minimumf %min3A_823, %mul3A_82 : vector<4x8x2500xf32>
        %sub3A_825 = arith.subf %min3A_822, %max3A_818 : vector<4x8x2500xf32>
        %max3A_826 = arith.constant 0.000000e+00 : f32
        %max3A_827 = vector.broadcast %max3A_826 : f32 to vector<4x8x2500xf32>
        %max3A_828 = arith.maximumf %max3A_827, %sub3A_825 : vector<4x8x2500xf32>
        %sub3A_829 = arith.subf %min3A_824, %max3A_820 : vector<4x8x2500xf32>
        %max3A_830 = arith.constant 0.000000e+00 : f32
        %max3A_831 = vector.broadcast %max3A_830 : f32 to vector<4x8x2500xf32>
        %max3A_832 = arith.maximumf %max3A_831, %sub3A_829 : vector<4x8x2500xf32>
        %mul3A_833 = arith.mulf %max3A_828, %max3A_832 : vector<4x8x2500xf32>
        %add3A_834 = vector.broadcast %mul3A_816 : vector<4x1x1xf32> to vector<4x8x2500xf32>
        %add3A_835 = arith.addf %add3A_834, %mul3A_85 : vector<4x8x2500xf32>
        %sub3A_836 = arith.subf %add3A_835, %mul3A_833 : vector<4x8x2500xf32>
        %add3A_837 = arith.constant 9.99999996E-13 : f32
        %add3A_838 = vector.broadcast %add3A_837 : f32 to vector<4x8x2500xf32>
        %add3A_839 = arith.addf %sub3A_836, %add3A_838 : vector<4x8x2500xf32>
        %div3A_840 = arith.divf %mul3A_833, %add3A_839 : vector<4x8x2500xf32>
        %neg3A_841 = arith.constant 0.000000e+00 : f32
        %neg3A_842 = vector.broadcast %neg3A_841 : f32 to vector<4x8x2500xf32>
        %neg3A_843 = arith.subf %neg3A_842, %select_n3A_756 : vector<4x8x2500xf32>
        %gt3A_844 = arith.constant 5.000000e-01 : f32
        %gt3A_845 = vector.broadcast %gt3A_844 : f32 to vector<4x8x2500xf32>
        %gt3A_846 = arith.cmpf ogt, %div3A_840, %gt3A_845 : vector<4x8x2500xf32>
        %broadcast_in_dim3A_847 = vector.broadcast %while3A_97 : f32 to vector<4x8x2500xf32>
        %select_n3A_848 = arith.select %gt3A_846, %broadcast_in_dim3A_847, %select_n3A_756 : vector<4x8x2500xi1>, vector<4x8x2500xf32>
        %select_n3A_849 = arith.select %eq3A_781, %neg3A_843, %select_n3A_848 : vector<4x8x2500xi1>, vector<4x8x2500xf32>
        %reduce_max3A_850 = arith.constant dense<0xFF800000> : vector<4x8xf32>
        %reduce_max3A_851 = vector.multi_reduction <maximumf>, %select_n3A_849, %reduce_max3A_850 [2] : vector<4x8x2500xf32> to vector<4x8xf32>
        %broadcast_in_dim3A_852 = vector.shape_cast %reduce_max3A_851 : vector<4x8xf32> to vector<4x8x1xf32>
        %reduce_max3A_853 = arith.constant dense<0xFF800000> : vector<4x1xf32>
        %reduce_max3A_854 = vector.multi_reduction <maximumf>, %broadcast_in_dim3A_852, %reduce_max3A_853 [1] : vector<4x8x1xf32> to vector<4x1xf32>
        %broadcast_in_dim3A_855 = vector.shape_cast %reduce_max3A_854 : vector<4x1xf32> to vector<4x1x1xf32>
        %eq3A_856 = vector.broadcast %broadcast_in_dim3A_855 : vector<4x1x1xf32> to vector<4x8x2500xf32>
        %eq3A_857 = arith.cmpf oeq, %select_n3A_849, %eq3A_856 : vector<4x8x2500xf32>
        %jit3A_858 = arith.constant 1073741824 : i32
        %broadcast_in_dim3A_859 = vector.broadcast %jit3A_858 : i32 to vector<4x8x2500xi32>
        %select_n3A_860 = arith.select %eq3A_857, %add3A_90, %broadcast_in_dim3A_859 : vector<4x8x2500xi1>, vector<4x8x2500xi32>
        %reduce_min3A_861 = arith.constant dense<2147483647> : vector<4x8xi32>
        %reduce_min3A_862 = vector.multi_reduction <minsi>, %select_n3A_860, %reduce_min3A_861 [2] : vector<4x8x2500xi32> to vector<4x8xi32>
        %broadcast_in_dim3A_863 = vector.shape_cast %reduce_min3A_862 : vector<4x8xi32> to vector<4x8x1xi32>
        %reduce_min3A_864 = arith.constant dense<2147483647> : vector<4x1xi32>
        %reduce_min3A_865 = vector.multi_reduction <minsi>, %broadcast_in_dim3A_863, %reduce_min3A_864 [1] : vector<4x8x1xi32> to vector<4x1xi32>
        %broadcast_in_dim3A_866 = vector.shape_cast %reduce_min3A_865 : vector<4x1xi32> to vector<4x1x1xi32>
        %gt3A_867 = arith.constant 0.000000e+00 : f32
        %gt3A_868 = vector.broadcast %gt3A_867 : f32 to vector<4x1x1xf32>
        %gt3A_869 = arith.cmpf ogt, %broadcast_in_dim3A_855, %gt3A_868 : vector<4x1x1xf32>
        %jit3A_870 = arith.constant -1 : i32
        %broadcast_in_dim3A_871 = vector.broadcast %jit3A_870 : i32 to vector<4x1x1xi32>
        %select_n3A_872 = arith.select %gt3A_869, %broadcast_in_dim3A_866, %broadcast_in_dim3A_871 : vector<4x1x1xi1>, vector<4x1x1xi32>
        %eq3A_873 = vector.broadcast %select_n3A_872 : vector<4x1x1xi32> to vector<4x8x2500xi32>
        %eq3A_874 = arith.cmpi eq, %add3A_90, %eq3A_873 : vector<4x8x2500xi32>
        %broadcast_in_dim3A_875 = vector.broadcast %while3A : f32 to vector<4x8x2500xf32>
        %select_n3A_876 = arith.select %eq3A_874, %mul3A_64, %broadcast_in_dim3A_875 : vector<4x8x2500xi1>, vector<4x8x2500xf32>
        %reduce_max3A_877 = arith.constant dense<0xFF800000> : vector<4x8xf32>
        %reduce_max3A_878 = vector.multi_reduction <maximumf>, %select_n3A_876, %reduce_max3A_877 [2] : vector<4x8x2500xf32> to vector<4x8xf32>
        %broadcast_in_dim3A_879 = vector.shape_cast %reduce_max3A_878 : vector<4x8xf32> to vector<4x8x1xf32>
        %reduce_max3A_880 = arith.constant dense<0xFF800000> : vector<4x1xf32>
        %reduce_max3A_881 = vector.multi_reduction <maximumf>, %broadcast_in_dim3A_879, %reduce_max3A_880 [1] : vector<4x8x1xf32> to vector<4x1xf32>
        %broadcast_in_dim3A_882 = vector.shape_cast %reduce_max3A_881 : vector<4x1xf32> to vector<4x1x1xf32>
        %broadcast_in_dim3A_883 = vector.broadcast %while3A : f32 to vector<4x8x2500xf32>
        %select_n3A_884 = arith.select %eq3A_874, %mul3A_70, %broadcast_in_dim3A_883 : vector<4x8x2500xi1>, vector<4x8x2500xf32>
        %reduce_max3A_885 = arith.constant dense<0xFF800000> : vector<4x8xf32>
        %reduce_max3A_886 = vector.multi_reduction <maximumf>, %select_n3A_884, %reduce_max3A_885 [2] : vector<4x8x2500xf32> to vector<4x8xf32>
        %broadcast_in_dim3A_887 = vector.shape_cast %reduce_max3A_886 : vector<4x8xf32> to vector<4x8x1xf32>
        %reduce_max3A_888 = arith.constant dense<0xFF800000> : vector<4x1xf32>
        %reduce_max3A_889 = vector.multi_reduction <maximumf>, %broadcast_in_dim3A_887, %reduce_max3A_888 [1] : vector<4x8x1xf32> to vector<4x1xf32>
        %broadcast_in_dim3A_890 = vector.shape_cast %reduce_max3A_889 : vector<4x1xf32> to vector<4x1x1xf32>
        %broadcast_in_dim3A_891 = vector.broadcast %while3A : f32 to vector<4x8x2500xf32>
        %select_n3A_892 = arith.select %eq3A_874, %mul3A_76, %broadcast_in_dim3A_891 : vector<4x8x2500xi1>, vector<4x8x2500xf32>
        %reduce_max3A_893 = arith.constant dense<0xFF800000> : vector<4x8xf32>
        %reduce_max3A_894 = vector.multi_reduction <maximumf>, %select_n3A_892, %reduce_max3A_893 [2] : vector<4x8x2500xf32> to vector<4x8xf32>
        %broadcast_in_dim3A_895 = vector.shape_cast %reduce_max3A_894 : vector<4x8xf32> to vector<4x8x1xf32>
        %reduce_max3A_896 = arith.constant dense<0xFF800000> : vector<4x1xf32>
        %reduce_max3A_897 = vector.multi_reduction <maximumf>, %broadcast_in_dim3A_895, %reduce_max3A_896 [1] : vector<4x8x1xf32> to vector<4x1xf32>
        %broadcast_in_dim3A_898 = vector.shape_cast %reduce_max3A_897 : vector<4x1xf32> to vector<4x1x1xf32>
        %broadcast_in_dim3A_899 = vector.broadcast %while3A : f32 to vector<4x8x2500xf32>
        %select_n3A_900 = arith.select %eq3A_874, %mul3A_82, %broadcast_in_dim3A_899 : vector<4x8x2500xi1>, vector<4x8x2500xf32>
        %reduce_max3A_901 = arith.constant dense<0xFF800000> : vector<4x8xf32>
        %reduce_max3A_902 = vector.multi_reduction <maximumf>, %select_n3A_900, %reduce_max3A_901 [2] : vector<4x8x2500xf32> to vector<4x8xf32>
        %broadcast_in_dim3A_903 = vector.shape_cast %reduce_max3A_902 : vector<4x8xf32> to vector<4x8x1xf32>
        %reduce_max3A_904 = arith.constant dense<0xFF800000> : vector<4x1xf32>
        %reduce_max3A_905 = vector.multi_reduction <maximumf>, %broadcast_in_dim3A_903, %reduce_max3A_904 [1] : vector<4x8x1xf32> to vector<4x1xf32>
        %broadcast_in_dim3A_906 = vector.shape_cast %reduce_max3A_905 : vector<4x1xf32> to vector<4x1x1xf32>
        %sub3A_907 = arith.subf %broadcast_in_dim3A_898, %broadcast_in_dim3A_882 : vector<4x1x1xf32>
        %sub3A_908 = arith.subf %broadcast_in_dim3A_906, %broadcast_in_dim3A_890 : vector<4x1x1xf32>
        %mul3A_909 = arith.mulf %sub3A_907, %sub3A_908 : vector<4x1x1xf32>
        %max3A_910 = vector.broadcast %broadcast_in_dim3A_882 : vector<4x1x1xf32> to vector<4x8x2500xf32>
        %max3A_911 = arith.maximumf %max3A_910, %mul3A_64 : vector<4x8x2500xf32>
        %max3A_912 = vector.broadcast %broadcast_in_dim3A_890 : vector<4x1x1xf32> to vector<4x8x2500xf32>
        %max3A_913 = arith.maximumf %max3A_912, %mul3A_70 : vector<4x8x2500xf32>
        %min3A_914 = vector.broadcast %broadcast_in_dim3A_898 : vector<4x1x1xf32> to vector<4x8x2500xf32>
        %min3A_915 = arith.minimumf %min3A_914, %mul3A_76 : vector<4x8x2500xf32>
        %min3A_916 = vector.broadcast %broadcast_in_dim3A_906 : vector<4x1x1xf32> to vector<4x8x2500xf32>
        %min3A_917 = arith.minimumf %min3A_916, %mul3A_82 : vector<4x8x2500xf32>
        %sub3A_918 = arith.subf %min3A_915, %max3A_911 : vector<4x8x2500xf32>
        %max3A_919 = arith.constant 0.000000e+00 : f32
        %max3A_920 = vector.broadcast %max3A_919 : f32 to vector<4x8x2500xf32>
        %max3A_921 = arith.maximumf %max3A_920, %sub3A_918 : vector<4x8x2500xf32>
        %sub3A_922 = arith.subf %min3A_917, %max3A_913 : vector<4x8x2500xf32>
        %max3A_923 = arith.constant 0.000000e+00 : f32
        %max3A_924 = vector.broadcast %max3A_923 : f32 to vector<4x8x2500xf32>
        %max3A_925 = arith.maximumf %max3A_924, %sub3A_922 : vector<4x8x2500xf32>
        %mul3A_926 = arith.mulf %max3A_921, %max3A_925 : vector<4x8x2500xf32>
        %add3A_927 = vector.broadcast %mul3A_909 : vector<4x1x1xf32> to vector<4x8x2500xf32>
        %add3A_928 = arith.addf %add3A_927, %mul3A_85 : vector<4x8x2500xf32>
        %sub3A_929 = arith.subf %add3A_928, %mul3A_926 : vector<4x8x2500xf32>
        %add3A_930 = arith.constant 9.99999996E-13 : f32
        %add3A_931 = vector.broadcast %add3A_930 : f32 to vector<4x8x2500xf32>
        %add3A_932 = arith.addf %sub3A_929, %add3A_931 : vector<4x8x2500xf32>
        %div3A_933 = arith.divf %mul3A_926, %add3A_932 : vector<4x8x2500xf32>
        %neg3A_934 = arith.constant 0.000000e+00 : f32
        %neg3A_935 = vector.broadcast %neg3A_934 : f32 to vector<4x8x2500xf32>
        %neg3A_936 = arith.subf %neg3A_935, %select_n3A_849 : vector<4x8x2500xf32>
        %gt3A_937 = arith.constant 5.000000e-01 : f32
        %gt3A_938 = vector.broadcast %gt3A_937 : f32 to vector<4x8x2500xf32>
        %gt3A_939 = arith.cmpf ogt, %div3A_933, %gt3A_938 : vector<4x8x2500xf32>
        %broadcast_in_dim3A_940 = vector.broadcast %while3A_97 : f32 to vector<4x8x2500xf32>
        %select_n3A_941 = arith.select %gt3A_939, %broadcast_in_dim3A_940, %select_n3A_849 : vector<4x8x2500xi1>, vector<4x8x2500xf32>
        %select_n3A_942 = arith.select %eq3A_874, %neg3A_936, %select_n3A_941 : vector<4x8x2500xi1>, vector<4x8x2500xf32>
        %reduce_max3A_943 = arith.constant dense<0xFF800000> : vector<4x8xf32>
        %reduce_max3A_944 = vector.multi_reduction <maximumf>, %select_n3A_942, %reduce_max3A_943 [2] : vector<4x8x2500xf32> to vector<4x8xf32>
        %broadcast_in_dim3A_945 = vector.shape_cast %reduce_max3A_944 : vector<4x8xf32> to vector<4x8x1xf32>
        %reduce_max3A_946 = arith.constant dense<0xFF800000> : vector<4x1xf32>
        %reduce_max3A_947 = vector.multi_reduction <maximumf>, %broadcast_in_dim3A_945, %reduce_max3A_946 [1] : vector<4x8x1xf32> to vector<4x1xf32>
        %broadcast_in_dim3A_948 = vector.shape_cast %reduce_max3A_947 : vector<4x1xf32> to vector<4x1x1xf32>
        %eq3A_949 = vector.broadcast %broadcast_in_dim3A_948 : vector<4x1x1xf32> to vector<4x8x2500xf32>
        %eq3A_950 = arith.cmpf oeq, %select_n3A_942, %eq3A_949 : vector<4x8x2500xf32>
        %jit3A_951 = arith.constant 1073741824 : i32
        %broadcast_in_dim3A_952 = vector.broadcast %jit3A_951 : i32 to vector<4x8x2500xi32>
        %select_n3A_953 = arith.select %eq3A_950, %add3A_90, %broadcast_in_dim3A_952 : vector<4x8x2500xi1>, vector<4x8x2500xi32>
        %reduce_min3A_954 = arith.constant dense<2147483647> : vector<4x8xi32>
        %reduce_min3A_955 = vector.multi_reduction <minsi>, %select_n3A_953, %reduce_min3A_954 [2] : vector<4x8x2500xi32> to vector<4x8xi32>
        %broadcast_in_dim3A_956 = vector.shape_cast %reduce_min3A_955 : vector<4x8xi32> to vector<4x8x1xi32>
        %reduce_min3A_957 = arith.constant dense<2147483647> : vector<4x1xi32>
        %reduce_min3A_958 = vector.multi_reduction <minsi>, %broadcast_in_dim3A_956, %reduce_min3A_957 [1] : vector<4x8x1xi32> to vector<4x1xi32>
        %broadcast_in_dim3A_959 = vector.shape_cast %reduce_min3A_958 : vector<4x1xi32> to vector<4x1x1xi32>
        %gt3A_960 = arith.constant 0.000000e+00 : f32
        %gt3A_961 = vector.broadcast %gt3A_960 : f32 to vector<4x1x1xf32>
        %gt3A_962 = arith.cmpf ogt, %broadcast_in_dim3A_948, %gt3A_961 : vector<4x1x1xf32>
        %jit3A_963 = arith.constant -1 : i32
        %broadcast_in_dim3A_964 = vector.broadcast %jit3A_963 : i32 to vector<4x1x1xi32>
        %select_n3A_965 = arith.select %gt3A_962, %broadcast_in_dim3A_959, %broadcast_in_dim3A_964 : vector<4x1x1xi1>, vector<4x1x1xi32>
        %eq3A_966 = vector.broadcast %select_n3A_965 : vector<4x1x1xi32> to vector<4x8x2500xi32>
        %eq3A_967 = arith.cmpi eq, %add3A_90, %eq3A_966 : vector<4x8x2500xi32>
        %broadcast_in_dim3A_968 = vector.broadcast %while3A : f32 to vector<4x8x2500xf32>
        %select_n3A_969 = arith.select %eq3A_967, %mul3A_64, %broadcast_in_dim3A_968 : vector<4x8x2500xi1>, vector<4x8x2500xf32>
        %reduce_max3A_970 = arith.constant dense<0xFF800000> : vector<4x8xf32>
        %reduce_max3A_971 = vector.multi_reduction <maximumf>, %select_n3A_969, %reduce_max3A_970 [2] : vector<4x8x2500xf32> to vector<4x8xf32>
        %broadcast_in_dim3A_972 = vector.shape_cast %reduce_max3A_971 : vector<4x8xf32> to vector<4x8x1xf32>
        %reduce_max3A_973 = arith.constant dense<0xFF800000> : vector<4x1xf32>
        %reduce_max3A_974 = vector.multi_reduction <maximumf>, %broadcast_in_dim3A_972, %reduce_max3A_973 [1] : vector<4x8x1xf32> to vector<4x1xf32>
        %broadcast_in_dim3A_975 = vector.shape_cast %reduce_max3A_974 : vector<4x1xf32> to vector<4x1x1xf32>
        %broadcast_in_dim3A_976 = vector.broadcast %while3A : f32 to vector<4x8x2500xf32>
        %select_n3A_977 = arith.select %eq3A_967, %mul3A_70, %broadcast_in_dim3A_976 : vector<4x8x2500xi1>, vector<4x8x2500xf32>
        %reduce_max3A_978 = arith.constant dense<0xFF800000> : vector<4x8xf32>
        %reduce_max3A_979 = vector.multi_reduction <maximumf>, %select_n3A_977, %reduce_max3A_978 [2] : vector<4x8x2500xf32> to vector<4x8xf32>
        %broadcast_in_dim3A_980 = vector.shape_cast %reduce_max3A_979 : vector<4x8xf32> to vector<4x8x1xf32>
        %reduce_max3A_981 = arith.constant dense<0xFF800000> : vector<4x1xf32>
        %reduce_max3A_982 = vector.multi_reduction <maximumf>, %broadcast_in_dim3A_980, %reduce_max3A_981 [1] : vector<4x8x1xf32> to vector<4x1xf32>
        %broadcast_in_dim3A_983 = vector.shape_cast %reduce_max3A_982 : vector<4x1xf32> to vector<4x1x1xf32>
        %broadcast_in_dim3A_984 = vector.broadcast %while3A : f32 to vector<4x8x2500xf32>
        %select_n3A_985 = arith.select %eq3A_967, %mul3A_76, %broadcast_in_dim3A_984 : vector<4x8x2500xi1>, vector<4x8x2500xf32>
        %reduce_max3A_986 = arith.constant dense<0xFF800000> : vector<4x8xf32>
        %reduce_max3A_987 = vector.multi_reduction <maximumf>, %select_n3A_985, %reduce_max3A_986 [2] : vector<4x8x2500xf32> to vector<4x8xf32>
        %broadcast_in_dim3A_988 = vector.shape_cast %reduce_max3A_987 : vector<4x8xf32> to vector<4x8x1xf32>
        %reduce_max3A_989 = arith.constant dense<0xFF800000> : vector<4x1xf32>
        %reduce_max3A_990 = vector.multi_reduction <maximumf>, %broadcast_in_dim3A_988, %reduce_max3A_989 [1] : vector<4x8x1xf32> to vector<4x1xf32>
        %broadcast_in_dim3A_991 = vector.shape_cast %reduce_max3A_990 : vector<4x1xf32> to vector<4x1x1xf32>
        %broadcast_in_dim3A_992 = vector.broadcast %while3A : f32 to vector<4x8x2500xf32>
        %select_n3A_993 = arith.select %eq3A_967, %mul3A_82, %broadcast_in_dim3A_992 : vector<4x8x2500xi1>, vector<4x8x2500xf32>
        %reduce_max3A_994 = arith.constant dense<0xFF800000> : vector<4x8xf32>
        %reduce_max3A_995 = vector.multi_reduction <maximumf>, %select_n3A_993, %reduce_max3A_994 [2] : vector<4x8x2500xf32> to vector<4x8xf32>
        %broadcast_in_dim3A_996 = vector.shape_cast %reduce_max3A_995 : vector<4x8xf32> to vector<4x8x1xf32>
        %reduce_max3A_997 = arith.constant dense<0xFF800000> : vector<4x1xf32>
        %reduce_max3A_998 = vector.multi_reduction <maximumf>, %broadcast_in_dim3A_996, %reduce_max3A_997 [1] : vector<4x8x1xf32> to vector<4x1xf32>
        %broadcast_in_dim3A_999 = vector.shape_cast %reduce_max3A_998 : vector<4x1xf32> to vector<4x1x1xf32>
        %sub3A_1000 = arith.subf %broadcast_in_dim3A_991, %broadcast_in_dim3A_975 : vector<4x1x1xf32>
        %sub3A_1001 = arith.subf %broadcast_in_dim3A_999, %broadcast_in_dim3A_983 : vector<4x1x1xf32>
        %mul3A_1002 = arith.mulf %sub3A_1000, %sub3A_1001 : vector<4x1x1xf32>
        %max3A_1003 = vector.broadcast %broadcast_in_dim3A_975 : vector<4x1x1xf32> to vector<4x8x2500xf32>
        %max3A_1004 = arith.maximumf %max3A_1003, %mul3A_64 : vector<4x8x2500xf32>
        %max3A_1005 = vector.broadcast %broadcast_in_dim3A_983 : vector<4x1x1xf32> to vector<4x8x2500xf32>
        %max3A_1006 = arith.maximumf %max3A_1005, %mul3A_70 : vector<4x8x2500xf32>
        %min3A_1007 = vector.broadcast %broadcast_in_dim3A_991 : vector<4x1x1xf32> to vector<4x8x2500xf32>
        %min3A_1008 = arith.minimumf %min3A_1007, %mul3A_76 : vector<4x8x2500xf32>
        %min3A_1009 = vector.broadcast %broadcast_in_dim3A_999 : vector<4x1x1xf32> to vector<4x8x2500xf32>
        %min3A_1010 = arith.minimumf %min3A_1009, %mul3A_82 : vector<4x8x2500xf32>
        %sub3A_1011 = arith.subf %min3A_1008, %max3A_1004 : vector<4x8x2500xf32>
        %max3A_1012 = arith.constant 0.000000e+00 : f32
        %max3A_1013 = vector.broadcast %max3A_1012 : f32 to vector<4x8x2500xf32>
        %max3A_1014 = arith.maximumf %max3A_1013, %sub3A_1011 : vector<4x8x2500xf32>
        %sub3A_1015 = arith.subf %min3A_1010, %max3A_1006 : vector<4x8x2500xf32>
        %max3A_1016 = arith.constant 0.000000e+00 : f32
        %max3A_1017 = vector.broadcast %max3A_1016 : f32 to vector<4x8x2500xf32>
        %max3A_1018 = arith.maximumf %max3A_1017, %sub3A_1015 : vector<4x8x2500xf32>
        %mul3A_1019 = arith.mulf %max3A_1014, %max3A_1018 : vector<4x8x2500xf32>
        %add3A_1020 = vector.broadcast %mul3A_1002 : vector<4x1x1xf32> to vector<4x8x2500xf32>
        %add3A_1021 = arith.addf %add3A_1020, %mul3A_85 : vector<4x8x2500xf32>
        %sub3A_1022 = arith.subf %add3A_1021, %mul3A_1019 : vector<4x8x2500xf32>
        %add3A_1023 = arith.constant 9.99999996E-13 : f32
        %add3A_1024 = vector.broadcast %add3A_1023 : f32 to vector<4x8x2500xf32>
        %add3A_1025 = arith.addf %sub3A_1022, %add3A_1024 : vector<4x8x2500xf32>
        %div3A_1026 = arith.divf %mul3A_1019, %add3A_1025 : vector<4x8x2500xf32>
        %neg3A_1027 = arith.constant 0.000000e+00 : f32
        %neg3A_1028 = vector.broadcast %neg3A_1027 : f32 to vector<4x8x2500xf32>
        %neg3A_1029 = arith.subf %neg3A_1028, %select_n3A_942 : vector<4x8x2500xf32>
        %gt3A_1030 = arith.constant 5.000000e-01 : f32
        %gt3A_1031 = vector.broadcast %gt3A_1030 : f32 to vector<4x8x2500xf32>
        %gt3A_1032 = arith.cmpf ogt, %div3A_1026, %gt3A_1031 : vector<4x8x2500xf32>
        %broadcast_in_dim3A_1033 = vector.broadcast %while3A_97 : f32 to vector<4x8x2500xf32>
        %select_n3A_1034 = arith.select %gt3A_1032, %broadcast_in_dim3A_1033, %select_n3A_942 : vector<4x8x2500xi1>, vector<4x8x2500xf32>
        %select_n3A_1035 = arith.select %eq3A_967, %neg3A_1029, %select_n3A_1034 : vector<4x8x2500xi1>, vector<4x8x2500xf32>
        %reduce_max3A_1036 = arith.constant dense<0xFF800000> : vector<4x8xf32>
        %reduce_max3A_1037 = vector.multi_reduction <maximumf>, %select_n3A_1035, %reduce_max3A_1036 [2] : vector<4x8x2500xf32> to vector<4x8xf32>
        %broadcast_in_dim3A_1038 = vector.shape_cast %reduce_max3A_1037 : vector<4x8xf32> to vector<4x8x1xf32>
        %reduce_max3A_1039 = arith.constant dense<0xFF800000> : vector<4x1xf32>
        %reduce_max3A_1040 = vector.multi_reduction <maximumf>, %broadcast_in_dim3A_1038, %reduce_max3A_1039 [1] : vector<4x8x1xf32> to vector<4x1xf32>
        %broadcast_in_dim3A_1041 = vector.shape_cast %reduce_max3A_1040 : vector<4x1xf32> to vector<4x1x1xf32>
        %eq3A_1042 = vector.broadcast %broadcast_in_dim3A_1041 : vector<4x1x1xf32> to vector<4x8x2500xf32>
        %eq3A_1043 = arith.cmpf oeq, %select_n3A_1035, %eq3A_1042 : vector<4x8x2500xf32>
        %jit3A_1044 = arith.constant 1073741824 : i32
        %broadcast_in_dim3A_1045 = vector.broadcast %jit3A_1044 : i32 to vector<4x8x2500xi32>
        %select_n3A_1046 = arith.select %eq3A_1043, %add3A_90, %broadcast_in_dim3A_1045 : vector<4x8x2500xi1>, vector<4x8x2500xi32>
        %reduce_min3A_1047 = arith.constant dense<2147483647> : vector<4x8xi32>
        %reduce_min3A_1048 = vector.multi_reduction <minsi>, %select_n3A_1046, %reduce_min3A_1047 [2] : vector<4x8x2500xi32> to vector<4x8xi32>
        %broadcast_in_dim3A_1049 = vector.shape_cast %reduce_min3A_1048 : vector<4x8xi32> to vector<4x8x1xi32>
        %reduce_min3A_1050 = arith.constant dense<2147483647> : vector<4x1xi32>
        %reduce_min3A_1051 = vector.multi_reduction <minsi>, %broadcast_in_dim3A_1049, %reduce_min3A_1050 [1] : vector<4x8x1xi32> to vector<4x1xi32>
        %broadcast_in_dim3A_1052 = vector.shape_cast %reduce_min3A_1051 : vector<4x1xi32> to vector<4x1x1xi32>
        %gt3A_1053 = arith.constant 0.000000e+00 : f32
        %gt3A_1054 = vector.broadcast %gt3A_1053 : f32 to vector<4x1x1xf32>
        %gt3A_1055 = arith.cmpf ogt, %broadcast_in_dim3A_1041, %gt3A_1054 : vector<4x1x1xf32>
        %jit3A_1056 = arith.constant -1 : i32
        %broadcast_in_dim3A_1057 = vector.broadcast %jit3A_1056 : i32 to vector<4x1x1xi32>
        %select_n3A_1058 = arith.select %gt3A_1055, %broadcast_in_dim3A_1052, %broadcast_in_dim3A_1057 : vector<4x1x1xi1>, vector<4x1x1xi32>
        %eq3A_1059 = vector.broadcast %select_n3A_1058 : vector<4x1x1xi32> to vector<4x8x2500xi32>
        %eq3A_1060 = arith.cmpi eq, %add3A_90, %eq3A_1059 : vector<4x8x2500xi32>
        %broadcast_in_dim3A_1061 = vector.broadcast %while3A : f32 to vector<4x8x2500xf32>
        %select_n3A_1062 = arith.select %eq3A_1060, %mul3A_64, %broadcast_in_dim3A_1061 : vector<4x8x2500xi1>, vector<4x8x2500xf32>
        %reduce_max3A_1063 = arith.constant dense<0xFF800000> : vector<4x8xf32>
        %reduce_max3A_1064 = vector.multi_reduction <maximumf>, %select_n3A_1062, %reduce_max3A_1063 [2] : vector<4x8x2500xf32> to vector<4x8xf32>
        %broadcast_in_dim3A_1065 = vector.shape_cast %reduce_max3A_1064 : vector<4x8xf32> to vector<4x8x1xf32>
        %reduce_max3A_1066 = arith.constant dense<0xFF800000> : vector<4x1xf32>
        %reduce_max3A_1067 = vector.multi_reduction <maximumf>, %broadcast_in_dim3A_1065, %reduce_max3A_1066 [1] : vector<4x8x1xf32> to vector<4x1xf32>
        %broadcast_in_dim3A_1068 = vector.shape_cast %reduce_max3A_1067 : vector<4x1xf32> to vector<4x1x1xf32>
        %broadcast_in_dim3A_1069 = vector.broadcast %while3A : f32 to vector<4x8x2500xf32>
        %select_n3A_1070 = arith.select %eq3A_1060, %mul3A_70, %broadcast_in_dim3A_1069 : vector<4x8x2500xi1>, vector<4x8x2500xf32>
        %reduce_max3A_1071 = arith.constant dense<0xFF800000> : vector<4x8xf32>
        %reduce_max3A_1072 = vector.multi_reduction <maximumf>, %select_n3A_1070, %reduce_max3A_1071 [2] : vector<4x8x2500xf32> to vector<4x8xf32>
        %broadcast_in_dim3A_1073 = vector.shape_cast %reduce_max3A_1072 : vector<4x8xf32> to vector<4x8x1xf32>
        %reduce_max3A_1074 = arith.constant dense<0xFF800000> : vector<4x1xf32>
        %reduce_max3A_1075 = vector.multi_reduction <maximumf>, %broadcast_in_dim3A_1073, %reduce_max3A_1074 [1] : vector<4x8x1xf32> to vector<4x1xf32>
        %broadcast_in_dim3A_1076 = vector.shape_cast %reduce_max3A_1075 : vector<4x1xf32> to vector<4x1x1xf32>
        %broadcast_in_dim3A_1077 = vector.broadcast %while3A : f32 to vector<4x8x2500xf32>
        %select_n3A_1078 = arith.select %eq3A_1060, %mul3A_76, %broadcast_in_dim3A_1077 : vector<4x8x2500xi1>, vector<4x8x2500xf32>
        %reduce_max3A_1079 = arith.constant dense<0xFF800000> : vector<4x8xf32>
        %reduce_max3A_1080 = vector.multi_reduction <maximumf>, %select_n3A_1078, %reduce_max3A_1079 [2] : vector<4x8x2500xf32> to vector<4x8xf32>
        %broadcast_in_dim3A_1081 = vector.shape_cast %reduce_max3A_1080 : vector<4x8xf32> to vector<4x8x1xf32>
        %reduce_max3A_1082 = arith.constant dense<0xFF800000> : vector<4x1xf32>
        %reduce_max3A_1083 = vector.multi_reduction <maximumf>, %broadcast_in_dim3A_1081, %reduce_max3A_1082 [1] : vector<4x8x1xf32> to vector<4x1xf32>
        %broadcast_in_dim3A_1084 = vector.shape_cast %reduce_max3A_1083 : vector<4x1xf32> to vector<4x1x1xf32>
        %broadcast_in_dim3A_1085 = vector.broadcast %while3A : f32 to vector<4x8x2500xf32>
        %select_n3A_1086 = arith.select %eq3A_1060, %mul3A_82, %broadcast_in_dim3A_1085 : vector<4x8x2500xi1>, vector<4x8x2500xf32>
        %reduce_max3A_1087 = arith.constant dense<0xFF800000> : vector<4x8xf32>
        %reduce_max3A_1088 = vector.multi_reduction <maximumf>, %select_n3A_1086, %reduce_max3A_1087 [2] : vector<4x8x2500xf32> to vector<4x8xf32>
        %broadcast_in_dim3A_1089 = vector.shape_cast %reduce_max3A_1088 : vector<4x8xf32> to vector<4x8x1xf32>
        %reduce_max3A_1090 = arith.constant dense<0xFF800000> : vector<4x1xf32>
        %reduce_max3A_1091 = vector.multi_reduction <maximumf>, %broadcast_in_dim3A_1089, %reduce_max3A_1090 [1] : vector<4x8x1xf32> to vector<4x1xf32>
        %broadcast_in_dim3A_1092 = vector.shape_cast %reduce_max3A_1091 : vector<4x1xf32> to vector<4x1x1xf32>
        %sub3A_1093 = arith.subf %broadcast_in_dim3A_1084, %broadcast_in_dim3A_1068 : vector<4x1x1xf32>
        %sub3A_1094 = arith.subf %broadcast_in_dim3A_1092, %broadcast_in_dim3A_1076 : vector<4x1x1xf32>
        %mul3A_1095 = arith.mulf %sub3A_1093, %sub3A_1094 : vector<4x1x1xf32>
        %max3A_1096 = vector.broadcast %broadcast_in_dim3A_1068 : vector<4x1x1xf32> to vector<4x8x2500xf32>
        %max3A_1097 = arith.maximumf %max3A_1096, %mul3A_64 : vector<4x8x2500xf32>
        %max3A_1098 = vector.broadcast %broadcast_in_dim3A_1076 : vector<4x1x1xf32> to vector<4x8x2500xf32>
        %max3A_1099 = arith.maximumf %max3A_1098, %mul3A_70 : vector<4x8x2500xf32>
        %min3A_1100 = vector.broadcast %broadcast_in_dim3A_1084 : vector<4x1x1xf32> to vector<4x8x2500xf32>
        %min3A_1101 = arith.minimumf %min3A_1100, %mul3A_76 : vector<4x8x2500xf32>
        %min3A_1102 = vector.broadcast %broadcast_in_dim3A_1092 : vector<4x1x1xf32> to vector<4x8x2500xf32>
        %min3A_1103 = arith.minimumf %min3A_1102, %mul3A_82 : vector<4x8x2500xf32>
        %sub3A_1104 = arith.subf %min3A_1101, %max3A_1097 : vector<4x8x2500xf32>
        %max3A_1105 = arith.constant 0.000000e+00 : f32
        %max3A_1106 = vector.broadcast %max3A_1105 : f32 to vector<4x8x2500xf32>
        %max3A_1107 = arith.maximumf %max3A_1106, %sub3A_1104 : vector<4x8x2500xf32>
        %sub3A_1108 = arith.subf %min3A_1103, %max3A_1099 : vector<4x8x2500xf32>
        %max3A_1109 = arith.constant 0.000000e+00 : f32
        %max3A_1110 = vector.broadcast %max3A_1109 : f32 to vector<4x8x2500xf32>
        %max3A_1111 = arith.maximumf %max3A_1110, %sub3A_1108 : vector<4x8x2500xf32>
        %mul3A_1112 = arith.mulf %max3A_1107, %max3A_1111 : vector<4x8x2500xf32>
        %add3A_1113 = vector.broadcast %mul3A_1095 : vector<4x1x1xf32> to vector<4x8x2500xf32>
        %add3A_1114 = arith.addf %add3A_1113, %mul3A_85 : vector<4x8x2500xf32>
        %sub3A_1115 = arith.subf %add3A_1114, %mul3A_1112 : vector<4x8x2500xf32>
        %add3A_1116 = arith.constant 9.99999996E-13 : f32
        %add3A_1117 = vector.broadcast %add3A_1116 : f32 to vector<4x8x2500xf32>
        %add3A_1118 = arith.addf %sub3A_1115, %add3A_1117 : vector<4x8x2500xf32>
        %div3A_1119 = arith.divf %mul3A_1112, %add3A_1118 : vector<4x8x2500xf32>
        %neg3A_1120 = arith.constant 0.000000e+00 : f32
        %neg3A_1121 = vector.broadcast %neg3A_1120 : f32 to vector<4x8x2500xf32>
        %neg3A_1122 = arith.subf %neg3A_1121, %select_n3A_1035 : vector<4x8x2500xf32>
        %gt3A_1123 = arith.constant 5.000000e-01 : f32
        %gt3A_1124 = vector.broadcast %gt3A_1123 : f32 to vector<4x8x2500xf32>
        %gt3A_1125 = arith.cmpf ogt, %div3A_1119, %gt3A_1124 : vector<4x8x2500xf32>
        %broadcast_in_dim3A_1126 = vector.broadcast %while3A_97 : f32 to vector<4x8x2500xf32>
        %select_n3A_1127 = arith.select %gt3A_1125, %broadcast_in_dim3A_1126, %select_n3A_1035 : vector<4x8x2500xi1>, vector<4x8x2500xf32>
        %select_n3A_1128 = arith.select %eq3A_1060, %neg3A_1122, %select_n3A_1127 : vector<4x8x2500xi1>, vector<4x8x2500xf32>
        %reduce_max3A_1129 = arith.constant dense<0xFF800000> : vector<4x8xf32>
        %reduce_max3A_1130 = vector.multi_reduction <maximumf>, %select_n3A_1128, %reduce_max3A_1129 [2] : vector<4x8x2500xf32> to vector<4x8xf32>
        %broadcast_in_dim3A_1131 = vector.shape_cast %reduce_max3A_1130 : vector<4x8xf32> to vector<4x8x1xf32>
        %reduce_max3A_1132 = arith.constant dense<0xFF800000> : vector<4x1xf32>
        %reduce_max3A_1133 = vector.multi_reduction <maximumf>, %broadcast_in_dim3A_1131, %reduce_max3A_1132 [1] : vector<4x8x1xf32> to vector<4x1xf32>
        %broadcast_in_dim3A_1134 = vector.shape_cast %reduce_max3A_1133 : vector<4x1xf32> to vector<4x1x1xf32>
        %eq3A_1135 = vector.broadcast %broadcast_in_dim3A_1134 : vector<4x1x1xf32> to vector<4x8x2500xf32>
        %eq3A_1136 = arith.cmpf oeq, %select_n3A_1128, %eq3A_1135 : vector<4x8x2500xf32>
        %jit3A_1137 = arith.constant 1073741824 : i32
        %broadcast_in_dim3A_1138 = vector.broadcast %jit3A_1137 : i32 to vector<4x8x2500xi32>
        %select_n3A_1139 = arith.select %eq3A_1136, %add3A_90, %broadcast_in_dim3A_1138 : vector<4x8x2500xi1>, vector<4x8x2500xi32>
        %reduce_min3A_1140 = arith.constant dense<2147483647> : vector<4x8xi32>
        %reduce_min3A_1141 = vector.multi_reduction <minsi>, %select_n3A_1139, %reduce_min3A_1140 [2] : vector<4x8x2500xi32> to vector<4x8xi32>
        %broadcast_in_dim3A_1142 = vector.shape_cast %reduce_min3A_1141 : vector<4x8xi32> to vector<4x8x1xi32>
        %reduce_min3A_1143 = arith.constant dense<2147483647> : vector<4x1xi32>
        %reduce_min3A_1144 = vector.multi_reduction <minsi>, %broadcast_in_dim3A_1142, %reduce_min3A_1143 [1] : vector<4x8x1xi32> to vector<4x1xi32>
        %broadcast_in_dim3A_1145 = vector.shape_cast %reduce_min3A_1144 : vector<4x1xi32> to vector<4x1x1xi32>
        %gt3A_1146 = arith.constant 0.000000e+00 : f32
        %gt3A_1147 = vector.broadcast %gt3A_1146 : f32 to vector<4x1x1xf32>
        %gt3A_1148 = arith.cmpf ogt, %broadcast_in_dim3A_1134, %gt3A_1147 : vector<4x1x1xf32>
        %jit3A_1149 = arith.constant -1 : i32
        %broadcast_in_dim3A_1150 = vector.broadcast %jit3A_1149 : i32 to vector<4x1x1xi32>
        %select_n3A_1151 = arith.select %gt3A_1148, %broadcast_in_dim3A_1145, %broadcast_in_dim3A_1150 : vector<4x1x1xi1>, vector<4x1x1xi32>
        %eq3A_1152 = vector.broadcast %select_n3A_1151 : vector<4x1x1xi32> to vector<4x8x2500xi32>
        %eq3A_1153 = arith.cmpi eq, %add3A_90, %eq3A_1152 : vector<4x8x2500xi32>
        %broadcast_in_dim3A_1154 = vector.broadcast %while3A : f32 to vector<4x8x2500xf32>
        %select_n3A_1155 = arith.select %eq3A_1153, %mul3A_64, %broadcast_in_dim3A_1154 : vector<4x8x2500xi1>, vector<4x8x2500xf32>
        %reduce_max3A_1156 = arith.constant dense<0xFF800000> : vector<4x8xf32>
        %reduce_max3A_1157 = vector.multi_reduction <maximumf>, %select_n3A_1155, %reduce_max3A_1156 [2] : vector<4x8x2500xf32> to vector<4x8xf32>
        %broadcast_in_dim3A_1158 = vector.shape_cast %reduce_max3A_1157 : vector<4x8xf32> to vector<4x8x1xf32>
        %reduce_max3A_1159 = arith.constant dense<0xFF800000> : vector<4x1xf32>
        %reduce_max3A_1160 = vector.multi_reduction <maximumf>, %broadcast_in_dim3A_1158, %reduce_max3A_1159 [1] : vector<4x8x1xf32> to vector<4x1xf32>
        %broadcast_in_dim3A_1161 = vector.shape_cast %reduce_max3A_1160 : vector<4x1xf32> to vector<4x1x1xf32>
        %broadcast_in_dim3A_1162 = vector.broadcast %while3A : f32 to vector<4x8x2500xf32>
        %select_n3A_1163 = arith.select %eq3A_1153, %mul3A_70, %broadcast_in_dim3A_1162 : vector<4x8x2500xi1>, vector<4x8x2500xf32>
        %reduce_max3A_1164 = arith.constant dense<0xFF800000> : vector<4x8xf32>
        %reduce_max3A_1165 = vector.multi_reduction <maximumf>, %select_n3A_1163, %reduce_max3A_1164 [2] : vector<4x8x2500xf32> to vector<4x8xf32>
        %broadcast_in_dim3A_1166 = vector.shape_cast %reduce_max3A_1165 : vector<4x8xf32> to vector<4x8x1xf32>
        %reduce_max3A_1167 = arith.constant dense<0xFF800000> : vector<4x1xf32>
        %reduce_max3A_1168 = vector.multi_reduction <maximumf>, %broadcast_in_dim3A_1166, %reduce_max3A_1167 [1] : vector<4x8x1xf32> to vector<4x1xf32>
        %broadcast_in_dim3A_1169 = vector.shape_cast %reduce_max3A_1168 : vector<4x1xf32> to vector<4x1x1xf32>
        %broadcast_in_dim3A_1170 = vector.broadcast %while3A : f32 to vector<4x8x2500xf32>
        %select_n3A_1171 = arith.select %eq3A_1153, %mul3A_76, %broadcast_in_dim3A_1170 : vector<4x8x2500xi1>, vector<4x8x2500xf32>
        %reduce_max3A_1172 = arith.constant dense<0xFF800000> : vector<4x8xf32>
        %reduce_max3A_1173 = vector.multi_reduction <maximumf>, %select_n3A_1171, %reduce_max3A_1172 [2] : vector<4x8x2500xf32> to vector<4x8xf32>
        %broadcast_in_dim3A_1174 = vector.shape_cast %reduce_max3A_1173 : vector<4x8xf32> to vector<4x8x1xf32>
        %reduce_max3A_1175 = arith.constant dense<0xFF800000> : vector<4x1xf32>
        %reduce_max3A_1176 = vector.multi_reduction <maximumf>, %broadcast_in_dim3A_1174, %reduce_max3A_1175 [1] : vector<4x8x1xf32> to vector<4x1xf32>
        %broadcast_in_dim3A_1177 = vector.shape_cast %reduce_max3A_1176 : vector<4x1xf32> to vector<4x1x1xf32>
        %broadcast_in_dim3A_1178 = vector.broadcast %while3A : f32 to vector<4x8x2500xf32>
        %select_n3A_1179 = arith.select %eq3A_1153, %mul3A_82, %broadcast_in_dim3A_1178 : vector<4x8x2500xi1>, vector<4x8x2500xf32>
        %reduce_max3A_1180 = arith.constant dense<0xFF800000> : vector<4x8xf32>
        %reduce_max3A_1181 = vector.multi_reduction <maximumf>, %select_n3A_1179, %reduce_max3A_1180 [2] : vector<4x8x2500xf32> to vector<4x8xf32>
        %broadcast_in_dim3A_1182 = vector.shape_cast %reduce_max3A_1181 : vector<4x8xf32> to vector<4x8x1xf32>
        %reduce_max3A_1183 = arith.constant dense<0xFF800000> : vector<4x1xf32>
        %reduce_max3A_1184 = vector.multi_reduction <maximumf>, %broadcast_in_dim3A_1182, %reduce_max3A_1183 [1] : vector<4x8x1xf32> to vector<4x1xf32>
        %broadcast_in_dim3A_1185 = vector.shape_cast %reduce_max3A_1184 : vector<4x1xf32> to vector<4x1x1xf32>
        %sub3A_1186 = arith.subf %broadcast_in_dim3A_1177, %broadcast_in_dim3A_1161 : vector<4x1x1xf32>
        %sub3A_1187 = arith.subf %broadcast_in_dim3A_1185, %broadcast_in_dim3A_1169 : vector<4x1x1xf32>
        %mul3A_1188 = arith.mulf %sub3A_1186, %sub3A_1187 : vector<4x1x1xf32>
        %max3A_1189 = vector.broadcast %broadcast_in_dim3A_1161 : vector<4x1x1xf32> to vector<4x8x2500xf32>
        %max3A_1190 = arith.maximumf %max3A_1189, %mul3A_64 : vector<4x8x2500xf32>
        %max3A_1191 = vector.broadcast %broadcast_in_dim3A_1169 : vector<4x1x1xf32> to vector<4x8x2500xf32>
        %max3A_1192 = arith.maximumf %max3A_1191, %mul3A_70 : vector<4x8x2500xf32>
        %min3A_1193 = vector.broadcast %broadcast_in_dim3A_1177 : vector<4x1x1xf32> to vector<4x8x2500xf32>
        %min3A_1194 = arith.minimumf %min3A_1193, %mul3A_76 : vector<4x8x2500xf32>
        %min3A_1195 = vector.broadcast %broadcast_in_dim3A_1185 : vector<4x1x1xf32> to vector<4x8x2500xf32>
        %min3A_1196 = arith.minimumf %min3A_1195, %mul3A_82 : vector<4x8x2500xf32>
        %sub3A_1197 = arith.subf %min3A_1194, %max3A_1190 : vector<4x8x2500xf32>
        %max3A_1198 = arith.constant 0.000000e+00 : f32
        %max3A_1199 = vector.broadcast %max3A_1198 : f32 to vector<4x8x2500xf32>
        %max3A_1200 = arith.maximumf %max3A_1199, %sub3A_1197 : vector<4x8x2500xf32>
        %sub3A_1201 = arith.subf %min3A_1196, %max3A_1192 : vector<4x8x2500xf32>
        %max3A_1202 = arith.constant 0.000000e+00 : f32
        %max3A_1203 = vector.broadcast %max3A_1202 : f32 to vector<4x8x2500xf32>
        %max3A_1204 = arith.maximumf %max3A_1203, %sub3A_1201 : vector<4x8x2500xf32>
        %mul3A_1205 = arith.mulf %max3A_1200, %max3A_1204 : vector<4x8x2500xf32>
        %add3A_1206 = vector.broadcast %mul3A_1188 : vector<4x1x1xf32> to vector<4x8x2500xf32>
        %add3A_1207 = arith.addf %add3A_1206, %mul3A_85 : vector<4x8x2500xf32>
        %sub3A_1208 = arith.subf %add3A_1207, %mul3A_1205 : vector<4x8x2500xf32>
        %add3A_1209 = arith.constant 9.99999996E-13 : f32
        %add3A_1210 = vector.broadcast %add3A_1209 : f32 to vector<4x8x2500xf32>
        %add3A_1211 = arith.addf %sub3A_1208, %add3A_1210 : vector<4x8x2500xf32>
        %div3A_1212 = arith.divf %mul3A_1205, %add3A_1211 : vector<4x8x2500xf32>
        %neg3A_1213 = arith.constant 0.000000e+00 : f32
        %neg3A_1214 = vector.broadcast %neg3A_1213 : f32 to vector<4x8x2500xf32>
        %neg3A_1215 = arith.subf %neg3A_1214, %select_n3A_1128 : vector<4x8x2500xf32>
        %gt3A_1216 = arith.constant 5.000000e-01 : f32
        %gt3A_1217 = vector.broadcast %gt3A_1216 : f32 to vector<4x8x2500xf32>
        %gt3A_1218 = arith.cmpf ogt, %div3A_1212, %gt3A_1217 : vector<4x8x2500xf32>
        %broadcast_in_dim3A_1219 = vector.broadcast %while3A_97 : f32 to vector<4x8x2500xf32>
        %select_n3A_1220 = arith.select %gt3A_1218, %broadcast_in_dim3A_1219, %select_n3A_1128 : vector<4x8x2500xi1>, vector<4x8x2500xf32>
        %select_n3A_1221 = arith.select %eq3A_1153, %neg3A_1215, %select_n3A_1220 : vector<4x8x2500xi1>, vector<4x8x2500xf32>
        %reduce_max3A_1222 = arith.constant dense<0xFF800000> : vector<4x8xf32>
        %reduce_max3A_1223 = vector.multi_reduction <maximumf>, %select_n3A_1221, %reduce_max3A_1222 [2] : vector<4x8x2500xf32> to vector<4x8xf32>
        %broadcast_in_dim3A_1224 = vector.shape_cast %reduce_max3A_1223 : vector<4x8xf32> to vector<4x8x1xf32>
        %reduce_max3A_1225 = arith.constant dense<0xFF800000> : vector<4x1xf32>
        %reduce_max3A_1226 = vector.multi_reduction <maximumf>, %broadcast_in_dim3A_1224, %reduce_max3A_1225 [1] : vector<4x8x1xf32> to vector<4x1xf32>
        %broadcast_in_dim3A_1227 = vector.shape_cast %reduce_max3A_1226 : vector<4x1xf32> to vector<4x1x1xf32>
        %eq3A_1228 = vector.broadcast %broadcast_in_dim3A_1227 : vector<4x1x1xf32> to vector<4x8x2500xf32>
        %eq3A_1229 = arith.cmpf oeq, %select_n3A_1221, %eq3A_1228 : vector<4x8x2500xf32>
        %jit3A_1230 = arith.constant 1073741824 : i32
        %broadcast_in_dim3A_1231 = vector.broadcast %jit3A_1230 : i32 to vector<4x8x2500xi32>
        %select_n3A_1232 = arith.select %eq3A_1229, %add3A_90, %broadcast_in_dim3A_1231 : vector<4x8x2500xi1>, vector<4x8x2500xi32>
        %reduce_min3A_1233 = arith.constant dense<2147483647> : vector<4x8xi32>
        %reduce_min3A_1234 = vector.multi_reduction <minsi>, %select_n3A_1232, %reduce_min3A_1233 [2] : vector<4x8x2500xi32> to vector<4x8xi32>
        %broadcast_in_dim3A_1235 = vector.shape_cast %reduce_min3A_1234 : vector<4x8xi32> to vector<4x8x1xi32>
        %reduce_min3A_1236 = arith.constant dense<2147483647> : vector<4x1xi32>
        %reduce_min3A_1237 = vector.multi_reduction <minsi>, %broadcast_in_dim3A_1235, %reduce_min3A_1236 [1] : vector<4x8x1xi32> to vector<4x1xi32>
        %broadcast_in_dim3A_1238 = vector.shape_cast %reduce_min3A_1237 : vector<4x1xi32> to vector<4x1x1xi32>
        %gt3A_1239 = arith.constant 0.000000e+00 : f32
        %gt3A_1240 = vector.broadcast %gt3A_1239 : f32 to vector<4x1x1xf32>
        %gt3A_1241 = arith.cmpf ogt, %broadcast_in_dim3A_1227, %gt3A_1240 : vector<4x1x1xf32>
        %jit3A_1242 = arith.constant -1 : i32
        %broadcast_in_dim3A_1243 = vector.broadcast %jit3A_1242 : i32 to vector<4x1x1xi32>
        %select_n3A_1244 = arith.select %gt3A_1241, %broadcast_in_dim3A_1238, %broadcast_in_dim3A_1243 : vector<4x1x1xi1>, vector<4x1x1xi32>
        %eq3A_1245 = vector.broadcast %select_n3A_1244 : vector<4x1x1xi32> to vector<4x8x2500xi32>
        %eq3A_1246 = arith.cmpi eq, %add3A_90, %eq3A_1245 : vector<4x8x2500xi32>
        %broadcast_in_dim3A_1247 = vector.broadcast %while3A : f32 to vector<4x8x2500xf32>
        %select_n3A_1248 = arith.select %eq3A_1246, %mul3A_64, %broadcast_in_dim3A_1247 : vector<4x8x2500xi1>, vector<4x8x2500xf32>
        %reduce_max3A_1249 = arith.constant dense<0xFF800000> : vector<4x8xf32>
        %reduce_max3A_1250 = vector.multi_reduction <maximumf>, %select_n3A_1248, %reduce_max3A_1249 [2] : vector<4x8x2500xf32> to vector<4x8xf32>
        %broadcast_in_dim3A_1251 = vector.shape_cast %reduce_max3A_1250 : vector<4x8xf32> to vector<4x8x1xf32>
        %reduce_max3A_1252 = arith.constant dense<0xFF800000> : vector<4x1xf32>
        %reduce_max3A_1253 = vector.multi_reduction <maximumf>, %broadcast_in_dim3A_1251, %reduce_max3A_1252 [1] : vector<4x8x1xf32> to vector<4x1xf32>
        %broadcast_in_dim3A_1254 = vector.shape_cast %reduce_max3A_1253 : vector<4x1xf32> to vector<4x1x1xf32>
        %broadcast_in_dim3A_1255 = vector.broadcast %while3A : f32 to vector<4x8x2500xf32>
        %select_n3A_1256 = arith.select %eq3A_1246, %mul3A_70, %broadcast_in_dim3A_1255 : vector<4x8x2500xi1>, vector<4x8x2500xf32>
        %reduce_max3A_1257 = arith.constant dense<0xFF800000> : vector<4x8xf32>
        %reduce_max3A_1258 = vector.multi_reduction <maximumf>, %select_n3A_1256, %reduce_max3A_1257 [2] : vector<4x8x2500xf32> to vector<4x8xf32>
        %broadcast_in_dim3A_1259 = vector.shape_cast %reduce_max3A_1258 : vector<4x8xf32> to vector<4x8x1xf32>
        %reduce_max3A_1260 = arith.constant dense<0xFF800000> : vector<4x1xf32>
        %reduce_max3A_1261 = vector.multi_reduction <maximumf>, %broadcast_in_dim3A_1259, %reduce_max3A_1260 [1] : vector<4x8x1xf32> to vector<4x1xf32>
        %broadcast_in_dim3A_1262 = vector.shape_cast %reduce_max3A_1261 : vector<4x1xf32> to vector<4x1x1xf32>
        %broadcast_in_dim3A_1263 = vector.broadcast %while3A : f32 to vector<4x8x2500xf32>
        %select_n3A_1264 = arith.select %eq3A_1246, %mul3A_76, %broadcast_in_dim3A_1263 : vector<4x8x2500xi1>, vector<4x8x2500xf32>
        %reduce_max3A_1265 = arith.constant dense<0xFF800000> : vector<4x8xf32>
        %reduce_max3A_1266 = vector.multi_reduction <maximumf>, %select_n3A_1264, %reduce_max3A_1265 [2] : vector<4x8x2500xf32> to vector<4x8xf32>
        %broadcast_in_dim3A_1267 = vector.shape_cast %reduce_max3A_1266 : vector<4x8xf32> to vector<4x8x1xf32>
        %reduce_max3A_1268 = arith.constant dense<0xFF800000> : vector<4x1xf32>
        %reduce_max3A_1269 = vector.multi_reduction <maximumf>, %broadcast_in_dim3A_1267, %reduce_max3A_1268 [1] : vector<4x8x1xf32> to vector<4x1xf32>
        %broadcast_in_dim3A_1270 = vector.shape_cast %reduce_max3A_1269 : vector<4x1xf32> to vector<4x1x1xf32>
        %broadcast_in_dim3A_1271 = vector.broadcast %while3A : f32 to vector<4x8x2500xf32>
        %select_n3A_1272 = arith.select %eq3A_1246, %mul3A_82, %broadcast_in_dim3A_1271 : vector<4x8x2500xi1>, vector<4x8x2500xf32>
        %reduce_max3A_1273 = arith.constant dense<0xFF800000> : vector<4x8xf32>
        %reduce_max3A_1274 = vector.multi_reduction <maximumf>, %select_n3A_1272, %reduce_max3A_1273 [2] : vector<4x8x2500xf32> to vector<4x8xf32>
        %broadcast_in_dim3A_1275 = vector.shape_cast %reduce_max3A_1274 : vector<4x8xf32> to vector<4x8x1xf32>
        %reduce_max3A_1276 = arith.constant dense<0xFF800000> : vector<4x1xf32>
        %reduce_max3A_1277 = vector.multi_reduction <maximumf>, %broadcast_in_dim3A_1275, %reduce_max3A_1276 [1] : vector<4x8x1xf32> to vector<4x1xf32>
        %broadcast_in_dim3A_1278 = vector.shape_cast %reduce_max3A_1277 : vector<4x1xf32> to vector<4x1x1xf32>
        %sub3A_1279 = arith.subf %broadcast_in_dim3A_1270, %broadcast_in_dim3A_1254 : vector<4x1x1xf32>
        %sub3A_1280 = arith.subf %broadcast_in_dim3A_1278, %broadcast_in_dim3A_1262 : vector<4x1x1xf32>
        %mul3A_1281 = arith.mulf %sub3A_1279, %sub3A_1280 : vector<4x1x1xf32>
        %max3A_1282 = vector.broadcast %broadcast_in_dim3A_1254 : vector<4x1x1xf32> to vector<4x8x2500xf32>
        %max3A_1283 = arith.maximumf %max3A_1282, %mul3A_64 : vector<4x8x2500xf32>
        %max3A_1284 = vector.broadcast %broadcast_in_dim3A_1262 : vector<4x1x1xf32> to vector<4x8x2500xf32>
        %max3A_1285 = arith.maximumf %max3A_1284, %mul3A_70 : vector<4x8x2500xf32>
        %min3A_1286 = vector.broadcast %broadcast_in_dim3A_1270 : vector<4x1x1xf32> to vector<4x8x2500xf32>
        %min3A_1287 = arith.minimumf %min3A_1286, %mul3A_76 : vector<4x8x2500xf32>
        %min3A_1288 = vector.broadcast %broadcast_in_dim3A_1278 : vector<4x1x1xf32> to vector<4x8x2500xf32>
        %min3A_1289 = arith.minimumf %min3A_1288, %mul3A_82 : vector<4x8x2500xf32>
        %sub3A_1290 = arith.subf %min3A_1287, %max3A_1283 : vector<4x8x2500xf32>
        %max3A_1291 = arith.constant 0.000000e+00 : f32
        %max3A_1292 = vector.broadcast %max3A_1291 : f32 to vector<4x8x2500xf32>
        %max3A_1293 = arith.maximumf %max3A_1292, %sub3A_1290 : vector<4x8x2500xf32>
        %sub3A_1294 = arith.subf %min3A_1289, %max3A_1285 : vector<4x8x2500xf32>
        %max3A_1295 = arith.constant 0.000000e+00 : f32
        %max3A_1296 = vector.broadcast %max3A_1295 : f32 to vector<4x8x2500xf32>
        %max3A_1297 = arith.maximumf %max3A_1296, %sub3A_1294 : vector<4x8x2500xf32>
        %mul3A_1298 = arith.mulf %max3A_1293, %max3A_1297 : vector<4x8x2500xf32>
        %add3A_1299 = vector.broadcast %mul3A_1281 : vector<4x1x1xf32> to vector<4x8x2500xf32>
        %add3A_1300 = arith.addf %add3A_1299, %mul3A_85 : vector<4x8x2500xf32>
        %sub3A_1301 = arith.subf %add3A_1300, %mul3A_1298 : vector<4x8x2500xf32>
        %add3A_1302 = arith.constant 9.99999996E-13 : f32
        %add3A_1303 = vector.broadcast %add3A_1302 : f32 to vector<4x8x2500xf32>
        %add3A_1304 = arith.addf %sub3A_1301, %add3A_1303 : vector<4x8x2500xf32>
        %div3A_1305 = arith.divf %mul3A_1298, %add3A_1304 : vector<4x8x2500xf32>
        %neg3A_1306 = arith.constant 0.000000e+00 : f32
        %neg3A_1307 = vector.broadcast %neg3A_1306 : f32 to vector<4x8x2500xf32>
        %neg3A_1308 = arith.subf %neg3A_1307, %select_n3A_1221 : vector<4x8x2500xf32>
        %gt3A_1309 = arith.constant 5.000000e-01 : f32
        %gt3A_1310 = vector.broadcast %gt3A_1309 : f32 to vector<4x8x2500xf32>
        %gt3A_1311 = arith.cmpf ogt, %div3A_1305, %gt3A_1310 : vector<4x8x2500xf32>
        %broadcast_in_dim3A_1312 = vector.broadcast %while3A_97 : f32 to vector<4x8x2500xf32>
        %select_n3A_1313 = arith.select %gt3A_1311, %broadcast_in_dim3A_1312, %select_n3A_1221 : vector<4x8x2500xi1>, vector<4x8x2500xf32>
        %select_n3A_1314 = arith.select %eq3A_1246, %neg3A_1308, %select_n3A_1313 : vector<4x8x2500xi1>, vector<4x8x2500xf32>
        %reduce_max3A_1315 = arith.constant dense<0xFF800000> : vector<4x8xf32>
        %reduce_max3A_1316 = vector.multi_reduction <maximumf>, %select_n3A_1314, %reduce_max3A_1315 [2] : vector<4x8x2500xf32> to vector<4x8xf32>
        %broadcast_in_dim3A_1317 = vector.shape_cast %reduce_max3A_1316 : vector<4x8xf32> to vector<4x8x1xf32>
        %reduce_max3A_1318 = arith.constant dense<0xFF800000> : vector<4x1xf32>
        %reduce_max3A_1319 = vector.multi_reduction <maximumf>, %broadcast_in_dim3A_1317, %reduce_max3A_1318 [1] : vector<4x8x1xf32> to vector<4x1xf32>
        %broadcast_in_dim3A_1320 = vector.shape_cast %reduce_max3A_1319 : vector<4x1xf32> to vector<4x1x1xf32>
        %eq3A_1321 = vector.broadcast %broadcast_in_dim3A_1320 : vector<4x1x1xf32> to vector<4x8x2500xf32>
        %eq3A_1322 = arith.cmpf oeq, %select_n3A_1314, %eq3A_1321 : vector<4x8x2500xf32>
        %jit3A_1323 = arith.constant 1073741824 : i32
        %broadcast_in_dim3A_1324 = vector.broadcast %jit3A_1323 : i32 to vector<4x8x2500xi32>
        %select_n3A_1325 = arith.select %eq3A_1322, %add3A_90, %broadcast_in_dim3A_1324 : vector<4x8x2500xi1>, vector<4x8x2500xi32>
        %reduce_min3A_1326 = arith.constant dense<2147483647> : vector<4x8xi32>
        %reduce_min3A_1327 = vector.multi_reduction <minsi>, %select_n3A_1325, %reduce_min3A_1326 [2] : vector<4x8x2500xi32> to vector<4x8xi32>
        %broadcast_in_dim3A_1328 = vector.shape_cast %reduce_min3A_1327 : vector<4x8xi32> to vector<4x8x1xi32>
        %reduce_min3A_1329 = arith.constant dense<2147483647> : vector<4x1xi32>
        %reduce_min3A_1330 = vector.multi_reduction <minsi>, %broadcast_in_dim3A_1328, %reduce_min3A_1329 [1] : vector<4x8x1xi32> to vector<4x1xi32>
        %broadcast_in_dim3A_1331 = vector.shape_cast %reduce_min3A_1330 : vector<4x1xi32> to vector<4x1x1xi32>
        %gt3A_1332 = arith.constant 0.000000e+00 : f32
        %gt3A_1333 = vector.broadcast %gt3A_1332 : f32 to vector<4x1x1xf32>
        %gt3A_1334 = arith.cmpf ogt, %broadcast_in_dim3A_1320, %gt3A_1333 : vector<4x1x1xf32>
        %jit3A_1335 = arith.constant -1 : i32
        %broadcast_in_dim3A_1336 = vector.broadcast %jit3A_1335 : i32 to vector<4x1x1xi32>
        %select_n3A_1337 = arith.select %gt3A_1334, %broadcast_in_dim3A_1331, %broadcast_in_dim3A_1336 : vector<4x1x1xi1>, vector<4x1x1xi32>
        %eq3A_1338 = vector.broadcast %select_n3A_1337 : vector<4x1x1xi32> to vector<4x8x2500xi32>
        %eq3A_1339 = arith.cmpi eq, %add3A_90, %eq3A_1338 : vector<4x8x2500xi32>
        %broadcast_in_dim3A_1340 = vector.broadcast %while3A : f32 to vector<4x8x2500xf32>
        %select_n3A_1341 = arith.select %eq3A_1339, %mul3A_64, %broadcast_in_dim3A_1340 : vector<4x8x2500xi1>, vector<4x8x2500xf32>
        %reduce_max3A_1342 = arith.constant dense<0xFF800000> : vector<4x8xf32>
        %reduce_max3A_1343 = vector.multi_reduction <maximumf>, %select_n3A_1341, %reduce_max3A_1342 [2] : vector<4x8x2500xf32> to vector<4x8xf32>
        %broadcast_in_dim3A_1344 = vector.shape_cast %reduce_max3A_1343 : vector<4x8xf32> to vector<4x8x1xf32>
        %reduce_max3A_1345 = arith.constant dense<0xFF800000> : vector<4x1xf32>
        %reduce_max3A_1346 = vector.multi_reduction <maximumf>, %broadcast_in_dim3A_1344, %reduce_max3A_1345 [1] : vector<4x8x1xf32> to vector<4x1xf32>
        %broadcast_in_dim3A_1347 = vector.shape_cast %reduce_max3A_1346 : vector<4x1xf32> to vector<4x1x1xf32>
        %broadcast_in_dim3A_1348 = vector.broadcast %while3A : f32 to vector<4x8x2500xf32>
        %select_n3A_1349 = arith.select %eq3A_1339, %mul3A_70, %broadcast_in_dim3A_1348 : vector<4x8x2500xi1>, vector<4x8x2500xf32>
        %reduce_max3A_1350 = arith.constant dense<0xFF800000> : vector<4x8xf32>
        %reduce_max3A_1351 = vector.multi_reduction <maximumf>, %select_n3A_1349, %reduce_max3A_1350 [2] : vector<4x8x2500xf32> to vector<4x8xf32>
        %broadcast_in_dim3A_1352 = vector.shape_cast %reduce_max3A_1351 : vector<4x8xf32> to vector<4x8x1xf32>
        %reduce_max3A_1353 = arith.constant dense<0xFF800000> : vector<4x1xf32>
        %reduce_max3A_1354 = vector.multi_reduction <maximumf>, %broadcast_in_dim3A_1352, %reduce_max3A_1353 [1] : vector<4x8x1xf32> to vector<4x1xf32>
        %broadcast_in_dim3A_1355 = vector.shape_cast %reduce_max3A_1354 : vector<4x1xf32> to vector<4x1x1xf32>
        %broadcast_in_dim3A_1356 = vector.broadcast %while3A : f32 to vector<4x8x2500xf32>
        %select_n3A_1357 = arith.select %eq3A_1339, %mul3A_76, %broadcast_in_dim3A_1356 : vector<4x8x2500xi1>, vector<4x8x2500xf32>
        %reduce_max3A_1358 = arith.constant dense<0xFF800000> : vector<4x8xf32>
        %reduce_max3A_1359 = vector.multi_reduction <maximumf>, %select_n3A_1357, %reduce_max3A_1358 [2] : vector<4x8x2500xf32> to vector<4x8xf32>
        %broadcast_in_dim3A_1360 = vector.shape_cast %reduce_max3A_1359 : vector<4x8xf32> to vector<4x8x1xf32>
        %reduce_max3A_1361 = arith.constant dense<0xFF800000> : vector<4x1xf32>
        %reduce_max3A_1362 = vector.multi_reduction <maximumf>, %broadcast_in_dim3A_1360, %reduce_max3A_1361 [1] : vector<4x8x1xf32> to vector<4x1xf32>
        %broadcast_in_dim3A_1363 = vector.shape_cast %reduce_max3A_1362 : vector<4x1xf32> to vector<4x1x1xf32>
        %broadcast_in_dim3A_1364 = vector.broadcast %while3A : f32 to vector<4x8x2500xf32>
        %select_n3A_1365 = arith.select %eq3A_1339, %mul3A_82, %broadcast_in_dim3A_1364 : vector<4x8x2500xi1>, vector<4x8x2500xf32>
        %reduce_max3A_1366 = arith.constant dense<0xFF800000> : vector<4x8xf32>
        %reduce_max3A_1367 = vector.multi_reduction <maximumf>, %select_n3A_1365, %reduce_max3A_1366 [2] : vector<4x8x2500xf32> to vector<4x8xf32>
        %broadcast_in_dim3A_1368 = vector.shape_cast %reduce_max3A_1367 : vector<4x8xf32> to vector<4x8x1xf32>
        %reduce_max3A_1369 = arith.constant dense<0xFF800000> : vector<4x1xf32>
        %reduce_max3A_1370 = vector.multi_reduction <maximumf>, %broadcast_in_dim3A_1368, %reduce_max3A_1369 [1] : vector<4x8x1xf32> to vector<4x1xf32>
        %broadcast_in_dim3A_1371 = vector.shape_cast %reduce_max3A_1370 : vector<4x1xf32> to vector<4x1x1xf32>
        %sub3A_1372 = arith.subf %broadcast_in_dim3A_1363, %broadcast_in_dim3A_1347 : vector<4x1x1xf32>
        %sub3A_1373 = arith.subf %broadcast_in_dim3A_1371, %broadcast_in_dim3A_1355 : vector<4x1x1xf32>
        %mul3A_1374 = arith.mulf %sub3A_1372, %sub3A_1373 : vector<4x1x1xf32>
        %max3A_1375 = vector.broadcast %broadcast_in_dim3A_1347 : vector<4x1x1xf32> to vector<4x8x2500xf32>
        %max3A_1376 = arith.maximumf %max3A_1375, %mul3A_64 : vector<4x8x2500xf32>
        %max3A_1377 = vector.broadcast %broadcast_in_dim3A_1355 : vector<4x1x1xf32> to vector<4x8x2500xf32>
        %max3A_1378 = arith.maximumf %max3A_1377, %mul3A_70 : vector<4x8x2500xf32>
        %min3A_1379 = vector.broadcast %broadcast_in_dim3A_1363 : vector<4x1x1xf32> to vector<4x8x2500xf32>
        %min3A_1380 = arith.minimumf %min3A_1379, %mul3A_76 : vector<4x8x2500xf32>
        %min3A_1381 = vector.broadcast %broadcast_in_dim3A_1371 : vector<4x1x1xf32> to vector<4x8x2500xf32>
        %min3A_1382 = arith.minimumf %min3A_1381, %mul3A_82 : vector<4x8x2500xf32>
        %sub3A_1383 = arith.subf %min3A_1380, %max3A_1376 : vector<4x8x2500xf32>
        %max3A_1384 = arith.constant 0.000000e+00 : f32
        %max3A_1385 = vector.broadcast %max3A_1384 : f32 to vector<4x8x2500xf32>
        %max3A_1386 = arith.maximumf %max3A_1385, %sub3A_1383 : vector<4x8x2500xf32>
        %sub3A_1387 = arith.subf %min3A_1382, %max3A_1378 : vector<4x8x2500xf32>
        %max3A_1388 = arith.constant 0.000000e+00 : f32
        %max3A_1389 = vector.broadcast %max3A_1388 : f32 to vector<4x8x2500xf32>
        %max3A_1390 = arith.maximumf %max3A_1389, %sub3A_1387 : vector<4x8x2500xf32>
        %mul3A_1391 = arith.mulf %max3A_1386, %max3A_1390 : vector<4x8x2500xf32>
        %add3A_1392 = vector.broadcast %mul3A_1374 : vector<4x1x1xf32> to vector<4x8x2500xf32>
        %add3A_1393 = arith.addf %add3A_1392, %mul3A_85 : vector<4x8x2500xf32>
        %sub3A_1394 = arith.subf %add3A_1393, %mul3A_1391 : vector<4x8x2500xf32>
        %add3A_1395 = arith.constant 9.99999996E-13 : f32
        %add3A_1396 = vector.broadcast %add3A_1395 : f32 to vector<4x8x2500xf32>
        %add3A_1397 = arith.addf %sub3A_1394, %add3A_1396 : vector<4x8x2500xf32>
        %div3A_1398 = arith.divf %mul3A_1391, %add3A_1397 : vector<4x8x2500xf32>
        %neg3A_1399 = arith.constant 0.000000e+00 : f32
        %neg3A_1400 = vector.broadcast %neg3A_1399 : f32 to vector<4x8x2500xf32>
        %neg3A_1401 = arith.subf %neg3A_1400, %select_n3A_1314 : vector<4x8x2500xf32>
        %gt3A_1402 = arith.constant 5.000000e-01 : f32
        %gt3A_1403 = vector.broadcast %gt3A_1402 : f32 to vector<4x8x2500xf32>
        %gt3A_1404 = arith.cmpf ogt, %div3A_1398, %gt3A_1403 : vector<4x8x2500xf32>
        %broadcast_in_dim3A_1405 = vector.broadcast %while3A_97 : f32 to vector<4x8x2500xf32>
        %select_n3A_1406 = arith.select %gt3A_1404, %broadcast_in_dim3A_1405, %select_n3A_1314 : vector<4x8x2500xi1>, vector<4x8x2500xf32>
        %select_n3A_1407 = arith.select %eq3A_1339, %neg3A_1401, %select_n3A_1406 : vector<4x8x2500xi1>, vector<4x8x2500xf32>
        %reduce_max3A_1408 = arith.constant dense<0xFF800000> : vector<4x8xf32>
        %reduce_max3A_1409 = vector.multi_reduction <maximumf>, %select_n3A_1407, %reduce_max3A_1408 [2] : vector<4x8x2500xf32> to vector<4x8xf32>
        %broadcast_in_dim3A_1410 = vector.shape_cast %reduce_max3A_1409 : vector<4x8xf32> to vector<4x8x1xf32>
        %reduce_max3A_1411 = arith.constant dense<0xFF800000> : vector<4x1xf32>
        %reduce_max3A_1412 = vector.multi_reduction <maximumf>, %broadcast_in_dim3A_1410, %reduce_max3A_1411 [1] : vector<4x8x1xf32> to vector<4x1xf32>
        %broadcast_in_dim3A_1413 = vector.shape_cast %reduce_max3A_1412 : vector<4x1xf32> to vector<4x1x1xf32>
        %eq3A_1414 = vector.broadcast %broadcast_in_dim3A_1413 : vector<4x1x1xf32> to vector<4x8x2500xf32>
        %eq3A_1415 = arith.cmpf oeq, %select_n3A_1407, %eq3A_1414 : vector<4x8x2500xf32>
        %jit3A_1416 = arith.constant 1073741824 : i32
        %broadcast_in_dim3A_1417 = vector.broadcast %jit3A_1416 : i32 to vector<4x8x2500xi32>
        %select_n3A_1418 = arith.select %eq3A_1415, %add3A_90, %broadcast_in_dim3A_1417 : vector<4x8x2500xi1>, vector<4x8x2500xi32>
        %reduce_min3A_1419 = arith.constant dense<2147483647> : vector<4x8xi32>
        %reduce_min3A_1420 = vector.multi_reduction <minsi>, %select_n3A_1418, %reduce_min3A_1419 [2] : vector<4x8x2500xi32> to vector<4x8xi32>
        %broadcast_in_dim3A_1421 = vector.shape_cast %reduce_min3A_1420 : vector<4x8xi32> to vector<4x8x1xi32>
        %reduce_min3A_1422 = arith.constant dense<2147483647> : vector<4x1xi32>
        %reduce_min3A_1423 = vector.multi_reduction <minsi>, %broadcast_in_dim3A_1421, %reduce_min3A_1422 [1] : vector<4x8x1xi32> to vector<4x1xi32>
        %broadcast_in_dim3A_1424 = vector.shape_cast %reduce_min3A_1423 : vector<4x1xi32> to vector<4x1x1xi32>
        %gt3A_1425 = arith.constant 0.000000e+00 : f32
        %gt3A_1426 = vector.broadcast %gt3A_1425 : f32 to vector<4x1x1xf32>
        %gt3A_1427 = arith.cmpf ogt, %broadcast_in_dim3A_1413, %gt3A_1426 : vector<4x1x1xf32>
        %jit3A_1428 = arith.constant -1 : i32
        %broadcast_in_dim3A_1429 = vector.broadcast %jit3A_1428 : i32 to vector<4x1x1xi32>
        %select_n3A_1430 = arith.select %gt3A_1427, %broadcast_in_dim3A_1424, %broadcast_in_dim3A_1429 : vector<4x1x1xi1>, vector<4x1x1xi32>
        %eq3A_1431 = vector.broadcast %select_n3A_1430 : vector<4x1x1xi32> to vector<4x8x2500xi32>
        %eq3A_1432 = arith.cmpi eq, %add3A_90, %eq3A_1431 : vector<4x8x2500xi32>
        %broadcast_in_dim3A_1433 = vector.broadcast %while3A : f32 to vector<4x8x2500xf32>
        %select_n3A_1434 = arith.select %eq3A_1432, %mul3A_64, %broadcast_in_dim3A_1433 : vector<4x8x2500xi1>, vector<4x8x2500xf32>
        %reduce_max3A_1435 = arith.constant dense<0xFF800000> : vector<4x8xf32>
        %reduce_max3A_1436 = vector.multi_reduction <maximumf>, %select_n3A_1434, %reduce_max3A_1435 [2] : vector<4x8x2500xf32> to vector<4x8xf32>
        %broadcast_in_dim3A_1437 = vector.shape_cast %reduce_max3A_1436 : vector<4x8xf32> to vector<4x8x1xf32>
        %reduce_max3A_1438 = arith.constant dense<0xFF800000> : vector<4x1xf32>
        %reduce_max3A_1439 = vector.multi_reduction <maximumf>, %broadcast_in_dim3A_1437, %reduce_max3A_1438 [1] : vector<4x8x1xf32> to vector<4x1xf32>
        %broadcast_in_dim3A_1440 = vector.shape_cast %reduce_max3A_1439 : vector<4x1xf32> to vector<4x1x1xf32>
        %broadcast_in_dim3A_1441 = vector.broadcast %while3A : f32 to vector<4x8x2500xf32>
        %select_n3A_1442 = arith.select %eq3A_1432, %mul3A_70, %broadcast_in_dim3A_1441 : vector<4x8x2500xi1>, vector<4x8x2500xf32>
        %reduce_max3A_1443 = arith.constant dense<0xFF800000> : vector<4x8xf32>
        %reduce_max3A_1444 = vector.multi_reduction <maximumf>, %select_n3A_1442, %reduce_max3A_1443 [2] : vector<4x8x2500xf32> to vector<4x8xf32>
        %broadcast_in_dim3A_1445 = vector.shape_cast %reduce_max3A_1444 : vector<4x8xf32> to vector<4x8x1xf32>
        %reduce_max3A_1446 = arith.constant dense<0xFF800000> : vector<4x1xf32>
        %reduce_max3A_1447 = vector.multi_reduction <maximumf>, %broadcast_in_dim3A_1445, %reduce_max3A_1446 [1] : vector<4x8x1xf32> to vector<4x1xf32>
        %broadcast_in_dim3A_1448 = vector.shape_cast %reduce_max3A_1447 : vector<4x1xf32> to vector<4x1x1xf32>
        %broadcast_in_dim3A_1449 = vector.broadcast %while3A : f32 to vector<4x8x2500xf32>
        %select_n3A_1450 = arith.select %eq3A_1432, %mul3A_76, %broadcast_in_dim3A_1449 : vector<4x8x2500xi1>, vector<4x8x2500xf32>
        %reduce_max3A_1451 = arith.constant dense<0xFF800000> : vector<4x8xf32>
        %reduce_max3A_1452 = vector.multi_reduction <maximumf>, %select_n3A_1450, %reduce_max3A_1451 [2] : vector<4x8x2500xf32> to vector<4x8xf32>
        %broadcast_in_dim3A_1453 = vector.shape_cast %reduce_max3A_1452 : vector<4x8xf32> to vector<4x8x1xf32>
        %reduce_max3A_1454 = arith.constant dense<0xFF800000> : vector<4x1xf32>
        %reduce_max3A_1455 = vector.multi_reduction <maximumf>, %broadcast_in_dim3A_1453, %reduce_max3A_1454 [1] : vector<4x8x1xf32> to vector<4x1xf32>
        %broadcast_in_dim3A_1456 = vector.shape_cast %reduce_max3A_1455 : vector<4x1xf32> to vector<4x1x1xf32>
        %broadcast_in_dim3A_1457 = vector.broadcast %while3A : f32 to vector<4x8x2500xf32>
        %select_n3A_1458 = arith.select %eq3A_1432, %mul3A_82, %broadcast_in_dim3A_1457 : vector<4x8x2500xi1>, vector<4x8x2500xf32>
        %reduce_max3A_1459 = arith.constant dense<0xFF800000> : vector<4x8xf32>
        %reduce_max3A_1460 = vector.multi_reduction <maximumf>, %select_n3A_1458, %reduce_max3A_1459 [2] : vector<4x8x2500xf32> to vector<4x8xf32>
        %broadcast_in_dim3A_1461 = vector.shape_cast %reduce_max3A_1460 : vector<4x8xf32> to vector<4x8x1xf32>
        %reduce_max3A_1462 = arith.constant dense<0xFF800000> : vector<4x1xf32>
        %reduce_max3A_1463 = vector.multi_reduction <maximumf>, %broadcast_in_dim3A_1461, %reduce_max3A_1462 [1] : vector<4x8x1xf32> to vector<4x1xf32>
        %broadcast_in_dim3A_1464 = vector.shape_cast %reduce_max3A_1463 : vector<4x1xf32> to vector<4x1x1xf32>
        %sub3A_1465 = arith.subf %broadcast_in_dim3A_1456, %broadcast_in_dim3A_1440 : vector<4x1x1xf32>
        %sub3A_1466 = arith.subf %broadcast_in_dim3A_1464, %broadcast_in_dim3A_1448 : vector<4x1x1xf32>
        %mul3A_1467 = arith.mulf %sub3A_1465, %sub3A_1466 : vector<4x1x1xf32>
        %max3A_1468 = vector.broadcast %broadcast_in_dim3A_1440 : vector<4x1x1xf32> to vector<4x8x2500xf32>
        %max3A_1469 = arith.maximumf %max3A_1468, %mul3A_64 : vector<4x8x2500xf32>
        %max3A_1470 = vector.broadcast %broadcast_in_dim3A_1448 : vector<4x1x1xf32> to vector<4x8x2500xf32>
        %max3A_1471 = arith.maximumf %max3A_1470, %mul3A_70 : vector<4x8x2500xf32>
        %min3A_1472 = vector.broadcast %broadcast_in_dim3A_1456 : vector<4x1x1xf32> to vector<4x8x2500xf32>
        %min3A_1473 = arith.minimumf %min3A_1472, %mul3A_76 : vector<4x8x2500xf32>
        %min3A_1474 = vector.broadcast %broadcast_in_dim3A_1464 : vector<4x1x1xf32> to vector<4x8x2500xf32>
        %min3A_1475 = arith.minimumf %min3A_1474, %mul3A_82 : vector<4x8x2500xf32>
        %sub3A_1476 = arith.subf %min3A_1473, %max3A_1469 : vector<4x8x2500xf32>
        %max3A_1477 = arith.constant 0.000000e+00 : f32
        %max3A_1478 = vector.broadcast %max3A_1477 : f32 to vector<4x8x2500xf32>
        %max3A_1479 = arith.maximumf %max3A_1478, %sub3A_1476 : vector<4x8x2500xf32>
        %sub3A_1480 = arith.subf %min3A_1475, %max3A_1471 : vector<4x8x2500xf32>
        %max3A_1481 = arith.constant 0.000000e+00 : f32
        %max3A_1482 = vector.broadcast %max3A_1481 : f32 to vector<4x8x2500xf32>
        %max3A_1483 = arith.maximumf %max3A_1482, %sub3A_1480 : vector<4x8x2500xf32>
        %mul3A_1484 = arith.mulf %max3A_1479, %max3A_1483 : vector<4x8x2500xf32>
        %add3A_1485 = vector.broadcast %mul3A_1467 : vector<4x1x1xf32> to vector<4x8x2500xf32>
        %add3A_1486 = arith.addf %add3A_1485, %mul3A_85 : vector<4x8x2500xf32>
        %sub3A_1487 = arith.subf %add3A_1486, %mul3A_1484 : vector<4x8x2500xf32>
        %add3A_1488 = arith.constant 9.99999996E-13 : f32
        %add3A_1489 = vector.broadcast %add3A_1488 : f32 to vector<4x8x2500xf32>
        %add3A_1490 = arith.addf %sub3A_1487, %add3A_1489 : vector<4x8x2500xf32>
        %div3A_1491 = arith.divf %mul3A_1484, %add3A_1490 : vector<4x8x2500xf32>
        %neg3A_1492 = arith.constant 0.000000e+00 : f32
        %neg3A_1493 = vector.broadcast %neg3A_1492 : f32 to vector<4x8x2500xf32>
        %neg3A_1494 = arith.subf %neg3A_1493, %select_n3A_1407 : vector<4x8x2500xf32>
        %gt3A_1495 = arith.constant 5.000000e-01 : f32
        %gt3A_1496 = vector.broadcast %gt3A_1495 : f32 to vector<4x8x2500xf32>
        %gt3A_1497 = arith.cmpf ogt, %div3A_1491, %gt3A_1496 : vector<4x8x2500xf32>
        %broadcast_in_dim3A_1498 = vector.broadcast %while3A_97 : f32 to vector<4x8x2500xf32>
        %select_n3A_1499 = arith.select %gt3A_1497, %broadcast_in_dim3A_1498, %select_n3A_1407 : vector<4x8x2500xi1>, vector<4x8x2500xf32>
        %select_n3A_1500 = arith.select %eq3A_1432, %neg3A_1494, %select_n3A_1499 : vector<4x8x2500xi1>, vector<4x8x2500xf32>
        %reduce_max3A_1501 = arith.constant dense<0xFF800000> : vector<4x8xf32>
        %reduce_max3A_1502 = vector.multi_reduction <maximumf>, %select_n3A_1500, %reduce_max3A_1501 [2] : vector<4x8x2500xf32> to vector<4x8xf32>
        %broadcast_in_dim3A_1503 = vector.shape_cast %reduce_max3A_1502 : vector<4x8xf32> to vector<4x8x1xf32>
        %reduce_max3A_1504 = arith.constant dense<0xFF800000> : vector<4x1xf32>
        %reduce_max3A_1505 = vector.multi_reduction <maximumf>, %broadcast_in_dim3A_1503, %reduce_max3A_1504 [1] : vector<4x8x1xf32> to vector<4x1xf32>
        %broadcast_in_dim3A_1506 = vector.shape_cast %reduce_max3A_1505 : vector<4x1xf32> to vector<4x1x1xf32>
        %eq3A_1507 = vector.broadcast %broadcast_in_dim3A_1506 : vector<4x1x1xf32> to vector<4x8x2500xf32>
        %eq3A_1508 = arith.cmpf oeq, %select_n3A_1500, %eq3A_1507 : vector<4x8x2500xf32>
        %jit3A_1509 = arith.constant 1073741824 : i32
        %broadcast_in_dim3A_1510 = vector.broadcast %jit3A_1509 : i32 to vector<4x8x2500xi32>
        %select_n3A_1511 = arith.select %eq3A_1508, %add3A_90, %broadcast_in_dim3A_1510 : vector<4x8x2500xi1>, vector<4x8x2500xi32>
        %reduce_min3A_1512 = arith.constant dense<2147483647> : vector<4x8xi32>
        %reduce_min3A_1513 = vector.multi_reduction <minsi>, %select_n3A_1511, %reduce_min3A_1512 [2] : vector<4x8x2500xi32> to vector<4x8xi32>
        %broadcast_in_dim3A_1514 = vector.shape_cast %reduce_min3A_1513 : vector<4x8xi32> to vector<4x8x1xi32>
        %reduce_min3A_1515 = arith.constant dense<2147483647> : vector<4x1xi32>
        %reduce_min3A_1516 = vector.multi_reduction <minsi>, %broadcast_in_dim3A_1514, %reduce_min3A_1515 [1] : vector<4x8x1xi32> to vector<4x1xi32>
        %broadcast_in_dim3A_1517 = vector.shape_cast %reduce_min3A_1516 : vector<4x1xi32> to vector<4x1x1xi32>
        %gt3A_1518 = arith.constant 0.000000e+00 : f32
        %gt3A_1519 = vector.broadcast %gt3A_1518 : f32 to vector<4x1x1xf32>
        %gt3A_1520 = arith.cmpf ogt, %broadcast_in_dim3A_1506, %gt3A_1519 : vector<4x1x1xf32>
        %jit3A_1521 = arith.constant -1 : i32
        %broadcast_in_dim3A_1522 = vector.broadcast %jit3A_1521 : i32 to vector<4x1x1xi32>
        %select_n3A_1523 = arith.select %gt3A_1520, %broadcast_in_dim3A_1517, %broadcast_in_dim3A_1522 : vector<4x1x1xi1>, vector<4x1x1xi32>
        %eq3A_1524 = vector.broadcast %select_n3A_1523 : vector<4x1x1xi32> to vector<4x8x2500xi32>
        %eq3A_1525 = arith.cmpi eq, %add3A_90, %eq3A_1524 : vector<4x8x2500xi32>
        %broadcast_in_dim3A_1526 = vector.broadcast %while3A : f32 to vector<4x8x2500xf32>
        %select_n3A_1527 = arith.select %eq3A_1525, %mul3A_64, %broadcast_in_dim3A_1526 : vector<4x8x2500xi1>, vector<4x8x2500xf32>
        %reduce_max3A_1528 = arith.constant dense<0xFF800000> : vector<4x8xf32>
        %reduce_max3A_1529 = vector.multi_reduction <maximumf>, %select_n3A_1527, %reduce_max3A_1528 [2] : vector<4x8x2500xf32> to vector<4x8xf32>
        %broadcast_in_dim3A_1530 = vector.shape_cast %reduce_max3A_1529 : vector<4x8xf32> to vector<4x8x1xf32>
        %reduce_max3A_1531 = arith.constant dense<0xFF800000> : vector<4x1xf32>
        %reduce_max3A_1532 = vector.multi_reduction <maximumf>, %broadcast_in_dim3A_1530, %reduce_max3A_1531 [1] : vector<4x8x1xf32> to vector<4x1xf32>
        %broadcast_in_dim3A_1533 = vector.shape_cast %reduce_max3A_1532 : vector<4x1xf32> to vector<4x1x1xf32>
        %broadcast_in_dim3A_1534 = vector.broadcast %while3A : f32 to vector<4x8x2500xf32>
        %select_n3A_1535 = arith.select %eq3A_1525, %mul3A_70, %broadcast_in_dim3A_1534 : vector<4x8x2500xi1>, vector<4x8x2500xf32>
        %reduce_max3A_1536 = arith.constant dense<0xFF800000> : vector<4x8xf32>
        %reduce_max3A_1537 = vector.multi_reduction <maximumf>, %select_n3A_1535, %reduce_max3A_1536 [2] : vector<4x8x2500xf32> to vector<4x8xf32>
        %broadcast_in_dim3A_1538 = vector.shape_cast %reduce_max3A_1537 : vector<4x8xf32> to vector<4x8x1xf32>
        %reduce_max3A_1539 = arith.constant dense<0xFF800000> : vector<4x1xf32>
        %reduce_max3A_1540 = vector.multi_reduction <maximumf>, %broadcast_in_dim3A_1538, %reduce_max3A_1539 [1] : vector<4x8x1xf32> to vector<4x1xf32>
        %broadcast_in_dim3A_1541 = vector.shape_cast %reduce_max3A_1540 : vector<4x1xf32> to vector<4x1x1xf32>
        %broadcast_in_dim3A_1542 = vector.broadcast %while3A : f32 to vector<4x8x2500xf32>
        %select_n3A_1543 = arith.select %eq3A_1525, %mul3A_76, %broadcast_in_dim3A_1542 : vector<4x8x2500xi1>, vector<4x8x2500xf32>
        %reduce_max3A_1544 = arith.constant dense<0xFF800000> : vector<4x8xf32>
        %reduce_max3A_1545 = vector.multi_reduction <maximumf>, %select_n3A_1543, %reduce_max3A_1544 [2] : vector<4x8x2500xf32> to vector<4x8xf32>
        %broadcast_in_dim3A_1546 = vector.shape_cast %reduce_max3A_1545 : vector<4x8xf32> to vector<4x8x1xf32>
        %reduce_max3A_1547 = arith.constant dense<0xFF800000> : vector<4x1xf32>
        %reduce_max3A_1548 = vector.multi_reduction <maximumf>, %broadcast_in_dim3A_1546, %reduce_max3A_1547 [1] : vector<4x8x1xf32> to vector<4x1xf32>
        %broadcast_in_dim3A_1549 = vector.shape_cast %reduce_max3A_1548 : vector<4x1xf32> to vector<4x1x1xf32>
        %broadcast_in_dim3A_1550 = vector.broadcast %while3A : f32 to vector<4x8x2500xf32>
        %select_n3A_1551 = arith.select %eq3A_1525, %mul3A_82, %broadcast_in_dim3A_1550 : vector<4x8x2500xi1>, vector<4x8x2500xf32>
        %reduce_max3A_1552 = arith.constant dense<0xFF800000> : vector<4x8xf32>
        %reduce_max3A_1553 = vector.multi_reduction <maximumf>, %select_n3A_1551, %reduce_max3A_1552 [2] : vector<4x8x2500xf32> to vector<4x8xf32>
        %broadcast_in_dim3A_1554 = vector.shape_cast %reduce_max3A_1553 : vector<4x8xf32> to vector<4x8x1xf32>
        %reduce_max3A_1555 = arith.constant dense<0xFF800000> : vector<4x1xf32>
        %reduce_max3A_1556 = vector.multi_reduction <maximumf>, %broadcast_in_dim3A_1554, %reduce_max3A_1555 [1] : vector<4x8x1xf32> to vector<4x1xf32>
        %broadcast_in_dim3A_1557 = vector.shape_cast %reduce_max3A_1556 : vector<4x1xf32> to vector<4x1x1xf32>
        %sub3A_1558 = arith.subf %broadcast_in_dim3A_1549, %broadcast_in_dim3A_1533 : vector<4x1x1xf32>
        %sub3A_1559 = arith.subf %broadcast_in_dim3A_1557, %broadcast_in_dim3A_1541 : vector<4x1x1xf32>
        %mul3A_1560 = arith.mulf %sub3A_1558, %sub3A_1559 : vector<4x1x1xf32>
        %max3A_1561 = vector.broadcast %broadcast_in_dim3A_1533 : vector<4x1x1xf32> to vector<4x8x2500xf32>
        %max3A_1562 = arith.maximumf %max3A_1561, %mul3A_64 : vector<4x8x2500xf32>
        %max3A_1563 = vector.broadcast %broadcast_in_dim3A_1541 : vector<4x1x1xf32> to vector<4x8x2500xf32>
        %max3A_1564 = arith.maximumf %max3A_1563, %mul3A_70 : vector<4x8x2500xf32>
        %min3A_1565 = vector.broadcast %broadcast_in_dim3A_1549 : vector<4x1x1xf32> to vector<4x8x2500xf32>
        %min3A_1566 = arith.minimumf %min3A_1565, %mul3A_76 : vector<4x8x2500xf32>
        %min3A_1567 = vector.broadcast %broadcast_in_dim3A_1557 : vector<4x1x1xf32> to vector<4x8x2500xf32>
        %min3A_1568 = arith.minimumf %min3A_1567, %mul3A_82 : vector<4x8x2500xf32>
        %sub3A_1569 = arith.subf %min3A_1566, %max3A_1562 : vector<4x8x2500xf32>
        %max3A_1570 = arith.constant 0.000000e+00 : f32
        %max3A_1571 = vector.broadcast %max3A_1570 : f32 to vector<4x8x2500xf32>
        %max3A_1572 = arith.maximumf %max3A_1571, %sub3A_1569 : vector<4x8x2500xf32>
        %sub3A_1573 = arith.subf %min3A_1568, %max3A_1564 : vector<4x8x2500xf32>
        %max3A_1574 = arith.constant 0.000000e+00 : f32
        %max3A_1575 = vector.broadcast %max3A_1574 : f32 to vector<4x8x2500xf32>
        %max3A_1576 = arith.maximumf %max3A_1575, %sub3A_1573 : vector<4x8x2500xf32>
        %mul3A_1577 = arith.mulf %max3A_1572, %max3A_1576 : vector<4x8x2500xf32>
        %add3A_1578 = vector.broadcast %mul3A_1560 : vector<4x1x1xf32> to vector<4x8x2500xf32>
        %add3A_1579 = arith.addf %add3A_1578, %mul3A_85 : vector<4x8x2500xf32>
        %sub3A_1580 = arith.subf %add3A_1579, %mul3A_1577 : vector<4x8x2500xf32>
        %add3A_1581 = arith.constant 9.99999996E-13 : f32
        %add3A_1582 = vector.broadcast %add3A_1581 : f32 to vector<4x8x2500xf32>
        %add3A_1583 = arith.addf %sub3A_1580, %add3A_1582 : vector<4x8x2500xf32>
        %div3A_1584 = arith.divf %mul3A_1577, %add3A_1583 : vector<4x8x2500xf32>
        %neg3A_1585 = arith.constant 0.000000e+00 : f32
        %neg3A_1586 = vector.broadcast %neg3A_1585 : f32 to vector<4x8x2500xf32>
        %neg3A_1587 = arith.subf %neg3A_1586, %select_n3A_1500 : vector<4x8x2500xf32>
        %gt3A_1588 = arith.constant 5.000000e-01 : f32
        %gt3A_1589 = vector.broadcast %gt3A_1588 : f32 to vector<4x8x2500xf32>
        %gt3A_1590 = arith.cmpf ogt, %div3A_1584, %gt3A_1589 : vector<4x8x2500xf32>
        %broadcast_in_dim3A_1591 = vector.broadcast %while3A_97 : f32 to vector<4x8x2500xf32>
        %select_n3A_1592 = arith.select %gt3A_1590, %broadcast_in_dim3A_1591, %select_n3A_1500 : vector<4x8x2500xi1>, vector<4x8x2500xf32>
        %select_n3A_1593 = arith.select %eq3A_1525, %neg3A_1587, %select_n3A_1592 : vector<4x8x2500xi1>, vector<4x8x2500xf32>
        %reduce_max3A_1594 = arith.constant dense<0xFF800000> : vector<4x8xf32>
        %reduce_max3A_1595 = vector.multi_reduction <maximumf>, %select_n3A_1593, %reduce_max3A_1594 [2] : vector<4x8x2500xf32> to vector<4x8xf32>
        %broadcast_in_dim3A_1596 = vector.shape_cast %reduce_max3A_1595 : vector<4x8xf32> to vector<4x8x1xf32>
        %reduce_max3A_1597 = arith.constant dense<0xFF800000> : vector<4x1xf32>
        %reduce_max3A_1598 = vector.multi_reduction <maximumf>, %broadcast_in_dim3A_1596, %reduce_max3A_1597 [1] : vector<4x8x1xf32> to vector<4x1xf32>
        %broadcast_in_dim3A_1599 = vector.shape_cast %reduce_max3A_1598 : vector<4x1xf32> to vector<4x1x1xf32>
        scf.yield %select_n3A_1593, %broadcast_in_dim3A_1599 : vector<4x8x2500xf32>, vector<4x1x1xf32>
      }
      %gt3A_99 = arith.constant -2.000000e+00 : f32
      %gt3A_100 = vector.broadcast %gt3A_99 : f32 to vector<4x8x2500xf32>
      %gt3A_101 = arith.cmpf ogt, %while3A_98#0, %gt3A_100 : vector<4x8x2500xf32>
      %jit3A_102 = arith.constant 1.000000e+00 : f32
      %jit3A_103 = arith.constant 0.000000e+00 : f32
      %broadcast_in_dim3A_104 = vector.broadcast %jit3A_102 : f32 to vector<4x8x2500xf32>
      %broadcast_in_dim3A_105 = vector.broadcast %jit3A_103 : f32 to vector<4x8x2500xf32>
      %select_n3A_106 = arith.select %gt3A_101, %broadcast_in_dim3A_104, %broadcast_in_dim3A_105 : vector<4x8x2500xi1>, vector<4x8x2500xf32>
      %swap3A = arith.constant 0 : index
      %swap3A_107 = arith.constant 0 : index
      %swap3A_108 = arith.constant 0 : index
      %swap3A_109 = vector.load %arg10[%swap3A, %swap3A_107, %swap3A_108] : memref<4x8x2500xf32, #tpu.memory_space<vmem>>, vector<4x8x2500xf32>
      tpu.vector_store %arg10[%swap3A, %swap3A_107, %swap3A_108], %select_n3A_106 {strides = array<i32>} : memref<4x8x2500xf32, #tpu.memory_space<vmem>>, vector<4x8x2500xf32>,
      %swap3A_110 = arith.constant 0 : index
      %swap3A_111 = arith.constant 0 : index
      %swap3A_112 = arith.constant 0 : index
      %swap3A_113 = vector.load %arg11[%swap3A_110, %swap3A_111, %swap3A_112] : memref<4x8x2500xi32, #tpu.memory_space<vmem>>, vector<4x8x2500xi32>
      tpu.vector_store %arg11[%swap3A_110, %swap3A_111, %swap3A_112], %add3A_90 {strides = array<i32>} : memref<4x8x2500xi32, #tpu.memory_space<vmem>>, vector<4x8x2500xi32>,
    } else {
    }
    return
  }
}

module attributes {stable_mosaic.version = 14 : i64} {
  func.func @_mask_body(%arg0: i32, %arg1: memref<4xf32, #tpu.memory_space<smem>>, %arg2: memref<1x1x20000xf32, #tpu.memory_space<vmem>>, %arg3: memref<1x80x20000xf32, #tpu.memory_space<vmem>>, %arg4: memref<1x4x20000xf32, #tpu.memory_space<vmem>>, %arg5: memref<1x80x20000xf32, #tpu.memory_space<vmem>>, %arg6: memref<1x4x20000xi32, #tpu.memory_space<vmem>>) attributes {dimension_semantics = [#tpu.dimension_semantics<arbitrary>], iteration_bounds = array<i64: 4>, scalar_prefetch = 0 : i64, scratch_operands = 0 : i64, tpu.core_type = #tpu.core_type<tc>, window_params = [{transform_indices = @transform_0, window_bounds = array<i64: 4>}, {transform_indices = @transform_1, window_bounds = array<i64: 1, 1, 20000>}, {transform_indices = @transform_2, window_bounds = array<i64: 1, 80, 20000>}, {transform_indices = @transform_3, window_bounds = array<i64: 1, 4, 20000>}, {transform_indices = @transform_4, window_bounds = array<i64: 1, 80, 20000>}, {transform_indices = @transform_5, window_bounds = array<i64: 1, 4, 20000>}]} {
    %get3A = arith.constant 0 : index
    %get3A_0 = arith.constant 0 : index
    %get3A_1 = arith.constant 0 : index
    %get3A_2 = vector.load %arg2[%get3A, %get3A_0, %get3A_1] : memref<1x1x20000xf32, #tpu.memory_space<vmem>>, vector<1x1x20000xf32>
    %get3A_3 = vector.shape_cast %get3A_2 : vector<1x1x20000xf32> to vector<1x20000xf32>
    %get3A_4 = arith.constant 0 : index
    %get3A_5 = arith.constant 0 : index
    %get3A_6 = arith.constant 0 : index
    %get3A_7 = vector.load %arg3[%get3A_4, %get3A_5, %get3A_6] : memref<1x80x20000xf32, #tpu.memory_space<vmem>>, vector<1x80x20000xf32>
    %get3A_8 = vector.shape_cast %get3A_7 : vector<1x80x20000xf32> to vector<80x20000xf32>
    %gt3A = arith.constant 0.000000e+00 : f32
    %gt3A_9 = vector.broadcast %gt3A : f32 to vector<1x20000xf32>
    %gt3A_10 = arith.cmpf ogt, %get3A_3, %gt3A_9 : vector<1x20000xf32>
    %ge3A = arith.constant 2.500000e-01 : f32
    %ge3A_11 = vector.broadcast %ge3A : f32 to vector<80x20000xf32>
    %ge3A_12 = arith.cmpf oge, %get3A_8, %ge3A_11 : vector<80x20000xf32>
    %and3A = vector.broadcast %gt3A_10 : vector<1x20000xi1> to vector<80x20000xi1>
    %and3A_13 = arith.andi %and3A, %ge3A_12 : vector<80x20000xi1>
    %add3A = arith.constant 1.000000e+00 : f32
    %add3A_14 = vector.broadcast %add3A : f32 to vector<80x20000xf32>
    %add3A_15 = arith.addf %get3A_8, %add3A_14 : vector<80x20000xf32>
    %mul3A = arith.constant 5.000000e-01 : f32
    %mul3A_16 = vector.broadcast %mul3A : f32 to vector<80x20000xf32>
    %mul3A_17 = arith.mulf %add3A_15, %mul3A_16 : vector<80x20000xf32>
    %jit3A = arith.constant 0.000000e+00 : f32
    %broadcast_in_dim3A = vector.broadcast %jit3A : f32 to vector<80x20000xf32>
    %select_n3A = arith.select %and3A_13, %mul3A_17, %broadcast_in_dim3A : vector<80x20000xi1>, vector<80x20000xf32>
    %swap3A = arith.constant 0 : index
    %swap3A_18 = arith.constant 0 : index
    %swap3A_19 = arith.constant 0 : index
    %swap3A_20 = vector.load %arg5[%swap3A, %swap3A_18, %swap3A_19] : memref<1x80x20000xf32, #tpu.memory_space<vmem>>, vector<1x80x20000xf32>
    %swap3A_21 = vector.shape_cast %swap3A_20 : vector<1x80x20000xf32> to vector<80x20000xf32>
    %swap3A_22 = vector.shape_cast %select_n3A : vector<80x20000xf32> to vector<1x80x20000xf32>
    tpu.vector_store %arg5[%swap3A, %swap3A_18, %swap3A_19], %swap3A_22 {strides = array<i32>} : memref<1x80x20000xf32, #tpu.memory_space<vmem>>, vector<1x80x20000xf32>,
    %get3A_23 = arith.constant 0 : index
    %get3A_24 = memref.load %arg1[%get3A_23] : memref<4xf32, #tpu.memory_space<smem>>
    %get3A_25 = arith.constant 1 : index
    %get3A_26 = memref.load %arg1[%get3A_25] : memref<4xf32, #tpu.memory_space<smem>>
    %get3A_27 = arith.constant 0 : index
    %get3A_28 = arith.constant 0 : index
    %get3A_29 = arith.constant 0 : index
    %get3A_30 = vector.load %arg4[%get3A_27, %get3A_28, %get3A_29] : memref<1x4x20000xf32, #tpu.memory_space<vmem>>, vector<1x1x20000xf32>
    %get3A_31 = vector.shape_cast %get3A_30 : vector<1x1x20000xf32> to vector<1x20000xf32>
    %get3A_32 = arith.constant 0 : index
    %get3A_33 = arith.constant 1 : index
    %get3A_34 = arith.constant 0 : index
    %get3A_35 = vector.load %arg4[%get3A_32, %get3A_33, %get3A_34] : memref<1x4x20000xf32, #tpu.memory_space<vmem>>, vector<1x1x20000xf32>
    %get3A_36 = vector.shape_cast %get3A_35 : vector<1x1x20000xf32> to vector<1x20000xf32>
    %get3A_37 = arith.constant 0 : index
    %get3A_38 = arith.constant 2 : index
    %get3A_39 = arith.constant 0 : index
    %get3A_40 = vector.load %arg4[%get3A_37, %get3A_38, %get3A_39] : memref<1x4x20000xf32, #tpu.memory_space<vmem>>, vector<1x1x20000xf32>
    %get3A_41 = vector.shape_cast %get3A_40 : vector<1x1x20000xf32> to vector<1x20000xf32>
    %get3A_42 = arith.constant 0 : index
    %get3A_43 = arith.constant 3 : index
    %get3A_44 = arith.constant 0 : index
    %get3A_45 = vector.load %arg4[%get3A_42, %get3A_43, %get3A_44] : memref<1x4x20000xf32, #tpu.memory_space<vmem>>, vector<1x1x20000xf32>
    %get3A_46 = vector.shape_cast %get3A_45 : vector<1x1x20000xf32> to vector<1x20000xf32>
    %gt3A_47 = arith.constant 0.000000e+00 : f32
    %gt3A_48 = vector.broadcast %gt3A_47 : f32 to vector<1x20000xf32>
    %gt3A_49 = arith.cmpf ogt, %get3A_3, %gt3A_48 : vector<1x20000xf32>
    %mul3A_50 = arith.constant 5.000000e-01 : f32
    %mul3A_51 = vector.broadcast %mul3A_50 : f32 to vector<1x20000xf32>
    %mul3A_52 = arith.mulf %mul3A_51, %get3A_41 : vector<1x20000xf32>
    %sub3A = arith.subf %get3A_31, %mul3A_52 : vector<1x20000xf32>
    %mul3A_53 = vector.broadcast %get3A_24 : f32 to vector<1x20000xf32>
    %mul3A_54 = arith.mulf %sub3A, %mul3A_53 : vector<1x20000xf32>
    %jit3A_55 = arith.constant 0.000000e+00 : f32
    %broadcast_in_dim3A_56 = vector.broadcast %jit3A_55 : f32 to vector<1x20000xf32>
    %select_n3A_57 = arith.select %gt3A_49, %mul3A_54, %broadcast_in_dim3A_56 : vector<1x20000xi1>, vector<1x20000xf32>
    %convert_element_type3A = arith.fptosi %select_n3A_57 : vector<1x20000xf32> to vector<1x20000xi32>
    %swap3A_58 = arith.constant 0 : index
    %swap3A_59 = arith.constant 0 : index
    %swap3A_60 = arith.constant 0 : index
    %swap3A_61 = vector.load %arg6[%swap3A_58, %swap3A_59, %swap3A_60] : memref<1x4x20000xi32, #tpu.memory_space<vmem>>, vector<1x1x20000xi32>
    %swap3A_62 = vector.shape_cast %swap3A_61 : vector<1x1x20000xi32> to vector<1x20000xi32>
    %swap3A_63 = vector.shape_cast %convert_element_type3A : vector<1x20000xi32> to vector<1x1x20000xi32>
    tpu.vector_store %arg6[%swap3A_58, %swap3A_59, %swap3A_60], %swap3A_63 {strides = array<i32>} : memref<1x4x20000xi32, #tpu.memory_space<vmem>>, vector<1x1x20000xi32>,
    %mul3A_64 = arith.constant 5.000000e-01 : f32
    %mul3A_65 = vector.broadcast %mul3A_64 : f32 to vector<1x20000xf32>
    %mul3A_66 = arith.mulf %mul3A_65, %get3A_46 : vector<1x20000xf32>
    %sub3A_67 = arith.subf %get3A_36, %mul3A_66 : vector<1x20000xf32>
    %mul3A_68 = vector.broadcast %get3A_26 : f32 to vector<1x20000xf32>
    %mul3A_69 = arith.mulf %sub3A_67, %mul3A_68 : vector<1x20000xf32>
    %jit3A_70 = arith.constant 0.000000e+00 : f32
    %broadcast_in_dim3A_71 = vector.broadcast %jit3A_70 : f32 to vector<1x20000xf32>
    %select_n3A_72 = arith.select %gt3A_49, %mul3A_69, %broadcast_in_dim3A_71 : vector<1x20000xi1>, vector<1x20000xf32>
    %convert_element_type3A_73 = arith.fptosi %select_n3A_72 : vector<1x20000xf32> to vector<1x20000xi32>
    %swap3A_74 = arith.constant 0 : index
    %swap3A_75 = arith.constant 1 : index
    %swap3A_76 = arith.constant 0 : index
    %swap3A_77 = vector.load %arg6[%swap3A_74, %swap3A_75, %swap3A_76] : memref<1x4x20000xi32, #tpu.memory_space<vmem>>, vector<1x1x20000xi32>
    %swap3A_78 = vector.shape_cast %swap3A_77 : vector<1x1x20000xi32> to vector<1x20000xi32>
    %swap3A_79 = vector.shape_cast %convert_element_type3A_73 : vector<1x20000xi32> to vector<1x1x20000xi32>
    tpu.vector_store %arg6[%swap3A_74, %swap3A_75, %swap3A_76], %swap3A_79 {strides = array<i32>} : memref<1x4x20000xi32, #tpu.memory_space<vmem>>, vector<1x1x20000xi32>,
    %mul3A_80 = arith.constant 5.000000e-01 : f32
    %mul3A_81 = vector.broadcast %mul3A_80 : f32 to vector<1x20000xf32>
    %mul3A_82 = arith.mulf %mul3A_81, %get3A_41 : vector<1x20000xf32>
    %add3A_83 = arith.addf %get3A_31, %mul3A_82 : vector<1x20000xf32>
    %mul3A_84 = vector.broadcast %get3A_24 : f32 to vector<1x20000xf32>
    %mul3A_85 = arith.mulf %add3A_83, %mul3A_84 : vector<1x20000xf32>
    %jit3A_86 = arith.constant 0.000000e+00 : f32
    %broadcast_in_dim3A_87 = vector.broadcast %jit3A_86 : f32 to vector<1x20000xf32>
    %select_n3A_88 = arith.select %gt3A_49, %mul3A_85, %broadcast_in_dim3A_87 : vector<1x20000xi1>, vector<1x20000xf32>
    %convert_element_type3A_89 = arith.fptosi %select_n3A_88 : vector<1x20000xf32> to vector<1x20000xi32>
    %swap3A_90 = arith.constant 0 : index
    %swap3A_91 = arith.constant 2 : index
    %swap3A_92 = arith.constant 0 : index
    %swap3A_93 = vector.load %arg6[%swap3A_90, %swap3A_91, %swap3A_92] : memref<1x4x20000xi32, #tpu.memory_space<vmem>>, vector<1x1x20000xi32>
    %swap3A_94 = vector.shape_cast %swap3A_93 : vector<1x1x20000xi32> to vector<1x20000xi32>
    %swap3A_95 = vector.shape_cast %convert_element_type3A_89 : vector<1x20000xi32> to vector<1x1x20000xi32>
    tpu.vector_store %arg6[%swap3A_90, %swap3A_91, %swap3A_92], %swap3A_95 {strides = array<i32>} : memref<1x4x20000xi32, #tpu.memory_space<vmem>>, vector<1x1x20000xi32>,
    %mul3A_96 = arith.constant 5.000000e-01 : f32
    %mul3A_97 = vector.broadcast %mul3A_96 : f32 to vector<1x20000xf32>
    %mul3A_98 = arith.mulf %mul3A_97, %get3A_46 : vector<1x20000xf32>
    %add3A_99 = arith.addf %get3A_36, %mul3A_98 : vector<1x20000xf32>
    %mul3A_100 = vector.broadcast %get3A_26 : f32 to vector<1x20000xf32>
    %mul3A_101 = arith.mulf %add3A_99, %mul3A_100 : vector<1x20000xf32>
    %jit3A_102 = arith.constant 0.000000e+00 : f32
    %broadcast_in_dim3A_103 = vector.broadcast %jit3A_102 : f32 to vector<1x20000xf32>
    %select_n3A_104 = arith.select %gt3A_49, %mul3A_101, %broadcast_in_dim3A_103 : vector<1x20000xi1>, vector<1x20000xf32>
    %convert_element_type3A_105 = arith.fptosi %select_n3A_104 : vector<1x20000xf32> to vector<1x20000xi32>
    %swap3A_106 = arith.constant 0 : index
    %swap3A_107 = arith.constant 3 : index
    %swap3A_108 = arith.constant 0 : index
    %swap3A_109 = vector.load %arg6[%swap3A_106, %swap3A_107, %swap3A_108] : memref<1x4x20000xi32, #tpu.memory_space<vmem>>, vector<1x1x20000xi32>
    %swap3A_110 = vector.shape_cast %swap3A_109 : vector<1x1x20000xi32> to vector<1x20000xi32>
    %swap3A_111 = vector.shape_cast %convert_element_type3A_105 : vector<1x20000xi32> to vector<1x1x20000xi32>
    tpu.vector_store %arg6[%swap3A_106, %swap3A_107, %swap3A_108], %swap3A_111 {strides = array<i32>} : memref<1x4x20000xi32, #tpu.memory_space<vmem>>, vector<1x1x20000xi32>,
    return
  }
  func.func @transform_0(%arg0: i32) -> i32 {
    %c0_i32 = arith.constant 0 : i32
    %c0_i32_0 = arith.constant 0 : i32
    return %c0_i32 : i32
  }
  func.func @transform_1(%arg0: i32) -> (i32, i32, i32) {
    %c0_i32 = arith.constant 0 : i32
    %c0_i32_0 = arith.constant 0 : i32
    %c0_i32_1 = arith.constant 0 : i32
    return %arg0, %c0_i32, %c0_i32_0 : i32, i32, i32
  }
  func.func @transform_2(%arg0: i32) -> (i32, i32, i32) {
    %c0_i32 = arith.constant 0 : i32
    %c0_i32_0 = arith.constant 0 : i32
    %c0_i32_1 = arith.constant 0 : i32
    return %arg0, %c0_i32, %c0_i32_0 : i32, i32, i32
  }
  func.func @transform_3(%arg0: i32) -> (i32, i32, i32) {
    %c0_i32 = arith.constant 0 : i32
    %c0_i32_0 = arith.constant 0 : i32
    %c0_i32_1 = arith.constant 0 : i32
    return %arg0, %c0_i32, %c0_i32_0 : i32, i32, i32
  }
  func.func @transform_4(%arg0: i32) -> (i32, i32, i32) {
    %c0_i32 = arith.constant 0 : i32
    %c0_i32_0 = arith.constant 0 : i32
    %c0_i32_1 = arith.constant 0 : i32
    return %arg0, %c0_i32, %c0_i32_0 : i32, i32, i32
  }
  func.func @transform_5(%arg0: i32) -> (i32, i32, i32) {
    %c0_i32 = arith.constant 0 : i32
    %c0_i32_0 = arith.constant 0 : i32
    %c0_i32_1 = arith.constant 0 : i32
    return %arg0, %c0_i32, %c0_i32_0 : i32, i32, i32
  }
}

</mosaic_0001>

<sc_bundles>
// kernel: kernel.6.cloned.1.call-start
scs
__scs_entry_jumppad:
0x0: {  	(pc) =	sbr.rel $0x88, $3  }
0x1: {  	(tag) =	ssettag $0x0;
	lr =	simm.s32 $0x1  }
0x2: {  	[smem:$0x3F9C] =	sst lr;
	_ =	strace $0xD0000000  }
0x3: {  	_ = 	snop  }
0x4: {  	_ = 	snop  }
0x5: {  	_ = 	snop  }
0x6: {  	_ = 	snop  }
0x7: {  	_ = 	snop  }
__scs_overlays_trampoline_lowered:
0x8: {  	[smem:$0x3FAB] =	sst s0  }
0x9: {  	[smem:$0x3FAC] =	sst s1  }
0xa: {  	[smem:$0x3FAD] =	sst s2  }
0xb: {  	[smem:$0x3FAE] =	sst s3  }
0xc: {  	[smem:$0x3FAF] =	sst s4  }
0xd: {  	[smem:$0x3FB0] =	sst s5  }
0xe: {  	[smem:$0x3FB1] =	sst s6  }
0xf: {  	[smem:$0x3FB2] =	sst s7  }
0x10: {  	[smem:$0x3FB3] =	sst s8  }
0x11: {  	[smem:$0x3FB4] =	sst s9;
	s0 =	simm.s32 @!p0 $0x0  }
0x12: {  	s1 =	sld [smem:$0x3F9A];
	s0 =	simm.s32 @p0 $0x1  }
0x13: {  	[smem:$0x3FB5] =	sst s0;
	s0 =	simm.s32 @!p1 $0x0  }
0x14: {  	s2 =	sld [smem:$0x3F99];
	s0 =	simm.s32 @p1 $0x1  }
0x15: {  	[smem:$0x3FB6] =	sst s0;
	s0 =	simm.s32 @!p2 $0x0  }
0x16: {  	s3 =	sld [smem:$0x3FDB];
	s0 =	simm.s32 @p2 $0x1  }
0x17: {  	s4 =	simm.s32 $0x1BF5;
	[smem:$0x3FB8] =	sst s0  }
0x18: {  	s0 =	sld [smem:$0x3F9B];
	_ =	swait.ge [sflag:s4], $0x0  }
0x19: {  	s7 =	sld [smem:$0x3F9C]  }
0x1a: {  	s8 =	sadd.s32 $0xFFFFE003, lr  }
0x1b: {  	s9 =	sadd.s32 $0xFFFFFEF7, lr;
	s5 =	simm.s32 $0xFFFFFFFF;
	p2 =	slt.u32 s8, $0xFFFFF086  }
0x1c: {  	p1 =	slt.u32 s9, $0xF7A;
	s5 =	simm.s32 @!p2 $0x0  }
0x1d: {  	s5 =	simm.s32 @p1 $0x1;
	p0 =	seq.s32 s7, s2  }
0x1e: {  	s7 =	smul.u32 @!p0 $0xF7A, s2;
	p2 =	seq.s32 @!p0 s5, $0x0  }
0x1f: {  	s9 =	smul.u32 $0xF7A, s1;
	s8 =	simm.s32 @!p0 $0x1BF5;
	p2 =	por !p2, p0  }
0x20: {  	[sflag:s8] =	ssyncset.s32 @!p0 $0xFFFFF086;
	s6 =	sadd.s32 @!p0 s3, s7;
	s7 =	simm.s32 @!p0 $0x108  }
0x21: {  	s3 =	sadd.s32 s3, s9;
	s6 =	sadd.s32 @!p0 $0x88, s6;
	s7 =	simm.s32 @p2 $0x1082  }
0x22: {  	[simem:s7], [sflag:s8] =	dma.local @!p0 [hbm:s6], $0xF7A  }
0x23: {  	s9 =	sor.u32 $0xD0000000, s2;
	s6 =	simm.s32 $0x108;
	_ =	swait.ge @!p0 [sflag:s8], $0x0  }
0x24: {  	s3 =	sadd.s32 $0x88, s3;
	s6 =	simm.s32 @!p1 $0x1082;
	[sflag:s4] =	ssyncset.s32 $0xFFFFF086  }
0x25: {  	[simem:s6], [sflag:s4] =	dma.local [hbm:s3], $0xF7A  }
0x26: {  	[smem:$0x3F9C] =	sst s1;
	(tag) =	ssettag s2;
	_ =	strace s9  }
0x27: {  	s1 =	sld [smem:$0x3FAC]  }
0x28: {  	s2 =	sld [smem:$0x3FAD]  }
0x29: {  	s4 =	sld [smem:$0x3FAF]  }
0x2a: {  	p0 =	seq.s32 s5, $0x0;
	s5 =	sld [smem:$0x3FB0]  }
0x2b: {  	s6 =	sld [smem:$0x3FB1]  }
0x2c: {  	s7 =	sld [smem:$0x3FB2]  }
0x2d: {  	s3 =	simm.s32 $0x108;
	s8 =	sld [smem:$0x3FB3]  }
0x2e: {  	s3 =	simm.s32 @!p0 $0x1082;
	s9 =	sld [smem:$0x3FB4]  }
0x2f: {  	lr =	sadd.s32 s0, s3;
	s0 =	sld [smem:$0x3FAB]  }
0x30: {  	s3 =	sld [smem:$0x3FAE]  }
0x31: {  	[smem:$0x3FB7] =	sst s10  }
0x32: {  	s10 =	sld [smem:$0x3FB5];
	_ =	sdelay $0x3  }
0x33: {  	p0 =	seq.s32 s10, $0x1;
	s10 =	sld [smem:$0x3FB7];
	_ =	sdelay $0x3  }
0x34: {  	[smem:$0x3FB7] =	sst s10  }
0x35: {  	s10 =	sld [smem:$0x3FB6];
	_ =	sdelay $0x3  }
0x36: {  	p1 =	seq.s32 s10, $0x1;
	s10 =	sld [smem:$0x3FB7];
	_ =	sdelay $0x3  }
0x37: {  	[smem:$0x3FB7] =	sst s10  }
0x38: {  	s10 =	sld [smem:$0x3FB8]  }
0x39: {  	_ = 	snop;
	(pc) =	sbr.ind lr, $3  }
0x3a: {  	_ = 	snop  }
0x3b: {  	_ = 	snop  }
0x3c: {  	p2 =	seq.s32 s10, $0x1;
	s10 =	sld [smem:$0x3FB7]  }
0x3d: {  	_ =	shalt  }
0x3e: {  	_ =	shalt  }
0x3f: {  	_ =	shalt  }
0x40: {  	_ =	shalt  }
0x41: {  	_ =	shalt  }
0x42: {  	_ =	shalt  }
0x43: {  	_ =	shalt  }
0x44: {  	_ =	shalt  }
0x45: {  	_ =	shalt  }
0x46: {  	_ =	shalt  }
0x47: {  	_ =	shalt  }
0x48: {  	_ =	shalt  }
0x49: {  	_ =	shalt  }
0x4a: {  	_ =	shalt  }
0x4b: {  	_ =	shalt  }
0x4c: {  	_ =	shalt  }
0x4d: {  	_ =	shalt  }
0x4e: {  	_ =	shalt  }
0x4f: {  	_ =	shalt  }
0x50: {  	_ =	shalt  }
0x51: {  	_ =	shalt  }
0x52: {  	_ =	shalt  }
0x53: {  	_ =	shalt  }
0x54: {  	_ =	shalt  }
0x55: {  	_ =	shalt  }
0x56: {  	_ =	shalt  }
0x57: {  	_ =	shalt  }
0x58: {  	_ =	shalt  }
0x59: {  	_ =	shalt  }
0x5a: {  	_ =	shalt  }
0x5b: {  	_ =	shalt  }
0x5c: {  	_ =	shalt  }
0x5d: {  	_ =	shalt  }
0x5e: {  	_ =	shalt  }
0x5f: {  	_ =	shalt  }
0x60: {  	_ =	shalt  }
0x61: {  	_ =	shalt  }
0x62: {  	_ =	shalt  }
0x63: {  	_ =	shalt  }
0x64: {  	_ =	shalt  }
0x65: {  	_ =	shalt  }
0x66: {  	_ =	shalt  }
0x67: {  	_ =	shalt  }
0x68: {  	_ =	shalt  }
0x69: {  	_ =	shalt  }
0x6a: {  	_ =	shalt  }
0x6b: {  	_ =	shalt  }
0x6c: {  	_ =	shalt  }
0x6d: {  	_ =	shalt  }
0x6e: {  	_ =	shalt  }
0x6f: {  	_ =	shalt  }
0x70: {  	_ =	shalt  }
0x71: {  	_ =	shalt  }
0x72: {  	_ =	shalt  }
0x73: {  	_ =	shalt  }
0x74: {  	_ =	shalt  }
0x75: {  	_ =	shalt  }
0x76: {  	_ =	shalt  }
0x77: {  	_ =	shalt  }
0x78: {  	_ =	shalt  }
0x79: {  	_ =	shalt  }
0x7a: {  	_ =	shalt  }
0x7b: {  	_ =	shalt  }
0x7c: {  	_ =	shalt  }
0x7d: {  	_ =	shalt  }
0x7e: {  	_ =	shalt  }
0x7f: {  	_ =	shalt  }
0x80: {  	_ =	shalt  }
0x81: {  	_ =	shalt  }
0x82: {  	_ =	shalt  }
0x83: {  	_ =	shalt  }
0x84: {  	_ =	shalt  }
0x85: {  	_ =	shalt  }
0x86: {  	_ =	shalt  }
0x87: {  	_ =	shalt  }
.Lfunc_end0:
.L_simem_size_0:
called_computation_lowered:
.L_overlay_start_0:
0x88: {  	s2 =	sld [smem:$0x3FD9]  }
0x89: {  	s3 =	sld [smem:$0x3FFE];
	_ =	sdelay $0x1  }
0x8a: {  	s1 =	srdreg.scid  }
0x8b: {  	s0 =	sand.u32 $0x1, s1  }
0x8c: {  	s14 =	sshll.u32 s0, $0xA;
	s2 =	sadd.s32 s3, s2  }
0x8d: {  	s2 =	sadd.s32 s2, s14  }
0x8e: {  	[smem:$0x3FC3] =	sst s2  }
0x8f: {  	_ = 	snop  }
0x90: {  	s2 =	sld [smem:$0x3FD0];
	_ =	sdelay $0x2  }
0x91: {  	s15 =	simm.s32 $0xA;
	s4 =	simm.s32 $0x10  }
0x92: {  	[smem:s4], [sflag:s15] =	dma.local [hbm:s2], $0x1  }
0x93: {  	_ =	swait.eq [sflag:s15], $0x1  }
0x94: {  	[sflag:s15] =	ssyncset.done $0x0  }
0x95: {  	s16 =	sld [smem:$0x10];
	[sflag:s15] =	ssyncadd.s32 $0xFFFFFFFF  }
0x96: {  	s17 =	sld [smem:$0x11];
	(tm) =	ssettm $0x1  }
0x97: {  	s18 =	sld [smem:$0x3FFB];
	_ =	sdelay $0x3  }
0x98: {  	_ =	strace s18  }
0x99: {  	s4 =	sld [smem:$0x3FFC];
	_ =	sdelay $0x3  }
0x9a: {  	_ =	strace s4  }
0x9b: {  	s4 =	sld [smem:$0x3FFD];
	_ =	sdelay $0x3  }
0x9c: {  	_ =	strace s4  }
0x9d: {  	_ =	strace $0x8FFFFFFF  }
0x9e: {  	s19 =	sld [smem:$0x3FDB];
	_ =	sdelay $0x1  }
0x9f: {  	s5 =	simm.s32 $_scs_section_size  }
0xa0: {  	s6 =	simm.s32 $_size__tile_overlayer_lowered;
	s7 =	simm.s32 $_tile_overlayer_lowered  }
0xa1: {  	s22 =	simm.s32 $0x1BFF;
	s21 =	sshll.u32 s7, $0x1;
	s4 =	sadd.s32 s5, s19  }
0xa2: {  	s8 =	simm.s32 $0x0;
	s20 =	sshll.u32 s6, $0x1;
	s6 =	sadd.s32 s21, s4  }
0xa3: {  	[timem:s8], [sflag:s22] =	dma.local [hbm:s6], s20  }
0xa4: {  	_ =	swait.ge [sflag:s22], s20  }
0xa5: {  	s5 =	ssub.s32 $0x0, s20;
	[sflag:s22] =	ssyncset.done $0x0  }
0xa6: {  	[sflag:s22] =	ssyncadd.s32 s5;
	_ =	sdelay $0x1  }
0xa7: {  	s23 =	simm.s32 $0x1B8B  }
0xa8: {  	_ =	swait.ge [sflag:s23], $0x1  }
0xa9: {  	[sflag:s23] =	ssyncset.done $0x0  }
0xaa: {  	s25 =	simm.s32 $0x1B8E;
	s24 =	sld [smem:$0x3FFE];
	[sflag:s23] =	ssyncadd.s32 $0xFFFFFFFF  }
0xab: {  	s26 =	simm.s32 $execute0_lowered;
	[smem:$0x3FD2] =	sst s25  }
0xac: {  	s6 =	sshll.u32 s26, $0x1;
	_ =	strace $0x80000046;
	[dreg:$0x1] =	wrdreg $0xFFFFFFFF  }
0xad: {  	s28 =	simm.s32 $_size_execute0_lowered;
	s4 =	sadd.s32 s4, s6;
	[dreg:$0x0] =	wrdreg $0x0  }
0xae: {  	s6 =	sshll.u32 s28, $0x1;
	[dreg:$0x2] =	wrdreg s4  }
0xaf: {  	[dreg:$0x3] =	wrdreg s6  }
0xb0: {  	[dreg:$0x4] =	wrdreg $0xC0  }
0xb1: {  	_ =	task [dreg:s8], $0x5FFFF  }
0xb2: {  	[dreg:$0x1] =	wrdreg $0xFFFFFFFF  }
0xb3: {  	[dreg:$0x0] =	wrdreg $0x60  }
0xb4: {  	[dreg:$0x2] =	wrdreg s16  }
0xb5: {  	[dreg:$0x3] =	wrdreg s17  }
0xb6: {  	[dreg:$0x4] =	wrdreg s24  }
0xb7: {  	[dreg:$0x5] =	wrdreg $0x9  }
0xb8: {  	_ =	task.clear_ibuf [dreg:s8], $0x6FFFF;
	_ =	strace $0x90000046  }
0xb9: {  	s29 =	simm.s32 $0x9;
	_ =	strace $0x80000048  }
0xba: {  	_ =	swait.ge [sflag:s29], $0x1  }
0xbb: {  	[sflag:s29] =	ssyncadd.s32 $0xFFFFFFFF  }
0xbc: {  	_ =	strace $0x90000048  }
0xbd: {  	_ =	sfence  }
0xbe: {  	s30 =	sld [smem:$0x0];
	_ =	sdelay $0x2  }
0xbf: {  	s31 =	sshll.u32 s1, $0xD;
	s1 =	sshrl.u32 s1, $0x2  }
0xc0: {  	s3 =	sand.u32 $0x4000, s31;
	s1 =	sadd.s32 s1, s30  }
0xc1: {  	s0 =	sor.u32 s3, s0;
	s1 =	sshll.u32 s1, $0x11  }
0xc2: {  	s0 =	sor.u32 s1, s0  }
0xc3: {  	s0 =	sadd.s32 $0x8F2B, s0  }
0xc4: {  	[sflag:s0] =	ssyncadd.remote.s32 $0x1  }
0xc5: {  	_ =	sfence.sel $0xFFFF  }
0xc6: {  	[dreg:$0x0] =	wrdreg $0xFFFFFFFF;
	(pc) =	sbr.abs _section_cstart, $3  }
0xc7: {  	[dreg:$0x1] =	wrdreg $0xFFFFFFFF  }
0xc8: {  	_ =	task.clear_ibuf [dreg:s8], $0x2FFFF;
	_ =	strace $0x9FFFFFFF  }
0xc9: {  	(tm) =	ssettm $0x7FFFFFFF  }
tec
execute0_lowered:
.L_overlay_start_1:
0x0: {  	(tag) =	ssettag $0x1  }
0x1: {  	s0 =	rddreg [dreg:$0x0]  }
0x2: {  	s1 =	srdreg.scid;
	s7 =	rddreg [dreg:$0x1]  }
0x3: {  	s4 =	stileid.u32;
	s5 =	rddreg [dreg:$0x2]  }
0x4: {  	s19 =	simm.s32 $0x1;
	s29 =	simm.s32 $0x3D00;
	s30 =	simm.s32 $0x4180  }
0x5: {  	s31 =	simm.s32 $0x4600;
	s1 =	sand.u32 $0x1, s1;
	s8 =	sshrl.u32 s4, $0x2  }
0x6: {  	s2 =	sshll.u32 s4, $0x1;
	s4 =	sadd.s32 $0x1C00, s5;
	s9 =	smul.u32 $0x9C40, s8  }
0x7: {  	s6 =	sor.u32 s1, s2;
	s2 =	simm.s32 $0x0;
	s8 =	smul.u32 $0x13880, s8  }
0x8: {  	s24 =	ssub.s32 $0x2, s1;
	s28 =	sshll.u32 s1, $0x2;
	s3 =	sand.u32 $0x7, s6  }
0x9: {  	[smem:$0x7FF] =	sst s2;
	s10 =	sshll.u32 s6, $0x7;
	s11 =	sadd.s32 s6, s5  }
0xa: {  	s25 =	sshrl.u32 s24, $0x1;
	s1 =	sor.u32 $0x3200, s28;
	s21 =	sor.u32 $0x2800, s28  }
0xb: {  	s22 =	sor.u32 $0x1E00, s28;
	s20 =	smul.u32 $0x9C4, s3;
	_ =	strace $0x80000047  }
0xc: {  	s3 =	sadd.s32 $0x1800, s5;
	s17 =	sadd.s32 s10, s5;
	s18 =	ssub.s32 s24, s25  }
0xd: {  	s11 =	sadd.s32 $0x1E00, s11;
	s24 =	sor.u32 $0xA00, s28;
	v4 =	vmov s1;
	s1 =	simm.s32 $0x4A80  }
0xe: {  	v6 =	vmov s21;
	s21 =	simm.s32 $0x0;
	s12 =	sadd.s32 $0x2000, s17;
	s13 =	sadd.s32 $0x3000, s17  }
0xf: {  	s14 =	sadd.s32 $0x4000, s17;
	s15 =	sadd.s32 $0x5000, s17;
	s16 =	sadd.s32 $0x6000, s17  }
0x10: {  	s17 =	sadd.s32 $0x7000, s17;
	s18 =	smax.u32 s18, $0x1;
	s23 =	sadd.s32 s9, s20  }
0x11: {  	s8 =	sadd.s32 s8, s20;
	v0 =	vmov s20;
	s20 =	simm.s32 $0x5380;
	s5 =	sshrl.u32 s23, $0x3  }
0x12: {  	v7 =	vimm.f32 $-4.000000000e+00;
	v8 =	vimm.f32 $0.0e+00;
	s26 =	sshrl.u32 s8, $0x3;
	s23 =	sor.u32 $0x1400, s28;
	s5 =	sadd.s32 s0, s5  }
0x13: {  	v9 =	vimm.s32 $0x40000000;
	v10 =	vlaneseq.u32;
	v1 =	vmov s28;
	s7 =	sadd.s32 s7, s26;
	s0 =	simm.s32 $0x4F00;
	s6 =	sadd.s32 $0x9C4, s5  }
0x14: {  	v3 =	vmov s22;
	v2 =	vmov s24;
	v5 =	vmov s23;
	s8 =	sadd.s32 $0x9C4, s7;
	s9 =	sadd.s32 $0x1388, s7;
	s10 =	sadd.s32 $0x1D4C, s7  }
.LBB2_1:
0x15: {  	[tilespmem:s2], [sflag:$0x1] =	stream.linear.gather [hbm4b:s5+s2], $0x9C8, $0x38;
	[tilespmem:$0x5880] =	vst v63  }
0x16: {  	_ =	swait.ge [sflag:s19], $0x9C8  }
0x17: {  	[sflag:s19] =	ssyncset.done $0x0  }
0x18: {  	s22 =	simm.s32 $0xA00;
	[sflag:s19] =	ssyncadd.s32 $0xFFFFF638  }
0x19: {  	[tilespmem:s22], [sflag:$0x1] =	stream.linear.gather [hbm4b:s6+s2], $0x9C8, $0x38;
	[tilespmem:$0x5880] =	vst v63  }
0x1a: {  	_ =	swait.ge [sflag:s19], $0x9C8  }
0x1b: {  	[sflag:s19] =	ssyncset.done $0x0  }
0x1c: {  	s28 =	simm.s32 $0x1400;
	[sflag:s19] =	ssyncadd.s32 $0xFFFFF638  }
0x1d: {  	[tilespmem:s28], [sflag:$0x1] =	stream.linear.gather [hbm4b:s7+s2], $0x9C8, $0x38;
	[tilespmem:$0x5880] =	vst v63  }
0x1e: {  	_ =	swait.ge [sflag:s19], $0x9C8  }
0x1f: {  	[sflag:s19] =	ssyncset.done $0x0  }
0x20: {  	s23 =	simm.s32 $0x1E00;
	[sflag:s19] =	ssyncadd.s32 $0xFFFFF638  }
0x21: {  	[tilespmem:s23], [sflag:$0x1] =	stream.linear.gather [hbm4b:s8+s2], $0x9C8, $0x38;
	[tilespmem:$0x5880] =	vst v63  }
0x22: {  	_ =	swait.ge [sflag:s19], $0x9C8  }
0x23: {  	[sflag:s19] =	ssyncset.done $0x0  }
0x24: {  	s24 =	simm.s32 $0x2800;
	[sflag:s19] =	ssyncadd.s32 $0xFFFFF638  }
0x25: {  	[tilespmem:s24], [sflag:$0x1] =	stream.linear.gather [hbm4b:s9+s2], $0x9C8, $0x38;
	[tilespmem:$0x5880] =	vst v63  }
0x26: {  	_ =	swait.ge [sflag:s19], $0x9C8  }
0x27: {  	[sflag:s19] =	ssyncset.done $0x0  }
0x28: {  	s25 =	simm.s32 $0x3200;
	[sflag:s19] =	ssyncadd.s32 $0xFFFFF638  }
0x29: {  	[tilespmem:s25], [sflag:$0x1] =	stream.linear.gather [hbm4b:s10+s2], $0x9C8, $0x38;
	[tilespmem:$0x5880] =	vst v63  }
0x2a: {  	_ =	swait.ge [sflag:s19], $0x9C8  }
0x2b: {  	[sflag:s19] =	ssyncset.done $0x0  }
0x2c: {  	s26 =	simm.s32 $0x3C00;
	[sflag:s19] =	ssyncadd.s32 $0xFFFFF638  }
0x2d: {  	[tilespmem:s26], [sflag:$0x1] =	stream.linear.gather [hbm4b:s3+s2], $0x80, $0x38;
	[tilespmem:$0x5880] =	vst v63  }
0x2e: {  	_ =	swait.ge [sflag:s19], $0x80  }
0x2f: {  	[sflag:s19] =	ssyncset.done $0x0  }
0x30: {  	s28 =	simm.s32 $0x3C80;
	[sflag:s19] =	ssyncadd.s32 $0xFFFFFF80  }
0x31: {  	[tilespmem:s28], [sflag:$0x1] =	stream.linear.gather [hbm4b:s4+s2], $0x80, $0x38;
	[tilespmem:$0x5880] =	vst v63  }
0x32: {  	_ =	swait.ge [sflag:s19], $0x80  }
0x33: {  	[sflag:s19] =	ssyncset.done $0x0  }
0x34: {  	[sflag:s19] =	ssyncadd.s32 $0xFFFFFF80  }
0x35: {  	s22 =	simm.s32 $0x0;
	v12 =	vld [tilespmem:$0x3C00]  }
0x36: {  	v11 =	vld [tilespmem:$0x3C80];
	[tilespmem:s22+$0x5380] =	vst v9  }
0x37: {  	[tilespmem:s22+$0x3D00] =	vst v7  }
0x38: {  	[tilespmem:s22+$0x4180] =	vst v8  }
0x39: {  	[tilespmem:s22+$0x4600] =	vst v8  }
0x3a: {  	s23 =	simm.s32 $0x40;
	[tilespmem:s22+$0x4A80] =	vst v8  }
.LBB2_2:
0x3b: {  	p0 =	sne.s32 s23, $0x1000;
	[tilespmem:s22+$0x4F00] =	vst v8;
	s22 =	sshra.s32 s23, $0x2;
	s23 =	sadd.s32 $0x40, s23  }
.Ltmp0:
0x3c: {  	[tilespmem:s22+$0x5380] =	vst v9;
	(pc) =	sbr.rel @p0 .LBB2_2-.Ltmp0, $4  }
0x3d: {  	[tilespmem:s22+$0x3D00] =	vst v7  }
0x3e: {  	[tilespmem:s22+$0x4180] =	vst v8  }
0x3f: {  	[tilespmem:s22+$0x4600] =	vst v8  }
0x40: {  	[tilespmem:s22+$0x4A80] =	vst v8  }
0x41: {  	_ =	sdelay $0x2  }
0x42: {  	[tilespmem:s22+$0x4F00] =	vst v8;
	s28 =	simm.s32 $0x0  }
0x43: {  	v13 =	vld.idx.msk [tilespmem:v1+s28+$0x0 ss:$0x1], $0xffff  }
0x44: {  	v14 =	vld.idx.msk [tilespmem:v2+s28+$0x0 ss:$0x1], $0xffff;
	_ =	sdelay $0x4  }
0x45: {  	v15 =	vmax.f32 v13, v14  }
0x46: {  	v16 =	vsub.f32 v13, v15  }
0x47: {  	v15 =	vsub.f32 v14, v15  }
0x48: {  	v16 =	vmul.f32 $1.442695020e+00, v16  }
0x49: {  	v15 =	vmul.f32 $1.442695020e+00, v15  }
0x4a: {  	(erf) = vpow2.f32 v16  }
0x4b: {  	(erf) = vpow2.f32 v15;
	_ =	sdelay $0x7  }
0x4c: {  	v15 =	vpop (erf)  }
0x4d: {  	v16 =	vpop (erf)  }
0x4e: {  	v17 =	vadd.f32 v16, v15;
	_ =	sdelay $0x1  }
0x4f: {  	(erf) = vrcp.f32 v17;
	_ =	sdelay $0x8  }
0x50: {  	v17 =	vpop (erf)  }
0x51: {  	v15 =	vmul.f32 v17, v15;
	v16 =	vmul.f32 v17, v16;
	_ =	sdelay $0x1  }
0x52: {  	s22 =	simm.s32 $0x0;
	v18 =	vmax.f32 v15, v16  }
0x53: {  	vm0 =	vge.f32 v13, v14;
	v13 =	vor.u32 s22, v10;
	vm1 =	vge.f32 v18, $6.999999880e-01  }
0x54: {  	vm2 =	vlt.u32 v13, $0x9C4;
	vm0 =	vmand vm0, vm1  }
0x55: {  	vm0 =	vmand vm2, vm0  }
0x56: {  	v14 =	vmpcnt.ones.xlane vm0;
	_ =	sdelay $0x1  }
0x57: {  	(v2sf) =	vpush v14, $0x0;
	_ =	sdelay $0xe  }
0x58: {  	s23 =	spop (v2sf)  }
0x59: {  	s24 =	sadd.s32 $0x0, s23  }
0x5a: {  	p1 =	sgt.s32 s24, $0x400  }
0x5b: {  	s23 =	simm.s32 @!p1 $0x0  }
0x5c: {  	v16 =	vld.idx.msk @!p1 [tilespmem:v6+s23+$0x0 ss:$0x1], $0xffff  }
0x5d: {  	v17 =	vld.idx.msk @!p1 [tilespmem:v4+s23+$0x0 ss:$0x1], $0xffff  }
0x5e: {  	v14 =	vld.idx.msk @!p1 [tilespmem:v5+s23+$0x0 ss:$0x1], $0xffff  }
0x5f: {  	v15 =	vld.idx.msk @!p1 [tilespmem:v3+s23+$0x0 ss:$0x1], $0xffff  }
0x60: {  	s25 =	simm.s32 $0x40;
	[tilespmem:s22+$0x3D00] =	vst.msk @!p1 vm0, v18;
	s23 =	simm.s32 $0x0  }
.LBB2_4:
0x61: {  	s22 =	sadd.s32 $0x10, s22;
	s26 =	smov.u32 s25;
	s25 =	sadd.s32 $0x40, s25  }
0x62: {  	v16 =	vmul.f32 @!p1 $5.000000000e-01, v16;
	p0 =	sne.s32 s25, $0x2740;
	v17 =	vmul.f32 @!p1 $5.000000000e-01, v17  }
0x63: {  	v13 =	vadd.s32 @!p1 v0, v13  }
0x64: {  	s28 =	sshra.s32 s26, $0x2;
	v19 =	vsub.f32 @!p1 v14, v16;
	v18 =	vsub.f32 @!p1 v15, v17  }
0x65: {  	v14 =	vadd.f32 @!p1 v16, v14;
	v15 =	vadd.f32 @!p1 v17, v15  }
0x66: {  	v17 =	vmul.f32 @!p1 v19, v12;
	v16 =	vmul.f32 @!p1 v18, v11  }
0x67: {  	v14 =	vmul.f32 @!p1 v14, v12;
	v15 =	vmul.f32 @!p1 v15, v11  }
0x68: {  	[tilespmem:s23+$0x4180] =	vst.msk @!p1 vm0, v17  }
0x69: {  	[tilespmem:s23+$0x4600] =	vst.msk @!p1 vm0, v16  }
0x6a: {  	[tilespmem:s23+$0x4A80] =	vst.msk @!p1 vm0, v14  }
0x6b: {  	[tilespmem:s23+$0x4F00] =	vst.msk @!p1 vm0, v15  }
0x6c: {  	[tilespmem:s23+$0x5380] =	vst.msk @!p1 vm0, v13;
	s23 =	smov.u32 s24  }
0x6d: {  	v13 =	vld.idx.msk [tilespmem:v1+s28+$0x0 ss:$0x1], $0xffff  }
0x6e: {  	v14 =	vld.idx.msk [tilespmem:v2+s28+$0x0 ss:$0x1], $0xffff;
	_ =	sdelay $0x5  }
0x6f: {  	v15 =	vmax.f32 v13, v14;
	vm0 =	vge.f32 v13, v14  }
0x70: {  	v13 =	vsub.f32 v13, v15;
	v14 =	vsub.f32 v14, v15;
	_ =	sdelay $0x1  }
0x71: {  	v13 =	vmul.f32 $1.442695020e+00, v13;
	v14 =	vmul.f32 $1.442695020e+00, v14;
	_ =	sdelay $0x1  }
0x72: {  	(erf) = vpow2.f32 v13  }
0x73: {  	(erf) = vpow2.f32 v14;
	_ =	sdelay $0x7  }
0x74: {  	v13 =	vpop (erf)  }
0x75: {  	v14 =	vpop (erf)  }
0x76: {  	v15 =	vadd.f32 v14, v13;
	_ =	sdelay $0x1  }
0x77: {  	(erf) = vrcp.f32 v15;
	_ =	sdelay $0x8  }
0x78: {  	v15 =	vpop (erf)  }
0x79: {  	v13 =	vmul.f32 v15, v13;
	v14 =	vmul.f32 v15, v14;
	_ =	sdelay $0x1  }
0x7a: {  	v18 =	vmax.f32 v13, v14  }
0x7b: {  	v13 =	vor.u32 s22, v10;
	vm1 =	vge.f32 v18, $6.999999880e-01  }
0x7c: {  	vm2 =	vlt.u32 v13, $0x9C4;
	vm0 =	vmand vm0, vm1  }
0x7d: {  	vm0 =	vmand vm2, vm0  }
0x7e: {  	v14 =	vmpcnt.ones.xlane vm0;
	_ =	sdelay $0x1  }
0x7f: {  	(v2sf) =	vpush v14, $0x0;
	_ =	sdelay $0xe  }
0x80: {  	s28 =	spop (v2sf)  }
0x81: {  	s24 =	sadd.s32 s24, s28  }
0x82: {  	p1 =	sgt.s32 s24, $0x400  }
0x83: {  	s26 =	sshra.s32 @!p1 s26, $0x2  }
.Ltmp1:
0x84: {  	v16 =	vld.idx.msk @!p1 [tilespmem:v6+s26+$0x0 ss:$0x1], $0xffff;
	(pc) =	sbr.rel @p0 .LBB2_4-.Ltmp1, $4  }
0x85: {  	v17 =	vld.idx.msk @!p1 [tilespmem:v4+s26+$0x0 ss:$0x1], $0xffff  }
0x86: {  	v14 =	vld.idx.msk @!p1 [tilespmem:v5+s26+$0x0 ss:$0x1], $0xffff  }
0x87: {  	v15 =	vld.idx.msk @!p1 [tilespmem:v3+s26+$0x0 ss:$0x1], $0xffff  }
0x88: {  	[tilespmem:s23+$0x3D00] =	vst.msk @!p1 vm0, v18  }
0x89: {  	v16 =	vmul.f32 @!p1 $5.000000000e-01, v16  }
0x8a: {  	v17 =	vmul.f32 @!p1 $5.000000000e-01, v17  }
0x8b: {  	v18 =	vsub.f32 @!p1 v14, v16  }
0x8c: {  	v19 =	vsub.f32 @!p1 v15, v17  }
0x8d: {  	v14 =	vadd.f32 @!p1 v16, v14;
	v16 =	vmul.f32 @!p1 v18, v12  }
0x8e: {  	v15 =	vadd.f32 @!p1 v17, v15;
	v17 =	vmul.f32 @!p1 v19, v11  }
0x8f: {  	v12 =	vmul.f32 @!p1 v14, v12;
	[tilespmem:s23+$0x4180] =	vst.msk @!p1 vm0, v16  }
0x90: {  	v11 =	vmul.f32 @!p1 v15, v11;
	[tilespmem:s23+$0x4600] =	vst.msk @!p1 vm0, v17  }
0x91: {  	s22 =	simm.s32 $0x1;
	[tilespmem:s23+$0x4A80] =	vst.msk @!p1 vm0, v12  }
0x92: {  	s22 =	simm.s32 @!p1 $0x0;
	v12 =	vadd.s32 @!p1 v0, v13;
	[tilespmem:s23+$0x4F00] =	vst.msk @!p1 vm0, v11  }
0x93: {  	v11 =	vmov s22;
	[tilespmem:s23+$0x5380] =	vst.msk @!p1 vm0, v12  }
0x94: {  	s28 =	simm.s32 $0x5800;
	[tilespmem:$0x5800] =	vst v11  }
0x95: {  	[hbm4b:s11+s2] =	stream.linear.scatter [tilespmem:s28], [sflag:$0x1], $0x8, $0x38;
	[tilespmem:$0x5880] =	vst v63  }
0x96: {  	_ =	swait.ge [sflag:s19], $0x8  }
0x97: {  	[sflag:s19] =	ssyncset.done $0x0  }
0x98: {  	[sflag:s19] =	ssyncadd.s32 $0xFFFFFFF8  }
0x99: {  	[hbm4b:s12+s2] =	stream.linear.scatter [tilespmem:s29], [sflag:$0x1], $0x400, $0x38;
	[tilespmem:$0x5880] =	vst v63  }
0x9a: {  	_ =	swait.ge [sflag:s19], $0x400  }
0x9b: {  	[sflag:s19] =	ssyncset.done $0x0  }
0x9c: {  	[sflag:s19] =	ssyncadd.s32 $0xFFFFFC00  }
0x9d: {  	[hbm4b:s13+s2] =	stream.linear.scatter [tilespmem:s30], [sflag:$0x1], $0x400, $0x38;
	[tilespmem:$0x5880] =	vst v63  }
0x9e: {  	_ =	swait.ge [sflag:s19], $0x400  }
0x9f: {  	[sflag:s19] =	ssyncset.done $0x0  }
0xa0: {  	[sflag:s19] =	ssyncadd.s32 $0xFFFFFC00  }
0xa1: {  	[hbm4b:s14+s2] =	stream.linear.scatter [tilespmem:s31], [sflag:$0x1], $0x400, $0x38;
	[tilespmem:$0x5880] =	vst v63  }
0xa2: {  	_ =	swait.ge [sflag:s19], $0x400  }
0xa3: {  	[sflag:s19] =	ssyncset.done $0x0  }
0xa4: {  	[sflag:s19] =	ssyncadd.s32 $0xFFFFFC00  }
0xa5: {  	[hbm4b:s15+s2] =	stream.linear.scatter [tilespmem:s1], [sflag:$0x1], $0x400, $0x38;
	[tilespmem:$0x5880] =	vst v63  }
0xa6: {  	_ =	swait.ge [sflag:s19], $0x400  }
0xa7: {  	[sflag:s19] =	ssyncset.done $0x0  }
0xa8: {  	[sflag:s19] =	ssyncadd.s32 $0xFFFFFC00  }
0xa9: {  	[hbm4b:s16+s2] =	stream.linear.scatter [tilespmem:s0], [sflag:$0x1], $0x400, $0x38;
	[tilespmem:$0x5880] =	vst v63  }
0xaa: {  	s21 =	sadd.s32 $0x1, s21;
	_ =	swait.ge [sflag:s19], $0x400  }
0xab: {  	p0 =	sne.s32 s21, s18;
	[sflag:s19] =	ssyncset.done $0x0  }
.Ltmp2:
0xac: {  	[sflag:s19] =	ssyncadd.s32 $0xFFFFFC00;
	(pc) =	sbr.rel @p0 .LBB2_1-.Ltmp2, $4  }
0xad: {  	[hbm4b:s17+s2] =	stream.linear.scatter [tilespmem:s20], [sflag:$0x1], $0x400, $0x38;
	[tilespmem:$0x5880] =	vst v63  }
0xae: {  	_ =	swait.ge [sflag:s19], $0x400  }
0xaf: {  	[sflag:s19] =	ssyncset.done $0x0  }
0xb0: {  	[sflag:s19] =	ssyncadd.s32 $0xFFFFFC00  }
0xb1: {  	_ =	sfence.sel $0x180000  }
0xb2: {  	[bflag:$0x0] =	sbarrier.arrive $0xFFFF  }
0xb3: {  	_ =	strace $0x90000047  }
0xb4: {  	s0 =	stileid.u32;
	[bflag:$0x2] =	sbarrier.arrive $0xFFFF  }
0xb5: {  	p0 =	sne.s32 s0, $0x0;
	s0 =	rddreg [dreg:$0x3]  }
0xb6: {  	s0 =	sadd.s32 @!p0 $0x100000, s0  }
0xb7: {  	[sflag:s0] =	ssyncadd.tile.s32 @!p0 $0x1;
	_ =	shalt  }
.Lfunc_end2:
_tile_overlayer_lowered:
.L_overlay_start_2:
0xb8: {  	(tag) =	ssettag $0x2  }
0xb9: {  	s0 =	rddreg [dreg:$0x0];
	s2 =	stileid.u32  }
0xba: {  	s1 =	rddreg [dreg:$0x1];
	p0 =	sne.s32 s2, $0x0  }
0xbb: {  	s3 =	rddreg [dreg:$0x2];
	[bflag:$0x3] =	sbarrier.arrive $0xFFFF;
	s2 =	simm.s32 @!p0 $0x1C01  }
0xbc: {  	[timem:s3], [sflag:s2] =	dma.local @!p0 [hbm:s0], s1  }
0xbd: {  	s0 =	simm.s32 @!p0 $0x1  }
0xbe: {  	_ =	swait.ge @!p0 [sflag:s0], s1  }
0xbf: {  	s1 =	ssub.s32 @!p0 $0x0, s1;
	[sflag:s0] =	ssyncset.done @!p0 $0x0  }
0xc0: {  	[sflag:s0] =	ssyncadd.s32 @!p0 s1  }
0xc1: {  	[bflag:$0x3] =	sbarrier.arrive $0xFFFF  }
0xc2: {  	_ =	shalt  }

// kernel: kernel.9.cloned.1.call-start
scs
__scs_entry_jumppad:
0x0: {  	(pc) =	sbr.rel $0x88, $3  }
0x1: {  	(tag) =	ssettag $0x0;
	lr =	simm.s32 $0x1  }
0x2: {  	[smem:$0x3F9C] =	sst lr;
	_ =	strace $0xD0000000  }
0x3: {  	_ = 	snop  }
0x4: {  	_ = 	snop  }
0x5: {  	_ = 	snop  }
0x6: {  	_ = 	snop  }
0x7: {  	_ = 	snop  }
__scs_overlays_trampoline_lowered:
0x8: {  	[smem:$0x3FAB] =	sst s0  }
0x9: {  	[smem:$0x3FAC] =	sst s1  }
0xa: {  	[smem:$0x3FAD] =	sst s2  }
0xb: {  	[smem:$0x3FAE] =	sst s3  }
0xc: {  	[smem:$0x3FAF] =	sst s4  }
0xd: {  	[smem:$0x3FB0] =	sst s5  }
0xe: {  	[smem:$0x3FB1] =	sst s6  }
0xf: {  	[smem:$0x3FB2] =	sst s7  }
0x10: {  	[smem:$0x3FB3] =	sst s8  }
0x11: {  	[smem:$0x3FB4] =	sst s9;
	s0 =	simm.s32 @!p0 $0x0  }
0x12: {  	s1 =	sld [smem:$0x3F9A];
	s0 =	simm.s32 @p0 $0x1  }
0x13: {  	[smem:$0x3FB5] =	sst s0;
	s0 =	simm.s32 @!p1 $0x0  }
0x14: {  	s2 =	sld [smem:$0x3F99];
	s0 =	simm.s32 @p1 $0x1  }
0x15: {  	[smem:$0x3FB6] =	sst s0;
	s0 =	simm.s32 @!p2 $0x0  }
0x16: {  	s3 =	sld [smem:$0x3FDB];
	s0 =	simm.s32 @p2 $0x1  }
0x17: {  	s4 =	simm.s32 $0x1BF5;
	[smem:$0x3FB8] =	sst s0  }
0x18: {  	s0 =	sld [smem:$0x3F9B];
	_ =	swait.ge [sflag:s4], $0x0  }
0x19: {  	s7 =	sld [smem:$0x3F9C]  }
0x1a: {  	s8 =	sadd.s32 $0xFFFFE003, lr  }
0x1b: {  	s9 =	sadd.s32 $0xFFFFFEF7, lr;
	s5 =	simm.s32 $0xFFFFFFFF;
	p2 =	slt.u32 s8, $0xFFFFF086  }
0x1c: {  	p1 =	slt.u32 s9, $0xF7A;
	s5 =	simm.s32 @!p2 $0x0  }
0x1d: {  	s5 =	simm.s32 @p1 $0x1;
	p0 =	seq.s32 s7, s2  }
0x1e: {  	s7 =	smul.u32 @!p0 $0xF7A, s2;
	p2 =	seq.s32 @!p0 s5, $0x0  }
0x1f: {  	s9 =	smul.u32 $0xF7A, s1;
	s8 =	simm.s32 @!p0 $0x1BF5;
	p2 =	por !p2, p0  }
0x20: {  	[sflag:s8] =	ssyncset.s32 @!p0 $0xFFFFF086;
	s6 =	sadd.s32 @!p0 s3, s7;
	s7 =	simm.s32 @!p0 $0x108  }
0x21: {  	s3 =	sadd.s32 s3, s9;
	s6 =	sadd.s32 @!p0 $0x88, s6;
	s7 =	simm.s32 @p2 $0x1082  }
0x22: {  	[simem:s7], [sflag:s8] =	dma.local @!p0 [hbm:s6], $0xF7A  }
0x23: {  	s9 =	sor.u32 $0xD0000000, s2;
	s6 =	simm.s32 $0x108;
	_ =	swait.ge @!p0 [sflag:s8], $0x0  }
0x24: {  	s3 =	sadd.s32 $0x88, s3;
	s6 =	simm.s32 @!p1 $0x1082;
	[sflag:s4] =	ssyncset.s32 $0xFFFFF086  }
0x25: {  	[simem:s6], [sflag:s4] =	dma.local [hbm:s3], $0xF7A  }
0x26: {  	[smem:$0x3F9C] =	sst s1;
	(tag) =	ssettag s2;
	_ =	strace s9  }
0x27: {  	s1 =	sld [smem:$0x3FAC]  }
0x28: {  	s2 =	sld [smem:$0x3FAD]  }
0x29: {  	s4 =	sld [smem:$0x3FAF]  }
0x2a: {  	p0 =	seq.s32 s5, $0x0;
	s5 =	sld [smem:$0x3FB0]  }
0x2b: {  	s6 =	sld [smem:$0x3FB1]  }
0x2c: {  	s7 =	sld [smem:$0x3FB2]  }
0x2d: {  	s3 =	simm.s32 $0x108;
	s8 =	sld [smem:$0x3FB3]  }
0x2e: {  	s3 =	simm.s32 @!p0 $0x1082;
	s9 =	sld [smem:$0x3FB4]  }
0x2f: {  	lr =	sadd.s32 s0, s3;
	s0 =	sld [smem:$0x3FAB]  }
0x30: {  	s3 =	sld [smem:$0x3FAE]  }
0x31: {  	[smem:$0x3FB7] =	sst s10  }
0x32: {  	s10 =	sld [smem:$0x3FB5];
	_ =	sdelay $0x3  }
0x33: {  	p0 =	seq.s32 s10, $0x1;
	s10 =	sld [smem:$0x3FB7];
	_ =	sdelay $0x3  }
0x34: {  	[smem:$0x3FB7] =	sst s10  }
0x35: {  	s10 =	sld [smem:$0x3FB6];
	_ =	sdelay $0x3  }
0x36: {  	p1 =	seq.s32 s10, $0x1;
	s10 =	sld [smem:$0x3FB7];
	_ =	sdelay $0x3  }
0x37: {  	[smem:$0x3FB7] =	sst s10  }
0x38: {  	s10 =	sld [smem:$0x3FB8]  }
0x39: {  	_ = 	snop;
	(pc) =	sbr.ind lr, $3  }
0x3a: {  	_ = 	snop  }
0x3b: {  	_ = 	snop  }
0x3c: {  	p2 =	seq.s32 s10, $0x1;
	s10 =	sld [smem:$0x3FB7]  }
0x3d: {  	_ =	shalt  }
0x3e: {  	_ =	shalt  }
0x3f: {  	_ =	shalt  }
0x40: {  	_ =	shalt  }
0x41: {  	_ =	shalt  }
0x42: {  	_ =	shalt  }
0x43: {  	_ =	shalt  }
0x44: {  	_ =	shalt  }
0x45: {  	_ =	shalt  }
0x46: {  	_ =	shalt  }
0x47: {  	_ =	shalt  }
0x48: {  	_ =	shalt  }
0x49: {  	_ =	shalt  }
0x4a: {  	_ =	shalt  }
0x4b: {  	_ =	shalt  }
0x4c: {  	_ =	shalt  }
0x4d: {  	_ =	shalt  }
0x4e: {  	_ =	shalt  }
0x4f: {  	_ =	shalt  }
0x50: {  	_ =	shalt  }
0x51: {  	_ =	shalt  }
0x52: {  	_ =	shalt  }
0x53: {  	_ =	shalt  }
0x54: {  	_ =	shalt  }
0x55: {  	_ =	shalt  }
0x56: {  	_ =	shalt  }
0x57: {  	_ =	shalt  }
0x58: {  	_ =	shalt  }
0x59: {  	_ =	shalt  }
0x5a: {  	_ =	shalt  }
0x5b: {  	_ =	shalt  }
0x5c: {  	_ =	shalt  }
0x5d: {  	_ =	shalt  }
0x5e: {  	_ =	shalt  }
0x5f: {  	_ =	shalt  }
0x60: {  	_ =	shalt  }
0x61: {  	_ =	shalt  }
0x62: {  	_ =	shalt  }
0x63: {  	_ =	shalt  }
0x64: {  	_ =	shalt  }
0x65: {  	_ =	shalt  }
0x66: {  	_ =	shalt  }
0x67: {  	_ =	shalt  }
0x68: {  	_ =	shalt  }
0x69: {  	_ =	shalt  }
0x6a: {  	_ =	shalt  }
0x6b: {  	_ =	shalt  }
0x6c: {  	_ =	shalt  }
0x6d: {  	_ =	shalt  }
0x6e: {  	_ =	shalt  }
0x6f: {  	_ =	shalt  }
0x70: {  	_ =	shalt  }
0x71: {  	_ =	shalt  }
0x72: {  	_ =	shalt  }
0x73: {  	_ =	shalt  }
0x74: {  	_ =	shalt  }
0x75: {  	_ =	shalt  }
0x76: {  	_ =	shalt  }
0x77: {  	_ =	shalt  }
0x78: {  	_ =	shalt  }
0x79: {  	_ =	shalt  }
0x7a: {  	_ =	shalt  }
0x7b: {  	_ =	shalt  }
0x7c: {  	_ =	shalt  }
0x7d: {  	_ =	shalt  }
0x7e: {  	_ =	shalt  }
0x7f: {  	_ =	shalt  }
0x80: {  	_ =	shalt  }
0x81: {  	_ =	shalt  }
0x82: {  	_ =	shalt  }
0x83: {  	_ =	shalt  }
0x84: {  	_ =	shalt  }
0x85: {  	_ =	shalt  }
0x86: {  	_ =	shalt  }
0x87: {  	_ =	shalt  }
.Lfunc_end0:
.L_simem_size_0:
called_computation.1_lowered:
.L_overlay_start_0:
0x88: {  	s2 =	sld [smem:$0x3FD9]  }
0x89: {  	s3 =	sld [smem:$0x3FFE];
	_ =	sdelay $0x1  }
0x8a: {  	s1 =	srdreg.scid  }
0x8b: {  	s0 =	sand.u32 $0x1, s1  }
0x8c: {  	s14 =	sshll.u32 s0, $0xA;
	s2 =	sadd.s32 s3, s2  }
0x8d: {  	s2 =	sadd.s32 s2, s14  }
0x8e: {  	[smem:$0x3FC3] =	sst s2  }
0x8f: {  	_ = 	snop  }
0x90: {  	s2 =	sld [smem:$0x3FD0];
	_ =	sdelay $0x2  }
0x91: {  	s15 =	simm.s32 $0xA;
	s4 =	simm.s32 $0x10  }
0x92: {  	[smem:s4], [sflag:s15] =	dma.local [hbm:s2], $0x1  }
0x93: {  	_ =	swait.eq [sflag:s15], $0x1  }
0x94: {  	[sflag:s15] =	ssyncset.done $0x0  }
0x95: {  	s16 =	sld [smem:$0x10];
	[sflag:s15] =	ssyncadd.s32 $0xFFFFFFFF  }
0x96: {  	s17 =	sld [smem:$0x11];
	(tm) =	ssettm $0x1  }
0x97: {  	s18 =	sld [smem:$0x3FFB];
	_ =	sdelay $0x3  }
0x98: {  	_ =	strace s18  }
0x99: {  	s4 =	sld [smem:$0x3FFC];
	_ =	sdelay $0x3  }
0x9a: {  	_ =	strace s4  }
0x9b: {  	s4 =	sld [smem:$0x3FFD];
	_ =	sdelay $0x3  }
0x9c: {  	_ =	strace s4  }
0x9d: {  	_ =	strace $0x8FFFFFFF  }
0x9e: {  	s19 =	sld [smem:$0x3FDB];
	_ =	sdelay $0x1  }
0x9f: {  	s5 =	simm.s32 $_scs_section_size  }
0xa0: {  	s6 =	simm.s32 $_size__tile_overlayer_lowered;
	s7 =	simm.s32 $_tile_overlayer_lowered  }
0xa1: {  	s22 =	simm.s32 $0x1BFF;
	s21 =	sshll.u32 s7, $0x1;
	s4 =	sadd.s32 s5, s19  }
0xa2: {  	s8 =	simm.s32 $0x0;
	s20 =	sshll.u32 s6, $0x1;
	s6 =	sadd.s32 s21, s4  }
0xa3: {  	[timem:s8], [sflag:s22] =	dma.local [hbm:s6], s20  }
0xa4: {  	_ =	swait.ge [sflag:s22], s20  }
0xa5: {  	s5 =	ssub.s32 $0x0, s20;
	[sflag:s22] =	ssyncset.done $0x0  }
0xa6: {  	[sflag:s22] =	ssyncadd.s32 s5;
	_ =	sdelay $0x1  }
0xa7: {  	s23 =	simm.s32 $0x1B8B  }
0xa8: {  	_ =	swait.ge [sflag:s23], $0x1  }
0xa9: {  	[sflag:s23] =	ssyncset.done $0x0  }
0xaa: {  	s25 =	simm.s32 $0x1B8E;
	s24 =	sld [smem:$0x3FFE];
	[sflag:s23] =	ssyncadd.s32 $0xFFFFFFFF  }
0xab: {  	s26 =	simm.s32 $execute0_lowered;
	[smem:$0x3FD2] =	sst s25  }
0xac: {  	s6 =	sshll.u32 s26, $0x1;
	_ =	strace $0x80000049;
	[dreg:$0x1] =	wrdreg $0xFFFFFFFF  }
0xad: {  	s28 =	simm.s32 $_size_execute0_lowered;
	s4 =	sadd.s32 s4, s6;
	[dreg:$0x0] =	wrdreg $0x0  }
0xae: {  	s6 =	sshll.u32 s28, $0x1;
	[dreg:$0x2] =	wrdreg s4  }
0xaf: {  	[dreg:$0x3] =	wrdreg s6  }
0xb0: {  	[dreg:$0x4] =	wrdreg $0xC0  }
0xb1: {  	_ =	task [dreg:s8], $0x5FFFF  }
0xb2: {  	[dreg:$0x1] =	wrdreg $0xFFFFFFFF  }
0xb3: {  	[dreg:$0x0] =	wrdreg $0x60  }
0xb4: {  	[dreg:$0x2] =	wrdreg s17  }
0xb5: {  	[dreg:$0x3] =	wrdreg s16  }
0xb6: {  	[dreg:$0x4] =	wrdreg s24  }
0xb7: {  	[dreg:$0x5] =	wrdreg $0x9  }
0xb8: {  	_ =	task.clear_ibuf [dreg:s8], $0x6FFFF;
	_ =	strace $0x90000049  }
0xb9: {  	s29 =	simm.s32 $0x9;
	_ =	strace $0x8000004B  }
0xba: {  	_ =	swait.ge [sflag:s29], $0x1  }
0xbb: {  	[sflag:s29] =	ssyncadd.s32 $0xFFFFFFFF  }
0xbc: {  	_ =	strace $0x9000004B  }
0xbd: {  	_ =	sfence  }
0xbe: {  	s30 =	sld [smem:$0x0];
	_ =	sdelay $0x2  }
0xbf: {  	s31 =	sshll.u32 s1, $0xD;
	s1 =	sshrl.u32 s1, $0x2  }
0xc0: {  	s3 =	sand.u32 $0x4000, s31;
	s1 =	sadd.s32 s1, s30  }
0xc1: {  	s0 =	sor.u32 s3, s0;
	s1 =	sshll.u32 s1, $0x11  }
0xc2: {  	s0 =	sor.u32 s1, s0  }
0xc3: {  	s0 =	sadd.s32 $0x8F2B, s0  }
0xc4: {  	[sflag:s0] =	ssyncadd.remote.s32 $0x1  }
0xc5: {  	_ =	sfence.sel $0xFFFF  }
0xc6: {  	[dreg:$0x0] =	wrdreg $0xFFFFFFFF;
	(pc) =	sbr.abs _section_cstart, $3  }
0xc7: {  	[dreg:$0x1] =	wrdreg $0xFFFFFFFF  }
0xc8: {  	_ =	task.clear_ibuf [dreg:s8], $0x2FFFF;
	_ =	strace $0x9FFFFFFF  }
0xc9: {  	(tm) =	ssettm $0x7FFFFFFF  }
tec
execute0_lowered:
.L_overlay_start_1:
0x0: {  	(tag) =	ssettag $0x1  }
0x1: {  	s1 =	stileid.u32  }
0x2: {  	p0 =	sgt.u32 s1, $0x1  }
.Ltmp0:
0x3: {  	s5 =	rddreg [dreg:$0x0];
	(pc) =	sbr.rel @p0 .LBB2_7-.Ltmp0, $4  }
0x4: {  	s3 =	rddreg [dreg:$0x1]  }
0x5: {  	s4 =	rddreg [dreg:$0x2];
	s2 =	simm.s32 $0x0  }
0x6: {  	[smem:$0x7FF] =	sst s2  }
0x7: {  	s0 =	rddreg [dreg:$0x3];
	_ =	strace $0x8000004A  }
0x8: {  	s6 =	srdreg.scid  }
0x9: {  	s7 =	sshll.u32 s1, $0x1;
	s6 =	sand.u32 $0x1, s6  }
0xa: {  	s7 =	sor.u32 s6, s7;
	s6 =	ssub.s32 $0x2, s6  }
0xb: {  	s9 =	simm.s32 $0x9D00;
	s7 =	smul.u32 $0x9C4, s7;
	s8 =	sshrl.u32 s6, $0x1  }
0xc: {  	s10 =	simm.s32 $0x0;
	s6 =	ssub.s32 s6, s8;
	s8 =	simm.s32 $0x4E80  }
0xd: {  	s4 =	sadd.s32 s7, s4;
	s3 =	sadd.s32 s3, s7;
	s5 =	sadd.s32 s5, s7  }
0xe: {  	v0 =	vimm.f32 $0.0e+00;
	v1 =	vimm.f32 $1.000000000e+00;
	s6 =	smax.u32 s6, $0x1;
	s7 =	simm.s32 $0x1;
	s4 =	sadd.s32 $0x1800, s4  }
.LBB2_2:
0xf: {  	s11 =	simm.s32 $0x0  }
0x10: {  	[tilespmem:s11], [sflag:$0x1] =	stream.linear.gather [hbm4b:s5+s11], $0x4E20, $0x38;
	[tilespmem:$0xEB80] =	vst v63  }
0x11: {  	_ =	swait.ge [sflag:s7], $0x4E20  }
0x12: {  	[sflag:s7] =	ssyncset.done $0x0  }
0x13: {  	[sflag:s7] =	ssyncadd.s32 $0xFFFFB1E0  }
0x14: {  	[tilespmem:s8], [sflag:$0x1] =	stream.linear.gather [hbm4b:s3+s11], $0x4E20, $0x38;
	[tilespmem:$0xEB80] =	vst v63  }
0x15: {  	_ =	swait.ge [sflag:s7], $0x4E20  }
0x16: {  	[sflag:s7] =	ssyncset.done $0x0  }
0x17: {  	s12 =	simm.s32 $0x0;
	s11 =	simm.s32 $0x40;
	[sflag:s7] =	ssyncadd.s32 $0xFFFFB1E0  }
.LBB2_3:
0x18: {  	p0 =	sne.s32 s11, $0x13840;
	[tilespmem:s12+$0x9D00] =	vst v0;
	s12 =	smov.u32 s11;
	s11 =	sadd.s32 $0x40, s11  }
.Ltmp1:
0x19: {  	(pc) =	sbr.rel @p0 .LBB2_3-.Ltmp1, $2  }
0x1a: {  	_ =	sdelay $0x2  }
0x1b: {  	s12 =	sshra.s32 s12, $0x2  }
0x1c: {  	[tilespmem:s12+$0x9D00] =	vst v0;
	s12 =	simm.s32 $0x0;
	s11 =	simm.s32 $0x40  }
.LBB2_5:
0x1d: {  	p0 =	sne.s32 s11, $0x13840;
	v2 =	vld [tilespmem:s12+$0x0];
	_ =	sdelay $0x2  }
0x1e: {  	v3 =	vld [tilespmem:s12+$0x4E80];
	_ =	sdelay $0x1  }
0x1f: {  	vm0 =	vgt.f32 v2, $5.000000000e-01;
	_ =	sdelay $0x1  }
.Ltmp2:
0x20: {  	(pc) =	sbr.rel @p0 .LBB2_5-.Ltmp2, $2  }
0x21: {  	_ =	sdelay $0x2  }
0x22: {  	s12 =	sshra.s32 s11, $0x2;
	s11 =	sadd.s32 $0x40, s11;
	[tilespmem:v3+s9+$0x0] =	vst.idx.msk vm0, v1  }
0x23: {  	v2 =	vld [tilespmem:s12+$0x0];
	_ =	sdelay $0x2  }
0x24: {  	v3 =	vld [tilespmem:s12+$0x4E80];
	_ =	sdelay $0x1  }
0x25: {  	vm0 =	vgt.f32 v2, $5.000000000e-01;
	_ =	sdelay $0x3  }
0x26: {  	s10 =	sadd.s32 $0x1, s10  }
0x27: {  	p0 =	sne.s32 s10, s6  }
.Ltmp3:
0x28: {  	[tilespmem:v3+s9+$0x0] =	vst.idx.msk vm0, v1;
	(pc) =	sbr.rel @p0 .LBB2_2-.Ltmp3, $4  }
0x29: {  	[hbm4b:s4+s2] =	stream.linear.scatter [tilespmem:s9], [sflag:$0x1], $0x4E20, $0x38;
	[tilespmem:$0xEB80] =	vst v63  }
0x2a: {  	_ =	swait.ge [sflag:s7], $0x4E20  }
0x2b: {  	[sflag:s7] =	ssyncset.done $0x0  }
0x2c: {  	[sflag:s7] =	ssyncadd.s32 $0xFFFFB1E0  }
.LBB2_7:
0x2d: {  	_ =	sfence.sel $0x180000  }
0x2e: {  	[bflag:$0x0] =	sbarrier.arrive $0xFFFF  }
0x2f: {  	p0 =	sne.s32 s1, $0x0;
	_ =	strace $0x9000004A  }
0x30: {  	s0 =	sadd.s32 @!p0 $0x100000, s0;
	[bflag:$0x2] =	sbarrier.arrive $0xFFFF  }
0x31: {  	[sflag:s0] =	ssyncadd.tile.s32 @!p0 $0x1;
	_ =	shalt  }
.Lfunc_end2:
_tile_overlayer_lowered:
.L_overlay_start_2:
0x32: {  	(tag) =	ssettag $0x2  }
0x33: {  	s0 =	rddreg [dreg:$0x0];
	s2 =	stileid.u32  }
0x34: {  	s1 =	rddreg [dreg:$0x1];
	p0 =	sne.s32 s2, $0x0  }
0x35: {  	s3 =	rddreg [dreg:$0x2];
	[bflag:$0x3] =	sbarrier.arrive $0xFFFF;
	s2 =	simm.s32 @!p0 $0x1C01  }
0x36: {  	[timem:s3], [sflag:s2] =	dma.local @!p0 [hbm:s0], s1  }
0x37: {  	s0 =	simm.s32 @!p0 $0x1  }
0x38: {  	_ =	swait.ge @!p0 [sflag:s0], s1  }
0x39: {  	s1 =	ssub.s32 @!p0 $0x0, s1;
	[sflag:s0] =	ssyncset.done @!p0 $0x0  }
0x3a: {  	[sflag:s0] =	ssyncadd.s32 @!p0 s1  }
0x3b: {  	[bflag:$0x3] =	sbarrier.arrive $0xFFFF  }
0x3c: {  	_ =	shalt  }

</sc_bundles>
